<compile_context>
chip_gen: v7x
topology: tpu7x:2x2x1
jax: 0.10.2.dev20260603
libtpu: 0.0.44.dev20260713+nightly
codegen_flags: <defaults>
</compile_context>

<pallas_src>
import functools

import jax
import jax.numpy as jnp
from jax import lax
from jax.experimental import pallas as pl
from jax.experimental.pallas import tpu as pltpu
from jax.experimental.pallas import tpu_sc as plsc

N = 4096
D = 512
K = 31
ROW_BLK = 256

NC = 2
NS = 16
NW = NC * NS
RPW = N // NW
NEG = -3.0e38


def _h_kernel(x_ref, w0_ref, b0_ref, w1_ref, b1_ref, h_ref):
    xb = x_ref[...]
    h1 = lax.dot_general(xb, w0_ref[...], (((1,), (1,)), ((), ())),
                         preferred_element_type=jnp.float32)
    h1 = jnp.maximum(h1 + b0_ref[...], 0.0)
    h2 = lax.dot_general(h1, w1_ref[...], (((1,), (1,)), ((), ())),
                         preferred_element_type=jnp.float32)
    h_ref[...] = h2 + b1_ref[...]


def _sim_kernel(hb_ref, hall_ref, sim_ref, t0_ref):
    hb = hb_ref[...]
    sim = lax.dot_general(hb, hall_ref[...], (((1,), (1,)), ((), ())),
                          preferred_element_type=jnp.float32)
    sim_ref[...] = sim

    gm = jnp.max(sim.reshape(ROW_BLK, 32, 128), axis=1)
    gmT = gm.T

    def body(_, work):
        m = jnp.max(work, axis=0, keepdims=True)
        return jnp.where(work >= m, NEG, work)

    work = lax.fori_loop(0, K - 1, body, gmT)
    t0_ref[...] = jnp.max(work, axis=0, keepdims=True)[None]


GRP = 8
NGRP = RPW // GRP
NCAND = 128


def _split(a, b):
    rb = jnp.flip(b, 0)
    return jnp.minimum(a, rb), jnp.maximum(a, rb)


def _sc_select(sim_hbm, t0_hbm, cand_hbm, buf0, buf1, cand_v, cand2_v, t0_v,
               obuf, sem0, sem1):
    wid = lax.axis_index("s") * NC + lax.axis_index("c")
    base = wid * RPW
    pltpu.sync_copy(t0_hbm.at[pl.ds(base, RPW)], t0_v.at[pl.ds(0, RPW)])

    def start(g, buf, sem):
        pltpu.async_copy(sim_hbm.at[pl.ds(base + g * GRP, GRP)], buf, sem)

    def wait(buf, sem):
        pltpu.make_async_copy(sim_hbm.at[pl.ds(base, GRP)], buf, sem).wait()

    negv = jnp.full((16,), NEG, jnp.float32)

    def top32_of_cand(cand, c):
        nv = (c + 15) // 16
        a0 = jnp.sort(cand[pl.ds(0, 16)])
        b0 = jnp.sort(cand[pl.ds(16, 16)])
        lo, hi = _split(a0, b0)
        carry = (jnp.sort(hi), jnp.sort(lo))

        def merge(j, ab):
            a, b = ab
            sv = jnp.sort(cand[pl.ds(j * 16, 16)])
            lo1, hi1 = _split(a, sv)
            a2 = jnp.sort(hi1)
            lo1s = jnp.sort(lo1)
            _, hi2 = _split(b, lo1s)
            return (a2, jnp.sort(hi2))

        return lax.fori_loop(2, nv, merge, carry)

    def do_rows(r, buf, ri):
        t0vec = t0_v[pl.ds(r, 16)]
        t0s0 = jnp.full((16,), t0vec[0])
        t0s1 = jnp.full((16,), t0vec[1])

        for jj in range(NCAND // 16):
            cand_v[pl.ds(jj * 16, 16)] = negv
            cand2_v[pl.ds(jj * 16, 16)] = negv

        def chunk(j, offs):
            o0, o1 = offs
            v0 = buf[ri, pl.ds(j * 16, 16)]
            v1 = buf[ri + 1, pl.ds(j * 16, 16)]
            m0 = v0 >= t0s0
            m1 = v1 >= t0s1
            plsc.store_compressed(cand_v.at[pl.ds(o0, 16)], v0, mask=m0)
            plsc.store_compressed(cand2_v.at[pl.ds(o1, 16)], v1, mask=m1)
            c0 = plsc.all_reduce_population_count(m0)
            c1 = plsc.all_reduce_population_count(m1)
            return (o0 + c0[0], o1 + c1[0])

        c0, c1 = lax.fori_loop(0, N // 16, chunk,
                               (jnp.int32(0), jnp.int32(0)), unroll=16)
        for jj in range(NCAND // 16):
            obuf[r, pl.ds(jj * 16, 16)] = cand_v[pl.ds(jj * 16, 16)]
            obuf[r + 1, pl.ds(jj * 16, 16)] = cand2_v[pl.ds(jj * 16, 16)]

        @pl.when(c0 > NCAND)
        def _():
            cand_v[pl.ds(c0, 16)] = negv
            a, b = top32_of_cand(cand_v, c0)
            obuf[r, pl.ds(0, 16)] = a
            obuf[r, pl.ds(16, 16)] = b
            for jj in range(2, NCAND // 16):
                obuf[r, pl.ds(jj * 16, 16)] = negv

        @pl.when(c1 > NCAND)
        def _():
            cand2_v[pl.ds(c1, 16)] = negv
            a, b = top32_of_cand(cand2_v, c1)
            obuf[r + 1, pl.ds(0, 16)] = a
            obuf[r + 1, pl.ds(16, 16)] = b
            for jj in range(2, NCAND // 16):
                obuf[r + 1, pl.ds(jj * 16, 16)] = negv

    start(0, buf0, sem0)

    def pair_body(g, _):
        wait(buf0, sem0)
        start(2 * g + 1, buf1, sem1)

        def rows0(i, _):
            do_rows((2 * g) * GRP + 2 * i, buf0, 2 * i)
            return 0

        lax.fori_loop(0, GRP // 2, rows0, 0)
        wait(buf1, sem1)

        @pl.when(g < NGRP // 2 - 1)
        def _():
            start(2 * g + 2, buf0, sem0)

        def rows1(i, _):
            do_rows((2 * g + 1) * GRP + 2 * i, buf1, 2 * i)
            return 0

        lax.fori_loop(0, GRP // 2, rows1, 0)
        return 0

    lax.fori_loop(0, NGRP // 2, pair_body, 0)
    pltpu.sync_copy(obuf, cand_hbm.at[pl.ds(base, RPW)])


def _rank_kernel(cand_ref, t_ref):
    work = cand_ref[...].T
    r0 = jnp.zeros((1, ROW_BLK), jnp.int32)
    t0 = jnp.full((1, ROW_BLK), NEG, jnp.float32)

    def body(i, carry):
        work, r, t = carry
        m = jnp.max(work, axis=0, keepdims=True)
        eq = work == m
        ne = jnp.sum(eq.astype(jnp.int32), axis=0, keepdims=True)
        rn = r + ne
        t = jnp.where((r < K) & (rn >= K), m, t)
        work = jnp.where(eq, NEG, work)
        return work, rn, t

    _, _, t = lax.fori_loop(0, K, body, (work, r0, t0))
    t_ref[...] = t[None]


def _mask_kernel(sim_ref, t_ref, out_ref):
    sim = sim_ref[...]
    t = t_ref[...]
    gt = sim > t
    eq = sim == t
    ngt = jnp.sum(gt.astype(jnp.int32), axis=1, keepdims=True)
    need = K - ngt
    col = lax.broadcasted_iota(jnp.int32, sim.shape, 1)
    tmin = jnp.min(jnp.where(eq, col, N), axis=1, keepdims=True)
    keep = gt | (eq & ((need > 1) | (col == tmin)))
    out_ref[...] = jnp.where(keep, jnp.maximum(sim, 0.0), 0.0)


@jax.jit
def kernel(x, W0, b0, W1, b1):
    b0r = b0.reshape(1, D)
    b1r = b1.reshape(1, D)
    h2 = pl.pallas_call(
        _h_kernel,
        grid=(N // 512,),
        in_specs=[
            pl.BlockSpec((512, D), lambda i: (i, 0)),
            pl.BlockSpec((D, D), lambda i: (0, 0)),
            pl.BlockSpec((1, D), lambda i: (0, 0)),
            pl.BlockSpec((D, D), lambda i: (0, 0)),
            pl.BlockSpec((1, D), lambda i: (0, 0)),
        ],
        out_specs=pl.BlockSpec((512, D), lambda i: (i, 0)),
        out_shape=jax.ShapeDtypeStruct((N, D), jnp.float32),
    )(x, W0, b0r, W1, b1r)

    norm = jnp.clip(jnp.linalg.norm(h2, axis=-1, keepdims=True), 1e-12)
    h = h2 / norm

    sim, t0 = pl.pallas_call(
        _sim_kernel,
        grid=(N // ROW_BLK,),
        in_specs=[
            pl.BlockSpec((ROW_BLK, D), lambda i: (i, 0)),
            pl.BlockSpec((N, D), lambda i: (0, 0)),
        ],
        out_specs=[
            pl.BlockSpec((ROW_BLK, N), lambda i: (i, 0)),
            pl.BlockSpec((1, 1, ROW_BLK), lambda i: (i, 0, 0)),
        ],
        out_shape=[
            jax.ShapeDtypeStruct((N, N), jnp.float32),
            jax.ShapeDtypeStruct((N // ROW_BLK, 1, ROW_BLK), jnp.float32),
        ],
    )(h, h)

    sc_select = pl.kernel(
        _sc_select,
        out_type=jax.ShapeDtypeStruct((N, NCAND), jnp.float32),
        mesh=plsc.VectorSubcoreMesh(core_axis_name="c", subcore_axis_name="s"),
        compiler_params=pltpu.CompilerParams(needs_layout_passes=False),
        scratch_types=[
            pltpu.VMEM((GRP, N), jnp.float32),
            pltpu.VMEM((GRP, N), jnp.float32),
            pltpu.VMEM((N + 16,), jnp.float32),
            pltpu.VMEM((N + 16,), jnp.float32),
            pltpu.VMEM((RPW + 16,), jnp.float32),
            pltpu.VMEM((RPW, NCAND), jnp.float32),
            pltpu.SemaphoreType.DMA,
            pltpu.SemaphoreType.DMA,
        ],
    )
    cand = sc_select(sim, t0.reshape(N))

    t = pl.pallas_call(
        _rank_kernel,
        grid=(N // ROW_BLK,),
        in_specs=[pl.BlockSpec((ROW_BLK, NCAND), lambda i: (i, 0))],
        out_specs=pl.BlockSpec((1, 1, ROW_BLK), lambda i: (i, 0, 0)),
        out_shape=jax.ShapeDtypeStruct((N // ROW_BLK, 1, ROW_BLK), jnp.float32),
    )(cand)

    out = pl.pallas_call(
        _mask_kernel,
        grid=(N // ROW_BLK,),
        in_specs=[
            pl.BlockSpec((ROW_BLK, N), lambda i: (i, 0)),
            pl.BlockSpec((ROW_BLK, 1), lambda i: (i, 0)),
        ],
        out_specs=pl.BlockSpec((ROW_BLK, N), lambda i: (i, 0)),
        out_shape=jax.ShapeDtypeStruct((N, N), jnp.float32),
    )(sim, t.reshape(N, 1))
    return out

# --- scband reference (transcript-rebuilt; emitter-appended) ---
"""Pipeline reference for scband-mlp-learner-9809705304349 (READ-ONLY COPY).

The authoritative reference and input builder live on the scoring server;
editing this copy changes nothing except your own understanding.
"""

import jax, jax.numpy as jnp
import numpy as np

N = 4096
D = 512
K = 31  # k_neighbours + 1

def setup_inputs(seed: int = 0) -> dict:
    key = jax.random.key(seed)
    k1, k2, k3 = jax.random.split(key, 3)
    x = jax.random.normal(k1, (N, D), dtype=jnp.float32)
    # init_parameters sets every Linear weight to identity; biases keep default Linear init
    W0 = jnp.eye(D, dtype=jnp.float32)
    W1 = jnp.eye(D, dtype=jnp.float32)
    bound = 1.0 / np.sqrt(D)
    b0 = jax.random.uniform(k2, (D,), minval=-bound, maxval=bound, dtype=jnp.float32)
    b1 = jax.random.uniform(k3, (D,), minval=-bound, maxval=bound, dtype=jnp.float32)
    return {"x": x, "W0": W0, "b0": b0, "W1": W1, "b1": b1}

def reference(x, W0, b0, W1, b1):
    # MLP layers (n_layers=2): relu after all but last
    h = jax.nn.relu(x @ W0.T + b0)
    h = h @ W1.T + b1
    # F.normalize(dim=-1, p=2)
    norm = jnp.clip(jnp.linalg.norm(h, axis=-1, keepdims=True), 1e-12)
    h = h / norm
    # cal_similarity_graph: dense cosine similarity
    sim = h @ h.T
    # graph_top_K: keep top-(k+1) entries per row, zero the rest
    vals, idx = jax.lax.top_k(sim, K)
    mask = jnp.zeros_like(sim).at[jnp.arange(N)[:, None], idx].set(1.0)
    sparse = sim * mask
    # apply_non_linearity with 'relu'
    return jax.nn.relu(sparse)

if __name__ == "__main__":
    import jax
    _d = setup_inputs()
    print(jax.jit(kernel)(*tuple(_d.values())))

</pallas_src>

<mosaic_0001>
#map = affine_map<(d0, d1) -> (0, 0)>
#map1 = affine_map<(d0, d1) -> (0)>
module attributes {stable_mosaic.version = 14 : i64} {
  func.func @_sc_select(%arg0: i32, %arg1: i32, %arg2: memref<4096x4096xf32, #tpu.memory_space<hbm>>, %arg3: memref<4096xf32, #tpu.memory_space<hbm>>, %arg4: memref<4096x128xf32, #tpu.memory_space<hbm>>, %arg5: memref<8x4096xf32, #tpu.memory_space<vmem>>, %arg6: memref<8x4096xf32, #tpu.memory_space<vmem>>, %arg7: memref<4112xf32, #tpu.memory_space<vmem>>, %arg8: memref<4112xf32, #tpu.memory_space<vmem>>, %arg9: memref<144xf32, #tpu.memory_space<vmem>>, %arg10: memref<128x128xf32, #tpu.memory_space<vmem>>, %arg11: memref<!tpu.dma_semaphore, #tpu.memory_space<semaphore_mem>>, %arg12: memref<!tpu.dma_semaphore, #tpu.memory_space<semaphore_mem>>) attributes {dimension_semantics = [#tpu.dimension_semantics<core_parallel>, #tpu.dimension_semantics<subcore_parallel>], iteration_bounds = array<i64: 2, 16>, scalar_prefetch = 0 : i64, scratch_operands = 8 : i64, tpu.core_type = #tpu.core_type<sc_vector_subcore>, window_params = [{transform_indices = #map}, {transform_indices = #map1}, {transform_indices = #map}]} {
    %mul3A = arith.constant 2 : i32
    %mul3A_0 = arith.muli %arg1, %mul3A : i32
    %add3A = arith.addi %mul3A_0, %arg0 : i32
    %mul3A_1 = arith.constant 128 : i32
    %mul3A_2 = arith.muli %add3A, %mul3A_1 : i32
    "tpu.region"() ({
      %run_scoped3A = tpu.sem_alloc : memref<!tpu.dma_semaphore, #tpu.memory_space<semaphore_mem>>
      %dma_start3A_15 = arith.constant 0 : i32
      %dma_start3A_16 = tpu.memref_slice %arg9[%dma_start3A_15] : memref<144xf32, #tpu.memory_space<vmem>> -> memref<128xf32, #tpu.memory_space<vmem>>
      %dma_start3A_17 = tpu.memref_slice %arg3[%mul3A_2] : memref<4096xf32, #tpu.memory_space<hbm>> -> memref<128xf32, #tpu.memory_space<hbm>>
      %dma_start3A_18 = arith.constant 0 : i32
      %dma_start3A_19 = tpu.memref_slice %arg9[%dma_start3A_18] : memref<144xf32, #tpu.memory_space<vmem>> -> memref<128xf32, #tpu.memory_space<vmem>>
      %dma_start3A_20 = tpu.memref_slice %arg3[%mul3A_2] : memref<4096xf32, #tpu.memory_space<hbm>> -> memref<128xf32, #tpu.memory_space<hbm>>
      tpu.enqueue_dma source(%dma_start3A_20 : memref<128xf32, #tpu.memory_space<hbm>>) target(%dma_start3A_19 : memref<128xf32, #tpu.memory_space<vmem>>) target_semaphore(%run_scoped3A : memref<!tpu.dma_semaphore, #tpu.memory_space<semaphore_mem>>)
      %dma_wait3A = arith.constant 0 : i32
      %dma_wait3A_21 = tpu.memref_slice %arg9[%dma_wait3A] : memref<144xf32, #tpu.memory_space<vmem>> -> memref<128xf32, #tpu.memory_space<vmem>>
      %dma_wait3A_22 = tpu.memref_slice %arg3[%mul3A_2] : memref<4096xf32, #tpu.memory_space<hbm>> -> memref<128xf32, #tpu.memory_space<hbm>>
      %dma_wait3A_23 = arith.constant 0 : i32
      %dma_wait3A_24 = tpu.memref_slice %arg9[%dma_wait3A_23] : memref<144xf32, #tpu.memory_space<vmem>> -> memref<128xf32, #tpu.memory_space<vmem>>
      %dma_wait3A_25 = tpu.memref_slice %arg3[%mul3A_2] : memref<4096xf32, #tpu.memory_space<hbm>> -> memref<128xf32, #tpu.memory_space<hbm>>
      tpu.wait_dma2 semaphore(%run_scoped3A : memref<!tpu.dma_semaphore, #tpu.memory_space<semaphore_mem>>) src(%dma_wait3A_25 : memref<128xf32, #tpu.memory_space<hbm>>) dst(%dma_wait3A_24 : memref<128xf32, #tpu.memory_space<vmem>>)
      tpu.yield
    }) : () -> ()
    %broadcast_in_dim3A = arith.constant -3.000000e+38 : f32
    %broadcast_in_dim3A_3 = vector.broadcast %broadcast_in_dim3A : f32 to vector<16xf32>
    %add3A_4 = arith.constant 0 : i32
    %add3A_5 = arith.addi %mul3A_2, %add3A_4 : i32
    %dma_start3A = arith.constant 0 : i32
    %dma_start3A_6 = tpu.memref_slice %arg2[%add3A_5, %dma_start3A] : memref<4096x4096xf32, #tpu.memory_space<hbm>> -> memref<8x4096xf32, #tpu.memory_space<hbm>>
    %dma_start3A_7 = arith.constant 0 : i32
    %dma_start3A_8 = tpu.memref_slice %arg2[%add3A_5, %dma_start3A_7] : memref<4096x4096xf32, #tpu.memory_space<hbm>> -> memref<8x4096xf32, #tpu.memory_space<hbm>>
    tpu.enqueue_dma source(%dma_start3A_8 : memref<8x4096xf32, #tpu.memory_space<hbm>>) target(%arg5 : memref<8x4096xf32, #tpu.memory_space<vmem>>) target_semaphore(%arg11 : memref<!tpu.dma_semaphore, #tpu.memory_space<semaphore_mem>>)
    %scan3A = arith.constant 0 : i32
    %scan3A_9 = arith.constant 0 : i32
    %scan3A_10 = arith.constant 8 : i32
    %scan3A_11 = arith.addi %scan3A_9, %scan3A_10 : i32
    %scan3A_12 = arith.constant 1 : i32
    %scan3A_13 = scf.for %scan3A_15 = %scan3A_9 to %scan3A_11 step %scan3A_12 iter_args(%scan3A_16 = %scan3A) -> (i32)  : i32 {
      %dma_wait3A = arith.constant 0 : i32
      %dma_wait3A_17 = tpu.memref_slice %arg2[%mul3A_2, %dma_wait3A] : memref<4096x4096xf32, #tpu.memory_space<hbm>> -> memref<8x4096xf32, #tpu.memory_space<hbm>>
      %dma_wait3A_18 = arith.constant 0 : i32
      %dma_wait3A_19 = tpu.memref_slice %arg2[%mul3A_2, %dma_wait3A_18] : memref<4096x4096xf32, #tpu.memory_space<hbm>> -> memref<8x4096xf32, #tpu.memory_space<hbm>>
      tpu.wait_dma2 semaphore(%arg11 : memref<!tpu.dma_semaphore, #tpu.memory_space<semaphore_mem>>) src(%dma_wait3A_19 : memref<8x4096xf32, #tpu.memory_space<hbm>>) dst(%arg5 : memref<8x4096xf32, #tpu.memory_space<vmem>>)
      %mul3A_20 = arith.constant 2 : i32
      %mul3A_21 = arith.muli %mul3A_20, %scan3A_15 : i32
      %add3A_22 = arith.constant 1 : i32
      %add3A_23 = arith.addi %mul3A_21, %add3A_22 : i32
      %mul3A_24 = arith.constant 8 : i32
      %mul3A_25 = arith.muli %add3A_23, %mul3A_24 : i32
      %add3A_26 = arith.addi %mul3A_2, %mul3A_25 : i32
      %dma_start3A_27 = arith.constant 0 : i32
      %dma_start3A_28 = tpu.memref_slice %arg2[%add3A_26, %dma_start3A_27] : memref<4096x4096xf32, #tpu.memory_space<hbm>> -> memref<8x4096xf32, #tpu.memory_space<hbm>>
      %dma_start3A_29 = arith.constant 0 : i32
      %dma_start3A_30 = tpu.memref_slice %arg2[%add3A_26, %dma_start3A_29] : memref<4096x4096xf32, #tpu.memory_space<hbm>> -> memref<8x4096xf32, #tpu.memory_space<hbm>>
      tpu.enqueue_dma source(%dma_start3A_30 : memref<8x4096xf32, #tpu.memory_space<hbm>>) target(%arg6 : memref<8x4096xf32, #tpu.memory_space<vmem>>) target_semaphore(%arg12 : memref<!tpu.dma_semaphore, #tpu.memory_space<semaphore_mem>>)
      %scan3A_31 = arith.constant 0 : i32
      %scan3A_32 = arith.constant 0 : i32
      %scan3A_33 = arith.constant 4 : i32
      %scan3A_34 = arith.addi %scan3A_32, %scan3A_33 : i32
      %scan3A_35 = arith.constant 1 : i32
      %scan3A_36 = scf.for %scan3A_52 = %scan3A_32 to %scan3A_34 step %scan3A_35 iter_args(%scan3A_53 = %scan3A_31) -> (i32)  : i32 {
        %mul3A_54 = arith.constant 2 : i32
        %mul3A_55 = arith.muli %mul3A_54, %scan3A_15 : i32
        %mul3A_56 = arith.constant 8 : i32
        %mul3A_57 = arith.muli %mul3A_55, %mul3A_56 : i32
        %mul3A_58 = arith.constant 2 : i32
        %mul3A_59 = arith.muli %mul3A_58, %scan3A_52 : i32
        %add3A_60 = arith.addi %mul3A_57, %mul3A_59 : i32
        %mul3A_61 = arith.constant 2 : i32
        %mul3A_62 = arith.muli %mul3A_61, %scan3A_52 : i32
        %get3A = arith.index_cast %add3A_60 : i32 to index
        %get3A_63 = tpu.vector_load %arg9[%get3A] {strides = array<i32>} : memref<144xf32, #tpu.memory_space<vmem>>, vector<16xf32>,
        %slice3A = vector.extract_strided_slice %get3A_63 {offsets = [0], sizes = [1], strides = [1]} : vector<16xf32> to vector<1xf32>
        %squeeze3A = vector.extract %slice3A[0] : f32 from vector<1xf32>
        %broadcast_in_dim3A_64 = vector.broadcast %squeeze3A : f32 to vector<16xf32>
        %slice3A_65 = vector.extract_strided_slice %get3A_63 {offsets = [1], sizes = [1], strides = [1]} : vector<16xf32> to vector<1xf32>
        %squeeze3A_66 = vector.extract %slice3A_65[0] : f32 from vector<1xf32>
        %broadcast_in_dim3A_67 = vector.broadcast %squeeze3A_66 : f32 to vector<16xf32>
        %swap3A = arith.constant 0 : index
        %swap3A_68 = tpu.vector_load %arg7[%swap3A] {strides = array<i32>} : memref<4112xf32, #tpu.memory_space<vmem>>, vector<16xf32>,
        tpu.vector_store %arg7[%swap3A], %broadcast_in_dim3A_3 {strides = array<i32>} : memref<4112xf32, #tpu.memory_space<vmem>>, vector<16xf32>,
        %swap3A_69 = arith.constant 0 : index
        %swap3A_70 = tpu.vector_load %arg8[%swap3A_69] {strides = array<i32>} : memref<4112xf32, #tpu.memory_space<vmem>>, vector<16xf32>,
        tpu.vector_store %arg8[%swap3A_69], %broadcast_in_dim3A_3 {strides = array<i32>} : memref<4112xf32, #tpu.memory_space<vmem>>, vector<16xf32>,
        %swap3A_71 = arith.constant 16 : index
        %swap3A_72 = tpu.vector_load %arg7[%swap3A_71] {strides = array<i32>} : memref<4112xf32, #tpu.memory_space<vmem>>, vector<16xf32>,
        tpu.vector_store %arg7[%swap3A_71], %broadcast_in_dim3A_3 {strides = array<i32>} : memref<4112xf32, #tpu.memory_space<vmem>>, vector<16xf32>,
        %swap3A_73 = arith.constant 16 : index
        %swap3A_74 = tpu.vector_load %arg8[%swap3A_73] {strides = array<i32>} : memref<4112xf32, #tpu.memory_space<vmem>>, vector<16xf32>,
        tpu.vector_store %arg8[%swap3A_73], %broadcast_in_dim3A_3 {strides = array<i32>} : memref<4112xf32, #tpu.memory_space<vmem>>, vector<16xf32>,
        %swap3A_75 = arith.constant 32 : index
        %swap3A_76 = tpu.vector_load %arg7[%swap3A_75] {strides = array<i32>} : memref<4112xf32, #tpu.memory_space<vmem>>, vector<16xf32>,
        tpu.vector_store %arg7[%swap3A_75], %broadcast_in_dim3A_3 {strides = array<i32>} : memref<4112xf32, #tpu.memory_space<vmem>>, vector<16xf32>,
        %swap3A_77 = arith.constant 32 : index
        %swap3A_78 = tpu.vector_load %arg8[%swap3A_77] {strides = array<i32>} : memref<4112xf32, #tpu.memory_space<vmem>>, vector<16xf32>,
        tpu.vector_store %arg8[%swap3A_77], %broadcast_in_dim3A_3 {strides = array<i32>} : memref<4112xf32, #tpu.memory_space<vmem>>, vector<16xf32>,
        %swap3A_79 = arith.constant 48 : index
        %swap3A_80 = tpu.vector_load %arg7[%swap3A_79] {strides = array<i32>} : memref<4112xf32, #tpu.memory_space<vmem>>, vector<16xf32>,
        tpu.vector_store %arg7[%swap3A_79], %broadcast_in_dim3A_3 {strides = array<i32>} : memref<4112xf32, #tpu.memory_space<vmem>>, vector<16xf32>,
        %swap3A_81 = arith.constant 48 : index
        %swap3A_82 = tpu.vector_load %arg8[%swap3A_81] {strides = array<i32>} : memref<4112xf32, #tpu.memory_space<vmem>>, vector<16xf32>,
        tpu.vector_store %arg8[%swap3A_81], %broadcast_in_dim3A_3 {strides = array<i32>} : memref<4112xf32, #tpu.memory_space<vmem>>, vector<16xf32>,
        %swap3A_83 = arith.constant 64 : index
        %swap3A_84 = tpu.vector_load %arg7[%swap3A_83] {strides = array<i32>} : memref<4112xf32, #tpu.memory_space<vmem>>, vector<16xf32>,
        tpu.vector_store %arg7[%swap3A_83], %broadcast_in_dim3A_3 {strides = array<i32>} : memref<4112xf32, #tpu.memory_space<vmem>>, vector<16xf32>,
        %swap3A_85 = arith.constant 64 : index
        %swap3A_86 = tpu.vector_load %arg8[%swap3A_85] {strides = array<i32>} : memref<4112xf32, #tpu.memory_space<vmem>>, vector<16xf32>,
        tpu.vector_store %arg8[%swap3A_85], %broadcast_in_dim3A_3 {strides = array<i32>} : memref<4112xf32, #tpu.memory_space<vmem>>, vector<16xf32>,
        %swap3A_87 = arith.constant 80 : index
        %swap3A_88 = tpu.vector_load %arg7[%swap3A_87] {strides = array<i32>} : memref<4112xf32, #tpu.memory_space<vmem>>, vector<16xf32>,
        tpu.vector_store %arg7[%swap3A_87], %broadcast_in_dim3A_3 {strides = array<i32>} : memref<4112xf32, #tpu.memory_space<vmem>>, vector<16xf32>,
        %swap3A_89 = arith.constant 80 : index
        %swap3A_90 = tpu.vector_load %arg8[%swap3A_89] {strides = array<i32>} : memref<4112xf32, #tpu.memory_space<vmem>>, vector<16xf32>,
        tpu.vector_store %arg8[%swap3A_89], %broadcast_in_dim3A_3 {strides = array<i32>} : memref<4112xf32, #tpu.memory_space<vmem>>, vector<16xf32>,
        %swap3A_91 = arith.constant 96 : index
        %swap3A_92 = tpu.vector_load %arg7[%swap3A_91] {strides = array<i32>} : memref<4112xf32, #tpu.memory_space<vmem>>, vector<16xf32>,
        tpu.vector_store %arg7[%swap3A_91], %broadcast_in_dim3A_3 {strides = array<i32>} : memref<4112xf32, #tpu.memory_space<vmem>>, vector<16xf32>,
        %swap3A_93 = arith.constant 96 : index
        %swap3A_94 = tpu.vector_load %arg8[%swap3A_93] {strides = array<i32>} : memref<4112xf32, #tpu.memory_space<vmem>>, vector<16xf32>,
        tpu.vector_store %arg8[%swap3A_93], %broadcast_in_dim3A_3 {strides = array<i32>} : memref<4112xf32, #tpu.memory_space<vmem>>, vector<16xf32>,
        %swap3A_95 = arith.constant 112 : index
        %swap3A_96 = tpu.vector_load %arg7[%swap3A_95] {strides = array<i32>} : memref<4112xf32, #tpu.memory_space<vmem>>, vector<16xf32>,
        tpu.vector_store %arg7[%swap3A_95], %broadcast_in_dim3A_3 {strides = array<i32>} : memref<4112xf32, #tpu.memory_space<vmem>>, vector<16xf32>,
        %swap3A_97 = arith.constant 112 : index
        %swap3A_98 = tpu.vector_load %arg8[%swap3A_97] {strides = array<i32>} : memref<4112xf32, #tpu.memory_space<vmem>>, vector<16xf32>,
        tpu.vector_store %arg8[%swap3A_97], %broadcast_in_dim3A_3 {strides = array<i32>} : memref<4112xf32, #tpu.memory_space<vmem>>, vector<16xf32>,
        %scan3A_99 = arith.constant 0 : i32
        %scan3A_100 = arith.constant 0 : i32
        %scan3A_101 = arith.constant 0 : i32
        %scan3A_102 = arith.constant 256 : i32
        %scan3A_103 = arith.addi %scan3A_101, %scan3A_102 : i32
        %scan3A_104 = arith.constant 16 : i32
        %scan3A_105:2 = scf.for %scan3A_213 = %scan3A_101 to %scan3A_103 step %scan3A_104 iter_args(%scan3A_214 = %scan3A_99, %scan3A_215 = %scan3A_100) -> (i32, i32)  : i32 {
          %mul3A_216 = arith.constant 16 : i32
          %mul3A_217 = arith.muli %scan3A_213, %mul3A_216 : i32
          %get3A_218 = arith.index_cast %mul3A_62 : i32 to index
          %get3A_219 = arith.index_cast %mul3A_217 : i32 to index
          %get3A_220 = tpu.vector_load %arg5[%get3A_218, %get3A_219] {strides = array<i32>} : memref<8x4096xf32, #tpu.memory_space<vmem>>, vector<16xf32>,
          %add3A_221 = arith.constant 1 : i32
          %add3A_222 = arith.addi %mul3A_62, %add3A_221 : i32
          %mul3A_223 = arith.constant 16 : i32
          %mul3A_224 = arith.muli %scan3A_213, %mul3A_223 : i32
          %get3A_225 = arith.index_cast %add3A_222 : i32 to index
          %get3A_226 = arith.index_cast %mul3A_224 : i32 to index
          %get3A_227 = tpu.vector_load %arg5[%get3A_225, %get3A_226] {strides = array<i32>} : memref<8x4096xf32, #tpu.memory_space<vmem>>, vector<16xf32>,
          %ge3A = arith.cmpf oge, %get3A_220, %broadcast_in_dim3A_64 : vector<16xf32>
          %ge3A_228 = arith.cmpf oge, %get3A_227, %broadcast_in_dim3A_67 : vector<16xf32>
          %swap3A_229 = arith.index_cast %scan3A_214 : i32 to index
          %swap3A_230 = tpu.vector_load %arg7[%swap3A_229] masked %ge3A {strides = array<i32>} : memref<4112xf32, #tpu.memory_space<vmem>>, vector<16xf32>, vector<16xi1>
          tpu.vector_store %arg7[%swap3A_229], %get3A_220 masked %ge3A {strides = array<i32>} : memref<4112xf32, #tpu.memory_space<vmem>>, vector<16xf32>, vector<16xi1>
          %swap3A_231 = arith.index_cast %scan3A_215 : i32 to index
          %swap3A_232 = tpu.vector_load %arg8[%swap3A_231] masked %ge3A_228 {strides = array<i32>} : memref<4112xf32, #tpu.memory_space<vmem>>, vector<16xf32>, vector<16xi1>
          tpu.vector_store %arg8[%swap3A_231], %get3A_227 masked %ge3A_228 {strides = array<i32>} : memref<4112xf32, #tpu.memory_space<vmem>>, vector<16xf32>, vector<16xi1>
          %all_reduce_population_count3A = tpu.all_reduce %ge3A {dim = 0 : i64, kind = #tpu.reduction_kind<sum>} : vector<16xi1> -> vector<16xi32>
          %all_reduce_population_count3A_233 = tpu.all_reduce %ge3A_228 {dim = 0 : i64, kind = #tpu.reduction_kind<sum>} : vector<16xi1> -> vector<16xi32>
          %slice3A_234 = vector.extract_strided_slice %all_reduce_population_count3A {offsets = [0], sizes = [1], strides = [1]} : vector<16xi32> to vector<1xi32>
          %squeeze3A_235 = vector.extract %slice3A_234[0] : i32 from vector<1xi32>
          %add3A_236 = arith.addi %scan3A_214, %squeeze3A_235 : i32
          %slice3A_237 = vector.extract_strided_slice %all_reduce_population_count3A_233 {offsets = [0], sizes = [1], strides = [1]} : vector<16xi32> to vector<1xi32>
          %squeeze3A_238 = vector.extract %slice3A_237[0] : i32 from vector<1xi32>
          %add3A_239 = arith.addi %scan3A_215, %squeeze3A_238 : i32
          %scan3A_240 = arith.constant 1 : i32
          %scan3A_241 = arith.addi %scan3A_213, %scan3A_240 : i32
          %mul3A_242 = arith.constant 16 : i32
          %mul3A_243 = arith.muli %scan3A_241, %mul3A_242 : i32
          %get3A_244 = arith.index_cast %mul3A_62 : i32 to index
          %get3A_245 = arith.index_cast %mul3A_243 : i32 to index
          %get3A_246 = tpu.vector_load %arg5[%get3A_244, %get3A_245] {strides = array<i32>} : memref<8x4096xf32, #tpu.memory_space<vmem>>, vector<16xf32>,
          %add3A_247 = arith.constant 1 : i32
          %add3A_248 = arith.addi %mul3A_62, %add3A_247 : i32
          %mul3A_249 = arith.constant 16 : i32
          %mul3A_250 = arith.muli %scan3A_241, %mul3A_249 : i32
          %get3A_251 = arith.index_cast %add3A_248 : i32 to index
          %get3A_252 = arith.index_cast %mul3A_250 : i32 to index
          %get3A_253 = tpu.vector_load %arg5[%get3A_251, %get3A_252] {strides = array<i32>} : memref<8x4096xf32, #tpu.memory_space<vmem>>, vector<16xf32>,
          %ge3A_254 = arith.cmpf oge, %get3A_246, %broadcast_in_dim3A_64 : vector<16xf32>
          %ge3A_255 = arith.cmpf oge, %get3A_253, %broadcast_in_dim3A_67 : vector<16xf32>
          %swap3A_256 = arith.index_cast %add3A_236 : i32 to index
          %swap3A_257 = tpu.vector_load %arg7[%swap3A_256] masked %ge3A_254 {strides = array<i32>} : memref<4112xf32, #tpu.memory_space<vmem>>, vector<16xf32>, vector<16xi1>
          tpu.vector_store %arg7[%swap3A_256], %get3A_246 masked %ge3A_254 {strides = array<i32>} : memref<4112xf32, #tpu.memory_space<vmem>>, vector<16xf32>, vector<16xi1>
          %swap3A_258 = arith.index_cast %add3A_239 : i32 to index
          %swap3A_259 = tpu.vector_load %arg8[%swap3A_258] masked %ge3A_255 {strides = array<i32>} : memref<4112xf32, #tpu.memory_space<vmem>>, vector<16xf32>, vector<16xi1>
          tpu.vector_store %arg8[%swap3A_258], %get3A_253 masked %ge3A_255 {strides = array<i32>} : memref<4112xf32, #tpu.memory_space<vmem>>, vector<16xf32>, vector<16xi1>
          %all_reduce_population_count3A_260 = tpu.all_reduce %ge3A_254 {dim = 0 : i64, kind = #tpu.reduction_kind<sum>} : vector<16xi1> -> vector<16xi32>
          %all_reduce_population_count3A_261 = tpu.all_reduce %ge3A_255 {dim = 0 : i64, kind = #tpu.reduction_kind<sum>} : vector<16xi1> -> vector<16xi32>
          %slice3A_262 = vector.extract_strided_slice %all_reduce_population_count3A_260 {offsets = [0], sizes = [1], strides = [1]} : vector<16xi32> to vector<1xi32>
          %squeeze3A_263 = vector.extract %slice3A_262[0] : i32 from vector<1xi32>
          %add3A_264 = arith.addi %add3A_236, %squeeze3A_263 : i32
          %slice3A_265 = vector.extract_strided_slice %all_reduce_population_count3A_261 {offsets = [0], sizes = [1], strides = [1]} : vector<16xi32> to vector<1xi32>
          %squeeze3A_266 = vector.extract %slice3A_265[0] : i32 from vector<1xi32>
          %add3A_267 = arith.addi %add3A_239, %squeeze3A_266 : i32
          %scan3A_268 = arith.constant 2 : i32
          %scan3A_269 = arith.addi %scan3A_213, %scan3A_268 : i32
          %mul3A_270 = arith.constant 16 : i32
          %mul3A_271 = arith.muli %scan3A_269, %mul3A_270 : i32
          %get3A_272 = arith.index_cast %mul3A_62 : i32 to index
          %get3A_273 = arith.index_cast %mul3A_271 : i32 to index
          %get3A_274 = tpu.vector_load %arg5[%get3A_272, %get3A_273] {strides = array<i32>} : memref<8x4096xf32, #tpu.memory_space<vmem>>, vector<16xf32>,
          %add3A_275 = arith.constant 1 : i32
          %add3A_276 = arith.addi %mul3A_62, %add3A_275 : i32
          %mul3A_277 = arith.constant 16 : i32
          %mul3A_278 = arith.muli %scan3A_269, %mul3A_277 : i32
          %get3A_279 = arith.index_cast %add3A_276 : i32 to index
          %get3A_280 = arith.index_cast %mul3A_278 : i32 to index
          %get3A_281 = tpu.vector_load %arg5[%get3A_279, %get3A_280] {strides = array<i32>} : memref<8x4096xf32, #tpu.memory_space<vmem>>, vector<16xf32>,
          %ge3A_282 = arith.cmpf oge, %get3A_274, %broadcast_in_dim3A_64 : vector<16xf32>
          %ge3A_283 = arith.cmpf oge, %get3A_281, %broadcast_in_dim3A_67 : vector<16xf32>
          %swap3A_284 = arith.index_cast %add3A_264 : i32 to index
          %swap3A_285 = tpu.vector_load %arg7[%swap3A_284] masked %ge3A_282 {strides = array<i32>} : memref<4112xf32, #tpu.memory_space<vmem>>, vector<16xf32>, vector<16xi1>
          tpu.vector_store %arg7[%swap3A_284], %get3A_274 masked %ge3A_282 {strides = array<i32>} : memref<4112xf32, #tpu.memory_space<vmem>>, vector<16xf32>, vector<16xi1>
          %swap3A_286 = arith.index_cast %add3A_267 : i32 to index
          %swap3A_287 = tpu.vector_load %arg8[%swap3A_286] masked %ge3A_283 {strides = array<i32>} : memref<4112xf32, #tpu.memory_space<vmem>>, vector<16xf32>, vector<16xi1>
          tpu.vector_store %arg8[%swap3A_286], %get3A_281 masked %ge3A_283 {strides = array<i32>} : memref<4112xf32, #tpu.memory_space<vmem>>, vector<16xf32>, vector<16xi1>
          %all_reduce_population_count3A_288 = tpu.all_reduce %ge3A_282 {dim = 0 : i64, kind = #tpu.reduction_kind<sum>} : vector<16xi1> -> vector<16xi32>
          %all_reduce_population_count3A_289 = tpu.all_reduce %ge3A_283 {dim = 0 : i64, kind = #tpu.reduction_kind<sum>} : vector<16xi1> -> vector<16xi32>
          %slice3A_290 = vector.extract_strided_slice %all_reduce_population_count3A_288 {offsets = [0], sizes = [1], strides = [1]} : vector<16xi32> to vector<1xi32>
          %squeeze3A_291 = vector.extract %slice3A_290[0] : i32 from vector<1xi32>
          %add3A_292 = arith.addi %add3A_264, %squeeze3A_291 : i32
          %slice3A_293 = vector.extract_strided_slice %all_reduce_population_count3A_289 {offsets = [0], sizes = [1], strides = [1]} : vector<16xi32> to vector<1xi32>
          %squeeze3A_294 = vector.extract %slice3A_293[0] : i32 from vector<1xi32>
          %add3A_295 = arith.addi %add3A_267, %squeeze3A_294 : i32
          %scan3A_296 = arith.constant 3 : i32
          %scan3A_297 = arith.addi %scan3A_213, %scan3A_296 : i32
          %mul3A_298 = arith.constant 16 : i32
          %mul3A_299 = arith.muli %scan3A_297, %mul3A_298 : i32
          %get3A_300 = arith.index_cast %mul3A_62 : i32 to index
          %get3A_301 = arith.index_cast %mul3A_299 : i32 to index
          %get3A_302 = tpu.vector_load %arg5[%get3A_300, %get3A_301] {strides = array<i32>} : memref<8x4096xf32, #tpu.memory_space<vmem>>, vector<16xf32>,
          %add3A_303 = arith.constant 1 : i32
          %add3A_304 = arith.addi %mul3A_62, %add3A_303 : i32
          %mul3A_305 = arith.constant 16 : i32
          %mul3A_306 = arith.muli %scan3A_297, %mul3A_305 : i32
          %get3A_307 = arith.index_cast %add3A_304 : i32 to index
          %get3A_308 = arith.index_cast %mul3A_306 : i32 to index
          %get3A_309 = tpu.vector_load %arg5[%get3A_307, %get3A_308] {strides = array<i32>} : memref<8x4096xf32, #tpu.memory_space<vmem>>, vector<16xf32>,
          %ge3A_310 = arith.cmpf oge, %get3A_302, %broadcast_in_dim3A_64 : vector<16xf32>
          %ge3A_311 = arith.cmpf oge, %get3A_309, %broadcast_in_dim3A_67 : vector<16xf32>
          %swap3A_312 = arith.index_cast %add3A_292 : i32 to index
          %swap3A_313 = tpu.vector_load %arg7[%swap3A_312] masked %ge3A_310 {strides = array<i32>} : memref<4112xf32, #tpu.memory_space<vmem>>, vector<16xf32>, vector<16xi1>
          tpu.vector_store %arg7[%swap3A_312], %get3A_302 masked %ge3A_310 {strides = array<i32>} : memref<4112xf32, #tpu.memory_space<vmem>>, vector<16xf32>, vector<16xi1>
          %swap3A_314 = arith.index_cast %add3A_295 : i32 to index
          %swap3A_315 = tpu.vector_load %arg8[%swap3A_314] masked %ge3A_311 {strides = array<i32>} : memref<4112xf32, #tpu.memory_space<vmem>>, vector<16xf32>, vector<16xi1>
          tpu.vector_store %arg8[%swap3A_314], %get3A_309 masked %ge3A_311 {strides = array<i32>} : memref<4112xf32, #tpu.memory_space<vmem>>, vector<16xf32>, vector<16xi1>
          %all_reduce_population_count3A_316 = tpu.all_reduce %ge3A_310 {dim = 0 : i64, kind = #tpu.reduction_kind<sum>} : vector<16xi1> -> vector<16xi32>
          %all_reduce_population_count3A_317 = tpu.all_reduce %ge3A_311 {dim = 0 : i64, kind = #tpu.reduction_kind<sum>} : vector<16xi1> -> vector<16xi32>
          %slice3A_318 = vector.extract_strided_slice %all_reduce_population_count3A_316 {offsets = [0], sizes = [1], strides = [1]} : vector<16xi32> to vector<1xi32>
          %squeeze3A_319 = vector.extract %slice3A_318[0] : i32 from vector<1xi32>
          %add3A_320 = arith.addi %add3A_292, %squeeze3A_319 : i32
          %slice3A_321 = vector.extract_strided_slice %all_reduce_population_count3A_317 {offsets = [0], sizes = [1], strides = [1]} : vector<16xi32> to vector<1xi32>
          %squeeze3A_322 = vector.extract %slice3A_321[0] : i32 from vector<1xi32>
          %add3A_323 = arith.addi %add3A_295, %squeeze3A_322 : i32
          %scan3A_324 = arith.constant 4 : i32
          %scan3A_325 = arith.addi %scan3A_213, %scan3A_324 : i32
          %mul3A_326 = arith.constant 16 : i32
          %mul3A_327 = arith.muli %scan3A_325, %mul3A_326 : i32
          %get3A_328 = arith.index_cast %mul3A_62 : i32 to index
          %get3A_329 = arith.index_cast %mul3A_327 : i32 to index
          %get3A_330 = tpu.vector_load %arg5[%get3A_328, %get3A_329] {strides = array<i32>} : memref<8x4096xf32, #tpu.memory_space<vmem>>, vector<16xf32>,
          %add3A_331 = arith.constant 1 : i32
          %add3A_332 = arith.addi %mul3A_62, %add3A_331 : i32
          %mul3A_333 = arith.constant 16 : i32
          %mul3A_334 = arith.muli %scan3A_325, %mul3A_333 : i32
          %get3A_335 = arith.index_cast %add3A_332 : i32 to index
          %get3A_336 = arith.index_cast %mul3A_334 : i32 to index
          %get3A_337 = tpu.vector_load %arg5[%get3A_335, %get3A_336] {strides = array<i32>} : memref<8x4096xf32, #tpu.memory_space<vmem>>, vector<16xf32>,
          %ge3A_338 = arith.cmpf oge, %get3A_330, %broadcast_in_dim3A_64 : vector<16xf32>
          %ge3A_339 = arith.cmpf oge, %get3A_337, %broadcast_in_dim3A_67 : vector<16xf32>
          %swap3A_340 = arith.index_cast %add3A_320 : i32 to index
          %swap3A_341 = tpu.vector_load %arg7[%swap3A_340] masked %ge3A_338 {strides = array<i32>} : memref<4112xf32, #tpu.memory_space<vmem>>, vector<16xf32>, vector<16xi1>
          tpu.vector_store %arg7[%swap3A_340], %get3A_330 masked %ge3A_338 {strides = array<i32>} : memref<4112xf32, #tpu.memory_space<vmem>>, vector<16xf32>, vector<16xi1>
          %swap3A_342 = arith.index_cast %add3A_323 : i32 to index
          %swap3A_343 = tpu.vector_load %arg8[%swap3A_342] masked %ge3A_339 {strides = array<i32>} : memref<4112xf32, #tpu.memory_space<vmem>>, vector<16xf32>, vector<16xi1>
          tpu.vector_store %arg8[%swap3A_342], %get3A_337 masked %ge3A_339 {strides = array<i32>} : memref<4112xf32, #tpu.memory_space<vmem>>, vector<16xf32>, vector<16xi1>
          %all_reduce_population_count3A_344 = tpu.all_reduce %ge3A_338 {dim = 0 : i64, kind = #tpu.reduction_kind<sum>} : vector<16xi1> -> vector<16xi32>
          %all_reduce_population_count3A_345 = tpu.all_reduce %ge3A_339 {dim = 0 : i64, kind = #tpu.reduction_kind<sum>} : vector<16xi1> -> vector<16xi32>
          %slice3A_346 = vector.extract_strided_slice %all_reduce_population_count3A_344 {offsets = [0], sizes = [1], strides = [1]} : vector<16xi32> to vector<1xi32>
          %squeeze3A_347 = vector.extract %slice3A_346[0] : i32 from vector<1xi32>
          %add3A_348 = arith.addi %add3A_320, %squeeze3A_347 : i32
          %slice3A_349 = vector.extract_strided_slice %all_reduce_population_count3A_345 {offsets = [0], sizes = [1], strides = [1]} : vector<16xi32> to vector<1xi32>
          %squeeze3A_350 = vector.extract %slice3A_349[0] : i32 from vector<1xi32>
          %add3A_351 = arith.addi %add3A_323, %squeeze3A_350 : i32
          %scan3A_352 = arith.constant 5 : i32
          %scan3A_353 = arith.addi %scan3A_213, %scan3A_352 : i32
          %mul3A_354 = arith.constant 16 : i32
          %mul3A_355 = arith.muli %scan3A_353, %mul3A_354 : i32
          %get3A_356 = arith.index_cast %mul3A_62 : i32 to index
          %get3A_357 = arith.index_cast %mul3A_355 : i32 to index
          %get3A_358 = tpu.vector_load %arg5[%get3A_356, %get3A_357] {strides = array<i32>} : memref<8x4096xf32, #tpu.memory_space<vmem>>, vector<16xf32>,
          %add3A_359 = arith.constant 1 : i32
          %add3A_360 = arith.addi %mul3A_62, %add3A_359 : i32
          %mul3A_361 = arith.constant 16 : i32
          %mul3A_362 = arith.muli %scan3A_353, %mul3A_361 : i32
          %get3A_363 = arith.index_cast %add3A_360 : i32 to index
          %get3A_364 = arith.index_cast %mul3A_362 : i32 to index
          %get3A_365 = tpu.vector_load %arg5[%get3A_363, %get3A_364] {strides = array<i32>} : memref<8x4096xf32, #tpu.memory_space<vmem>>, vector<16xf32>,
          %ge3A_366 = arith.cmpf oge, %get3A_358, %broadcast_in_dim3A_64 : vector<16xf32>
          %ge3A_367 = arith.cmpf oge, %get3A_365, %broadcast_in_dim3A_67 : vector<16xf32>
          %swap3A_368 = arith.index_cast %add3A_348 : i32 to index
          %swap3A_369 = tpu.vector_load %arg7[%swap3A_368] masked %ge3A_366 {strides = array<i32>} : memref<4112xf32, #tpu.memory_space<vmem>>, vector<16xf32>, vector<16xi1>
          tpu.vector_store %arg7[%swap3A_368], %get3A_358 masked %ge3A_366 {strides = array<i32>} : memref<4112xf32, #tpu.memory_space<vmem>>, vector<16xf32>, vector<16xi1>
          %swap3A_370 = arith.index_cast %add3A_351 : i32 to index
          %swap3A_371 = tpu.vector_load %arg8[%swap3A_370] masked %ge3A_367 {strides = array<i32>} : memref<4112xf32, #tpu.memory_space<vmem>>, vector<16xf32>, vector<16xi1>
          tpu.vector_store %arg8[%swap3A_370], %get3A_365 masked %ge3A_367 {strides = array<i32>} : memref<4112xf32, #tpu.memory_space<vmem>>, vector<16xf32>, vector<16xi1>
          %all_reduce_population_count3A_372 = tpu.all_reduce %ge3A_366 {dim = 0 : i64, kind = #tpu.reduction_kind<sum>} : vector<16xi1> -> vector<16xi32>
          %all_reduce_population_count3A_373 = tpu.all_reduce %ge3A_367 {dim = 0 : i64, kind = #tpu.reduction_kind<sum>} : vector<16xi1> -> vector<16xi32>
          %slice3A_374 = vector.extract_strided_slice %all_reduce_population_count3A_372 {offsets = [0], sizes = [1], strides = [1]} : vector<16xi32> to vector<1xi32>
          %squeeze3A_375 = vector.extract %slice3A_374[0] : i32 from vector<1xi32>
          %add3A_376 = arith.addi %add3A_348, %squeeze3A_375 : i32
          %slice3A_377 = vector.extract_strided_slice %all_reduce_population_count3A_373 {offsets = [0], sizes = [1], strides = [1]} : vector<16xi32> to vector<1xi32>
          %squeeze3A_378 = vector.extract %slice3A_377[0] : i32 from vector<1xi32>
          %add3A_379 = arith.addi %add3A_351, %squeeze3A_378 : i32
          %scan3A_380 = arith.constant 6 : i32
          %scan3A_381 = arith.addi %scan3A_213, %scan3A_380 : i32
          %mul3A_382 = arith.constant 16 : i32
          %mul3A_383 = arith.muli %scan3A_381, %mul3A_382 : i32
          %get3A_384 = arith.index_cast %mul3A_62 : i32 to index
          %get3A_385 = arith.index_cast %mul3A_383 : i32 to index
          %get3A_386 = tpu.vector_load %arg5[%get3A_384, %get3A_385] {strides = array<i32>} : memref<8x4096xf32, #tpu.memory_space<vmem>>, vector<16xf32>,
          %add3A_387 = arith.constant 1 : i32
          %add3A_388 = arith.addi %mul3A_62, %add3A_387 : i32
          %mul3A_389 = arith.constant 16 : i32
          %mul3A_390 = arith.muli %scan3A_381, %mul3A_389 : i32
          %get3A_391 = arith.index_cast %add3A_388 : i32 to index
          %get3A_392 = arith.index_cast %mul3A_390 : i32 to index
          %get3A_393 = tpu.vector_load %arg5[%get3A_391, %get3A_392] {strides = array<i32>} : memref<8x4096xf32, #tpu.memory_space<vmem>>, vector<16xf32>,
          %ge3A_394 = arith.cmpf oge, %get3A_386, %broadcast_in_dim3A_64 : vector<16xf32>
          %ge3A_395 = arith.cmpf oge, %get3A_393, %broadcast_in_dim3A_67 : vector<16xf32>
          %swap3A_396 = arith.index_cast %add3A_376 : i32 to index
          %swap3A_397 = tpu.vector_load %arg7[%swap3A_396] masked %ge3A_394 {strides = array<i32>} : memref<4112xf32, #tpu.memory_space<vmem>>, vector<16xf32>, vector<16xi1>
          tpu.vector_store %arg7[%swap3A_396], %get3A_386 masked %ge3A_394 {strides = array<i32>} : memref<4112xf32, #tpu.memory_space<vmem>>, vector<16xf32>, vector<16xi1>
          %swap3A_398 = arith.index_cast %add3A_379 : i32 to index
          %swap3A_399 = tpu.vector_load %arg8[%swap3A_398] masked %ge3A_395 {strides = array<i32>} : memref<4112xf32, #tpu.memory_space<vmem>>, vector<16xf32>, vector<16xi1>
          tpu.vector_store %arg8[%swap3A_398], %get3A_393 masked %ge3A_395 {strides = array<i32>} : memref<4112xf32, #tpu.memory_space<vmem>>, vector<16xf32>, vector<16xi1>
          %all_reduce_population_count3A_400 = tpu.all_reduce %ge3A_394 {dim = 0 : i64, kind = #tpu.reduction_kind<sum>} : vector<16xi1> -> vector<16xi32>
          %all_reduce_population_count3A_401 = tpu.all_reduce %ge3A_395 {dim = 0 : i64, kind = #tpu.reduction_kind<sum>} : vector<16xi1> -> vector<16xi32>
          %slice3A_402 = vector.extract_strided_slice %all_reduce_population_count3A_400 {offsets = [0], sizes = [1], strides = [1]} : vector<16xi32> to vector<1xi32>
          %squeeze3A_403 = vector.extract %slice3A_402[0] : i32 from vector<1xi32>
          %add3A_404 = arith.addi %add3A_376, %squeeze3A_403 : i32
          %slice3A_405 = vector.extract_strided_slice %all_reduce_population_count3A_401 {offsets = [0], sizes = [1], strides = [1]} : vector<16xi32> to vector<1xi32>
          %squeeze3A_406 = vector.extract %slice3A_405[0] : i32 from vector<1xi32>
          %add3A_407 = arith.addi %add3A_379, %squeeze3A_406 : i32
          %scan3A_408 = arith.constant 7 : i32
          %scan3A_409 = arith.addi %scan3A_213, %scan3A_408 : i32
          %mul3A_410 = arith.constant 16 : i32
          %mul3A_411 = arith.muli %scan3A_409, %mul3A_410 : i32
          %get3A_412 = arith.index_cast %mul3A_62 : i32 to index
          %get3A_413 = arith.index_cast %mul3A_411 : i32 to index
          %get3A_414 = tpu.vector_load %arg5[%get3A_412, %get3A_413] {strides = array<i32>} : memref<8x4096xf32, #tpu.memory_space<vmem>>, vector<16xf32>,
          %add3A_415 = arith.constant 1 : i32
          %add3A_416 = arith.addi %mul3A_62, %add3A_415 : i32
          %mul3A_417 = arith.constant 16 : i32
          %mul3A_418 = arith.muli %scan3A_409, %mul3A_417 : i32
          %get3A_419 = arith.index_cast %add3A_416 : i32 to index
          %get3A_420 = arith.index_cast %mul3A_418 : i32 to index
          %get3A_421 = tpu.vector_load %arg5[%get3A_419, %get3A_420] {strides = array<i32>} : memref<8x4096xf32, #tpu.memory_space<vmem>>, vector<16xf32>,
          %ge3A_422 = arith.cmpf oge, %get3A_414, %broadcast_in_dim3A_64 : vector<16xf32>
          %ge3A_423 = arith.cmpf oge, %get3A_421, %broadcast_in_dim3A_67 : vector<16xf32>
          %swap3A_424 = arith.index_cast %add3A_404 : i32 to index
          %swap3A_425 = tpu.vector_load %arg7[%swap3A_424] masked %ge3A_422 {strides = array<i32>} : memref<4112xf32, #tpu.memory_space<vmem>>, vector<16xf32>, vector<16xi1>
          tpu.vector_store %arg7[%swap3A_424], %get3A_414 masked %ge3A_422 {strides = array<i32>} : memref<4112xf32, #tpu.memory_space<vmem>>, vector<16xf32>, vector<16xi1>
          %swap3A_426 = arith.index_cast %add3A_407 : i32 to index
          %swap3A_427 = tpu.vector_load %arg8[%swap3A_426] masked %ge3A_423 {strides = array<i32>} : memref<4112xf32, #tpu.memory_space<vmem>>, vector<16xf32>, vector<16xi1>
          tpu.vector_store %arg8[%swap3A_426], %get3A_421 masked %ge3A_423 {strides = array<i32>} : memref<4112xf32, #tpu.memory_space<vmem>>, vector<16xf32>, vector<16xi1>
          %all_reduce_population_count3A_428 = tpu.all_reduce %ge3A_422 {dim = 0 : i64, kind = #tpu.reduction_kind<sum>} : vector<16xi1> -> vector<16xi32>
          %all_reduce_population_count3A_429 = tpu.all_reduce %ge3A_423 {dim = 0 : i64, kind = #tpu.reduction_kind<sum>} : vector<16xi1> -> vector<16xi32>
          %slice3A_430 = vector.extract_strided_slice %all_reduce_population_count3A_428 {offsets = [0], sizes = [1], strides = [1]} : vector<16xi32> to vector<1xi32>
          %squeeze3A_431 = vector.extract %slice3A_430[0] : i32 from vector<1xi32>
          %add3A_432 = arith.addi %add3A_404, %squeeze3A_431 : i32
          %slice3A_433 = vector.extract_strided_slice %all_reduce_population_count3A_429 {offsets = [0], sizes = [1], strides = [1]} : vector<16xi32> to vector<1xi32>
          %squeeze3A_434 = vector.extract %slice3A_433[0] : i32 from vector<1xi32>
          %add3A_435 = arith.addi %add3A_407, %squeeze3A_434 : i32
          %scan3A_436 = arith.constant 8 : i32
          %scan3A_437 = arith.addi %scan3A_213, %scan3A_436 : i32
          %mul3A_438 = arith.constant 16 : i32
          %mul3A_439 = arith.muli %scan3A_437, %mul3A_438 : i32
          %get3A_440 = arith.index_cast %mul3A_62 : i32 to index
          %get3A_441 = arith.index_cast %mul3A_439 : i32 to index
          %get3A_442 = tpu.vector_load %arg5[%get3A_440, %get3A_441] {strides = array<i32>} : memref<8x4096xf32, #tpu.memory_space<vmem>>, vector<16xf32>,
          %add3A_443 = arith.constant 1 : i32
          %add3A_444 = arith.addi %mul3A_62, %add3A_443 : i32
          %mul3A_445 = arith.constant 16 : i32
          %mul3A_446 = arith.muli %scan3A_437, %mul3A_445 : i32
          %get3A_447 = arith.index_cast %add3A_444 : i32 to index
          %get3A_448 = arith.index_cast %mul3A_446 : i32 to index
          %get3A_449 = tpu.vector_load %arg5[%get3A_447, %get3A_448] {strides = array<i32>} : memref<8x4096xf32, #tpu.memory_space<vmem>>, vector<16xf32>,
          %ge3A_450 = arith.cmpf oge, %get3A_442, %broadcast_in_dim3A_64 : vector<16xf32>
          %ge3A_451 = arith.cmpf oge, %get3A_449, %broadcast_in_dim3A_67 : vector<16xf32>
          %swap3A_452 = arith.index_cast %add3A_432 : i32 to index
          %swap3A_453 = tpu.vector_load %arg7[%swap3A_452] masked %ge3A_450 {strides = array<i32>} : memref<4112xf32, #tpu.memory_space<vmem>>, vector<16xf32>, vector<16xi1>
          tpu.vector_store %arg7[%swap3A_452], %get3A_442 masked %ge3A_450 {strides = array<i32>} : memref<4112xf32, #tpu.memory_space<vmem>>, vector<16xf32>, vector<16xi1>
          %swap3A_454 = arith.index_cast %add3A_435 : i32 to index
          %swap3A_455 = tpu.vector_load %arg8[%swap3A_454] masked %ge3A_451 {strides = array<i32>} : memref<4112xf32, #tpu.memory_space<vmem>>, vector<16xf32>, vector<16xi1>
          tpu.vector_store %arg8[%swap3A_454], %get3A_449 masked %ge3A_451 {strides = array<i32>} : memref<4112xf32, #tpu.memory_space<vmem>>, vector<16xf32>, vector<16xi1>
          %all_reduce_population_count3A_456 = tpu.all_reduce %ge3A_450 {dim = 0 : i64, kind = #tpu.reduction_kind<sum>} : vector<16xi1> -> vector<16xi32>
          %all_reduce_population_count3A_457 = tpu.all_reduce %ge3A_451 {dim = 0 : i64, kind = #tpu.reduction_kind<sum>} : vector<16xi1> -> vector<16xi32>
          %slice3A_458 = vector.extract_strided_slice %all_reduce_population_count3A_456 {offsets = [0], sizes = [1], strides = [1]} : vector<16xi32> to vector<1xi32>
          %squeeze3A_459 = vector.extract %slice3A_458[0] : i32 from vector<1xi32>
          %add3A_460 = arith.addi %add3A_432, %squeeze3A_459 : i32
          %slice3A_461 = vector.extract_strided_slice %all_reduce_population_count3A_457 {offsets = [0], sizes = [1], strides = [1]} : vector<16xi32> to vector<1xi32>
          %squeeze3A_462 = vector.extract %slice3A_461[0] : i32 from vector<1xi32>
          %add3A_463 = arith.addi %add3A_435, %squeeze3A_462 : i32
          %scan3A_464 = arith.constant 9 : i32
          %scan3A_465 = arith.addi %scan3A_213, %scan3A_464 : i32
          %mul3A_466 = arith.constant 16 : i32
          %mul3A_467 = arith.muli %scan3A_465, %mul3A_466 : i32
          %get3A_468 = arith.index_cast %mul3A_62 : i32 to index
          %get3A_469 = arith.index_cast %mul3A_467 : i32 to index
          %get3A_470 = tpu.vector_load %arg5[%get3A_468, %get3A_469] {strides = array<i32>} : memref<8x4096xf32, #tpu.memory_space<vmem>>, vector<16xf32>,
          %add3A_471 = arith.constant 1 : i32
          %add3A_472 = arith.addi %mul3A_62, %add3A_471 : i32
          %mul3A_473 = arith.constant 16 : i32
          %mul3A_474 = arith.muli %scan3A_465, %mul3A_473 : i32
          %get3A_475 = arith.index_cast %add3A_472 : i32 to index
          %get3A_476 = arith.index_cast %mul3A_474 : i32 to index
          %get3A_477 = tpu.vector_load %arg5[%get3A_475, %get3A_476] {strides = array<i32>} : memref<8x4096xf32, #tpu.memory_space<vmem>>, vector<16xf32>,
          %ge3A_478 = arith.cmpf oge, %get3A_470, %broadcast_in_dim3A_64 : vector<16xf32>
          %ge3A_479 = arith.cmpf oge, %get3A_477, %broadcast_in_dim3A_67 : vector<16xf32>
          %swap3A_480 = arith.index_cast %add3A_460 : i32 to index
          %swap3A_481 = tpu.vector_load %arg7[%swap3A_480] masked %ge3A_478 {strides = array<i32>} : memref<4112xf32, #tpu.memory_space<vmem>>, vector<16xf32>, vector<16xi1>
          tpu.vector_store %arg7[%swap3A_480], %get3A_470 masked %ge3A_478 {strides = array<i32>} : memref<4112xf32, #tpu.memory_space<vmem>>, vector<16xf32>, vector<16xi1>
          %swap3A_482 = arith.index_cast %add3A_463 : i32 to index
          %swap3A_483 = tpu.vector_load %arg8[%swap3A_482] masked %ge3A_479 {strides = array<i32>} : memref<4112xf32, #tpu.memory_space<vmem>>, vector<16xf32>, vector<16xi1>
          tpu.vector_store %arg8[%swap3A_482], %get3A_477 masked %ge3A_479 {strides = array<i32>} : memref<4112xf32, #tpu.memory_space<vmem>>, vector<16xf32>, vector<16xi1>
          %all_reduce_population_count3A_484 = tpu.all_reduce %ge3A_478 {dim = 0 : i64, kind = #tpu.reduction_kind<sum>} : vector<16xi1> -> vector<16xi32>
          %all_reduce_population_count3A_485 = tpu.all_reduce %ge3A_479 {dim = 0 : i64, kind = #tpu.reduction_kind<sum>} : vector<16xi1> -> vector<16xi32>
          %slice3A_486 = vector.extract_strided_slice %all_reduce_population_count3A_484 {offsets = [0], sizes = [1], strides = [1]} : vector<16xi32> to vector<1xi32>
          %squeeze3A_487 = vector.extract %slice3A_486[0] : i32 from vector<1xi32>
          %add3A_488 = arith.addi %add3A_460, %squeeze3A_487 : i32
          %slice3A_489 = vector.extract_strided_slice %all_reduce_population_count3A_485 {offsets = [0], sizes = [1], strides = [1]} : vector<16xi32> to vector<1xi32>
          %squeeze3A_490 = vector.extract %slice3A_489[0] : i32 from vector<1xi32>
          %add3A_491 = arith.addi %add3A_463, %squeeze3A_490 : i32
          %scan3A_492 = arith.constant 10 : i32
          %scan3A_493 = arith.addi %scan3A_213, %scan3A_492 : i32
          %mul3A_494 = arith.constant 16 : i32
          %mul3A_495 = arith.muli %scan3A_493, %mul3A_494 : i32
          %get3A_496 = arith.index_cast %mul3A_62 : i32 to index
          %get3A_497 = arith.index_cast %mul3A_495 : i32 to index
          %get3A_498 = tpu.vector_load %arg5[%get3A_496, %get3A_497] {strides = array<i32>} : memref<8x4096xf32, #tpu.memory_space<vmem>>, vector<16xf32>,
          %add3A_499 = arith.constant 1 : i32
          %add3A_500 = arith.addi %mul3A_62, %add3A_499 : i32
          %mul3A_501 = arith.constant 16 : i32
          %mul3A_502 = arith.muli %scan3A_493, %mul3A_501 : i32
          %get3A_503 = arith.index_cast %add3A_500 : i32 to index
          %get3A_504 = arith.index_cast %mul3A_502 : i32 to index
          %get3A_505 = tpu.vector_load %arg5[%get3A_503, %get3A_504] {strides = array<i32>} : memref<8x4096xf32, #tpu.memory_space<vmem>>, vector<16xf32>,
          %ge3A_506 = arith.cmpf oge, %get3A_498, %broadcast_in_dim3A_64 : vector<16xf32>
          %ge3A_507 = arith.cmpf oge, %get3A_505, %broadcast_in_dim3A_67 : vector<16xf32>
          %swap3A_508 = arith.index_cast %add3A_488 : i32 to index
          %swap3A_509 = tpu.vector_load %arg7[%swap3A_508] masked %ge3A_506 {strides = array<i32>} : memref<4112xf32, #tpu.memory_space<vmem>>, vector<16xf32>, vector<16xi1>
          tpu.vector_store %arg7[%swap3A_508], %get3A_498 masked %ge3A_506 {strides = array<i32>} : memref<4112xf32, #tpu.memory_space<vmem>>, vector<16xf32>, vector<16xi1>
          %swap3A_510 = arith.index_cast %add3A_491 : i32 to index
          %swap3A_511 = tpu.vector_load %arg8[%swap3A_510] masked %ge3A_507 {strides = array<i32>} : memref<4112xf32, #tpu.memory_space<vmem>>, vector<16xf32>, vector<16xi1>
          tpu.vector_store %arg8[%swap3A_510], %get3A_505 masked %ge3A_507 {strides = array<i32>} : memref<4112xf32, #tpu.memory_space<vmem>>, vector<16xf32>, vector<16xi1>
          %all_reduce_population_count3A_512 = tpu.all_reduce %ge3A_506 {dim = 0 : i64, kind = #tpu.reduction_kind<sum>} : vector<16xi1> -> vector<16xi32>
          %all_reduce_population_count3A_513 = tpu.all_reduce %ge3A_507 {dim = 0 : i64, kind = #tpu.reduction_kind<sum>} : vector<16xi1> -> vector<16xi32>
          %slice3A_514 = vector.extract_strided_slice %all_reduce_population_count3A_512 {offsets = [0], sizes = [1], strides = [1]} : vector<16xi32> to vector<1xi32>
          %squeeze3A_515 = vector.extract %slice3A_514[0] : i32 from vector<1xi32>
          %add3A_516 = arith.addi %add3A_488, %squeeze3A_515 : i32
          %slice3A_517 = vector.extract_strided_slice %all_reduce_population_count3A_513 {offsets = [0], sizes = [1], strides = [1]} : vector<16xi32> to vector<1xi32>
          %squeeze3A_518 = vector.extract %slice3A_517[0] : i32 from vector<1xi32>
          %add3A_519 = arith.addi %add3A_491, %squeeze3A_518 : i32
          %scan3A_520 = arith.constant 11 : i32
          %scan3A_521 = arith.addi %scan3A_213, %scan3A_520 : i32
          %mul3A_522 = arith.constant 16 : i32
          %mul3A_523 = arith.muli %scan3A_521, %mul3A_522 : i32
          %get3A_524 = arith.index_cast %mul3A_62 : i32 to index
          %get3A_525 = arith.index_cast %mul3A_523 : i32 to index
          %get3A_526 = tpu.vector_load %arg5[%get3A_524, %get3A_525] {strides = array<i32>} : memref<8x4096xf32, #tpu.memory_space<vmem>>, vector<16xf32>,
          %add3A_527 = arith.constant 1 : i32
          %add3A_528 = arith.addi %mul3A_62, %add3A_527 : i32
          %mul3A_529 = arith.constant 16 : i32
          %mul3A_530 = arith.muli %scan3A_521, %mul3A_529 : i32
          %get3A_531 = arith.index_cast %add3A_528 : i32 to index
          %get3A_532 = arith.index_cast %mul3A_530 : i32 to index
          %get3A_533 = tpu.vector_load %arg5[%get3A_531, %get3A_532] {strides = array<i32>} : memref<8x4096xf32, #tpu.memory_space<vmem>>, vector<16xf32>,
          %ge3A_534 = arith.cmpf oge, %get3A_526, %broadcast_in_dim3A_64 : vector<16xf32>
          %ge3A_535 = arith.cmpf oge, %get3A_533, %broadcast_in_dim3A_67 : vector<16xf32>
          %swap3A_536 = arith.index_cast %add3A_516 : i32 to index
          %swap3A_537 = tpu.vector_load %arg7[%swap3A_536] masked %ge3A_534 {strides = array<i32>} : memref<4112xf32, #tpu.memory_space<vmem>>, vector<16xf32>, vector<16xi1>
          tpu.vector_store %arg7[%swap3A_536], %get3A_526 masked %ge3A_534 {strides = array<i32>} : memref<4112xf32, #tpu.memory_space<vmem>>, vector<16xf32>, vector<16xi1>
          %swap3A_538 = arith.index_cast %add3A_519 : i32 to index
          %swap3A_539 = tpu.vector_load %arg8[%swap3A_538] masked %ge3A_535 {strides = array<i32>} : memref<4112xf32, #tpu.memory_space<vmem>>, vector<16xf32>, vector<16xi1>
          tpu.vector_store %arg8[%swap3A_538], %get3A_533 masked %ge3A_535 {strides = array<i32>} : memref<4112xf32, #tpu.memory_space<vmem>>, vector<16xf32>, vector<16xi1>
          %all_reduce_population_count3A_540 = tpu.all_reduce %ge3A_534 {dim = 0 : i64, kind = #tpu.reduction_kind<sum>} : vector<16xi1> -> vector<16xi32>
          %all_reduce_population_count3A_541 = tpu.all_reduce %ge3A_535 {dim = 0 : i64, kind = #tpu.reduction_kind<sum>} : vector<16xi1> -> vector<16xi32>
          %slice3A_542 = vector.extract_strided_slice %all_reduce_population_count3A_540 {offsets = [0], sizes = [1], strides = [1]} : vector<16xi32> to vector<1xi32>
          %squeeze3A_543 = vector.extract %slice3A_542[0] : i32 from vector<1xi32>
          %add3A_544 = arith.addi %add3A_516, %squeeze3A_543 : i32
          %slice3A_545 = vector.extract_strided_slice %all_reduce_population_count3A_541 {offsets = [0], sizes = [1], strides = [1]} : vector<16xi32> to vector<1xi32>
          %squeeze3A_546 = vector.extract %slice3A_545[0] : i32 from vector<1xi32>
          %add3A_547 = arith.addi %add3A_519, %squeeze3A_546 : i32
          %scan3A_548 = arith.constant 12 : i32
          %scan3A_549 = arith.addi %scan3A_213, %scan3A_548 : i32
          %mul3A_550 = arith.constant 16 : i32
          %mul3A_551 = arith.muli %scan3A_549, %mul3A_550 : i32
          %get3A_552 = arith.index_cast %mul3A_62 : i32 to index
          %get3A_553 = arith.index_cast %mul3A_551 : i32 to index
          %get3A_554 = tpu.vector_load %arg5[%get3A_552, %get3A_553] {strides = array<i32>} : memref<8x4096xf32, #tpu.memory_space<vmem>>, vector<16xf32>,
          %add3A_555 = arith.constant 1 : i32
          %add3A_556 = arith.addi %mul3A_62, %add3A_555 : i32
          %mul3A_557 = arith.constant 16 : i32
          %mul3A_558 = arith.muli %scan3A_549, %mul3A_557 : i32
          %get3A_559 = arith.index_cast %add3A_556 : i32 to index
          %get3A_560 = arith.index_cast %mul3A_558 : i32 to index
          %get3A_561 = tpu.vector_load %arg5[%get3A_559, %get3A_560] {strides = array<i32>} : memref<8x4096xf32, #tpu.memory_space<vmem>>, vector<16xf32>,
          %ge3A_562 = arith.cmpf oge, %get3A_554, %broadcast_in_dim3A_64 : vector<16xf32>
          %ge3A_563 = arith.cmpf oge, %get3A_561, %broadcast_in_dim3A_67 : vector<16xf32>
          %swap3A_564 = arith.index_cast %add3A_544 : i32 to index
          %swap3A_565 = tpu.vector_load %arg7[%swap3A_564] masked %ge3A_562 {strides = array<i32>} : memref<4112xf32, #tpu.memory_space<vmem>>, vector<16xf32>, vector<16xi1>
          tpu.vector_store %arg7[%swap3A_564], %get3A_554 masked %ge3A_562 {strides = array<i32>} : memref<4112xf32, #tpu.memory_space<vmem>>, vector<16xf32>, vector<16xi1>
          %swap3A_566 = arith.index_cast %add3A_547 : i32 to index
          %swap3A_567 = tpu.vector_load %arg8[%swap3A_566] masked %ge3A_563 {strides = array<i32>} : memref<4112xf32, #tpu.memory_space<vmem>>, vector<16xf32>, vector<16xi1>
          tpu.vector_store %arg8[%swap3A_566], %get3A_561 masked %ge3A_563 {strides = array<i32>} : memref<4112xf32, #tpu.memory_space<vmem>>, vector<16xf32>, vector<16xi1>
          %all_reduce_population_count3A_568 = tpu.all_reduce %ge3A_562 {dim = 0 : i64, kind = #tpu.reduction_kind<sum>} : vector<16xi1> -> vector<16xi32>
          %all_reduce_population_count3A_569 = tpu.all_reduce %ge3A_563 {dim = 0 : i64, kind = #tpu.reduction_kind<sum>} : vector<16xi1> -> vector<16xi32>
          %slice3A_570 = vector.extract_strided_slice %all_reduce_population_count3A_568 {offsets = [0], sizes = [1], strides = [1]} : vector<16xi32> to vector<1xi32>
          %squeeze3A_571 = vector.extract %slice3A_570[0] : i32 from vector<1xi32>
          %add3A_572 = arith.addi %add3A_544, %squeeze3A_571 : i32
          %slice3A_573 = vector.extract_strided_slice %all_reduce_population_count3A_569 {offsets = [0], sizes = [1], strides = [1]} : vector<16xi32> to vector<1xi32>
          %squeeze3A_574 = vector.extract %slice3A_573[0] : i32 from vector<1xi32>
          %add3A_575 = arith.addi %add3A_547, %squeeze3A_574 : i32
          %scan3A_576 = arith.constant 13 : i32
          %scan3A_577 = arith.addi %scan3A_213, %scan3A_576 : i32
          %mul3A_578 = arith.constant 16 : i32
          %mul3A_579 = arith.muli %scan3A_577, %mul3A_578 : i32
          %get3A_580 = arith.index_cast %mul3A_62 : i32 to index
          %get3A_581 = arith.index_cast %mul3A_579 : i32 to index
          %get3A_582 = tpu.vector_load %arg5[%get3A_580, %get3A_581] {strides = array<i32>} : memref<8x4096xf32, #tpu.memory_space<vmem>>, vector<16xf32>,
          %add3A_583 = arith.constant 1 : i32
          %add3A_584 = arith.addi %mul3A_62, %add3A_583 : i32
          %mul3A_585 = arith.constant 16 : i32
          %mul3A_586 = arith.muli %scan3A_577, %mul3A_585 : i32
          %get3A_587 = arith.index_cast %add3A_584 : i32 to index
          %get3A_588 = arith.index_cast %mul3A_586 : i32 to index
          %get3A_589 = tpu.vector_load %arg5[%get3A_587, %get3A_588] {strides = array<i32>} : memref<8x4096xf32, #tpu.memory_space<vmem>>, vector<16xf32>,
          %ge3A_590 = arith.cmpf oge, %get3A_582, %broadcast_in_dim3A_64 : vector<16xf32>
          %ge3A_591 = arith.cmpf oge, %get3A_589, %broadcast_in_dim3A_67 : vector<16xf32>
          %swap3A_592 = arith.index_cast %add3A_572 : i32 to index
          %swap3A_593 = tpu.vector_load %arg7[%swap3A_592] masked %ge3A_590 {strides = array<i32>} : memref<4112xf32, #tpu.memory_space<vmem>>, vector<16xf32>, vector<16xi1>
          tpu.vector_store %arg7[%swap3A_592], %get3A_582 masked %ge3A_590 {strides = array<i32>} : memref<4112xf32, #tpu.memory_space<vmem>>, vector<16xf32>, vector<16xi1>
          %swap3A_594 = arith.index_cast %add3A_575 : i32 to index
          %swap3A_595 = tpu.vector_load %arg8[%swap3A_594] masked %ge3A_591 {strides = array<i32>} : memref<4112xf32, #tpu.memory_space<vmem>>, vector<16xf32>, vector<16xi1>
          tpu.vector_store %arg8[%swap3A_594], %get3A_589 masked %ge3A_591 {strides = array<i32>} : memref<4112xf32, #tpu.memory_space<vmem>>, vector<16xf32>, vector<16xi1>
          %all_reduce_population_count3A_596 = tpu.all_reduce %ge3A_590 {dim = 0 : i64, kind = #tpu.reduction_kind<sum>} : vector<16xi1> -> vector<16xi32>
          %all_reduce_population_count3A_597 = tpu.all_reduce %ge3A_591 {dim = 0 : i64, kind = #tpu.reduction_kind<sum>} : vector<16xi1> -> vector<16xi32>
          %slice3A_598 = vector.extract_strided_slice %all_reduce_population_count3A_596 {offsets = [0], sizes = [1], strides = [1]} : vector<16xi32> to vector<1xi32>
          %squeeze3A_599 = vector.extract %slice3A_598[0] : i32 from vector<1xi32>
          %add3A_600 = arith.addi %add3A_572, %squeeze3A_599 : i32
          %slice3A_601 = vector.extract_strided_slice %all_reduce_population_count3A_597 {offsets = [0], sizes = [1], strides = [1]} : vector<16xi32> to vector<1xi32>
          %squeeze3A_602 = vector.extract %slice3A_601[0] : i32 from vector<1xi32>
          %add3A_603 = arith.addi %add3A_575, %squeeze3A_602 : i32
          %scan3A_604 = arith.constant 14 : i32
          %scan3A_605 = arith.addi %scan3A_213, %scan3A_604 : i32
          %mul3A_606 = arith.constant 16 : i32
          %mul3A_607 = arith.muli %scan3A_605, %mul3A_606 : i32
          %get3A_608 = arith.index_cast %mul3A_62 : i32 to index
          %get3A_609 = arith.index_cast %mul3A_607 : i32 to index
          %get3A_610 = tpu.vector_load %arg5[%get3A_608, %get3A_609] {strides = array<i32>} : memref<8x4096xf32, #tpu.memory_space<vmem>>, vector<16xf32>,
          %add3A_611 = arith.constant 1 : i32
          %add3A_612 = arith.addi %mul3A_62, %add3A_611 : i32
          %mul3A_613 = arith.constant 16 : i32
          %mul3A_614 = arith.muli %scan3A_605, %mul3A_613 : i32
          %get3A_615 = arith.index_cast %add3A_612 : i32 to index
          %get3A_616 = arith.index_cast %mul3A_614 : i32 to index
          %get3A_617 = tpu.vector_load %arg5[%get3A_615, %get3A_616] {strides = array<i32>} : memref<8x4096xf32, #tpu.memory_space<vmem>>, vector<16xf32>,
          %ge3A_618 = arith.cmpf oge, %get3A_610, %broadcast_in_dim3A_64 : vector<16xf32>
          %ge3A_619 = arith.cmpf oge, %get3A_617, %broadcast_in_dim3A_67 : vector<16xf32>
          %swap3A_620 = arith.index_cast %add3A_600 : i32 to index
          %swap3A_621 = tpu.vector_load %arg7[%swap3A_620] masked %ge3A_618 {strides = array<i32>} : memref<4112xf32, #tpu.memory_space<vmem>>, vector<16xf32>, vector<16xi1>
          tpu.vector_store %arg7[%swap3A_620], %get3A_610 masked %ge3A_618 {strides = array<i32>} : memref<4112xf32, #tpu.memory_space<vmem>>, vector<16xf32>, vector<16xi1>
          %swap3A_622 = arith.index_cast %add3A_603 : i32 to index
          %swap3A_623 = tpu.vector_load %arg8[%swap3A_622] masked %ge3A_619 {strides = array<i32>} : memref<4112xf32, #tpu.memory_space<vmem>>, vector<16xf32>, vector<16xi1>
          tpu.vector_store %arg8[%swap3A_622], %get3A_617 masked %ge3A_619 {strides = array<i32>} : memref<4112xf32, #tpu.memory_space<vmem>>, vector<16xf32>, vector<16xi1>
          %all_reduce_population_count3A_624 = tpu.all_reduce %ge3A_618 {dim = 0 : i64, kind = #tpu.reduction_kind<sum>} : vector<16xi1> -> vector<16xi32>
          %all_reduce_population_count3A_625 = tpu.all_reduce %ge3A_619 {dim = 0 : i64, kind = #tpu.reduction_kind<sum>} : vector<16xi1> -> vector<16xi32>
          %slice3A_626 = vector.extract_strided_slice %all_reduce_population_count3A_624 {offsets = [0], sizes = [1], strides = [1]} : vector<16xi32> to vector<1xi32>
          %squeeze3A_627 = vector.extract %slice3A_626[0] : i32 from vector<1xi32>
          %add3A_628 = arith.addi %add3A_600, %squeeze3A_627 : i32
          %slice3A_629 = vector.extract_strided_slice %all_reduce_population_count3A_625 {offsets = [0], sizes = [1], strides = [1]} : vector<16xi32> to vector<1xi32>
          %squeeze3A_630 = vector.extract %slice3A_629[0] : i32 from vector<1xi32>
          %add3A_631 = arith.addi %add3A_603, %squeeze3A_630 : i32
          %scan3A_632 = arith.constant 15 : i32
          %scan3A_633 = arith.addi %scan3A_213, %scan3A_632 : i32
          %mul3A_634 = arith.constant 16 : i32
          %mul3A_635 = arith.muli %scan3A_633, %mul3A_634 : i32
          %get3A_636 = arith.index_cast %mul3A_62 : i32 to index
          %get3A_637 = arith.index_cast %mul3A_635 : i32 to index
          %get3A_638 = tpu.vector_load %arg5[%get3A_636, %get3A_637] {strides = array<i32>} : memref<8x4096xf32, #tpu.memory_space<vmem>>, vector<16xf32>,
          %add3A_639 = arith.constant 1 : i32
          %add3A_640 = arith.addi %mul3A_62, %add3A_639 : i32
          %mul3A_641 = arith.constant 16 : i32
          %mul3A_642 = arith.muli %scan3A_633, %mul3A_641 : i32
          %get3A_643 = arith.index_cast %add3A_640 : i32 to index
          %get3A_644 = arith.index_cast %mul3A_642 : i32 to index
          %get3A_645 = tpu.vector_load %arg5[%get3A_643, %get3A_644] {strides = array<i32>} : memref<8x4096xf32, #tpu.memory_space<vmem>>, vector<16xf32>,
          %ge3A_646 = arith.cmpf oge, %get3A_638, %broadcast_in_dim3A_64 : vector<16xf32>
          %ge3A_647 = arith.cmpf oge, %get3A_645, %broadcast_in_dim3A_67 : vector<16xf32>
          %swap3A_648 = arith.index_cast %add3A_628 : i32 to index
          %swap3A_649 = tpu.vector_load %arg7[%swap3A_648] masked %ge3A_646 {strides = array<i32>} : memref<4112xf32, #tpu.memory_space<vmem>>, vector<16xf32>, vector<16xi1>
          tpu.vector_store %arg7[%swap3A_648], %get3A_638 masked %ge3A_646 {strides = array<i32>} : memref<4112xf32, #tpu.memory_space<vmem>>, vector<16xf32>, vector<16xi1>
          %swap3A_650 = arith.index_cast %add3A_631 : i32 to index
          %swap3A_651 = tpu.vector_load %arg8[%swap3A_650] masked %ge3A_647 {strides = array<i32>} : memref<4112xf32, #tpu.memory_space<vmem>>, vector<16xf32>, vector<16xi1>
          tpu.vector_store %arg8[%swap3A_650], %get3A_645 masked %ge3A_647 {strides = array<i32>} : memref<4112xf32, #tpu.memory_space<vmem>>, vector<16xf32>, vector<16xi1>
          %all_reduce_population_count3A_652 = tpu.all_reduce %ge3A_646 {dim = 0 : i64, kind = #tpu.reduction_kind<sum>} : vector<16xi1> -> vector<16xi32>
          %all_reduce_population_count3A_653 = tpu.all_reduce %ge3A_647 {dim = 0 : i64, kind = #tpu.reduction_kind<sum>} : vector<16xi1> -> vector<16xi32>
          %slice3A_654 = vector.extract_strided_slice %all_reduce_population_count3A_652 {offsets = [0], sizes = [1], strides = [1]} : vector<16xi32> to vector<1xi32>
          %squeeze3A_655 = vector.extract %slice3A_654[0] : i32 from vector<1xi32>
          %add3A_656 = arith.addi %add3A_628, %squeeze3A_655 : i32
          %slice3A_657 = vector.extract_strided_slice %all_reduce_population_count3A_653 {offsets = [0], sizes = [1], strides = [1]} : vector<16xi32> to vector<1xi32>
          %squeeze3A_658 = vector.extract %slice3A_657[0] : i32 from vector<1xi32>
          %add3A_659 = arith.addi %add3A_631, %squeeze3A_658 : i32
          scf.yield %add3A_656, %add3A_659 : i32, i32
        }
        %scan3A_106 = arith.constant 256 : i32
        %get3A_107 = arith.constant 0 : index
        %get3A_108 = tpu.vector_load %arg7[%get3A_107] {strides = array<i32>} : memref<4112xf32, #tpu.memory_space<vmem>>, vector<16xf32>,
        %swap3A_109 = arith.index_cast %add3A_60 : i32 to index
        %swap3A_110 = arith.constant 0 : index
        %swap3A_111 = tpu.vector_load %arg10[%swap3A_109, %swap3A_110] {strides = array<i32>} : memref<128x128xf32, #tpu.memory_space<vmem>>, vector<16xf32>,
        tpu.vector_store %arg10[%swap3A_109, %swap3A_110], %get3A_108 {strides = array<i32>} : memref<128x128xf32, #tpu.memory_space<vmem>>, vector<16xf32>,
        %get3A_112 = arith.constant 0 : index
        %get3A_113 = tpu.vector_load %arg8[%get3A_112] {strides = array<i32>} : memref<4112xf32, #tpu.memory_space<vmem>>, vector<16xf32>,
        %add3A_114 = arith.constant 1 : i32
        %add3A_115 = arith.addi %add3A_60, %add3A_114 : i32
        %swap3A_116 = arith.index_cast %add3A_115 : i32 to index
        %swap3A_117 = arith.constant 0 : index
        %swap3A_118 = tpu.vector_load %arg10[%swap3A_116, %swap3A_117] {strides = array<i32>} : memref<128x128xf32, #tpu.memory_space<vmem>>, vector<16xf32>,
        tpu.vector_store %arg10[%swap3A_116, %swap3A_117], %get3A_113 {strides = array<i32>} : memref<128x128xf32, #tpu.memory_space<vmem>>, vector<16xf32>,
        %get3A_119 = arith.constant 16 : index
        %get3A_120 = tpu.vector_load %arg7[%get3A_119] {strides = array<i32>} : memref<4112xf32, #tpu.memory_space<vmem>>, vector<16xf32>,
        %swap3A_121 = arith.index_cast %add3A_60 : i32 to index
        %swap3A_122 = arith.constant 16 : index
        %swap3A_123 = tpu.vector_load %arg10[%swap3A_121, %swap3A_122] {strides = array<i32>} : memref<128x128xf32, #tpu.memory_space<vmem>>, vector<16xf32>,
        tpu.vector_store %arg10[%swap3A_121, %swap3A_122], %get3A_120 {strides = array<i32>} : memref<128x128xf32, #tpu.memory_space<vmem>>, vector<16xf32>,
        %get3A_124 = arith.constant 16 : index
        %get3A_125 = tpu.vector_load %arg8[%get3A_124] {strides = array<i32>} : memref<4112xf32, #tpu.memory_space<vmem>>, vector<16xf32>,
        %add3A_126 = arith.constant 1 : i32
        %add3A_127 = arith.addi %add3A_60, %add3A_126 : i32
        %swap3A_128 = arith.index_cast %add3A_127 : i32 to index
        %swap3A_129 = arith.constant 16 : index
        %swap3A_130 = tpu.vector_load %arg10[%swap3A_128, %swap3A_129] {strides = array<i32>} : memref<128x128xf32, #tpu.memory_space<vmem>>, vector<16xf32>,
        tpu.vector_store %arg10[%swap3A_128, %swap3A_129], %get3A_125 {strides = array<i32>} : memref<128x128xf32, #tpu.memory_space<vmem>>, vector<16xf32>,
        %get3A_131 = arith.constant 32 : index
        %get3A_132 = tpu.vector_load %arg7[%get3A_131] {strides = array<i32>} : memref<4112xf32, #tpu.memory_space<vmem>>, vector<16xf32>,
        %swap3A_133 = arith.index_cast %add3A_60 : i32 to index
        %swap3A_134 = arith.constant 32 : index
        %swap3A_135 = tpu.vector_load %arg10[%swap3A_133, %swap3A_134] {strides = array<i32>} : memref<128x128xf32, #tpu.memory_space<vmem>>, vector<16xf32>,
        tpu.vector_store %arg10[%swap3A_133, %swap3A_134], %get3A_132 {strides = array<i32>} : memref<128x128xf32, #tpu.memory_space<vmem>>, vector<16xf32>,
        %get3A_136 = arith.constant 32 : index
        %get3A_137 = tpu.vector_load %arg8[%get3A_136] {strides = array<i32>} : memref<4112xf32, #tpu.memory_space<vmem>>, vector<16xf32>,
        %add3A_138 = arith.constant 1 : i32
        %add3A_139 = arith.addi %add3A_60, %add3A_138 : i32
        %swap3A_140 = arith.index_cast %add3A_139 : i32 to index
        %swap3A_141 = arith.constant 32 : index
        %swap3A_142 = tpu.vector_load %arg10[%swap3A_140, %swap3A_141] {strides = array<i32>} : memref<128x128xf32, #tpu.memory_space<vmem>>, vector<16xf32>,
        tpu.vector_store %arg10[%swap3A_140, %swap3A_141], %get3A_137 {strides = array<i32>} : memref<128x128xf32, #tpu.memory_space<vmem>>, vector<16xf32>,
        %get3A_143 = arith.constant 48 : index
        %get3A_144 = tpu.vector_load %arg7[%get3A_143] {strides = array<i32>} : memref<4112xf32, #tpu.memory_space<vmem>>, vector<16xf32>,
        %swap3A_145 = arith.index_cast %add3A_60 : i32 to index
        %swap3A_146 = arith.constant 48 : index
        %swap3A_147 = tpu.vector_load %arg10[%swap3A_145, %swap3A_146] {strides = array<i32>} : memref<128x128xf32, #tpu.memory_space<vmem>>, vector<16xf32>,
        tpu.vector_store %arg10[%swap3A_145, %swap3A_146], %get3A_144 {strides = array<i32>} : memref<128x128xf32, #tpu.memory_space<vmem>>, vector<16xf32>,
        %get3A_148 = arith.constant 48 : index
        %get3A_149 = tpu.vector_load %arg8[%get3A_148] {strides = array<i32>} : memref<4112xf32, #tpu.memory_space<vmem>>, vector<16xf32>,
        %add3A_150 = arith.constant 1 : i32
        %add3A_151 = arith.addi %add3A_60, %add3A_150 : i32
        %swap3A_152 = arith.index_cast %add3A_151 : i32 to index
        %swap3A_153 = arith.constant 48 : index
        %swap3A_154 = tpu.vector_load %arg10[%swap3A_152, %swap3A_153] {strides = array<i32>} : memref<128x128xf32, #tpu.memory_space<vmem>>, vector<16xf32>,
        tpu.vector_store %arg10[%swap3A_152, %swap3A_153], %get3A_149 {strides = array<i32>} : memref<128x128xf32, #tpu.memory_space<vmem>>, vector<16xf32>,
        %get3A_155 = arith.constant 64 : index
        %get3A_156 = tpu.vector_load %arg7[%get3A_155] {strides = array<i32>} : memref<4112xf32, #tpu.memory_space<vmem>>, vector<16xf32>,
        %swap3A_157 = arith.index_cast %add3A_60 : i32 to index
        %swap3A_158 = arith.constant 64 : index
        %swap3A_159 = tpu.vector_load %arg10[%swap3A_157, %swap3A_158] {strides = array<i32>} : memref<128x128xf32, #tpu.memory_space<vmem>>, vector<16xf32>,
        tpu.vector_store %arg10[%swap3A_157, %swap3A_158], %get3A_156 {strides = array<i32>} : memref<128x128xf32, #tpu.memory_space<vmem>>, vector<16xf32>,
        %get3A_160 = arith.constant 64 : index
        %get3A_161 = tpu.vector_load %arg8[%get3A_160] {strides = array<i32>} : memref<4112xf32, #tpu.memory_space<vmem>>, vector<16xf32>,
        %add3A_162 = arith.constant 1 : i32
        %add3A_163 = arith.addi %add3A_60, %add3A_162 : i32
        %swap3A_164 = arith.index_cast %add3A_163 : i32 to index
        %swap3A_165 = arith.constant 64 : index
        %swap3A_166 = tpu.vector_load %arg10[%swap3A_164, %swap3A_165] {strides = array<i32>} : memref<128x128xf32, #tpu.memory_space<vmem>>, vector<16xf32>,
        tpu.vector_store %arg10[%swap3A_164, %swap3A_165], %get3A_161 {strides = array<i32>} : memref<128x128xf32, #tpu.memory_space<vmem>>, vector<16xf32>,
        %get3A_167 = arith.constant 80 : index
        %get3A_168 = tpu.vector_load %arg7[%get3A_167] {strides = array<i32>} : memref<4112xf32, #tpu.memory_space<vmem>>, vector<16xf32>,
        %swap3A_169 = arith.index_cast %add3A_60 : i32 to index
        %swap3A_170 = arith.constant 80 : index
        %swap3A_171 = tpu.vector_load %arg10[%swap3A_169, %swap3A_170] {strides = array<i32>} : memref<128x128xf32, #tpu.memory_space<vmem>>, vector<16xf32>,
        tpu.vector_store %arg10[%swap3A_169, %swap3A_170], %get3A_168 {strides = array<i32>} : memref<128x128xf32, #tpu.memory_space<vmem>>, vector<16xf32>,
        %get3A_172 = arith.constant 80 : index
        %get3A_173 = tpu.vector_load %arg8[%get3A_172] {strides = array<i32>} : memref<4112xf32, #tpu.memory_space<vmem>>, vector<16xf32>,
        %add3A_174 = arith.constant 1 : i32
        %add3A_175 = arith.addi %add3A_60, %add3A_174 : i32
        %swap3A_176 = arith.index_cast %add3A_175 : i32 to index
        %swap3A_177 = arith.constant 80 : index
        %swap3A_178 = tpu.vector_load %arg10[%swap3A_176, %swap3A_177] {strides = array<i32>} : memref<128x128xf32, #tpu.memory_space<vmem>>, vector<16xf32>,
        tpu.vector_store %arg10[%swap3A_176, %swap3A_177], %get3A_173 {strides = array<i32>} : memref<128x128xf32, #tpu.memory_space<vmem>>, vector<16xf32>,
        %get3A_179 = arith.constant 96 : index
        %get3A_180 = tpu.vector_load %arg7[%get3A_179] {strides = array<i32>} : memref<4112xf32, #tpu.memory_space<vmem>>, vector<16xf32>,
        %swap3A_181 = arith.index_cast %add3A_60 : i32 to index
        %swap3A_182 = arith.constant 96 : index
        %swap3A_183 = tpu.vector_load %arg10[%swap3A_181, %swap3A_182] {strides = array<i32>} : memref<128x128xf32, #tpu.memory_space<vmem>>, vector<16xf32>,
        tpu.vector_store %arg10[%swap3A_181, %swap3A_182], %get3A_180 {strides = array<i32>} : memref<128x128xf32, #tpu.memory_space<vmem>>, vector<16xf32>,
        %get3A_184 = arith.constant 96 : index
        %get3A_185 = tpu.vector_load %arg8[%get3A_184] {strides = array<i32>} : memref<4112xf32, #tpu.memory_space<vmem>>, vector<16xf32>,
        %add3A_186 = arith.constant 1 : i32
        %add3A_187 = arith.addi %add3A_60, %add3A_186 : i32
        %swap3A_188 = arith.index_cast %add3A_187 : i32 to index
        %swap3A_189 = arith.constant 96 : index
        %swap3A_190 = tpu.vector_load %arg10[%swap3A_188, %swap3A_189] {strides = array<i32>} : memref<128x128xf32, #tpu.memory_space<vmem>>, vector<16xf32>,
        tpu.vector_store %arg10[%swap3A_188, %swap3A_189], %get3A_185 {strides = array<i32>} : memref<128x128xf32, #tpu.memory_space<vmem>>, vector<16xf32>,
        %get3A_191 = arith.constant 112 : index
        %get3A_192 = tpu.vector_load %arg7[%get3A_191] {strides = array<i32>} : memref<4112xf32, #tpu.memory_space<vmem>>, vector<16xf32>,
        %swap3A_193 = arith.index_cast %add3A_60 : i32 to index
        %swap3A_194 = arith.constant 112 : index
        %swap3A_195 = tpu.vector_load %arg10[%swap3A_193, %swap3A_194] {strides = array<i32>} : memref<128x128xf32, #tpu.memory_space<vmem>>, vector<16xf32>,
        tpu.vector_store %arg10[%swap3A_193, %swap3A_194], %get3A_192 {strides = array<i32>} : memref<128x128xf32, #tpu.memory_space<vmem>>, vector<16xf32>,
        %get3A_196 = arith.constant 112 : index
        %get3A_197 = tpu.vector_load %arg8[%get3A_196] {strides = array<i32>} : memref<4112xf32, #tpu.memory_space<vmem>>, vector<16xf32>,
        %add3A_198 = arith.constant 1 : i32
        %add3A_199 = arith.addi %add3A_60, %add3A_198 : i32
        %swap3A_200 = arith.index_cast %add3A_199 : i32 to index
        %swap3A_201 = arith.constant 112 : index
        %swap3A_202 = tpu.vector_load %arg10[%swap3A_200, %swap3A_201] {strides = array<i32>} : memref<128x128xf32, #tpu.memory_space<vmem>>, vector<16xf32>,
        tpu.vector_store %arg10[%swap3A_200, %swap3A_201], %get3A_197 {strides = array<i32>} : memref<128x128xf32, #tpu.memory_space<vmem>>, vector<16xf32>,
        %gt3A = arith.constant 128 : i32
        %gt3A_203 = arith.cmpi sgt, %scan3A_105#0, %gt3A : i32
        %convert_element_type3A_204 = arith.extui %gt3A_203 : i1 to i32
        %cond3A_205 = arith.constant 0 : i32
        %cond3A_206 = arith.cmpi ne, %convert_element_type3A_204, %cond3A_205 : i32
        scf.if %cond3A_206 {
          %swap3A_213 = arith.index_cast %scan3A_105#0 : i32 to index
          %swap3A_214 = tpu.vector_load %arg7[%swap3A_213] {strides = array<i32>} : memref<4112xf32, #tpu.memory_space<vmem>>, vector<16xf32>,
          tpu.vector_store %arg7[%swap3A_213], %broadcast_in_dim3A_3 {strides = array<i32>} : memref<4112xf32, #tpu.memory_space<vmem>>, vector<16xf32>,
          %add3A_215 = arith.constant 15 : i32
          %add3A_216 = arith.addi %scan3A_105#0, %add3A_215 : i32
          %jit3A = arith.constant 16 : i32
          %div3A = arith.divsi %add3A_216, %jit3A : i32
          %sign3A = arith.constant 0 : i32
          %sign3A_217 = arith.cmpi sgt, %add3A_216, %sign3A : i32
          %sign3A_218 = arith.extui %sign3A_217 : i1 to i32
          %sign3A_219 = arith.constant 0 : i32
          %sign3A_220 = arith.cmpi slt, %add3A_216, %sign3A_219 : i32
          %sign3A_221 = arith.extui %sign3A_220 : i1 to i32
          %sign3A_222 = arith.subi %sign3A_218, %sign3A_221 : i32
          %sign3A_223 = arith.constant 0 : i32
          %sign3A_224 = arith.cmpi sgt, %jit3A, %sign3A_223 : i32
          %sign3A_225 = arith.extui %sign3A_224 : i1 to i32
          %sign3A_226 = arith.constant 0 : i32
          %sign3A_227 = arith.cmpi slt, %jit3A, %sign3A_226 : i32
          %sign3A_228 = arith.extui %sign3A_227 : i1 to i32
          %sign3A_229 = arith.subi %sign3A_225, %sign3A_228 : i32
          %ne3A = arith.cmpi ne, %sign3A_222, %sign3A_229 : i32
          %rem3A = arith.remsi %add3A_216, %jit3A : i32
          %ne3A_230 = arith.constant 0 : i32
          %ne3A_231 = arith.cmpi ne, %rem3A, %ne3A_230 : i32
          %and3A = arith.andi %ne3A, %ne3A_231 : i1
          %sub3A = arith.constant 1 : i32
          %sub3A_232 = arith.subi %div3A, %sub3A : i32
          %select_n3A = arith.select %and3A, %sub3A_232, %div3A : i32
          %get3A_233 = arith.constant 0 : index
          %get3A_234 = tpu.vector_load %arg7[%get3A_233] {strides = array<i32>} : memref<4112xf32, #tpu.memory_space<vmem>>, vector<16xf32>,
          %sort3A = arith.constant dense<true> : vector<16xi1>
          %sort3A_235, %sort3A_236, %sort3A_237 = tpu.sort %get3A_234, %get3A_234 masked %sort3A : (vector<16xf32>, vector<16xf32>, vector<16xi1>) -> (vector<16xi1>, vector<16xf32>, vector<16xf32>)
          %get3A_238 = arith.constant 16 : index
          %get3A_239 = tpu.vector_load %arg7[%get3A_238] {strides = array<i32>} : memref<4112xf32, #tpu.memory_space<vmem>>, vector<16xf32>,
          %sort3A_240 = arith.constant dense<true> : vector<16xi1>
          %sort3A_241, %sort3A_242, %sort3A_243 = tpu.sort %get3A_239, %get3A_239 masked %sort3A_240 : (vector<16xf32>, vector<16xf32>, vector<16xi1>) -> (vector<16xi1>, vector<16xf32>, vector<16xf32>)
          %rev3A = arith.constant 15 : i32
          %rev3A_244 = vector.broadcast %rev3A : i32 to vector<16xi32>
          %rev3A_245 = tpu.iota {dimensions = array<i32: 0>} : vector<16xi32>
          %rev3A_246 = arith.subi %rev3A_244, %rev3A_245 : vector<16xi32>
          %rev3A_247 = tpu.dynamic_gather %sort3A_242[%rev3A_246] in [0] : vector<16xf32>, vector<16xi32> -> vector<16xf32>
          %min3A = arith.minimumf %sort3A_236, %rev3A_247 : vector<16xf32>
          %max3A = arith.maximumf %sort3A_236, %rev3A_247 : vector<16xf32>
          %sort3A_248 = arith.constant dense<true> : vector<16xi1>
          %sort3A_249, %sort3A_250, %sort3A_251 = tpu.sort %max3A, %max3A masked %sort3A_248 : (vector<16xf32>, vector<16xf32>, vector<16xi1>) -> (vector<16xi1>, vector<16xf32>, vector<16xf32>)
          %sort3A_252 = arith.constant dense<true> : vector<16xi1>
          %sort3A_253, %sort3A_254, %sort3A_255 = tpu.sort %min3A, %min3A masked %sort3A_252 : (vector<16xf32>, vector<16xf32>, vector<16xi1>) -> (vector<16xi1>, vector<16xf32>, vector<16xf32>)
          %while3A = arith.constant 2 : i32
          %while3A_256 = arith.subi %select_n3A, %while3A : i32
          %while3A_257 = arith.addi %while3A, %while3A_256 : i32
          %while3A_258 = arith.constant 1 : i32
          %while3A_259 = arith.divsi %while3A_256, %while3A_258 : i32
          %while3A_260 = arith.muli %while3A_259, %while3A_258 : i32
          %while3A_261 = arith.addi %while3A, %while3A_260 : i32
          %while3A_262 = arith.constant 1 : i32
          %while3A_263:2 = scf.for %while3A_290 = %while3A to %while3A_261 step %while3A_262 iter_args(%while3A_291 = %sort3A_250, %while3A_292 = %sort3A_254) -> (vector<16xf32>, vector<16xf32>)  : i32 {
            %mul3A_293 = arith.constant 16 : i32
            %mul3A_294 = arith.muli %while3A_290, %mul3A_293 : i32
            %get3A_295 = arith.index_cast %mul3A_294 : i32 to index
            %get3A_296 = tpu.vector_load %arg7[%get3A_295] {strides = array<i32>} : memref<4112xf32, #tpu.memory_space<vmem>>, vector<16xf32>,
            %sort3A_297 = arith.constant dense<true> : vector<16xi1>
            %sort3A_298, %sort3A_299, %sort3A_300 = tpu.sort %get3A_296, %get3A_296 masked %sort3A_297 : (vector<16xf32>, vector<16xf32>, vector<16xi1>) -> (vector<16xi1>, vector<16xf32>, vector<16xf32>)
            %rev3A_301 = arith.constant 15 : i32
            %rev3A_302 = vector.broadcast %rev3A_301 : i32 to vector<16xi32>
            %rev3A_303 = tpu.iota {dimensions = array<i32: 0>} : vector<16xi32>
            %rev3A_304 = arith.subi %rev3A_302, %rev3A_303 : vector<16xi32>
            %rev3A_305 = tpu.dynamic_gather %sort3A_299[%rev3A_304] in [0] : vector<16xf32>, vector<16xi32> -> vector<16xf32>
            %min3A_306 = arith.minimumf %while3A_291, %rev3A_305 : vector<16xf32>
            %max3A_307 = arith.maximumf %while3A_291, %rev3A_305 : vector<16xf32>
            %sort3A_308 = arith.constant dense<true> : vector<16xi1>
            %sort3A_309, %sort3A_310, %sort3A_311 = tpu.sort %max3A_307, %max3A_307 masked %sort3A_308 : (vector<16xf32>, vector<16xf32>, vector<16xi1>) -> (vector<16xi1>, vector<16xf32>, vector<16xf32>)
            %sort3A_312 = arith.constant dense<true> : vector<16xi1>
            %sort3A_313, %sort3A_314, %sort3A_315 = tpu.sort %min3A_306, %min3A_306 masked %sort3A_312 : (vector<16xf32>, vector<16xf32>, vector<16xi1>) -> (vector<16xi1>, vector<16xf32>, vector<16xf32>)
            %rev3A_316 = arith.constant 15 : i32
            %rev3A_317 = vector.broadcast %rev3A_316 : i32 to vector<16xi32>
            %rev3A_318 = tpu.iota {dimensions = array<i32: 0>} : vector<16xi32>
            %rev3A_319 = arith.subi %rev3A_317, %rev3A_318 : vector<16xi32>
            %rev3A_320 = tpu.dynamic_gather %sort3A_314[%rev3A_319] in [0] : vector<16xf32>, vector<16xi32> -> vector<16xf32>
            %min3A_321 = arith.minimumf %while3A_292, %rev3A_320 : vector<16xf32>
            %max3A_322 = arith.maximumf %while3A_292, %rev3A_320 : vector<16xf32>
            %sort3A_323 = arith.constant dense<true> : vector<16xi1>
            %sort3A_324, %sort3A_325, %sort3A_326 = tpu.sort %max3A_322, %max3A_322 masked %sort3A_323 : (vector<16xf32>, vector<16xf32>, vector<16xi1>) -> (vector<16xi1>, vector<16xf32>, vector<16xf32>)
            scf.yield %sort3A_310, %sort3A_325 : vector<16xf32>, vector<16xf32>
          }
          %while3A_264 = arith.constant 1 : i32
          %while3A_265:2 = scf.for %while3A_290 = %while3A_261 to %while3A_257 step %while3A_264 iter_args(%while3A_291 = %while3A_263#0, %while3A_292 = %while3A_263#1) -> (vector<16xf32>, vector<16xf32>)  : i32 {
            %mul3A_293 = arith.constant 16 : i32
            %mul3A_294 = arith.muli %while3A_290, %mul3A_293 : i32
            %get3A_295 = arith.index_cast %mul3A_294 : i32 to index
            %get3A_296 = tpu.vector_load %arg7[%get3A_295] {strides = array<i32>} : memref<4112xf32, #tpu.memory_space<vmem>>, vector<16xf32>,
            %sort3A_297 = arith.constant dense<true> : vector<16xi1>
            %sort3A_298, %sort3A_299, %sort3A_300 = tpu.sort %get3A_296, %get3A_296 masked %sort3A_297 : (vector<16xf32>, vector<16xf32>, vector<16xi1>) -> (vector<16xi1>, vector<16xf32>, vector<16xf32>)
            %rev3A_301 = arith.constant 15 : i32
            %rev3A_302 = vector.broadcast %rev3A_301 : i32 to vector<16xi32>
            %rev3A_303 = tpu.iota {dimensions = array<i32: 0>} : vector<16xi32>
            %rev3A_304 = arith.subi %rev3A_302, %rev3A_303 : vector<16xi32>
            %rev3A_305 = tpu.dynamic_gather %sort3A_299[%rev3A_304] in [0] : vector<16xf32>, vector<16xi32> -> vector<16xf32>
            %min3A_306 = arith.minimumf %while3A_291, %rev3A_305 : vector<16xf32>
            %max3A_307 = arith.maximumf %while3A_291, %rev3A_305 : vector<16xf32>
            %sort3A_308 = arith.constant dense<true> : vector<16xi1>
            %sort3A_309, %sort3A_310, %sort3A_311 = tpu.sort %max3A_307, %max3A_307 masked %sort3A_308 : (vector<16xf32>, vector<16xf32>, vector<16xi1>) -> (vector<16xi1>, vector<16xf32>, vector<16xf32>)
            %sort3A_312 = arith.constant dense<true> : vector<16xi1>
            %sort3A_313, %sort3A_314, %sort3A_315 = tpu.sort %min3A_306, %min3A_306 masked %sort3A_312 : (vector<16xf32>, vector<16xf32>, vector<16xi1>) -> (vector<16xi1>, vector<16xf32>, vector<16xf32>)
            %rev3A_316 = arith.constant 15 : i32
            %rev3A_317 = vector.broadcast %rev3A_316 : i32 to vector<16xi32>
            %rev3A_318 = tpu.iota {dimensions = array<i32: 0>} : vector<16xi32>
            %rev3A_319 = arith.subi %rev3A_317, %rev3A_318 : vector<16xi32>
            %rev3A_320 = tpu.dynamic_gather %sort3A_314[%rev3A_319] in [0] : vector<16xf32>, vector<16xi32> -> vector<16xf32>
            %min3A_321 = arith.minimumf %while3A_292, %rev3A_320 : vector<16xf32>
            %max3A_322 = arith.maximumf %while3A_292, %rev3A_320 : vector<16xf32>
            %sort3A_323 = arith.constant dense<true> : vector<16xi1>
            %sort3A_324, %sort3A_325, %sort3A_326 = tpu.sort %max3A_322, %max3A_322 masked %sort3A_323 : (vector<16xf32>, vector<16xf32>, vector<16xi1>) -> (vector<16xi1>, vector<16xf32>, vector<16xf32>)
            scf.yield %sort3A_310, %sort3A_325 : vector<16xf32>, vector<16xf32>
          }
          %swap3A_266 = arith.index_cast %add3A_60 : i32 to index
          %swap3A_267 = arith.constant 0 : index
          %swap3A_268 = tpu.vector_load %arg10[%swap3A_266, %swap3A_267] {strides = array<i32>} : memref<128x128xf32, #tpu.memory_space<vmem>>, vector<16xf32>,
          tpu.vector_store %arg10[%swap3A_266, %swap3A_267], %while3A_265#0 {strides = array<i32>} : memref<128x128xf32, #tpu.memory_space<vmem>>, vector<16xf32>,
          %swap3A_269 = arith.index_cast %add3A_60 : i32 to index
          %swap3A_270 = arith.constant 16 : index
          %swap3A_271 = tpu.vector_load %arg10[%swap3A_269, %swap3A_270] {strides = array<i32>} : memref<128x128xf32, #tpu.memory_space<vmem>>, vector<16xf32>,
          tpu.vector_store %arg10[%swap3A_269, %swap3A_270], %while3A_265#1 {strides = array<i32>} : memref<128x128xf32, #tpu.memory_space<vmem>>, vector<16xf32>,
          %swap3A_272 = arith.index_cast %add3A_60 : i32 to index
          %swap3A_273 = arith.constant 32 : index
          %swap3A_274 = tpu.vector_load %arg10[%swap3A_272, %swap3A_273] {strides = array<i32>} : memref<128x128xf32, #tpu.memory_space<vmem>>, vector<16xf32>,
          tpu.vector_store %arg10[%swap3A_272, %swap3A_273], %broadcast_in_dim3A_3 {strides = array<i32>} : memref<128x128xf32, #tpu.memory_space<vmem>>, vector<16xf32>,
          %swap3A_275 = arith.index_cast %add3A_60 : i32 to index
          %swap3A_276 = arith.constant 48 : index
          %swap3A_277 = tpu.vector_load %arg10[%swap3A_275, %swap3A_276] {strides = array<i32>} : memref<128x128xf32, #tpu.memory_space<vmem>>, vector<16xf32>,
          tpu.vector_store %arg10[%swap3A_275, %swap3A_276], %broadcast_in_dim3A_3 {strides = array<i32>} : memref<128x128xf32, #tpu.memory_space<vmem>>, vector<16xf32>,
          %swap3A_278 = arith.index_cast %add3A_60 : i32 to index
          %swap3A_279 = arith.constant 64 : index
          %swap3A_280 = tpu.vector_load %arg10[%swap3A_278, %swap3A_279] {strides = array<i32>} : memref<128x128xf32, #tpu.memory_space<vmem>>, vector<16xf32>,
          tpu.vector_store %arg10[%swap3A_278, %swap3A_279], %broadcast_in_dim3A_3 {strides = array<i32>} : memref<128x128xf32, #tpu.memory_space<vmem>>, vector<16xf32>,
          %swap3A_281 = arith.index_cast %add3A_60 : i32 to index
          %swap3A_282 = arith.constant 80 : index
          %swap3A_283 = tpu.vector_load %arg10[%swap3A_281, %swap3A_282] {strides = array<i32>} : memref<128x128xf32, #tpu.memory_space<vmem>>, vector<16xf32>,
          tpu.vector_store %arg10[%swap3A_281, %swap3A_282], %broadcast_in_dim3A_3 {strides = array<i32>} : memref<128x128xf32, #tpu.memory_space<vmem>>, vector<16xf32>,
          %swap3A_284 = arith.index_cast %add3A_60 : i32 to index
          %swap3A_285 = arith.constant 96 : index
          %swap3A_286 = tpu.vector_load %arg10[%swap3A_284, %swap3A_285] {strides = array<i32>} : memref<128x128xf32, #tpu.memory_space<vmem>>, vector<16xf32>,
          tpu.vector_store %arg10[%swap3A_284, %swap3A_285], %broadcast_in_dim3A_3 {strides = array<i32>} : memref<128x128xf32, #tpu.memory_space<vmem>>, vector<16xf32>,
          %swap3A_287 = arith.index_cast %add3A_60 : i32 to index
          %swap3A_288 = arith.constant 112 : index
          %swap3A_289 = tpu.vector_load %arg10[%swap3A_287, %swap3A_288] {strides = array<i32>} : memref<128x128xf32, #tpu.memory_space<vmem>>, vector<16xf32>,
          tpu.vector_store %arg10[%swap3A_287, %swap3A_288], %broadcast_in_dim3A_3 {strides = array<i32>} : memref<128x128xf32, #tpu.memory_space<vmem>>, vector<16xf32>,
        } else {
        }
        %gt3A_207 = arith.constant 128 : i32
        %gt3A_208 = arith.cmpi sgt, %scan3A_105#1, %gt3A_207 : i32
        %convert_element_type3A_209 = arith.extui %gt3A_208 : i1 to i32
        %cond3A_210 = arith.constant 0 : i32
        %cond3A_211 = arith.cmpi ne, %convert_element_type3A_209, %cond3A_210 : i32
        scf.if %cond3A_211 {
          %swap3A_213 = arith.index_cast %scan3A_105#1 : i32 to index
          %swap3A_214 = tpu.vector_load %arg8[%swap3A_213] {strides = array<i32>} : memref<4112xf32, #tpu.memory_space<vmem>>, vector<16xf32>,
          tpu.vector_store %arg8[%swap3A_213], %broadcast_in_dim3A_3 {strides = array<i32>} : memref<4112xf32, #tpu.memory_space<vmem>>, vector<16xf32>,
          %add3A_215 = arith.constant 15 : i32
          %add3A_216 = arith.addi %scan3A_105#1, %add3A_215 : i32
          %jit3A = arith.constant 16 : i32
          %div3A = arith.divsi %add3A_216, %jit3A : i32
          %sign3A = arith.constant 0 : i32
          %sign3A_217 = arith.cmpi sgt, %add3A_216, %sign3A : i32
          %sign3A_218 = arith.extui %sign3A_217 : i1 to i32
          %sign3A_219 = arith.constant 0 : i32
          %sign3A_220 = arith.cmpi slt, %add3A_216, %sign3A_219 : i32
          %sign3A_221 = arith.extui %sign3A_220 : i1 to i32
          %sign3A_222 = arith.subi %sign3A_218, %sign3A_221 : i32
          %sign3A_223 = arith.constant 0 : i32
          %sign3A_224 = arith.cmpi sgt, %jit3A, %sign3A_223 : i32
          %sign3A_225 = arith.extui %sign3A_224 : i1 to i32
          %sign3A_226 = arith.constant 0 : i32
          %sign3A_227 = arith.cmpi slt, %jit3A, %sign3A_226 : i32
          %sign3A_228 = arith.extui %sign3A_227 : i1 to i32
          %sign3A_229 = arith.subi %sign3A_225, %sign3A_228 : i32
          %ne3A = arith.cmpi ne, %sign3A_222, %sign3A_229 : i32
          %rem3A = arith.remsi %add3A_216, %jit3A : i32
          %ne3A_230 = arith.constant 0 : i32
          %ne3A_231 = arith.cmpi ne, %rem3A, %ne3A_230 : i32
          %and3A = arith.andi %ne3A, %ne3A_231 : i1
          %sub3A = arith.constant 1 : i32
          %sub3A_232 = arith.subi %div3A, %sub3A : i32
          %select_n3A = arith.select %and3A, %sub3A_232, %div3A : i32
          %get3A_233 = arith.constant 0 : index
          %get3A_234 = tpu.vector_load %arg8[%get3A_233] {strides = array<i32>} : memref<4112xf32, #tpu.memory_space<vmem>>, vector<16xf32>,
          %sort3A = arith.constant dense<true> : vector<16xi1>
          %sort3A_235, %sort3A_236, %sort3A_237 = tpu.sort %get3A_234, %get3A_234 masked %sort3A : (vector<16xf32>, vector<16xf32>, vector<16xi1>) -> (vector<16xi1>, vector<16xf32>, vector<16xf32>)
          %get3A_238 = arith.constant 16 : index
          %get3A_239 = tpu.vector_load %arg8[%get3A_238] {strides = array<i32>} : memref<4112xf32, #tpu.memory_space<vmem>>, vector<16xf32>,
          %sort3A_240 = arith.constant dense<true> : vector<16xi1>
          %sort3A_241, %sort3A_242, %sort3A_243 = tpu.sort %get3A_239, %get3A_239 masked %sort3A_240 : (vector<16xf32>, vector<16xf32>, vector<16xi1>) -> (vector<16xi1>, vector<16xf32>, vector<16xf32>)
          %rev3A = arith.constant 15 : i32
          %rev3A_244 = vector.broadcast %rev3A : i32 to vector<16xi32>
          %rev3A_245 = tpu.iota {dimensions = array<i32: 0>} : vector<16xi32>
          %rev3A_246 = arith.subi %rev3A_244, %rev3A_245 : vector<16xi32>
          %rev3A_247 = tpu.dynamic_gather %sort3A_242[%rev3A_246] in [0] : vector<16xf32>, vector<16xi32> -> vector<16xf32>
          %min3A = arith.minimumf %sort3A_236, %rev3A_247 : vector<16xf32>
          %max3A = arith.maximumf %sort3A_236, %rev3A_247 : vector<16xf32>
          %sort3A_248 = arith.constant dense<true> : vector<16xi1>
          %sort3A_249, %sort3A_250, %sort3A_251 = tpu.sort %max3A, %max3A masked %sort3A_248 : (vector<16xf32>, vector<16xf32>, vector<16xi1>) -> (vector<16xi1>, vector<16xf32>, vector<16xf32>)
          %sort3A_252 = arith.constant dense<true> : vector<16xi1>
          %sort3A_253, %sort3A_254, %sort3A_255 = tpu.sort %min3A, %min3A masked %sort3A_252 : (vector<16xf32>, vector<16xf32>, vector<16xi1>) -> (vector<16xi1>, vector<16xf32>, vector<16xf32>)
          %while3A = arith.constant 2 : i32
          %while3A_256 = arith.subi %select_n3A, %while3A : i32
          %while3A_257 = arith.addi %while3A, %while3A_256 : i32
          %while3A_258 = arith.constant 1 : i32
          %while3A_259 = arith.divsi %while3A_256, %while3A_258 : i32
          %while3A_260 = arith.muli %while3A_259, %while3A_258 : i32
          %while3A_261 = arith.addi %while3A, %while3A_260 : i32
          %while3A_262 = arith.constant 1 : i32
          %while3A_263:2 = scf.for %while3A_306 = %while3A to %while3A_261 step %while3A_262 iter_args(%while3A_307 = %sort3A_250, %while3A_308 = %sort3A_254) -> (vector<16xf32>, vector<16xf32>)  : i32 {
            %mul3A_309 = arith.constant 16 : i32
            %mul3A_310 = arith.muli %while3A_306, %mul3A_309 : i32
            %get3A_311 = arith.index_cast %mul3A_310 : i32 to index
            %get3A_312 = tpu.vector_load %arg8[%get3A_311] {strides = array<i32>} : memref<4112xf32, #tpu.memory_space<vmem>>, vector<16xf32>,
            %sort3A_313 = arith.constant dense<true> : vector<16xi1>
            %sort3A_314, %sort3A_315, %sort3A_316 = tpu.sort %get3A_312, %get3A_312 masked %sort3A_313 : (vector<16xf32>, vector<16xf32>, vector<16xi1>) -> (vector<16xi1>, vector<16xf32>, vector<16xf32>)
            %rev3A_317 = arith.constant 15 : i32
            %rev3A_318 = vector.broadcast %rev3A_317 : i32 to vector<16xi32>
            %rev3A_319 = tpu.iota {dimensions = array<i32: 0>} : vector<16xi32>
            %rev3A_320 = arith.subi %rev3A_318, %rev3A_319 : vector<16xi32>
            %rev3A_321 = tpu.dynamic_gather %sort3A_315[%rev3A_320] in [0] : vector<16xf32>, vector<16xi32> -> vector<16xf32>
            %min3A_322 = arith.minimumf %while3A_307, %rev3A_321 : vector<16xf32>
            %max3A_323 = arith.maximumf %while3A_307, %rev3A_321 : vector<16xf32>
            %sort3A_324 = arith.constant dense<true> : vector<16xi1>
            %sort3A_325, %sort3A_326, %sort3A_327 = tpu.sort %max3A_323, %max3A_323 masked %sort3A_324 : (vector<16xf32>, vector<16xf32>, vector<16xi1>) -> (vector<16xi1>, vector<16xf32>, vector<16xf32>)
            %sort3A_328 = arith.constant dense<true> : vector<16xi1>
            %sort3A_329, %sort3A_330, %sort3A_331 = tpu.sort %min3A_322, %min3A_322 masked %sort3A_328 : (vector<16xf32>, vector<16xf32>, vector<16xi1>) -> (vector<16xi1>, vector<16xf32>, vector<16xf32>)
            %rev3A_332 = arith.constant 15 : i32
            %rev3A_333 = vector.broadcast %rev3A_332 : i32 to vector<16xi32>
            %rev3A_334 = tpu.iota {dimensions = array<i32: 0>} : vector<16xi32>
            %rev3A_335 = arith.subi %rev3A_333, %rev3A_334 : vector<16xi32>
            %rev3A_336 = tpu.dynamic_gather %sort3A_330[%rev3A_335] in [0] : vector<16xf32>, vector<16xi32> -> vector<16xf32>
            %min3A_337 = arith.minimumf %while3A_308, %rev3A_336 : vector<16xf32>
            %max3A_338 = arith.maximumf %while3A_308, %rev3A_336 : vector<16xf32>
            %sort3A_339 = arith.constant dense<true> : vector<16xi1>
            %sort3A_340, %sort3A_341, %sort3A_342 = tpu.sort %max3A_338, %max3A_338 masked %sort3A_339 : (vector<16xf32>, vector<16xf32>, vector<16xi1>) -> (vector<16xi1>, vector<16xf32>, vector<16xf32>)
            scf.yield %sort3A_326, %sort3A_341 : vector<16xf32>, vector<16xf32>
          }
          %while3A_264 = arith.constant 1 : i32
          %while3A_265:2 = scf.for %while3A_306 = %while3A_261 to %while3A_257 step %while3A_264 iter_args(%while3A_307 = %while3A_263#0, %while3A_308 = %while3A_263#1) -> (vector<16xf32>, vector<16xf32>)  : i32 {
            %mul3A_309 = arith.constant 16 : i32
            %mul3A_310 = arith.muli %while3A_306, %mul3A_309 : i32
            %get3A_311 = arith.index_cast %mul3A_310 : i32 to index
            %get3A_312 = tpu.vector_load %arg8[%get3A_311] {strides = array<i32>} : memref<4112xf32, #tpu.memory_space<vmem>>, vector<16xf32>,
            %sort3A_313 = arith.constant dense<true> : vector<16xi1>
            %sort3A_314, %sort3A_315, %sort3A_316 = tpu.sort %get3A_312, %get3A_312 masked %sort3A_313 : (vector<16xf32>, vector<16xf32>, vector<16xi1>) -> (vector<16xi1>, vector<16xf32>, vector<16xf32>)
            %rev3A_317 = arith.constant 15 : i32
            %rev3A_318 = vector.broadcast %rev3A_317 : i32 to vector<16xi32>
            %rev3A_319 = tpu.iota {dimensions = array<i32: 0>} : vector<16xi32>
            %rev3A_320 = arith.subi %rev3A_318, %rev3A_319 : vector<16xi32>
            %rev3A_321 = tpu.dynamic_gather %sort3A_315[%rev3A_320] in [0] : vector<16xf32>, vector<16xi32> -> vector<16xf32>
            %min3A_322 = arith.minimumf %while3A_307, %rev3A_321 : vector<16xf32>
            %max3A_323 = arith.maximumf %while3A_307, %rev3A_321 : vector<16xf32>
            %sort3A_324 = arith.constant dense<true> : vector<16xi1>
            %sort3A_325, %sort3A_326, %sort3A_327 = tpu.sort %max3A_323, %max3A_323 masked %sort3A_324 : (vector<16xf32>, vector<16xf32>, vector<16xi1>) -> (vector<16xi1>, vector<16xf32>, vector<16xf32>)
            %sort3A_328 = arith.constant dense<true> : vector<16xi1>
            %sort3A_329, %sort3A_330, %sort3A_331 = tpu.sort %min3A_322, %min3A_322 masked %sort3A_328 : (vector<16xf32>, vector<16xf32>, vector<16xi1>) -> (vector<16xi1>, vector<16xf32>, vector<16xf32>)
            %rev3A_332 = arith.constant 15 : i32
            %rev3A_333 = vector.broadcast %rev3A_332 : i32 to vector<16xi32>
            %rev3A_334 = tpu.iota {dimensions = array<i32: 0>} : vector<16xi32>
            %rev3A_335 = arith.subi %rev3A_333, %rev3A_334 : vector<16xi32>
            %rev3A_336 = tpu.dynamic_gather %sort3A_330[%rev3A_335] in [0] : vector<16xf32>, vector<16xi32> -> vector<16xf32>
            %min3A_337 = arith.minimumf %while3A_308, %rev3A_336 : vector<16xf32>
            %max3A_338 = arith.maximumf %while3A_308, %rev3A_336 : vector<16xf32>
            %sort3A_339 = arith.constant dense<true> : vector<16xi1>
            %sort3A_340, %sort3A_341, %sort3A_342 = tpu.sort %max3A_338, %max3A_338 masked %sort3A_339 : (vector<16xf32>, vector<16xf32>, vector<16xi1>) -> (vector<16xi1>, vector<16xf32>, vector<16xf32>)
            scf.yield %sort3A_326, %sort3A_341 : vector<16xf32>, vector<16xf32>
          }
          %add3A_266 = arith.constant 1 : i32
          %add3A_267 = arith.addi %add3A_60, %add3A_266 : i32
          %swap3A_268 = arith.index_cast %add3A_267 : i32 to index
          %swap3A_269 = arith.constant 0 : index
          %swap3A_270 = tpu.vector_load %arg10[%swap3A_268, %swap3A_269] {strides = array<i32>} : memref<128x128xf32, #tpu.memory_space<vmem>>, vector<16xf32>,
          tpu.vector_store %arg10[%swap3A_268, %swap3A_269], %while3A_265#0 {strides = array<i32>} : memref<128x128xf32, #tpu.memory_space<vmem>>, vector<16xf32>,
          %add3A_271 = arith.constant 1 : i32
          %add3A_272 = arith.addi %add3A_60, %add3A_271 : i32
          %swap3A_273 = arith.index_cast %add3A_272 : i32 to index
          %swap3A_274 = arith.constant 16 : index
          %swap3A_275 = tpu.vector_load %arg10[%swap3A_273, %swap3A_274] {strides = array<i32>} : memref<128x128xf32, #tpu.memory_space<vmem>>, vector<16xf32>,
          tpu.vector_store %arg10[%swap3A_273, %swap3A_274], %while3A_265#1 {strides = array<i32>} : memref<128x128xf32, #tpu.memory_space<vmem>>, vector<16xf32>,
          %add3A_276 = arith.constant 1 : i32
          %add3A_277 = arith.addi %add3A_60, %add3A_276 : i32
          %swap3A_278 = arith.index_cast %add3A_277 : i32 to index
          %swap3A_279 = arith.constant 32 : index
          %swap3A_280 = tpu.vector_load %arg10[%swap3A_278, %swap3A_279] {strides = array<i32>} : memref<128x128xf32, #tpu.memory_space<vmem>>, vector<16xf32>,
          tpu.vector_store %arg10[%swap3A_278, %swap3A_279], %broadcast_in_dim3A_3 {strides = array<i32>} : memref<128x128xf32, #tpu.memory_space<vmem>>, vector<16xf32>,
          %add3A_281 = arith.constant 1 : i32
          %add3A_282 = arith.addi %add3A_60, %add3A_281 : i32
          %swap3A_283 = arith.index_cast %add3A_282 : i32 to index
          %swap3A_284 = arith.constant 48 : index
          %swap3A_285 = tpu.vector_load %arg10[%swap3A_283, %swap3A_284] {strides = array<i32>} : memref<128x128xf32, #tpu.memory_space<vmem>>, vector<16xf32>,
          tpu.vector_store %arg10[%swap3A_283, %swap3A_284], %broadcast_in_dim3A_3 {strides = array<i32>} : memref<128x128xf32, #tpu.memory_space<vmem>>, vector<16xf32>,
          %add3A_286 = arith.constant 1 : i32
          %add3A_287 = arith.addi %add3A_60, %add3A_286 : i32
          %swap3A_288 = arith.index_cast %add3A_287 : i32 to index
          %swap3A_289 = arith.constant 64 : index
          %swap3A_290 = tpu.vector_load %arg10[%swap3A_288, %swap3A_289] {strides = array<i32>} : memref<128x128xf32, #tpu.memory_space<vmem>>, vector<16xf32>,
          tpu.vector_store %arg10[%swap3A_288, %swap3A_289], %broadcast_in_dim3A_3 {strides = array<i32>} : memref<128x128xf32, #tpu.memory_space<vmem>>, vector<16xf32>,
          %add3A_291 = arith.constant 1 : i32
          %add3A_292 = arith.addi %add3A_60, %add3A_291 : i32
          %swap3A_293 = arith.index_cast %add3A_292 : i32 to index
          %swap3A_294 = arith.constant 80 : index
          %swap3A_295 = tpu.vector_load %arg10[%swap3A_293, %swap3A_294] {strides = array<i32>} : memref<128x128xf32, #tpu.memory_space<vmem>>, vector<16xf32>,
          tpu.vector_store %arg10[%swap3A_293, %swap3A_294], %broadcast_in_dim3A_3 {strides = array<i32>} : memref<128x128xf32, #tpu.memory_space<vmem>>, vector<16xf32>,
          %add3A_296 = arith.constant 1 : i32
          %add3A_297 = arith.addi %add3A_60, %add3A_296 : i32
          %swap3A_298 = arith.index_cast %add3A_297 : i32 to index
          %swap3A_299 = arith.constant 96 : index
          %swap3A_300 = tpu.vector_load %arg10[%swap3A_298, %swap3A_299] {strides = array<i32>} : memref<128x128xf32, #tpu.memory_space<vmem>>, vector<16xf32>,
          tpu.vector_store %arg10[%swap3A_298, %swap3A_299], %broadcast_in_dim3A_3 {strides = array<i32>} : memref<128x128xf32, #tpu.memory_space<vmem>>, vector<16xf32>,
          %add3A_301 = arith.constant 1 : i32
          %add3A_302 = arith.addi %add3A_60, %add3A_301 : i32
          %swap3A_303 = arith.index_cast %add3A_302 : i32 to index
          %swap3A_304 = arith.constant 112 : index
          %swap3A_305 = tpu.vector_load %arg10[%swap3A_303, %swap3A_304] {strides = array<i32>} : memref<128x128xf32, #tpu.memory_space<vmem>>, vector<16xf32>,
          tpu.vector_store %arg10[%swap3A_303, %swap3A_304], %broadcast_in_dim3A_3 {strides = array<i32>} : memref<128x128xf32, #tpu.memory_space<vmem>>, vector<16xf32>,
        } else {
        }
        %scan3A_212 = arith.constant 0 : i32
        scf.yield %scan3A_212 : i32
      }
      %scan3A_37 = arith.constant 4 : i32
      %dma_wait3A_38 = arith.constant 0 : i32
      %dma_wait3A_39 = tpu.memref_slice %arg2[%mul3A_2, %dma_wait3A_38] : memref<4096x4096xf32, #tpu.memory_space<hbm>> -> memref<8x4096xf32, #tpu.memory_space<hbm>>
      %dma_wait3A_40 = arith.constant 0 : i32
      %dma_wait3A_41 = tpu.memref_slice %arg2[%mul3A_2, %dma_wait3A_40] : memref<4096x4096xf32, #tpu.memory_space<hbm>> -> memref<8x4096xf32, #tpu.memory_space<hbm>>
      tpu.wait_dma2 semaphore(%arg12 : memref<!tpu.dma_semaphore, #tpu.memory_space<semaphore_mem>>) src(%dma_wait3A_41 : memref<8x4096xf32, #tpu.memory_space<hbm>>) dst(%arg6 : memref<8x4096xf32, #tpu.memory_space<vmem>>)
      %lt3A = arith.constant 7 : i32
      %lt3A_42 = arith.cmpi slt, %scan3A_15, %lt3A : i32
      %convert_element_type3A = arith.extui %lt3A_42 : i1 to i32
      %cond3A = arith.constant 0 : i32
      %cond3A_43 = arith.cmpi ne, %convert_element_type3A, %cond3A : i32
      scf.if %cond3A_43 {
        %mul3A_52 = arith.constant 2 : i32
        %mul3A_53 = arith.muli %mul3A_52, %scan3A_15 : i32
        %add3A_54 = arith.constant 2 : i32
        %add3A_55 = arith.addi %mul3A_53, %add3A_54 : i32
        %mul3A_56 = arith.constant 8 : i32
        %mul3A_57 = arith.muli %add3A_55, %mul3A_56 : i32
        %add3A_58 = arith.addi %mul3A_2, %mul3A_57 : i32
        %dma_start3A_59 = arith.constant 0 : i32
        %dma_start3A_60 = tpu.memref_slice %arg2[%add3A_58, %dma_start3A_59] : memref<4096x4096xf32, #tpu.memory_space<hbm>> -> memref<8x4096xf32, #tpu.memory_space<hbm>>
        %dma_start3A_61 = arith.constant 0 : i32
        %dma_start3A_62 = tpu.memref_slice %arg2[%add3A_58, %dma_start3A_61] : memref<4096x4096xf32, #tpu.memory_space<hbm>> -> memref<8x4096xf32, #tpu.memory_space<hbm>>
        tpu.enqueue_dma source(%dma_start3A_62 : memref<8x4096xf32, #tpu.memory_space<hbm>>) target(%arg5 : memref<8x4096xf32, #tpu.memory_space<vmem>>) target_semaphore(%arg11 : memref<!tpu.dma_semaphore, #tpu.memory_space<semaphore_mem>>)
      } else {
      }
      %scan3A_44 = arith.constant 0 : i32
      %scan3A_45 = arith.constant 0 : i32
      %scan3A_46 = arith.constant 4 : i32
      %scan3A_47 = arith.addi %scan3A_45, %scan3A_46 : i32
      %scan3A_48 = arith.constant 1 : i32
      %scan3A_49 = scf.for %scan3A_52 = %scan3A_45 to %scan3A_47 step %scan3A_48 iter_args(%scan3A_53 = %scan3A_44) -> (i32)  : i32 {
        %mul3A_54 = arith.constant 2 : i32
        %mul3A_55 = arith.muli %mul3A_54, %scan3A_15 : i32
        %add3A_56 = arith.constant 1 : i32
        %add3A_57 = arith.addi %mul3A_55, %add3A_56 : i32
        %mul3A_58 = arith.constant 8 : i32
        %mul3A_59 = arith.muli %add3A_57, %mul3A_58 : i32
        %mul3A_60 = arith.constant 2 : i32
        %mul3A_61 = arith.muli %mul3A_60, %scan3A_52 : i32
        %add3A_62 = arith.addi %mul3A_59, %mul3A_61 : i32
        %mul3A_63 = arith.constant 2 : i32
        %mul3A_64 = arith.muli %mul3A_63, %scan3A_52 : i32
        %get3A = arith.index_cast %add3A_62 : i32 to index
        %get3A_65 = tpu.vector_load %arg9[%get3A] {strides = array<i32>} : memref<144xf32, #tpu.memory_space<vmem>>, vector<16xf32>,
        %slice3A = vector.extract_strided_slice %get3A_65 {offsets = [0], sizes = [1], strides = [1]} : vector<16xf32> to vector<1xf32>
        %squeeze3A = vector.extract %slice3A[0] : f32 from vector<1xf32>
        %broadcast_in_dim3A_66 = vector.broadcast %squeeze3A : f32 to vector<16xf32>
        %slice3A_67 = vector.extract_strided_slice %get3A_65 {offsets = [1], sizes = [1], strides = [1]} : vector<16xf32> to vector<1xf32>
        %squeeze3A_68 = vector.extract %slice3A_67[0] : f32 from vector<1xf32>
        %broadcast_in_dim3A_69 = vector.broadcast %squeeze3A_68 : f32 to vector<16xf32>
        %swap3A = arith.constant 0 : index
        %swap3A_70 = tpu.vector_load %arg7[%swap3A] {strides = array<i32>} : memref<4112xf32, #tpu.memory_space<vmem>>, vector<16xf32>,
        tpu.vector_store %arg7[%swap3A], %broadcast_in_dim3A_3 {strides = array<i32>} : memref<4112xf32, #tpu.memory_space<vmem>>, vector<16xf32>,
        %swap3A_71 = arith.constant 0 : index
        %swap3A_72 = tpu.vector_load %arg8[%swap3A_71] {strides = array<i32>} : memref<4112xf32, #tpu.memory_space<vmem>>, vector<16xf32>,
        tpu.vector_store %arg8[%swap3A_71], %broadcast_in_dim3A_3 {strides = array<i32>} : memref<4112xf32, #tpu.memory_space<vmem>>, vector<16xf32>,
        %swap3A_73 = arith.constant 16 : index
        %swap3A_74 = tpu.vector_load %arg7[%swap3A_73] {strides = array<i32>} : memref<4112xf32, #tpu.memory_space<vmem>>, vector<16xf32>,
        tpu.vector_store %arg7[%swap3A_73], %broadcast_in_dim3A_3 {strides = array<i32>} : memref<4112xf32, #tpu.memory_space<vmem>>, vector<16xf32>,
        %swap3A_75 = arith.constant 16 : index
        %swap3A_76 = tpu.vector_load %arg8[%swap3A_75] {strides = array<i32>} : memref<4112xf32, #tpu.memory_space<vmem>>, vector<16xf32>,
        tpu.vector_store %arg8[%swap3A_75], %broadcast_in_dim3A_3 {strides = array<i32>} : memref<4112xf32, #tpu.memory_space<vmem>>, vector<16xf32>,
        %swap3A_77 = arith.constant 32 : index
        %swap3A_78 = tpu.vector_load %arg7[%swap3A_77] {strides = array<i32>} : memref<4112xf32, #tpu.memory_space<vmem>>, vector<16xf32>,
        tpu.vector_store %arg7[%swap3A_77], %broadcast_in_dim3A_3 {strides = array<i32>} : memref<4112xf32, #tpu.memory_space<vmem>>, vector<16xf32>,
        %swap3A_79 = arith.constant 32 : index
        %swap3A_80 = tpu.vector_load %arg8[%swap3A_79] {strides = array<i32>} : memref<4112xf32, #tpu.memory_space<vmem>>, vector<16xf32>,
        tpu.vector_store %arg8[%swap3A_79], %broadcast_in_dim3A_3 {strides = array<i32>} : memref<4112xf32, #tpu.memory_space<vmem>>, vector<16xf32>,
        %swap3A_81 = arith.constant 48 : index
        %swap3A_82 = tpu.vector_load %arg7[%swap3A_81] {strides = array<i32>} : memref<4112xf32, #tpu.memory_space<vmem>>, vector<16xf32>,
        tpu.vector_store %arg7[%swap3A_81], %broadcast_in_dim3A_3 {strides = array<i32>} : memref<4112xf32, #tpu.memory_space<vmem>>, vector<16xf32>,
        %swap3A_83 = arith.constant 48 : index
        %swap3A_84 = tpu.vector_load %arg8[%swap3A_83] {strides = array<i32>} : memref<4112xf32, #tpu.memory_space<vmem>>, vector<16xf32>,
        tpu.vector_store %arg8[%swap3A_83], %broadcast_in_dim3A_3 {strides = array<i32>} : memref<4112xf32, #tpu.memory_space<vmem>>, vector<16xf32>,
        %swap3A_85 = arith.constant 64 : index
        %swap3A_86 = tpu.vector_load %arg7[%swap3A_85] {strides = array<i32>} : memref<4112xf32, #tpu.memory_space<vmem>>, vector<16xf32>,
        tpu.vector_store %arg7[%swap3A_85], %broadcast_in_dim3A_3 {strides = array<i32>} : memref<4112xf32, #tpu.memory_space<vmem>>, vector<16xf32>,
        %swap3A_87 = arith.constant 64 : index
        %swap3A_88 = tpu.vector_load %arg8[%swap3A_87] {strides = array<i32>} : memref<4112xf32, #tpu.memory_space<vmem>>, vector<16xf32>,
        tpu.vector_store %arg8[%swap3A_87], %broadcast_in_dim3A_3 {strides = array<i32>} : memref<4112xf32, #tpu.memory_space<vmem>>, vector<16xf32>,
        %swap3A_89 = arith.constant 80 : index
        %swap3A_90 = tpu.vector_load %arg7[%swap3A_89] {strides = array<i32>} : memref<4112xf32, #tpu.memory_space<vmem>>, vector<16xf32>,
        tpu.vector_store %arg7[%swap3A_89], %broadcast_in_dim3A_3 {strides = array<i32>} : memref<4112xf32, #tpu.memory_space<vmem>>, vector<16xf32>,
        %swap3A_91 = arith.constant 80 : index
        %swap3A_92 = tpu.vector_load %arg8[%swap3A_91] {strides = array<i32>} : memref<4112xf32, #tpu.memory_space<vmem>>, vector<16xf32>,
        tpu.vector_store %arg8[%swap3A_91], %broadcast_in_dim3A_3 {strides = array<i32>} : memref<4112xf32, #tpu.memory_space<vmem>>, vector<16xf32>,
        %swap3A_93 = arith.constant 96 : index
        %swap3A_94 = tpu.vector_load %arg7[%swap3A_93] {strides = array<i32>} : memref<4112xf32, #tpu.memory_space<vmem>>, vector<16xf32>,
        tpu.vector_store %arg7[%swap3A_93], %broadcast_in_dim3A_3 {strides = array<i32>} : memref<4112xf32, #tpu.memory_space<vmem>>, vector<16xf32>,
        %swap3A_95 = arith.constant 96 : index
        %swap3A_96 = tpu.vector_load %arg8[%swap3A_95] {strides = array<i32>} : memref<4112xf32, #tpu.memory_space<vmem>>, vector<16xf32>,
        tpu.vector_store %arg8[%swap3A_95], %broadcast_in_dim3A_3 {strides = array<i32>} : memref<4112xf32, #tpu.memory_space<vmem>>, vector<16xf32>,
        %swap3A_97 = arith.constant 112 : index
        %swap3A_98 = tpu.vector_load %arg7[%swap3A_97] {strides = array<i32>} : memref<4112xf32, #tpu.memory_space<vmem>>, vector<16xf32>,
        tpu.vector_store %arg7[%swap3A_97], %broadcast_in_dim3A_3 {strides = array<i32>} : memref<4112xf32, #tpu.memory_space<vmem>>, vector<16xf32>,
        %swap3A_99 = arith.constant 112 : index
        %swap3A_100 = tpu.vector_load %arg8[%swap3A_99] {strides = array<i32>} : memref<4112xf32, #tpu.memory_space<vmem>>, vector<16xf32>,
        tpu.vector_store %arg8[%swap3A_99], %broadcast_in_dim3A_3 {strides = array<i32>} : memref<4112xf32, #tpu.memory_space<vmem>>, vector<16xf32>,
        %scan3A_101 = arith.constant 0 : i32
        %scan3A_102 = arith.constant 0 : i32
        %scan3A_103 = arith.constant 0 : i32
        %scan3A_104 = arith.constant 256 : i32
        %scan3A_105 = arith.addi %scan3A_103, %scan3A_104 : i32
        %scan3A_106 = arith.constant 16 : i32
        %scan3A_107:2 = scf.for %scan3A_215 = %scan3A_103 to %scan3A_105 step %scan3A_106 iter_args(%scan3A_216 = %scan3A_101, %scan3A_217 = %scan3A_102) -> (i32, i32)  : i32 {
          %mul3A_218 = arith.constant 16 : i32
          %mul3A_219 = arith.muli %scan3A_215, %mul3A_218 : i32
          %get3A_220 = arith.index_cast %mul3A_64 : i32 to index
          %get3A_221 = arith.index_cast %mul3A_219 : i32 to index
          %get3A_222 = tpu.vector_load %arg6[%get3A_220, %get3A_221] {strides = array<i32>} : memref<8x4096xf32, #tpu.memory_space<vmem>>, vector<16xf32>,
          %add3A_223 = arith.constant 1 : i32
          %add3A_224 = arith.addi %mul3A_64, %add3A_223 : i32
          %mul3A_225 = arith.constant 16 : i32
          %mul3A_226 = arith.muli %scan3A_215, %mul3A_225 : i32
          %get3A_227 = arith.index_cast %add3A_224 : i32 to index
          %get3A_228 = arith.index_cast %mul3A_226 : i32 to index
          %get3A_229 = tpu.vector_load %arg6[%get3A_227, %get3A_228] {strides = array<i32>} : memref<8x4096xf32, #tpu.memory_space<vmem>>, vector<16xf32>,
          %ge3A = arith.cmpf oge, %get3A_222, %broadcast_in_dim3A_66 : vector<16xf32>
          %ge3A_230 = arith.cmpf oge, %get3A_229, %broadcast_in_dim3A_69 : vector<16xf32>
          %swap3A_231 = arith.index_cast %scan3A_216 : i32 to index
          %swap3A_232 = tpu.vector_load %arg7[%swap3A_231] masked %ge3A {strides = array<i32>} : memref<4112xf32, #tpu.memory_space<vmem>>, vector<16xf32>, vector<16xi1>
          tpu.vector_store %arg7[%swap3A_231], %get3A_222 masked %ge3A {strides = array<i32>} : memref<4112xf32, #tpu.memory_space<vmem>>, vector<16xf32>, vector<16xi1>
          %swap3A_233 = arith.index_cast %scan3A_217 : i32 to index
          %swap3A_234 = tpu.vector_load %arg8[%swap3A_233] masked %ge3A_230 {strides = array<i32>} : memref<4112xf32, #tpu.memory_space<vmem>>, vector<16xf32>, vector<16xi1>
          tpu.vector_store %arg8[%swap3A_233], %get3A_229 masked %ge3A_230 {strides = array<i32>} : memref<4112xf32, #tpu.memory_space<vmem>>, vector<16xf32>, vector<16xi1>
          %all_reduce_population_count3A = tpu.all_reduce %ge3A {dim = 0 : i64, kind = #tpu.reduction_kind<sum>} : vector<16xi1> -> vector<16xi32>
          %all_reduce_population_count3A_235 = tpu.all_reduce %ge3A_230 {dim = 0 : i64, kind = #tpu.reduction_kind<sum>} : vector<16xi1> -> vector<16xi32>
          %slice3A_236 = vector.extract_strided_slice %all_reduce_population_count3A {offsets = [0], sizes = [1], strides = [1]} : vector<16xi32> to vector<1xi32>
          %squeeze3A_237 = vector.extract %slice3A_236[0] : i32 from vector<1xi32>
          %add3A_238 = arith.addi %scan3A_216, %squeeze3A_237 : i32
          %slice3A_239 = vector.extract_strided_slice %all_reduce_population_count3A_235 {offsets = [0], sizes = [1], strides = [1]} : vector<16xi32> to vector<1xi32>
          %squeeze3A_240 = vector.extract %slice3A_239[0] : i32 from vector<1xi32>
          %add3A_241 = arith.addi %scan3A_217, %squeeze3A_240 : i32
          %scan3A_242 = arith.constant 1 : i32
          %scan3A_243 = arith.addi %scan3A_215, %scan3A_242 : i32
          %mul3A_244 = arith.constant 16 : i32
          %mul3A_245 = arith.muli %scan3A_243, %mul3A_244 : i32
          %get3A_246 = arith.index_cast %mul3A_64 : i32 to index
          %get3A_247 = arith.index_cast %mul3A_245 : i32 to index
          %get3A_248 = tpu.vector_load %arg6[%get3A_246, %get3A_247] {strides = array<i32>} : memref<8x4096xf32, #tpu.memory_space<vmem>>, vector<16xf32>,
          %add3A_249 = arith.constant 1 : i32
          %add3A_250 = arith.addi %mul3A_64, %add3A_249 : i32
          %mul3A_251 = arith.constant 16 : i32
          %mul3A_252 = arith.muli %scan3A_243, %mul3A_251 : i32
          %get3A_253 = arith.index_cast %add3A_250 : i32 to index
          %get3A_254 = arith.index_cast %mul3A_252 : i32 to index
          %get3A_255 = tpu.vector_load %arg6[%get3A_253, %get3A_254] {strides = array<i32>} : memref<8x4096xf32, #tpu.memory_space<vmem>>, vector<16xf32>,
          %ge3A_256 = arith.cmpf oge, %get3A_248, %broadcast_in_dim3A_66 : vector<16xf32>
          %ge3A_257 = arith.cmpf oge, %get3A_255, %broadcast_in_dim3A_69 : vector<16xf32>
          %swap3A_258 = arith.index_cast %add3A_238 : i32 to index
          %swap3A_259 = tpu.vector_load %arg7[%swap3A_258] masked %ge3A_256 {strides = array<i32>} : memref<4112xf32, #tpu.memory_space<vmem>>, vector<16xf32>, vector<16xi1>
          tpu.vector_store %arg7[%swap3A_258], %get3A_248 masked %ge3A_256 {strides = array<i32>} : memref<4112xf32, #tpu.memory_space<vmem>>, vector<16xf32>, vector<16xi1>
          %swap3A_260 = arith.index_cast %add3A_241 : i32 to index
          %swap3A_261 = tpu.vector_load %arg8[%swap3A_260] masked %ge3A_257 {strides = array<i32>} : memref<4112xf32, #tpu.memory_space<vmem>>, vector<16xf32>, vector<16xi1>
          tpu.vector_store %arg8[%swap3A_260], %get3A_255 masked %ge3A_257 {strides = array<i32>} : memref<4112xf32, #tpu.memory_space<vmem>>, vector<16xf32>, vector<16xi1>
          %all_reduce_population_count3A_262 = tpu.all_reduce %ge3A_256 {dim = 0 : i64, kind = #tpu.reduction_kind<sum>} : vector<16xi1> -> vector<16xi32>
          %all_reduce_population_count3A_263 = tpu.all_reduce %ge3A_257 {dim = 0 : i64, kind = #tpu.reduction_kind<sum>} : vector<16xi1> -> vector<16xi32>
          %slice3A_264 = vector.extract_strided_slice %all_reduce_population_count3A_262 {offsets = [0], sizes = [1], strides = [1]} : vector<16xi32> to vector<1xi32>
          %squeeze3A_265 = vector.extract %slice3A_264[0] : i32 from vector<1xi32>
          %add3A_266 = arith.addi %add3A_238, %squeeze3A_265 : i32
          %slice3A_267 = vector.extract_strided_slice %all_reduce_population_count3A_263 {offsets = [0], sizes = [1], strides = [1]} : vector<16xi32> to vector<1xi32>
          %squeeze3A_268 = vector.extract %slice3A_267[0] : i32 from vector<1xi32>
          %add3A_269 = arith.addi %add3A_241, %squeeze3A_268 : i32
          %scan3A_270 = arith.constant 2 : i32
          %scan3A_271 = arith.addi %scan3A_215, %scan3A_270 : i32
          %mul3A_272 = arith.constant 16 : i32
          %mul3A_273 = arith.muli %scan3A_271, %mul3A_272 : i32
          %get3A_274 = arith.index_cast %mul3A_64 : i32 to index
          %get3A_275 = arith.index_cast %mul3A_273 : i32 to index
          %get3A_276 = tpu.vector_load %arg6[%get3A_274, %get3A_275] {strides = array<i32>} : memref<8x4096xf32, #tpu.memory_space<vmem>>, vector<16xf32>,
          %add3A_277 = arith.constant 1 : i32
          %add3A_278 = arith.addi %mul3A_64, %add3A_277 : i32
          %mul3A_279 = arith.constant 16 : i32
          %mul3A_280 = arith.muli %scan3A_271, %mul3A_279 : i32
          %get3A_281 = arith.index_cast %add3A_278 : i32 to index
          %get3A_282 = arith.index_cast %mul3A_280 : i32 to index
          %get3A_283 = tpu.vector_load %arg6[%get3A_281, %get3A_282] {strides = array<i32>} : memref<8x4096xf32, #tpu.memory_space<vmem>>, vector<16xf32>,
          %ge3A_284 = arith.cmpf oge, %get3A_276, %broadcast_in_dim3A_66 : vector<16xf32>
          %ge3A_285 = arith.cmpf oge, %get3A_283, %broadcast_in_dim3A_69 : vector<16xf32>
          %swap3A_286 = arith.index_cast %add3A_266 : i32 to index
          %swap3A_287 = tpu.vector_load %arg7[%swap3A_286] masked %ge3A_284 {strides = array<i32>} : memref<4112xf32, #tpu.memory_space<vmem>>, vector<16xf32>, vector<16xi1>
          tpu.vector_store %arg7[%swap3A_286], %get3A_276 masked %ge3A_284 {strides = array<i32>} : memref<4112xf32, #tpu.memory_space<vmem>>, vector<16xf32>, vector<16xi1>
          %swap3A_288 = arith.index_cast %add3A_269 : i32 to index
          %swap3A_289 = tpu.vector_load %arg8[%swap3A_288] masked %ge3A_285 {strides = array<i32>} : memref<4112xf32, #tpu.memory_space<vmem>>, vector<16xf32>, vector<16xi1>
          tpu.vector_store %arg8[%swap3A_288], %get3A_283 masked %ge3A_285 {strides = array<i32>} : memref<4112xf32, #tpu.memory_space<vmem>>, vector<16xf32>, vector<16xi1>
          %all_reduce_population_count3A_290 = tpu.all_reduce %ge3A_284 {dim = 0 : i64, kind = #tpu.reduction_kind<sum>} : vector<16xi1> -> vector<16xi32>
          %all_reduce_population_count3A_291 = tpu.all_reduce %ge3A_285 {dim = 0 : i64, kind = #tpu.reduction_kind<sum>} : vector<16xi1> -> vector<16xi32>
          %slice3A_292 = vector.extract_strided_slice %all_reduce_population_count3A_290 {offsets = [0], sizes = [1], strides = [1]} : vector<16xi32> to vector<1xi32>
          %squeeze3A_293 = vector.extract %slice3A_292[0] : i32 from vector<1xi32>
          %add3A_294 = arith.addi %add3A_266, %squeeze3A_293 : i32
          %slice3A_295 = vector.extract_strided_slice %all_reduce_population_count3A_291 {offsets = [0], sizes = [1], strides = [1]} : vector<16xi32> to vector<1xi32>
          %squeeze3A_296 = vector.extract %slice3A_295[0] : i32 from vector<1xi32>
          %add3A_297 = arith.addi %add3A_269, %squeeze3A_296 : i32
          %scan3A_298 = arith.constant 3 : i32
          %scan3A_299 = arith.addi %scan3A_215, %scan3A_298 : i32
          %mul3A_300 = arith.constant 16 : i32
          %mul3A_301 = arith.muli %scan3A_299, %mul3A_300 : i32
          %get3A_302 = arith.index_cast %mul3A_64 : i32 to index
          %get3A_303 = arith.index_cast %mul3A_301 : i32 to index
          %get3A_304 = tpu.vector_load %arg6[%get3A_302, %get3A_303] {strides = array<i32>} : memref<8x4096xf32, #tpu.memory_space<vmem>>, vector<16xf32>,
          %add3A_305 = arith.constant 1 : i32
          %add3A_306 = arith.addi %mul3A_64, %add3A_305 : i32
          %mul3A_307 = arith.constant 16 : i32
          %mul3A_308 = arith.muli %scan3A_299, %mul3A_307 : i32
          %get3A_309 = arith.index_cast %add3A_306 : i32 to index
          %get3A_310 = arith.index_cast %mul3A_308 : i32 to index
          %get3A_311 = tpu.vector_load %arg6[%get3A_309, %get3A_310] {strides = array<i32>} : memref<8x4096xf32, #tpu.memory_space<vmem>>, vector<16xf32>,
          %ge3A_312 = arith.cmpf oge, %get3A_304, %broadcast_in_dim3A_66 : vector<16xf32>
          %ge3A_313 = arith.cmpf oge, %get3A_311, %broadcast_in_dim3A_69 : vector<16xf32>
          %swap3A_314 = arith.index_cast %add3A_294 : i32 to index
          %swap3A_315 = tpu.vector_load %arg7[%swap3A_314] masked %ge3A_312 {strides = array<i32>} : memref<4112xf32, #tpu.memory_space<vmem>>, vector<16xf32>, vector<16xi1>
          tpu.vector_store %arg7[%swap3A_314], %get3A_304 masked %ge3A_312 {strides = array<i32>} : memref<4112xf32, #tpu.memory_space<vmem>>, vector<16xf32>, vector<16xi1>
          %swap3A_316 = arith.index_cast %add3A_297 : i32 to index
          %swap3A_317 = tpu.vector_load %arg8[%swap3A_316] masked %ge3A_313 {strides = array<i32>} : memref<4112xf32, #tpu.memory_space<vmem>>, vector<16xf32>, vector<16xi1>
          tpu.vector_store %arg8[%swap3A_316], %get3A_311 masked %ge3A_313 {strides = array<i32>} : memref<4112xf32, #tpu.memory_space<vmem>>, vector<16xf32>, vector<16xi1>
          %all_reduce_population_count3A_318 = tpu.all_reduce %ge3A_312 {dim = 0 : i64, kind = #tpu.reduction_kind<sum>} : vector<16xi1> -> vector<16xi32>
          %all_reduce_population_count3A_319 = tpu.all_reduce %ge3A_313 {dim = 0 : i64, kind = #tpu.reduction_kind<sum>} : vector<16xi1> -> vector<16xi32>
          %slice3A_320 = vector.extract_strided_slice %all_reduce_population_count3A_318 {offsets = [0], sizes = [1], strides = [1]} : vector<16xi32> to vector<1xi32>
          %squeeze3A_321 = vector.extract %slice3A_320[0] : i32 from vector<1xi32>
          %add3A_322 = arith.addi %add3A_294, %squeeze3A_321 : i32
          %slice3A_323 = vector.extract_strided_slice %all_reduce_population_count3A_319 {offsets = [0], sizes = [1], strides = [1]} : vector<16xi32> to vector<1xi32>
          %squeeze3A_324 = vector.extract %slice3A_323[0] : i32 from vector<1xi32>
          %add3A_325 = arith.addi %add3A_297, %squeeze3A_324 : i32
          %scan3A_326 = arith.constant 4 : i32
          %scan3A_327 = arith.addi %scan3A_215, %scan3A_326 : i32
          %mul3A_328 = arith.constant 16 : i32
          %mul3A_329 = arith.muli %scan3A_327, %mul3A_328 : i32
          %get3A_330 = arith.index_cast %mul3A_64 : i32 to index
          %get3A_331 = arith.index_cast %mul3A_329 : i32 to index
          %get3A_332 = tpu.vector_load %arg6[%get3A_330, %get3A_331] {strides = array<i32>} : memref<8x4096xf32, #tpu.memory_space<vmem>>, vector<16xf32>,
          %add3A_333 = arith.constant 1 : i32
          %add3A_334 = arith.addi %mul3A_64, %add3A_333 : i32
          %mul3A_335 = arith.constant 16 : i32
          %mul3A_336 = arith.muli %scan3A_327, %mul3A_335 : i32
          %get3A_337 = arith.index_cast %add3A_334 : i32 to index
          %get3A_338 = arith.index_cast %mul3A_336 : i32 to index
          %get3A_339 = tpu.vector_load %arg6[%get3A_337, %get3A_338] {strides = array<i32>} : memref<8x4096xf32, #tpu.memory_space<vmem>>, vector<16xf32>,
          %ge3A_340 = arith.cmpf oge, %get3A_332, %broadcast_in_dim3A_66 : vector<16xf32>
          %ge3A_341 = arith.cmpf oge, %get3A_339, %broadcast_in_dim3A_69 : vector<16xf32>
          %swap3A_342 = arith.index_cast %add3A_322 : i32 to index
          %swap3A_343 = tpu.vector_load %arg7[%swap3A_342] masked %ge3A_340 {strides = array<i32>} : memref<4112xf32, #tpu.memory_space<vmem>>, vector<16xf32>, vector<16xi1>
          tpu.vector_store %arg7[%swap3A_342], %get3A_332 masked %ge3A_340 {strides = array<i32>} : memref<4112xf32, #tpu.memory_space<vmem>>, vector<16xf32>, vector<16xi1>
          %swap3A_344 = arith.index_cast %add3A_325 : i32 to index
          %swap3A_345 = tpu.vector_load %arg8[%swap3A_344] masked %ge3A_341 {strides = array<i32>} : memref<4112xf32, #tpu.memory_space<vmem>>, vector<16xf32>, vector<16xi1>
          tpu.vector_store %arg8[%swap3A_344], %get3A_339 masked %ge3A_341 {strides = array<i32>} : memref<4112xf32, #tpu.memory_space<vmem>>, vector<16xf32>, vector<16xi1>
          %all_reduce_population_count3A_346 = tpu.all_reduce %ge3A_340 {dim = 0 : i64, kind = #tpu.reduction_kind<sum>} : vector<16xi1> -> vector<16xi32>
          %all_reduce_population_count3A_347 = tpu.all_reduce %ge3A_341 {dim = 0 : i64, kind = #tpu.reduction_kind<sum>} : vector<16xi1> -> vector<16xi32>
          %slice3A_348 = vector.extract_strided_slice %all_reduce_population_count3A_346 {offsets = [0], sizes = [1], strides = [1]} : vector<16xi32> to vector<1xi32>
          %squeeze3A_349 = vector.extract %slice3A_348[0] : i32 from vector<1xi32>
          %add3A_350 = arith.addi %add3A_322, %squeeze3A_349 : i32
          %slice3A_351 = vector.extract_strided_slice %all_reduce_population_count3A_347 {offsets = [0], sizes = [1], strides = [1]} : vector<16xi32> to vector<1xi32>
          %squeeze3A_352 = vector.extract %slice3A_351[0] : i32 from vector<1xi32>
          %add3A_353 = arith.addi %add3A_325, %squeeze3A_352 : i32
          %scan3A_354 = arith.constant 5 : i32
          %scan3A_355 = arith.addi %scan3A_215, %scan3A_354 : i32
          %mul3A_356 = arith.constant 16 : i32
          %mul3A_357 = arith.muli %scan3A_355, %mul3A_356 : i32
          %get3A_358 = arith.index_cast %mul3A_64 : i32 to index
          %get3A_359 = arith.index_cast %mul3A_357 : i32 to index
          %get3A_360 = tpu.vector_load %arg6[%get3A_358, %get3A_359] {strides = array<i32>} : memref<8x4096xf32, #tpu.memory_space<vmem>>, vector<16xf32>,
          %add3A_361 = arith.constant 1 : i32
          %add3A_362 = arith.addi %mul3A_64, %add3A_361 : i32
          %mul3A_363 = arith.constant 16 : i32
          %mul3A_364 = arith.muli %scan3A_355, %mul3A_363 : i32
          %get3A_365 = arith.index_cast %add3A_362 : i32 to index
          %get3A_366 = arith.index_cast %mul3A_364 : i32 to index
          %get3A_367 = tpu.vector_load %arg6[%get3A_365, %get3A_366] {strides = array<i32>} : memref<8x4096xf32, #tpu.memory_space<vmem>>, vector<16xf32>,
          %ge3A_368 = arith.cmpf oge, %get3A_360, %broadcast_in_dim3A_66 : vector<16xf32>
          %ge3A_369 = arith.cmpf oge, %get3A_367, %broadcast_in_dim3A_69 : vector<16xf32>
          %swap3A_370 = arith.index_cast %add3A_350 : i32 to index
          %swap3A_371 = tpu.vector_load %arg7[%swap3A_370] masked %ge3A_368 {strides = array<i32>} : memref<4112xf32, #tpu.memory_space<vmem>>, vector<16xf32>, vector<16xi1>
          tpu.vector_store %arg7[%swap3A_370], %get3A_360 masked %ge3A_368 {strides = array<i32>} : memref<4112xf32, #tpu.memory_space<vmem>>, vector<16xf32>, vector<16xi1>
          %swap3A_372 = arith.index_cast %add3A_353 : i32 to index
          %swap3A_373 = tpu.vector_load %arg8[%swap3A_372] masked %ge3A_369 {strides = array<i32>} : memref<4112xf32, #tpu.memory_space<vmem>>, vector<16xf32>, vector<16xi1>
          tpu.vector_store %arg8[%swap3A_372], %get3A_367 masked %ge3A_369 {strides = array<i32>} : memref<4112xf32, #tpu.memory_space<vmem>>, vector<16xf32>, vector<16xi1>
          %all_reduce_population_count3A_374 = tpu.all_reduce %ge3A_368 {dim = 0 : i64, kind = #tpu.reduction_kind<sum>} : vector<16xi1> -> vector<16xi32>
          %all_reduce_population_count3A_375 = tpu.all_reduce %ge3A_369 {dim = 0 : i64, kind = #tpu.reduction_kind<sum>} : vector<16xi1> -> vector<16xi32>
          %slice3A_376 = vector.extract_strided_slice %all_reduce_population_count3A_374 {offsets = [0], sizes = [1], strides = [1]} : vector<16xi32> to vector<1xi32>
          %squeeze3A_377 = vector.extract %slice3A_376[0] : i32 from vector<1xi32>
          %add3A_378 = arith.addi %add3A_350, %squeeze3A_377 : i32
          %slice3A_379 = vector.extract_strided_slice %all_reduce_population_count3A_375 {offsets = [0], sizes = [1], strides = [1]} : vector<16xi32> to vector<1xi32>
          %squeeze3A_380 = vector.extract %slice3A_379[0] : i32 from vector<1xi32>
          %add3A_381 = arith.addi %add3A_353, %squeeze3A_380 : i32
          %scan3A_382 = arith.constant 6 : i32
          %scan3A_383 = arith.addi %scan3A_215, %scan3A_382 : i32
          %mul3A_384 = arith.constant 16 : i32
          %mul3A_385 = arith.muli %scan3A_383, %mul3A_384 : i32
          %get3A_386 = arith.index_cast %mul3A_64 : i32 to index
          %get3A_387 = arith.index_cast %mul3A_385 : i32 to index
          %get3A_388 = tpu.vector_load %arg6[%get3A_386, %get3A_387] {strides = array<i32>} : memref<8x4096xf32, #tpu.memory_space<vmem>>, vector<16xf32>,
          %add3A_389 = arith.constant 1 : i32
          %add3A_390 = arith.addi %mul3A_64, %add3A_389 : i32
          %mul3A_391 = arith.constant 16 : i32
          %mul3A_392 = arith.muli %scan3A_383, %mul3A_391 : i32
          %get3A_393 = arith.index_cast %add3A_390 : i32 to index
          %get3A_394 = arith.index_cast %mul3A_392 : i32 to index
          %get3A_395 = tpu.vector_load %arg6[%get3A_393, %get3A_394] {strides = array<i32>} : memref<8x4096xf32, #tpu.memory_space<vmem>>, vector<16xf32>,
          %ge3A_396 = arith.cmpf oge, %get3A_388, %broadcast_in_dim3A_66 : vector<16xf32>
          %ge3A_397 = arith.cmpf oge, %get3A_395, %broadcast_in_dim3A_69 : vector<16xf32>
          %swap3A_398 = arith.index_cast %add3A_378 : i32 to index
          %swap3A_399 = tpu.vector_load %arg7[%swap3A_398] masked %ge3A_396 {strides = array<i32>} : memref<4112xf32, #tpu.memory_space<vmem>>, vector<16xf32>, vector<16xi1>
          tpu.vector_store %arg7[%swap3A_398], %get3A_388 masked %ge3A_396 {strides = array<i32>} : memref<4112xf32, #tpu.memory_space<vmem>>, vector<16xf32>, vector<16xi1>
          %swap3A_400 = arith.index_cast %add3A_381 : i32 to index
          %swap3A_401 = tpu.vector_load %arg8[%swap3A_400] masked %ge3A_397 {strides = array<i32>} : memref<4112xf32, #tpu.memory_space<vmem>>, vector<16xf32>, vector<16xi1>
          tpu.vector_store %arg8[%swap3A_400], %get3A_395 masked %ge3A_397 {strides = array<i32>} : memref<4112xf32, #tpu.memory_space<vmem>>, vector<16xf32>, vector<16xi1>
          %all_reduce_population_count3A_402 = tpu.all_reduce %ge3A_396 {dim = 0 : i64, kind = #tpu.reduction_kind<sum>} : vector<16xi1> -> vector<16xi32>
          %all_reduce_population_count3A_403 = tpu.all_reduce %ge3A_397 {dim = 0 : i64, kind = #tpu.reduction_kind<sum>} : vector<16xi1> -> vector<16xi32>
          %slice3A_404 = vector.extract_strided_slice %all_reduce_population_count3A_402 {offsets = [0], sizes = [1], strides = [1]} : vector<16xi32> to vector<1xi32>
          %squeeze3A_405 = vector.extract %slice3A_404[0] : i32 from vector<1xi32>
          %add3A_406 = arith.addi %add3A_378, %squeeze3A_405 : i32
          %slice3A_407 = vector.extract_strided_slice %all_reduce_population_count3A_403 {offsets = [0], sizes = [1], strides = [1]} : vector<16xi32> to vector<1xi32>
          %squeeze3A_408 = vector.extract %slice3A_407[0] : i32 from vector<1xi32>
          %add3A_409 = arith.addi %add3A_381, %squeeze3A_408 : i32
          %scan3A_410 = arith.constant 7 : i32
          %scan3A_411 = arith.addi %scan3A_215, %scan3A_410 : i32
          %mul3A_412 = arith.constant 16 : i32
          %mul3A_413 = arith.muli %scan3A_411, %mul3A_412 : i32
          %get3A_414 = arith.index_cast %mul3A_64 : i32 to index
          %get3A_415 = arith.index_cast %mul3A_413 : i32 to index
          %get3A_416 = tpu.vector_load %arg6[%get3A_414, %get3A_415] {strides = array<i32>} : memref<8x4096xf32, #tpu.memory_space<vmem>>, vector<16xf32>,
          %add3A_417 = arith.constant 1 : i32
          %add3A_418 = arith.addi %mul3A_64, %add3A_417 : i32
          %mul3A_419 = arith.constant 16 : i32
          %mul3A_420 = arith.muli %scan3A_411, %mul3A_419 : i32
          %get3A_421 = arith.index_cast %add3A_418 : i32 to index
          %get3A_422 = arith.index_cast %mul3A_420 : i32 to index
          %get3A_423 = tpu.vector_load %arg6[%get3A_421, %get3A_422] {strides = array<i32>} : memref<8x4096xf32, #tpu.memory_space<vmem>>, vector<16xf32>,
          %ge3A_424 = arith.cmpf oge, %get3A_416, %broadcast_in_dim3A_66 : vector<16xf32>
          %ge3A_425 = arith.cmpf oge, %get3A_423, %broadcast_in_dim3A_69 : vector<16xf32>
          %swap3A_426 = arith.index_cast %add3A_406 : i32 to index
          %swap3A_427 = tpu.vector_load %arg7[%swap3A_426] masked %ge3A_424 {strides = array<i32>} : memref<4112xf32, #tpu.memory_space<vmem>>, vector<16xf32>, vector<16xi1>
          tpu.vector_store %arg7[%swap3A_426], %get3A_416 masked %ge3A_424 {strides = array<i32>} : memref<4112xf32, #tpu.memory_space<vmem>>, vector<16xf32>, vector<16xi1>
          %swap3A_428 = arith.index_cast %add3A_409 : i32 to index
          %swap3A_429 = tpu.vector_load %arg8[%swap3A_428] masked %ge3A_425 {strides = array<i32>} : memref<4112xf32, #tpu.memory_space<vmem>>, vector<16xf32>, vector<16xi1>
          tpu.vector_store %arg8[%swap3A_428], %get3A_423 masked %ge3A_425 {strides = array<i32>} : memref<4112xf32, #tpu.memory_space<vmem>>, vector<16xf32>, vector<16xi1>
          %all_reduce_population_count3A_430 = tpu.all_reduce %ge3A_424 {dim = 0 : i64, kind = #tpu.reduction_kind<sum>} : vector<16xi1> -> vector<16xi32>
          %all_reduce_population_count3A_431 = tpu.all_reduce %ge3A_425 {dim = 0 : i64, kind = #tpu.reduction_kind<sum>} : vector<16xi1> -> vector<16xi32>
          %slice3A_432 = vector.extract_strided_slice %all_reduce_population_count3A_430 {offsets = [0], sizes = [1], strides = [1]} : vector<16xi32> to vector<1xi32>
          %squeeze3A_433 = vector.extract %slice3A_432[0] : i32 from vector<1xi32>
          %add3A_434 = arith.addi %add3A_406, %squeeze3A_433 : i32
          %slice3A_435 = vector.extract_strided_slice %all_reduce_population_count3A_431 {offsets = [0], sizes = [1], strides = [1]} : vector<16xi32> to vector<1xi32>
          %squeeze3A_436 = vector.extract %slice3A_435[0] : i32 from vector<1xi32>
          %add3A_437 = arith.addi %add3A_409, %squeeze3A_436 : i32
          %scan3A_438 = arith.constant 8 : i32
          %scan3A_439 = arith.addi %scan3A_215, %scan3A_438 : i32
          %mul3A_440 = arith.constant 16 : i32
          %mul3A_441 = arith.muli %scan3A_439, %mul3A_440 : i32
          %get3A_442 = arith.index_cast %mul3A_64 : i32 to index
          %get3A_443 = arith.index_cast %mul3A_441 : i32 to index
          %get3A_444 = tpu.vector_load %arg6[%get3A_442, %get3A_443] {strides = array<i32>} : memref<8x4096xf32, #tpu.memory_space<vmem>>, vector<16xf32>,
          %add3A_445 = arith.constant 1 : i32
          %add3A_446 = arith.addi %mul3A_64, %add3A_445 : i32
          %mul3A_447 = arith.constant 16 : i32
          %mul3A_448 = arith.muli %scan3A_439, %mul3A_447 : i32
          %get3A_449 = arith.index_cast %add3A_446 : i32 to index
          %get3A_450 = arith.index_cast %mul3A_448 : i32 to index
          %get3A_451 = tpu.vector_load %arg6[%get3A_449, %get3A_450] {strides = array<i32>} : memref<8x4096xf32, #tpu.memory_space<vmem>>, vector<16xf32>,
          %ge3A_452 = arith.cmpf oge, %get3A_444, %broadcast_in_dim3A_66 : vector<16xf32>
          %ge3A_453 = arith.cmpf oge, %get3A_451, %broadcast_in_dim3A_69 : vector<16xf32>
          %swap3A_454 = arith.index_cast %add3A_434 : i32 to index
          %swap3A_455 = tpu.vector_load %arg7[%swap3A_454] masked %ge3A_452 {strides = array<i32>} : memref<4112xf32, #tpu.memory_space<vmem>>, vector<16xf32>, vector<16xi1>
          tpu.vector_store %arg7[%swap3A_454], %get3A_444 masked %ge3A_452 {strides = array<i32>} : memref<4112xf32, #tpu.memory_space<vmem>>, vector<16xf32>, vector<16xi1>
          %swap3A_456 = arith.index_cast %add3A_437 : i32 to index
          %swap3A_457 = tpu.vector_load %arg8[%swap3A_456] masked %ge3A_453 {strides = array<i32>} : memref<4112xf32, #tpu.memory_space<vmem>>, vector<16xf32>, vector<16xi1>
          tpu.vector_store %arg8[%swap3A_456], %get3A_451 masked %ge3A_453 {strides = array<i32>} : memref<4112xf32, #tpu.memory_space<vmem>>, vector<16xf32>, vector<16xi1>
          %all_reduce_population_count3A_458 = tpu.all_reduce %ge3A_452 {dim = 0 : i64, kind = #tpu.reduction_kind<sum>} : vector<16xi1> -> vector<16xi32>
          %all_reduce_population_count3A_459 = tpu.all_reduce %ge3A_453 {dim = 0 : i64, kind = #tpu.reduction_kind<sum>} : vector<16xi1> -> vector<16xi32>
          %slice3A_460 = vector.extract_strided_slice %all_reduce_population_count3A_458 {offsets = [0], sizes = [1], strides = [1]} : vector<16xi32> to vector<1xi32>
          %squeeze3A_461 = vector.extract %slice3A_460[0] : i32 from vector<1xi32>
          %add3A_462 = arith.addi %add3A_434, %squeeze3A_461 : i32
          %slice3A_463 = vector.extract_strided_slice %all_reduce_population_count3A_459 {offsets = [0], sizes = [1], strides = [1]} : vector<16xi32> to vector<1xi32>
          %squeeze3A_464 = vector.extract %slice3A_463[0] : i32 from vector<1xi32>
          %add3A_465 = arith.addi %add3A_437, %squeeze3A_464 : i32
          %scan3A_466 = arith.constant 9 : i32
          %scan3A_467 = arith.addi %scan3A_215, %scan3A_466 : i32
          %mul3A_468 = arith.constant 16 : i32
          %mul3A_469 = arith.muli %scan3A_467, %mul3A_468 : i32
          %get3A_470 = arith.index_cast %mul3A_64 : i32 to index
          %get3A_471 = arith.index_cast %mul3A_469 : i32 to index
          %get3A_472 = tpu.vector_load %arg6[%get3A_470, %get3A_471] {strides = array<i32>} : memref<8x4096xf32, #tpu.memory_space<vmem>>, vector<16xf32>,
          %add3A_473 = arith.constant 1 : i32
          %add3A_474 = arith.addi %mul3A_64, %add3A_473 : i32
          %mul3A_475 = arith.constant 16 : i32
          %mul3A_476 = arith.muli %scan3A_467, %mul3A_475 : i32
          %get3A_477 = arith.index_cast %add3A_474 : i32 to index
          %get3A_478 = arith.index_cast %mul3A_476 : i32 to index
          %get3A_479 = tpu.vector_load %arg6[%get3A_477, %get3A_478] {strides = array<i32>} : memref<8x4096xf32, #tpu.memory_space<vmem>>, vector<16xf32>,
          %ge3A_480 = arith.cmpf oge, %get3A_472, %broadcast_in_dim3A_66 : vector<16xf32>
          %ge3A_481 = arith.cmpf oge, %get3A_479, %broadcast_in_dim3A_69 : vector<16xf32>
          %swap3A_482 = arith.index_cast %add3A_462 : i32 to index
          %swap3A_483 = tpu.vector_load %arg7[%swap3A_482] masked %ge3A_480 {strides = array<i32>} : memref<4112xf32, #tpu.memory_space<vmem>>, vector<16xf32>, vector<16xi1>
          tpu.vector_store %arg7[%swap3A_482], %get3A_472 masked %ge3A_480 {strides = array<i32>} : memref<4112xf32, #tpu.memory_space<vmem>>, vector<16xf32>, vector<16xi1>
          %swap3A_484 = arith.index_cast %add3A_465 : i32 to index
          %swap3A_485 = tpu.vector_load %arg8[%swap3A_484] masked %ge3A_481 {strides = array<i32>} : memref<4112xf32, #tpu.memory_space<vmem>>, vector<16xf32>, vector<16xi1>
          tpu.vector_store %arg8[%swap3A_484], %get3A_479 masked %ge3A_481 {strides = array<i32>} : memref<4112xf32, #tpu.memory_space<vmem>>, vector<16xf32>, vector<16xi1>
          %all_reduce_population_count3A_486 = tpu.all_reduce %ge3A_480 {dim = 0 : i64, kind = #tpu.reduction_kind<sum>} : vector<16xi1> -> vector<16xi32>
          %all_reduce_population_count3A_487 = tpu.all_reduce %ge3A_481 {dim = 0 : i64, kind = #tpu.reduction_kind<sum>} : vector<16xi1> -> vector<16xi32>
          %slice3A_488 = vector.extract_strided_slice %all_reduce_population_count3A_486 {offsets = [0], sizes = [1], strides = [1]} : vector<16xi32> to vector<1xi32>
          %squeeze3A_489 = vector.extract %slice3A_488[0] : i32 from vector<1xi32>
          %add3A_490 = arith.addi %add3A_462, %squeeze3A_489 : i32
          %slice3A_491 = vector.extract_strided_slice %all_reduce_population_count3A_487 {offsets = [0], sizes = [1], strides = [1]} : vector<16xi32> to vector<1xi32>
          %squeeze3A_492 = vector.extract %slice3A_491[0] : i32 from vector<1xi32>
          %add3A_493 = arith.addi %add3A_465, %squeeze3A_492 : i32
          %scan3A_494 = arith.constant 10 : i32
          %scan3A_495 = arith.addi %scan3A_215, %scan3A_494 : i32
          %mul3A_496 = arith.constant 16 : i32
          %mul3A_497 = arith.muli %scan3A_495, %mul3A_496 : i32
          %get3A_498 = arith.index_cast %mul3A_64 : i32 to index
          %get3A_499 = arith.index_cast %mul3A_497 : i32 to index
          %get3A_500 = tpu.vector_load %arg6[%get3A_498, %get3A_499] {strides = array<i32>} : memref<8x4096xf32, #tpu.memory_space<vmem>>, vector<16xf32>,
          %add3A_501 = arith.constant 1 : i32
          %add3A_502 = arith.addi %mul3A_64, %add3A_501 : i32
          %mul3A_503 = arith.constant 16 : i32
          %mul3A_504 = arith.muli %scan3A_495, %mul3A_503 : i32
          %get3A_505 = arith.index_cast %add3A_502 : i32 to index
          %get3A_506 = arith.index_cast %mul3A_504 : i32 to index
          %get3A_507 = tpu.vector_load %arg6[%get3A_505, %get3A_506] {strides = array<i32>} : memref<8x4096xf32, #tpu.memory_space<vmem>>, vector<16xf32>,
          %ge3A_508 = arith.cmpf oge, %get3A_500, %broadcast_in_dim3A_66 : vector<16xf32>
          %ge3A_509 = arith.cmpf oge, %get3A_507, %broadcast_in_dim3A_69 : vector<16xf32>
          %swap3A_510 = arith.index_cast %add3A_490 : i32 to index
          %swap3A_511 = tpu.vector_load %arg7[%swap3A_510] masked %ge3A_508 {strides = array<i32>} : memref<4112xf32, #tpu.memory_space<vmem>>, vector<16xf32>, vector<16xi1>
          tpu.vector_store %arg7[%swap3A_510], %get3A_500 masked %ge3A_508 {strides = array<i32>} : memref<4112xf32, #tpu.memory_space<vmem>>, vector<16xf32>, vector<16xi1>
          %swap3A_512 = arith.index_cast %add3A_493 : i32 to index
          %swap3A_513 = tpu.vector_load %arg8[%swap3A_512] masked %ge3A_509 {strides = array<i32>} : memref<4112xf32, #tpu.memory_space<vmem>>, vector<16xf32>, vector<16xi1>
          tpu.vector_store %arg8[%swap3A_512], %get3A_507 masked %ge3A_509 {strides = array<i32>} : memref<4112xf32, #tpu.memory_space<vmem>>, vector<16xf32>, vector<16xi1>
          %all_reduce_population_count3A_514 = tpu.all_reduce %ge3A_508 {dim = 0 : i64, kind = #tpu.reduction_kind<sum>} : vector<16xi1> -> vector<16xi32>
          %all_reduce_population_count3A_515 = tpu.all_reduce %ge3A_509 {dim = 0 : i64, kind = #tpu.reduction_kind<sum>} : vector<16xi1> -> vector<16xi32>
          %slice3A_516 = vector.extract_strided_slice %all_reduce_population_count3A_514 {offsets = [0], sizes = [1], strides = [1]} : vector<16xi32> to vector<1xi32>
          %squeeze3A_517 = vector.extract %slice3A_516[0] : i32 from vector<1xi32>
          %add3A_518 = arith.addi %add3A_490, %squeeze3A_517 : i32
          %slice3A_519 = vector.extract_strided_slice %all_reduce_population_count3A_515 {offsets = [0], sizes = [1], strides = [1]} : vector<16xi32> to vector<1xi32>
          %squeeze3A_520 = vector.extract %slice3A_519[0] : i32 from vector<1xi32>
          %add3A_521 = arith.addi %add3A_493, %squeeze3A_520 : i32
          %scan3A_522 = arith.constant 11 : i32
          %scan3A_523 = arith.addi %scan3A_215, %scan3A_522 : i32
          %mul3A_524 = arith.constant 16 : i32
          %mul3A_525 = arith.muli %scan3A_523, %mul3A_524 : i32
          %get3A_526 = arith.index_cast %mul3A_64 : i32 to index
          %get3A_527 = arith.index_cast %mul3A_525 : i32 to index
          %get3A_528 = tpu.vector_load %arg6[%get3A_526, %get3A_527] {strides = array<i32>} : memref<8x4096xf32, #tpu.memory_space<vmem>>, vector<16xf32>,
          %add3A_529 = arith.constant 1 : i32
          %add3A_530 = arith.addi %mul3A_64, %add3A_529 : i32
          %mul3A_531 = arith.constant 16 : i32
          %mul3A_532 = arith.muli %scan3A_523, %mul3A_531 : i32
          %get3A_533 = arith.index_cast %add3A_530 : i32 to index
          %get3A_534 = arith.index_cast %mul3A_532 : i32 to index
          %get3A_535 = tpu.vector_load %arg6[%get3A_533, %get3A_534] {strides = array<i32>} : memref<8x4096xf32, #tpu.memory_space<vmem>>, vector<16xf32>,
          %ge3A_536 = arith.cmpf oge, %get3A_528, %broadcast_in_dim3A_66 : vector<16xf32>
          %ge3A_537 = arith.cmpf oge, %get3A_535, %broadcast_in_dim3A_69 : vector<16xf32>
          %swap3A_538 = arith.index_cast %add3A_518 : i32 to index
          %swap3A_539 = tpu.vector_load %arg7[%swap3A_538] masked %ge3A_536 {strides = array<i32>} : memref<4112xf32, #tpu.memory_space<vmem>>, vector<16xf32>, vector<16xi1>
          tpu.vector_store %arg7[%swap3A_538], %get3A_528 masked %ge3A_536 {strides = array<i32>} : memref<4112xf32, #tpu.memory_space<vmem>>, vector<16xf32>, vector<16xi1>
          %swap3A_540 = arith.index_cast %add3A_521 : i32 to index
          %swap3A_541 = tpu.vector_load %arg8[%swap3A_540] masked %ge3A_537 {strides = array<i32>} : memref<4112xf32, #tpu.memory_space<vmem>>, vector<16xf32>, vector<16xi1>
          tpu.vector_store %arg8[%swap3A_540], %get3A_535 masked %ge3A_537 {strides = array<i32>} : memref<4112xf32, #tpu.memory_space<vmem>>, vector<16xf32>, vector<16xi1>
          %all_reduce_population_count3A_542 = tpu.all_reduce %ge3A_536 {dim = 0 : i64, kind = #tpu.reduction_kind<sum>} : vector<16xi1> -> vector<16xi32>
          %all_reduce_population_count3A_543 = tpu.all_reduce %ge3A_537 {dim = 0 : i64, kind = #tpu.reduction_kind<sum>} : vector<16xi1> -> vector<16xi32>
          %slice3A_544 = vector.extract_strided_slice %all_reduce_population_count3A_542 {offsets = [0], sizes = [1], strides = [1]} : vector<16xi32> to vector<1xi32>
          %squeeze3A_545 = vector.extract %slice3A_544[0] : i32 from vector<1xi32>
          %add3A_546 = arith.addi %add3A_518, %squeeze3A_545 : i32
          %slice3A_547 = vector.extract_strided_slice %all_reduce_population_count3A_543 {offsets = [0], sizes = [1], strides = [1]} : vector<16xi32> to vector<1xi32>
          %squeeze3A_548 = vector.extract %slice3A_547[0] : i32 from vector<1xi32>
          %add3A_549 = arith.addi %add3A_521, %squeeze3A_548 : i32
          %scan3A_550 = arith.constant 12 : i32
          %scan3A_551 = arith.addi %scan3A_215, %scan3A_550 : i32
          %mul3A_552 = arith.constant 16 : i32
          %mul3A_553 = arith.muli %scan3A_551, %mul3A_552 : i32
          %get3A_554 = arith.index_cast %mul3A_64 : i32 to index
          %get3A_555 = arith.index_cast %mul3A_553 : i32 to index
          %get3A_556 = tpu.vector_load %arg6[%get3A_554, %get3A_555] {strides = array<i32>} : memref<8x4096xf32, #tpu.memory_space<vmem>>, vector<16xf32>,
          %add3A_557 = arith.constant 1 : i32
          %add3A_558 = arith.addi %mul3A_64, %add3A_557 : i32
          %mul3A_559 = arith.constant 16 : i32
          %mul3A_560 = arith.muli %scan3A_551, %mul3A_559 : i32
          %get3A_561 = arith.index_cast %add3A_558 : i32 to index
          %get3A_562 = arith.index_cast %mul3A_560 : i32 to index
          %get3A_563 = tpu.vector_load %arg6[%get3A_561, %get3A_562] {strides = array<i32>} : memref<8x4096xf32, #tpu.memory_space<vmem>>, vector<16xf32>,
          %ge3A_564 = arith.cmpf oge, %get3A_556, %broadcast_in_dim3A_66 : vector<16xf32>
          %ge3A_565 = arith.cmpf oge, %get3A_563, %broadcast_in_dim3A_69 : vector<16xf32>
          %swap3A_566 = arith.index_cast %add3A_546 : i32 to index
          %swap3A_567 = tpu.vector_load %arg7[%swap3A_566] masked %ge3A_564 {strides = array<i32>} : memref<4112xf32, #tpu.memory_space<vmem>>, vector<16xf32>, vector<16xi1>
          tpu.vector_store %arg7[%swap3A_566], %get3A_556 masked %ge3A_564 {strides = array<i32>} : memref<4112xf32, #tpu.memory_space<vmem>>, vector<16xf32>, vector<16xi1>
          %swap3A_568 = arith.index_cast %add3A_549 : i32 to index
          %swap3A_569 = tpu.vector_load %arg8[%swap3A_568] masked %ge3A_565 {strides = array<i32>} : memref<4112xf32, #tpu.memory_space<vmem>>, vector<16xf32>, vector<16xi1>
          tpu.vector_store %arg8[%swap3A_568], %get3A_563 masked %ge3A_565 {strides = array<i32>} : memref<4112xf32, #tpu.memory_space<vmem>>, vector<16xf32>, vector<16xi1>
          %all_reduce_population_count3A_570 = tpu.all_reduce %ge3A_564 {dim = 0 : i64, kind = #tpu.reduction_kind<sum>} : vector<16xi1> -> vector<16xi32>
          %all_reduce_population_count3A_571 = tpu.all_reduce %ge3A_565 {dim = 0 : i64, kind = #tpu.reduction_kind<sum>} : vector<16xi1> -> vector<16xi32>
          %slice3A_572 = vector.extract_strided_slice %all_reduce_population_count3A_570 {offsets = [0], sizes = [1], strides = [1]} : vector<16xi32> to vector<1xi32>
          %squeeze3A_573 = vector.extract %slice3A_572[0] : i32 from vector<1xi32>
          %add3A_574 = arith.addi %add3A_546, %squeeze3A_573 : i32
          %slice3A_575 = vector.extract_strided_slice %all_reduce_population_count3A_571 {offsets = [0], sizes = [1], strides = [1]} : vector<16xi32> to vector<1xi32>
          %squeeze3A_576 = vector.extract %slice3A_575[0] : i32 from vector<1xi32>
          %add3A_577 = arith.addi %add3A_549, %squeeze3A_576 : i32
          %scan3A_578 = arith.constant 13 : i32
          %scan3A_579 = arith.addi %scan3A_215, %scan3A_578 : i32
          %mul3A_580 = arith.constant 16 : i32
          %mul3A_581 = arith.muli %scan3A_579, %mul3A_580 : i32
          %get3A_582 = arith.index_cast %mul3A_64 : i32 to index
          %get3A_583 = arith.index_cast %mul3A_581 : i32 to index
          %get3A_584 = tpu.vector_load %arg6[%get3A_582, %get3A_583] {strides = array<i32>} : memref<8x4096xf32, #tpu.memory_space<vmem>>, vector<16xf32>,
          %add3A_585 = arith.constant 1 : i32
          %add3A_586 = arith.addi %mul3A_64, %add3A_585 : i32
          %mul3A_587 = arith.constant 16 : i32
          %mul3A_588 = arith.muli %scan3A_579, %mul3A_587 : i32
          %get3A_589 = arith.index_cast %add3A_586 : i32 to index
          %get3A_590 = arith.index_cast %mul3A_588 : i32 to index
          %get3A_591 = tpu.vector_load %arg6[%get3A_589, %get3A_590] {strides = array<i32>} : memref<8x4096xf32, #tpu.memory_space<vmem>>, vector<16xf32>,
          %ge3A_592 = arith.cmpf oge, %get3A_584, %broadcast_in_dim3A_66 : vector<16xf32>
          %ge3A_593 = arith.cmpf oge, %get3A_591, %broadcast_in_dim3A_69 : vector<16xf32>
          %swap3A_594 = arith.index_cast %add3A_574 : i32 to index
          %swap3A_595 = tpu.vector_load %arg7[%swap3A_594] masked %ge3A_592 {strides = array<i32>} : memref<4112xf32, #tpu.memory_space<vmem>>, vector<16xf32>, vector<16xi1>
          tpu.vector_store %arg7[%swap3A_594], %get3A_584 masked %ge3A_592 {strides = array<i32>} : memref<4112xf32, #tpu.memory_space<vmem>>, vector<16xf32>, vector<16xi1>
          %swap3A_596 = arith.index_cast %add3A_577 : i32 to index
          %swap3A_597 = tpu.vector_load %arg8[%swap3A_596] masked %ge3A_593 {strides = array<i32>} : memref<4112xf32, #tpu.memory_space<vmem>>, vector<16xf32>, vector<16xi1>
          tpu.vector_store %arg8[%swap3A_596], %get3A_591 masked %ge3A_593 {strides = array<i32>} : memref<4112xf32, #tpu.memory_space<vmem>>, vector<16xf32>, vector<16xi1>
          %all_reduce_population_count3A_598 = tpu.all_reduce %ge3A_592 {dim = 0 : i64, kind = #tpu.reduction_kind<sum>} : vector<16xi1> -> vector<16xi32>
          %all_reduce_population_count3A_599 = tpu.all_reduce %ge3A_593 {dim = 0 : i64, kind = #tpu.reduction_kind<sum>} : vector<16xi1> -> vector<16xi32>
          %slice3A_600 = vector.extract_strided_slice %all_reduce_population_count3A_598 {offsets = [0], sizes = [1], strides = [1]} : vector<16xi32> to vector<1xi32>
          %squeeze3A_601 = vector.extract %slice3A_600[0] : i32 from vector<1xi32>
          %add3A_602 = arith.addi %add3A_574, %squeeze3A_601 : i32
          %slice3A_603 = vector.extract_strided_slice %all_reduce_population_count3A_599 {offsets = [0], sizes = [1], strides = [1]} : vector<16xi32> to vector<1xi32>
          %squeeze3A_604 = vector.extract %slice3A_603[0] : i32 from vector<1xi32>
          %add3A_605 = arith.addi %add3A_577, %squeeze3A_604 : i32
          %scan3A_606 = arith.constant 14 : i32
          %scan3A_607 = arith.addi %scan3A_215, %scan3A_606 : i32
          %mul3A_608 = arith.constant 16 : i32
          %mul3A_609 = arith.muli %scan3A_607, %mul3A_608 : i32
          %get3A_610 = arith.index_cast %mul3A_64 : i32 to index
          %get3A_611 = arith.index_cast %mul3A_609 : i32 to index
          %get3A_612 = tpu.vector_load %arg6[%get3A_610, %get3A_611] {strides = array<i32>} : memref<8x4096xf32, #tpu.memory_space<vmem>>, vector<16xf32>,
          %add3A_613 = arith.constant 1 : i32
          %add3A_614 = arith.addi %mul3A_64, %add3A_613 : i32
          %mul3A_615 = arith.constant 16 : i32
          %mul3A_616 = arith.muli %scan3A_607, %mul3A_615 : i32
          %get3A_617 = arith.index_cast %add3A_614 : i32 to index
          %get3A_618 = arith.index_cast %mul3A_616 : i32 to index
          %get3A_619 = tpu.vector_load %arg6[%get3A_617, %get3A_618] {strides = array<i32>} : memref<8x4096xf32, #tpu.memory_space<vmem>>, vector<16xf32>,
          %ge3A_620 = arith.cmpf oge, %get3A_612, %broadcast_in_dim3A_66 : vector<16xf32>
          %ge3A_621 = arith.cmpf oge, %get3A_619, %broadcast_in_dim3A_69 : vector<16xf32>
          %swap3A_622 = arith.index_cast %add3A_602 : i32 to index
          %swap3A_623 = tpu.vector_load %arg7[%swap3A_622] masked %ge3A_620 {strides = array<i32>} : memref<4112xf32, #tpu.memory_space<vmem>>, vector<16xf32>, vector<16xi1>
          tpu.vector_store %arg7[%swap3A_622], %get3A_612 masked %ge3A_620 {strides = array<i32>} : memref<4112xf32, #tpu.memory_space<vmem>>, vector<16xf32>, vector<16xi1>
          %swap3A_624 = arith.index_cast %add3A_605 : i32 to index
          %swap3A_625 = tpu.vector_load %arg8[%swap3A_624] masked %ge3A_621 {strides = array<i32>} : memref<4112xf32, #tpu.memory_space<vmem>>, vector<16xf32>, vector<16xi1>
          tpu.vector_store %arg8[%swap3A_624], %get3A_619 masked %ge3A_621 {strides = array<i32>} : memref<4112xf32, #tpu.memory_space<vmem>>, vector<16xf32>, vector<16xi1>
          %all_reduce_population_count3A_626 = tpu.all_reduce %ge3A_620 {dim = 0 : i64, kind = #tpu.reduction_kind<sum>} : vector<16xi1> -> vector<16xi32>
          %all_reduce_population_count3A_627 = tpu.all_reduce %ge3A_621 {dim = 0 : i64, kind = #tpu.reduction_kind<sum>} : vector<16xi1> -> vector<16xi32>
          %slice3A_628 = vector.extract_strided_slice %all_reduce_population_count3A_626 {offsets = [0], sizes = [1], strides = [1]} : vector<16xi32> to vector<1xi32>
          %squeeze3A_629 = vector.extract %slice3A_628[0] : i32 from vector<1xi32>
          %add3A_630 = arith.addi %add3A_602, %squeeze3A_629 : i32
          %slice3A_631 = vector.extract_strided_slice %all_reduce_population_count3A_627 {offsets = [0], sizes = [1], strides = [1]} : vector<16xi32> to vector<1xi32>
          %squeeze3A_632 = vector.extract %slice3A_631[0] : i32 from vector<1xi32>
          %add3A_633 = arith.addi %add3A_605, %squeeze3A_632 : i32
          %scan3A_634 = arith.constant 15 : i32
          %scan3A_635 = arith.addi %scan3A_215, %scan3A_634 : i32
          %mul3A_636 = arith.constant 16 : i32
          %mul3A_637 = arith.muli %scan3A_635, %mul3A_636 : i32
          %get3A_638 = arith.index_cast %mul3A_64 : i32 to index
          %get3A_639 = arith.index_cast %mul3A_637 : i32 to index
          %get3A_640 = tpu.vector_load %arg6[%get3A_638, %get3A_639] {strides = array<i32>} : memref<8x4096xf32, #tpu.memory_space<vmem>>, vector<16xf32>,
          %add3A_641 = arith.constant 1 : i32
          %add3A_642 = arith.addi %mul3A_64, %add3A_641 : i32
          %mul3A_643 = arith.constant 16 : i32
          %mul3A_644 = arith.muli %scan3A_635, %mul3A_643 : i32
          %get3A_645 = arith.index_cast %add3A_642 : i32 to index
          %get3A_646 = arith.index_cast %mul3A_644 : i32 to index
          %get3A_647 = tpu.vector_load %arg6[%get3A_645, %get3A_646] {strides = array<i32>} : memref<8x4096xf32, #tpu.memory_space<vmem>>, vector<16xf32>,
          %ge3A_648 = arith.cmpf oge, %get3A_640, %broadcast_in_dim3A_66 : vector<16xf32>
          %ge3A_649 = arith.cmpf oge, %get3A_647, %broadcast_in_dim3A_69 : vector<16xf32>
          %swap3A_650 = arith.index_cast %add3A_630 : i32 to index
          %swap3A_651 = tpu.vector_load %arg7[%swap3A_650] masked %ge3A_648 {strides = array<i32>} : memref<4112xf32, #tpu.memory_space<vmem>>, vector<16xf32>, vector<16xi1>
          tpu.vector_store %arg7[%swap3A_650], %get3A_640 masked %ge3A_648 {strides = array<i32>} : memref<4112xf32, #tpu.memory_space<vmem>>, vector<16xf32>, vector<16xi1>
          %swap3A_652 = arith.index_cast %add3A_633 : i32 to index
          %swap3A_653 = tpu.vector_load %arg8[%swap3A_652] masked %ge3A_649 {strides = array<i32>} : memref<4112xf32, #tpu.memory_space<vmem>>, vector<16xf32>, vector<16xi1>
          tpu.vector_store %arg8[%swap3A_652], %get3A_647 masked %ge3A_649 {strides = array<i32>} : memref<4112xf32, #tpu.memory_space<vmem>>, vector<16xf32>, vector<16xi1>
          %all_reduce_population_count3A_654 = tpu.all_reduce %ge3A_648 {dim = 0 : i64, kind = #tpu.reduction_kind<sum>} : vector<16xi1> -> vector<16xi32>
          %all_reduce_population_count3A_655 = tpu.all_reduce %ge3A_649 {dim = 0 : i64, kind = #tpu.reduction_kind<sum>} : vector<16xi1> -> vector<16xi32>
          %slice3A_656 = vector.extract_strided_slice %all_reduce_population_count3A_654 {offsets = [0], sizes = [1], strides = [1]} : vector<16xi32> to vector<1xi32>
          %squeeze3A_657 = vector.extract %slice3A_656[0] : i32 from vector<1xi32>
          %add3A_658 = arith.addi %add3A_630, %squeeze3A_657 : i32
          %slice3A_659 = vector.extract_strided_slice %all_reduce_population_count3A_655 {offsets = [0], sizes = [1], strides = [1]} : vector<16xi32> to vector<1xi32>
          %squeeze3A_660 = vector.extract %slice3A_659[0] : i32 from vector<1xi32>
          %add3A_661 = arith.addi %add3A_633, %squeeze3A_660 : i32
          scf.yield %add3A_658, %add3A_661 : i32, i32
        }
        %scan3A_108 = arith.constant 256 : i32
        %get3A_109 = arith.constant 0 : index
        %get3A_110 = tpu.vector_load %arg7[%get3A_109] {strides = array<i32>} : memref<4112xf32, #tpu.memory_space<vmem>>, vector<16xf32>,
        %swap3A_111 = arith.index_cast %add3A_62 : i32 to index
        %swap3A_112 = arith.constant 0 : index
        %swap3A_113 = tpu.vector_load %arg10[%swap3A_111, %swap3A_112] {strides = array<i32>} : memref<128x128xf32, #tpu.memory_space<vmem>>, vector<16xf32>,
        tpu.vector_store %arg10[%swap3A_111, %swap3A_112], %get3A_110 {strides = array<i32>} : memref<128x128xf32, #tpu.memory_space<vmem>>, vector<16xf32>,
        %get3A_114 = arith.constant 0 : index
        %get3A_115 = tpu.vector_load %arg8[%get3A_114] {strides = array<i32>} : memref<4112xf32, #tpu.memory_space<vmem>>, vector<16xf32>,
        %add3A_116 = arith.constant 1 : i32
        %add3A_117 = arith.addi %add3A_62, %add3A_116 : i32
        %swap3A_118 = arith.index_cast %add3A_117 : i32 to index
        %swap3A_119 = arith.constant 0 : index
        %swap3A_120 = tpu.vector_load %arg10[%swap3A_118, %swap3A_119] {strides = array<i32>} : memref<128x128xf32, #tpu.memory_space<vmem>>, vector<16xf32>,
        tpu.vector_store %arg10[%swap3A_118, %swap3A_119], %get3A_115 {strides = array<i32>} : memref<128x128xf32, #tpu.memory_space<vmem>>, vector<16xf32>,
        %get3A_121 = arith.constant 16 : index
        %get3A_122 = tpu.vector_load %arg7[%get3A_121] {strides = array<i32>} : memref<4112xf32, #tpu.memory_space<vmem>>, vector<16xf32>,
        %swap3A_123 = arith.index_cast %add3A_62 : i32 to index
        %swap3A_124 = arith.constant 16 : index
        %swap3A_125 = tpu.vector_load %arg10[%swap3A_123, %swap3A_124] {strides = array<i32>} : memref<128x128xf32, #tpu.memory_space<vmem>>, vector<16xf32>,
        tpu.vector_store %arg10[%swap3A_123, %swap3A_124], %get3A_122 {strides = array<i32>} : memref<128x128xf32, #tpu.memory_space<vmem>>, vector<16xf32>,
        %get3A_126 = arith.constant 16 : index
        %get3A_127 = tpu.vector_load %arg8[%get3A_126] {strides = array<i32>} : memref<4112xf32, #tpu.memory_space<vmem>>, vector<16xf32>,
        %add3A_128 = arith.constant 1 : i32
        %add3A_129 = arith.addi %add3A_62, %add3A_128 : i32
        %swap3A_130 = arith.index_cast %add3A_129 : i32 to index
        %swap3A_131 = arith.constant 16 : index
        %swap3A_132 = tpu.vector_load %arg10[%swap3A_130, %swap3A_131] {strides = array<i32>} : memref<128x128xf32, #tpu.memory_space<vmem>>, vector<16xf32>,
        tpu.vector_store %arg10[%swap3A_130, %swap3A_131], %get3A_127 {strides = array<i32>} : memref<128x128xf32, #tpu.memory_space<vmem>>, vector<16xf32>,
        %get3A_133 = arith.constant 32 : index
        %get3A_134 = tpu.vector_load %arg7[%get3A_133] {strides = array<i32>} : memref<4112xf32, #tpu.memory_space<vmem>>, vector<16xf32>,
        %swap3A_135 = arith.index_cast %add3A_62 : i32 to index
        %swap3A_136 = arith.constant 32 : index
        %swap3A_137 = tpu.vector_load %arg10[%swap3A_135, %swap3A_136] {strides = array<i32>} : memref<128x128xf32, #tpu.memory_space<vmem>>, vector<16xf32>,
        tpu.vector_store %arg10[%swap3A_135, %swap3A_136], %get3A_134 {strides = array<i32>} : memref<128x128xf32, #tpu.memory_space<vmem>>, vector<16xf32>,
        %get3A_138 = arith.constant 32 : index
        %get3A_139 = tpu.vector_load %arg8[%get3A_138] {strides = array<i32>} : memref<4112xf32, #tpu.memory_space<vmem>>, vector<16xf32>,
        %add3A_140 = arith.constant 1 : i32
        %add3A_141 = arith.addi %add3A_62, %add3A_140 : i32
        %swap3A_142 = arith.index_cast %add3A_141 : i32 to index
        %swap3A_143 = arith.constant 32 : index
        %swap3A_144 = tpu.vector_load %arg10[%swap3A_142, %swap3A_143] {strides = array<i32>} : memref<128x128xf32, #tpu.memory_space<vmem>>, vector<16xf32>,
        tpu.vector_store %arg10[%swap3A_142, %swap3A_143], %get3A_139 {strides = array<i32>} : memref<128x128xf32, #tpu.memory_space<vmem>>, vector<16xf32>,
        %get3A_145 = arith.constant 48 : index
        %get3A_146 = tpu.vector_load %arg7[%get3A_145] {strides = array<i32>} : memref<4112xf32, #tpu.memory_space<vmem>>, vector<16xf32>,
        %swap3A_147 = arith.index_cast %add3A_62 : i32 to index
        %swap3A_148 = arith.constant 48 : index
        %swap3A_149 = tpu.vector_load %arg10[%swap3A_147, %swap3A_148] {strides = array<i32>} : memref<128x128xf32, #tpu.memory_space<vmem>>, vector<16xf32>,
        tpu.vector_store %arg10[%swap3A_147, %swap3A_148], %get3A_146 {strides = array<i32>} : memref<128x128xf32, #tpu.memory_space<vmem>>, vector<16xf32>,
        %get3A_150 = arith.constant 48 : index
        %get3A_151 = tpu.vector_load %arg8[%get3A_150] {strides = array<i32>} : memref<4112xf32, #tpu.memory_space<vmem>>, vector<16xf32>,
        %add3A_152 = arith.constant 1 : i32
        %add3A_153 = arith.addi %add3A_62, %add3A_152 : i32
        %swap3A_154 = arith.index_cast %add3A_153 : i32 to index
        %swap3A_155 = arith.constant 48 : index
        %swap3A_156 = tpu.vector_load %arg10[%swap3A_154, %swap3A_155] {strides = array<i32>} : memref<128x128xf32, #tpu.memory_space<vmem>>, vector<16xf32>,
        tpu.vector_store %arg10[%swap3A_154, %swap3A_155], %get3A_151 {strides = array<i32>} : memref<128x128xf32, #tpu.memory_space<vmem>>, vector<16xf32>,
        %get3A_157 = arith.constant 64 : index
        %get3A_158 = tpu.vector_load %arg7[%get3A_157] {strides = array<i32>} : memref<4112xf32, #tpu.memory_space<vmem>>, vector<16xf32>,
        %swap3A_159 = arith.index_cast %add3A_62 : i32 to index
        %swap3A_160 = arith.constant 64 : index
        %swap3A_161 = tpu.vector_load %arg10[%swap3A_159, %swap3A_160] {strides = array<i32>} : memref<128x128xf32, #tpu.memory_space<vmem>>, vector<16xf32>,
        tpu.vector_store %arg10[%swap3A_159, %swap3A_160], %get3A_158 {strides = array<i32>} : memref<128x128xf32, #tpu.memory_space<vmem>>, vector<16xf32>,
        %get3A_162 = arith.constant 64 : index
        %get3A_163 = tpu.vector_load %arg8[%get3A_162] {strides = array<i32>} : memref<4112xf32, #tpu.memory_space<vmem>>, vector<16xf32>,
        %add3A_164 = arith.constant 1 : i32
        %add3A_165 = arith.addi %add3A_62, %add3A_164 : i32
        %swap3A_166 = arith.index_cast %add3A_165 : i32 to index
        %swap3A_167 = arith.constant 64 : index
        %swap3A_168 = tpu.vector_load %arg10[%swap3A_166, %swap3A_167] {strides = array<i32>} : memref<128x128xf32, #tpu.memory_space<vmem>>, vector<16xf32>,
        tpu.vector_store %arg10[%swap3A_166, %swap3A_167], %get3A_163 {strides = array<i32>} : memref<128x128xf32, #tpu.memory_space<vmem>>, vector<16xf32>,
        %get3A_169 = arith.constant 80 : index
        %get3A_170 = tpu.vector_load %arg7[%get3A_169] {strides = array<i32>} : memref<4112xf32, #tpu.memory_space<vmem>>, vector<16xf32>,
        %swap3A_171 = arith.index_cast %add3A_62 : i32 to index
        %swap3A_172 = arith.constant 80 : index
        %swap3A_173 = tpu.vector_load %arg10[%swap3A_171, %swap3A_172] {strides = array<i32>} : memref<128x128xf32, #tpu.memory_space<vmem>>, vector<16xf32>,
        tpu.vector_store %arg10[%swap3A_171, %swap3A_172], %get3A_170 {strides = array<i32>} : memref<128x128xf32, #tpu.memory_space<vmem>>, vector<16xf32>,
        %get3A_174 = arith.constant 80 : index
        %get3A_175 = tpu.vector_load %arg8[%get3A_174] {strides = array<i32>} : memref<4112xf32, #tpu.memory_space<vmem>>, vector<16xf32>,
        %add3A_176 = arith.constant 1 : i32
        %add3A_177 = arith.addi %add3A_62, %add3A_176 : i32
        %swap3A_178 = arith.index_cast %add3A_177 : i32 to index
        %swap3A_179 = arith.constant 80 : index
        %swap3A_180 = tpu.vector_load %arg10[%swap3A_178, %swap3A_179] {strides = array<i32>} : memref<128x128xf32, #tpu.memory_space<vmem>>, vector<16xf32>,
        tpu.vector_store %arg10[%swap3A_178, %swap3A_179], %get3A_175 {strides = array<i32>} : memref<128x128xf32, #tpu.memory_space<vmem>>, vector<16xf32>,
        %get3A_181 = arith.constant 96 : index
        %get3A_182 = tpu.vector_load %arg7[%get3A_181] {strides = array<i32>} : memref<4112xf32, #tpu.memory_space<vmem>>, vector<16xf32>,
        %swap3A_183 = arith.index_cast %add3A_62 : i32 to index
        %swap3A_184 = arith.constant 96 : index
        %swap3A_185 = tpu.vector_load %arg10[%swap3A_183, %swap3A_184] {strides = array<i32>} : memref<128x128xf32, #tpu.memory_space<vmem>>, vector<16xf32>,
        tpu.vector_store %arg10[%swap3A_183, %swap3A_184], %get3A_182 {strides = array<i32>} : memref<128x128xf32, #tpu.memory_space<vmem>>, vector<16xf32>,
        %get3A_186 = arith.constant 96 : index
        %get3A_187 = tpu.vector_load %arg8[%get3A_186] {strides = array<i32>} : memref<4112xf32, #tpu.memory_space<vmem>>, vector<16xf32>,
        %add3A_188 = arith.constant 1 : i32
        %add3A_189 = arith.addi %add3A_62, %add3A_188 : i32
        %swap3A_190 = arith.index_cast %add3A_189 : i32 to index
        %swap3A_191 = arith.constant 96 : index
        %swap3A_192 = tpu.vector_load %arg10[%swap3A_190, %swap3A_191] {strides = array<i32>} : memref<128x128xf32, #tpu.memory_space<vmem>>, vector<16xf32>,
        tpu.vector_store %arg10[%swap3A_190, %swap3A_191], %get3A_187 {strides = array<i32>} : memref<128x128xf32, #tpu.memory_space<vmem>>, vector<16xf32>,
        %get3A_193 = arith.constant 112 : index
        %get3A_194 = tpu.vector_load %arg7[%get3A_193] {strides = array<i32>} : memref<4112xf32, #tpu.memory_space<vmem>>, vector<16xf32>,
        %swap3A_195 = arith.index_cast %add3A_62 : i32 to index
        %swap3A_196 = arith.constant 112 : index
        %swap3A_197 = tpu.vector_load %arg10[%swap3A_195, %swap3A_196] {strides = array<i32>} : memref<128x128xf32, #tpu.memory_space<vmem>>, vector<16xf32>,
        tpu.vector_store %arg10[%swap3A_195, %swap3A_196], %get3A_194 {strides = array<i32>} : memref<128x128xf32, #tpu.memory_space<vmem>>, vector<16xf32>,
        %get3A_198 = arith.constant 112 : index
        %get3A_199 = tpu.vector_load %arg8[%get3A_198] {strides = array<i32>} : memref<4112xf32, #tpu.memory_space<vmem>>, vector<16xf32>,
        %add3A_200 = arith.constant 1 : i32
        %add3A_201 = arith.addi %add3A_62, %add3A_200 : i32
        %swap3A_202 = arith.index_cast %add3A_201 : i32 to index
        %swap3A_203 = arith.constant 112 : index
        %swap3A_204 = tpu.vector_load %arg10[%swap3A_202, %swap3A_203] {strides = array<i32>} : memref<128x128xf32, #tpu.memory_space<vmem>>, vector<16xf32>,
        tpu.vector_store %arg10[%swap3A_202, %swap3A_203], %get3A_199 {strides = array<i32>} : memref<128x128xf32, #tpu.memory_space<vmem>>, vector<16xf32>,
        %gt3A = arith.constant 128 : i32
        %gt3A_205 = arith.cmpi sgt, %scan3A_107#0, %gt3A : i32
        %convert_element_type3A_206 = arith.extui %gt3A_205 : i1 to i32
        %cond3A_207 = arith.constant 0 : i32
        %cond3A_208 = arith.cmpi ne, %convert_element_type3A_206, %cond3A_207 : i32
        scf.if %cond3A_208 {
          %swap3A_215 = arith.index_cast %scan3A_107#0 : i32 to index
          %swap3A_216 = tpu.vector_load %arg7[%swap3A_215] {strides = array<i32>} : memref<4112xf32, #tpu.memory_space<vmem>>, vector<16xf32>,
          tpu.vector_store %arg7[%swap3A_215], %broadcast_in_dim3A_3 {strides = array<i32>} : memref<4112xf32, #tpu.memory_space<vmem>>, vector<16xf32>,
          %add3A_217 = arith.constant 15 : i32
          %add3A_218 = arith.addi %scan3A_107#0, %add3A_217 : i32
          %jit3A = arith.constant 16 : i32
          %div3A = arith.divsi %add3A_218, %jit3A : i32
          %sign3A = arith.constant 0 : i32
          %sign3A_219 = arith.cmpi sgt, %add3A_218, %sign3A : i32
          %sign3A_220 = arith.extui %sign3A_219 : i1 to i32
          %sign3A_221 = arith.constant 0 : i32
          %sign3A_222 = arith.cmpi slt, %add3A_218, %sign3A_221 : i32
          %sign3A_223 = arith.extui %sign3A_222 : i1 to i32
          %sign3A_224 = arith.subi %sign3A_220, %sign3A_223 : i32
          %sign3A_225 = arith.constant 0 : i32
          %sign3A_226 = arith.cmpi sgt, %jit3A, %sign3A_225 : i32
          %sign3A_227 = arith.extui %sign3A_226 : i1 to i32
          %sign3A_228 = arith.constant 0 : i32
          %sign3A_229 = arith.cmpi slt, %jit3A, %sign3A_228 : i32
          %sign3A_230 = arith.extui %sign3A_229 : i1 to i32
          %sign3A_231 = arith.subi %sign3A_227, %sign3A_230 : i32
          %ne3A = arith.cmpi ne, %sign3A_224, %sign3A_231 : i32
          %rem3A = arith.remsi %add3A_218, %jit3A : i32
          %ne3A_232 = arith.constant 0 : i32
          %ne3A_233 = arith.cmpi ne, %rem3A, %ne3A_232 : i32
          %and3A = arith.andi %ne3A, %ne3A_233 : i1
          %sub3A = arith.constant 1 : i32
          %sub3A_234 = arith.subi %div3A, %sub3A : i32
          %select_n3A = arith.select %and3A, %sub3A_234, %div3A : i32
          %get3A_235 = arith.constant 0 : index
          %get3A_236 = tpu.vector_load %arg7[%get3A_235] {strides = array<i32>} : memref<4112xf32, #tpu.memory_space<vmem>>, vector<16xf32>,
          %sort3A = arith.constant dense<true> : vector<16xi1>
          %sort3A_237, %sort3A_238, %sort3A_239 = tpu.sort %get3A_236, %get3A_236 masked %sort3A : (vector<16xf32>, vector<16xf32>, vector<16xi1>) -> (vector<16xi1>, vector<16xf32>, vector<16xf32>)
          %get3A_240 = arith.constant 16 : index
          %get3A_241 = tpu.vector_load %arg7[%get3A_240] {strides = array<i32>} : memref<4112xf32, #tpu.memory_space<vmem>>, vector<16xf32>,
          %sort3A_242 = arith.constant dense<true> : vector<16xi1>
          %sort3A_243, %sort3A_244, %sort3A_245 = tpu.sort %get3A_241, %get3A_241 masked %sort3A_242 : (vector<16xf32>, vector<16xf32>, vector<16xi1>) -> (vector<16xi1>, vector<16xf32>, vector<16xf32>)
          %rev3A = arith.constant 15 : i32
          %rev3A_246 = vector.broadcast %rev3A : i32 to vector<16xi32>
          %rev3A_247 = tpu.iota {dimensions = array<i32: 0>} : vector<16xi32>
          %rev3A_248 = arith.subi %rev3A_246, %rev3A_247 : vector<16xi32>
          %rev3A_249 = tpu.dynamic_gather %sort3A_244[%rev3A_248] in [0] : vector<16xf32>, vector<16xi32> -> vector<16xf32>
          %min3A = arith.minimumf %sort3A_238, %rev3A_249 : vector<16xf32>
          %max3A = arith.maximumf %sort3A_238, %rev3A_249 : vector<16xf32>
          %sort3A_250 = arith.constant dense<true> : vector<16xi1>
          %sort3A_251, %sort3A_252, %sort3A_253 = tpu.sort %max3A, %max3A masked %sort3A_250 : (vector<16xf32>, vector<16xf32>, vector<16xi1>) -> (vector<16xi1>, vector<16xf32>, vector<16xf32>)
          %sort3A_254 = arith.constant dense<true> : vector<16xi1>
          %sort3A_255, %sort3A_256, %sort3A_257 = tpu.sort %min3A, %min3A masked %sort3A_254 : (vector<16xf32>, vector<16xf32>, vector<16xi1>) -> (vector<16xi1>, vector<16xf32>, vector<16xf32>)
          %while3A = arith.constant 2 : i32
          %while3A_258 = arith.subi %select_n3A, %while3A : i32
          %while3A_259 = arith.addi %while3A, %while3A_258 : i32
          %while3A_260 = arith.constant 1 : i32
          %while3A_261 = arith.divsi %while3A_258, %while3A_260 : i32
          %while3A_262 = arith.muli %while3A_261, %while3A_260 : i32
          %while3A_263 = arith.addi %while3A, %while3A_262 : i32
          %while3A_264 = arith.constant 1 : i32
          %while3A_265:2 = scf.for %while3A_292 = %while3A to %while3A_263 step %while3A_264 iter_args(%while3A_293 = %sort3A_252, %while3A_294 = %sort3A_256) -> (vector<16xf32>, vector<16xf32>)  : i32 {
            %mul3A_295 = arith.constant 16 : i32
            %mul3A_296 = arith.muli %while3A_292, %mul3A_295 : i32
            %get3A_297 = arith.index_cast %mul3A_296 : i32 to index
            %get3A_298 = tpu.vector_load %arg7[%get3A_297] {strides = array<i32>} : memref<4112xf32, #tpu.memory_space<vmem>>, vector<16xf32>,
            %sort3A_299 = arith.constant dense<true> : vector<16xi1>
            %sort3A_300, %sort3A_301, %sort3A_302 = tpu.sort %get3A_298, %get3A_298 masked %sort3A_299 : (vector<16xf32>, vector<16xf32>, vector<16xi1>) -> (vector<16xi1>, vector<16xf32>, vector<16xf32>)
            %rev3A_303 = arith.constant 15 : i32
            %rev3A_304 = vector.broadcast %rev3A_303 : i32 to vector<16xi32>
            %rev3A_305 = tpu.iota {dimensions = array<i32: 0>} : vector<16xi32>
            %rev3A_306 = arith.subi %rev3A_304, %rev3A_305 : vector<16xi32>
            %rev3A_307 = tpu.dynamic_gather %sort3A_301[%rev3A_306] in [0] : vector<16xf32>, vector<16xi32> -> vector<16xf32>
            %min3A_308 = arith.minimumf %while3A_293, %rev3A_307 : vector<16xf32>
            %max3A_309 = arith.maximumf %while3A_293, %rev3A_307 : vector<16xf32>
            %sort3A_310 = arith.constant dense<true> : vector<16xi1>
            %sort3A_311, %sort3A_312, %sort3A_313 = tpu.sort %max3A_309, %max3A_309 masked %sort3A_310 : (vector<16xf32>, vector<16xf32>, vector<16xi1>) -> (vector<16xi1>, vector<16xf32>, vector<16xf32>)
            %sort3A_314 = arith.constant dense<true> : vector<16xi1>
            %sort3A_315, %sort3A_316, %sort3A_317 = tpu.sort %min3A_308, %min3A_308 masked %sort3A_314 : (vector<16xf32>, vector<16xf32>, vector<16xi1>) -> (vector<16xi1>, vector<16xf32>, vector<16xf32>)
            %rev3A_318 = arith.constant 15 : i32
            %rev3A_319 = vector.broadcast %rev3A_318 : i32 to vector<16xi32>
            %rev3A_320 = tpu.iota {dimensions = array<i32: 0>} : vector<16xi32>
            %rev3A_321 = arith.subi %rev3A_319, %rev3A_320 : vector<16xi32>
            %rev3A_322 = tpu.dynamic_gather %sort3A_316[%rev3A_321] in [0] : vector<16xf32>, vector<16xi32> -> vector<16xf32>
            %min3A_323 = arith.minimumf %while3A_294, %rev3A_322 : vector<16xf32>
            %max3A_324 = arith.maximumf %while3A_294, %rev3A_322 : vector<16xf32>
            %sort3A_325 = arith.constant dense<true> : vector<16xi1>
            %sort3A_326, %sort3A_327, %sort3A_328 = tpu.sort %max3A_324, %max3A_324 masked %sort3A_325 : (vector<16xf32>, vector<16xf32>, vector<16xi1>) -> (vector<16xi1>, vector<16xf32>, vector<16xf32>)
            scf.yield %sort3A_312, %sort3A_327 : vector<16xf32>, vector<16xf32>
          }
          %while3A_266 = arith.constant 1 : i32
          %while3A_267:2 = scf.for %while3A_292 = %while3A_263 to %while3A_259 step %while3A_266 iter_args(%while3A_293 = %while3A_265#0, %while3A_294 = %while3A_265#1) -> (vector<16xf32>, vector<16xf32>)  : i32 {
            %mul3A_295 = arith.constant 16 : i32
            %mul3A_296 = arith.muli %while3A_292, %mul3A_295 : i32
            %get3A_297 = arith.index_cast %mul3A_296 : i32 to index
            %get3A_298 = tpu.vector_load %arg7[%get3A_297] {strides = array<i32>} : memref<4112xf32, #tpu.memory_space<vmem>>, vector<16xf32>,
            %sort3A_299 = arith.constant dense<true> : vector<16xi1>
            %sort3A_300, %sort3A_301, %sort3A_302 = tpu.sort %get3A_298, %get3A_298 masked %sort3A_299 : (vector<16xf32>, vector<16xf32>, vector<16xi1>) -> (vector<16xi1>, vector<16xf32>, vector<16xf32>)
            %rev3A_303 = arith.constant 15 : i32
            %rev3A_304 = vector.broadcast %rev3A_303 : i32 to vector<16xi32>
            %rev3A_305 = tpu.iota {dimensions = array<i32: 0>} : vector<16xi32>
            %rev3A_306 = arith.subi %rev3A_304, %rev3A_305 : vector<16xi32>
            %rev3A_307 = tpu.dynamic_gather %sort3A_301[%rev3A_306] in [0] : vector<16xf32>, vector<16xi32> -> vector<16xf32>
            %min3A_308 = arith.minimumf %while3A_293, %rev3A_307 : vector<16xf32>
            %max3A_309 = arith.maximumf %while3A_293, %rev3A_307 : vector<16xf32>
            %sort3A_310 = arith.constant dense<true> : vector<16xi1>
            %sort3A_311, %sort3A_312, %sort3A_313 = tpu.sort %max3A_309, %max3A_309 masked %sort3A_310 : (vector<16xf32>, vector<16xf32>, vector<16xi1>) -> (vector<16xi1>, vector<16xf32>, vector<16xf32>)
            %sort3A_314 = arith.constant dense<true> : vector<16xi1>
            %sort3A_315, %sort3A_316, %sort3A_317 = tpu.sort %min3A_308, %min3A_308 masked %sort3A_314 : (vector<16xf32>, vector<16xf32>, vector<16xi1>) -> (vector<16xi1>, vector<16xf32>, vector<16xf32>)
            %rev3A_318 = arith.constant 15 : i32
            %rev3A_319 = vector.broadcast %rev3A_318 : i32 to vector<16xi32>
            %rev3A_320 = tpu.iota {dimensions = array<i32: 0>} : vector<16xi32>
            %rev3A_321 = arith.subi %rev3A_319, %rev3A_320 : vector<16xi32>
            %rev3A_322 = tpu.dynamic_gather %sort3A_316[%rev3A_321] in [0] : vector<16xf32>, vector<16xi32> -> vector<16xf32>
            %min3A_323 = arith.minimumf %while3A_294, %rev3A_322 : vector<16xf32>
            %max3A_324 = arith.maximumf %while3A_294, %rev3A_322 : vector<16xf32>
            %sort3A_325 = arith.constant dense<true> : vector<16xi1>
            %sort3A_326, %sort3A_327, %sort3A_328 = tpu.sort %max3A_324, %max3A_324 masked %sort3A_325 : (vector<16xf32>, vector<16xf32>, vector<16xi1>) -> (vector<16xi1>, vector<16xf32>, vector<16xf32>)
            scf.yield %sort3A_312, %sort3A_327 : vector<16xf32>, vector<16xf32>
          }
          %swap3A_268 = arith.index_cast %add3A_62 : i32 to index
          %swap3A_269 = arith.constant 0 : index
          %swap3A_270 = tpu.vector_load %arg10[%swap3A_268, %swap3A_269] {strides = array<i32>} : memref<128x128xf32, #tpu.memory_space<vmem>>, vector<16xf32>,
          tpu.vector_store %arg10[%swap3A_268, %swap3A_269], %while3A_267#0 {strides = array<i32>} : memref<128x128xf32, #tpu.memory_space<vmem>>, vector<16xf32>,
          %swap3A_271 = arith.index_cast %add3A_62 : i32 to index
          %swap3A_272 = arith.constant 16 : index
          %swap3A_273 = tpu.vector_load %arg10[%swap3A_271, %swap3A_272] {strides = array<i32>} : memref<128x128xf32, #tpu.memory_space<vmem>>, vector<16xf32>,
          tpu.vector_store %arg10[%swap3A_271, %swap3A_272], %while3A_267#1 {strides = array<i32>} : memref<128x128xf32, #tpu.memory_space<vmem>>, vector<16xf32>,
          %swap3A_274 = arith.index_cast %add3A_62 : i32 to index
          %swap3A_275 = arith.constant 32 : index
          %swap3A_276 = tpu.vector_load %arg10[%swap3A_274, %swap3A_275] {strides = array<i32>} : memref<128x128xf32, #tpu.memory_space<vmem>>, vector<16xf32>,
          tpu.vector_store %arg10[%swap3A_274, %swap3A_275], %broadcast_in_dim3A_3 {strides = array<i32>} : memref<128x128xf32, #tpu.memory_space<vmem>>, vector<16xf32>,
          %swap3A_277 = arith.index_cast %add3A_62 : i32 to index
          %swap3A_278 = arith.constant 48 : index
          %swap3A_279 = tpu.vector_load %arg10[%swap3A_277, %swap3A_278] {strides = array<i32>} : memref<128x128xf32, #tpu.memory_space<vmem>>, vector<16xf32>,
          tpu.vector_store %arg10[%swap3A_277, %swap3A_278], %broadcast_in_dim3A_3 {strides = array<i32>} : memref<128x128xf32, #tpu.memory_space<vmem>>, vector<16xf32>,
          %swap3A_280 = arith.index_cast %add3A_62 : i32 to index
          %swap3A_281 = arith.constant 64 : index
          %swap3A_282 = tpu.vector_load %arg10[%swap3A_280, %swap3A_281] {strides = array<i32>} : memref<128x128xf32, #tpu.memory_space<vmem>>, vector<16xf32>,
          tpu.vector_store %arg10[%swap3A_280, %swap3A_281], %broadcast_in_dim3A_3 {strides = array<i32>} : memref<128x128xf32, #tpu.memory_space<vmem>>, vector<16xf32>,
          %swap3A_283 = arith.index_cast %add3A_62 : i32 to index
          %swap3A_284 = arith.constant 80 : index
          %swap3A_285 = tpu.vector_load %arg10[%swap3A_283, %swap3A_284] {strides = array<i32>} : memref<128x128xf32, #tpu.memory_space<vmem>>, vector<16xf32>,
          tpu.vector_store %arg10[%swap3A_283, %swap3A_284], %broadcast_in_dim3A_3 {strides = array<i32>} : memref<128x128xf32, #tpu.memory_space<vmem>>, vector<16xf32>,
          %swap3A_286 = arith.index_cast %add3A_62 : i32 to index
          %swap3A_287 = arith.constant 96 : index
          %swap3A_288 = tpu.vector_load %arg10[%swap3A_286, %swap3A_287] {strides = array<i32>} : memref<128x128xf32, #tpu.memory_space<vmem>>, vector<16xf32>,
          tpu.vector_store %arg10[%swap3A_286, %swap3A_287], %broadcast_in_dim3A_3 {strides = array<i32>} : memref<128x128xf32, #tpu.memory_space<vmem>>, vector<16xf32>,
          %swap3A_289 = arith.index_cast %add3A_62 : i32 to index
          %swap3A_290 = arith.constant 112 : index
          %swap3A_291 = tpu.vector_load %arg10[%swap3A_289, %swap3A_290] {strides = array<i32>} : memref<128x128xf32, #tpu.memory_space<vmem>>, vector<16xf32>,
          tpu.vector_store %arg10[%swap3A_289, %swap3A_290], %broadcast_in_dim3A_3 {strides = array<i32>} : memref<128x128xf32, #tpu.memory_space<vmem>>, vector<16xf32>,
        } else {
        }
        %gt3A_209 = arith.constant 128 : i32
        %gt3A_210 = arith.cmpi sgt, %scan3A_107#1, %gt3A_209 : i32
        %convert_element_type3A_211 = arith.extui %gt3A_210 : i1 to i32
        %cond3A_212 = arith.constant 0 : i32
        %cond3A_213 = arith.cmpi ne, %convert_element_type3A_211, %cond3A_212 : i32
        scf.if %cond3A_213 {
          %swap3A_215 = arith.index_cast %scan3A_107#1 : i32 to index
          %swap3A_216 = tpu.vector_load %arg8[%swap3A_215] {strides = array<i32>} : memref<4112xf32, #tpu.memory_space<vmem>>, vector<16xf32>,
          tpu.vector_store %arg8[%swap3A_215], %broadcast_in_dim3A_3 {strides = array<i32>} : memref<4112xf32, #tpu.memory_space<vmem>>, vector<16xf32>,
          %add3A_217 = arith.constant 15 : i32
          %add3A_218 = arith.addi %scan3A_107#1, %add3A_217 : i32
          %jit3A = arith.constant 16 : i32
          %div3A = arith.divsi %add3A_218, %jit3A : i32
          %sign3A = arith.constant 0 : i32
          %sign3A_219 = arith.cmpi sgt, %add3A_218, %sign3A : i32
          %sign3A_220 = arith.extui %sign3A_219 : i1 to i32
          %sign3A_221 = arith.constant 0 : i32
          %sign3A_222 = arith.cmpi slt, %add3A_218, %sign3A_221 : i32
          %sign3A_223 = arith.extui %sign3A_222 : i1 to i32
          %sign3A_224 = arith.subi %sign3A_220, %sign3A_223 : i32
          %sign3A_225 = arith.constant 0 : i32
          %sign3A_226 = arith.cmpi sgt, %jit3A, %sign3A_225 : i32
          %sign3A_227 = arith.extui %sign3A_226 : i1 to i32
          %sign3A_228 = arith.constant 0 : i32
          %sign3A_229 = arith.cmpi slt, %jit3A, %sign3A_228 : i32
          %sign3A_230 = arith.extui %sign3A_229 : i1 to i32
          %sign3A_231 = arith.subi %sign3A_227, %sign3A_230 : i32
          %ne3A = arith.cmpi ne, %sign3A_224, %sign3A_231 : i32
          %rem3A = arith.remsi %add3A_218, %jit3A : i32
          %ne3A_232 = arith.constant 0 : i32
          %ne3A_233 = arith.cmpi ne, %rem3A, %ne3A_232 : i32
          %and3A = arith.andi %ne3A, %ne3A_233 : i1
          %sub3A = arith.constant 1 : i32
          %sub3A_234 = arith.subi %div3A, %sub3A : i32
          %select_n3A = arith.select %and3A, %sub3A_234, %div3A : i32
          %get3A_235 = arith.constant 0 : index
          %get3A_236 = tpu.vector_load %arg8[%get3A_235] {strides = array<i32>} : memref<4112xf32, #tpu.memory_space<vmem>>, vector<16xf32>,
          %sort3A = arith.constant dense<true> : vector<16xi1>
          %sort3A_237, %sort3A_238, %sort3A_239 = tpu.sort %get3A_236, %get3A_236 masked %sort3A : (vector<16xf32>, vector<16xf32>, vector<16xi1>) -> (vector<16xi1>, vector<16xf32>, vector<16xf32>)
          %get3A_240 = arith.constant 16 : index
          %get3A_241 = tpu.vector_load %arg8[%get3A_240] {strides = array<i32>} : memref<4112xf32, #tpu.memory_space<vmem>>, vector<16xf32>,
          %sort3A_242 = arith.constant dense<true> : vector<16xi1>
          %sort3A_243, %sort3A_244, %sort3A_245 = tpu.sort %get3A_241, %get3A_241 masked %sort3A_242 : (vector<16xf32>, vector<16xf32>, vector<16xi1>) -> (vector<16xi1>, vector<16xf32>, vector<16xf32>)
          %rev3A = arith.constant 15 : i32
          %rev3A_246 = vector.broadcast %rev3A : i32 to vector<16xi32>
          %rev3A_247 = tpu.iota {dimensions = array<i32: 0>} : vector<16xi32>
          %rev3A_248 = arith.subi %rev3A_246, %rev3A_247 : vector<16xi32>
          %rev3A_249 = tpu.dynamic_gather %sort3A_244[%rev3A_248] in [0] : vector<16xf32>, vector<16xi32> -> vector<16xf32>
          %min3A = arith.minimumf %sort3A_238, %rev3A_249 : vector<16xf32>
          %max3A = arith.maximumf %sort3A_238, %rev3A_249 : vector<16xf32>
          %sort3A_250 = arith.constant dense<true> : vector<16xi1>
          %sort3A_251, %sort3A_252, %sort3A_253 = tpu.sort %max3A, %max3A masked %sort3A_250 : (vector<16xf32>, vector<16xf32>, vector<16xi1>) -> (vector<16xi1>, vector<16xf32>, vector<16xf32>)
          %sort3A_254 = arith.constant dense<true> : vector<16xi1>
          %sort3A_255, %sort3A_256, %sort3A_257 = tpu.sort %min3A, %min3A masked %sort3A_254 : (vector<16xf32>, vector<16xf32>, vector<16xi1>) -> (vector<16xi1>, vector<16xf32>, vector<16xf32>)
          %while3A = arith.constant 2 : i32
          %while3A_258 = arith.subi %select_n3A, %while3A : i32
          %while3A_259 = arith.addi %while3A, %while3A_258 : i32
          %while3A_260 = arith.constant 1 : i32
          %while3A_261 = arith.divsi %while3A_258, %while3A_260 : i32
          %while3A_262 = arith.muli %while3A_261, %while3A_260 : i32
          %while3A_263 = arith.addi %while3A, %while3A_262 : i32
          %while3A_264 = arith.constant 1 : i32
          %while3A_265:2 = scf.for %while3A_308 = %while3A to %while3A_263 step %while3A_264 iter_args(%while3A_309 = %sort3A_252, %while3A_310 = %sort3A_256) -> (vector<16xf32>, vector<16xf32>)  : i32 {
            %mul3A_311 = arith.constant 16 : i32
            %mul3A_312 = arith.muli %while3A_308, %mul3A_311 : i32
            %get3A_313 = arith.index_cast %mul3A_312 : i32 to index
            %get3A_314 = tpu.vector_load %arg8[%get3A_313] {strides = array<i32>} : memref<4112xf32, #tpu.memory_space<vmem>>, vector<16xf32>,
            %sort3A_315 = arith.constant dense<true> : vector<16xi1>
            %sort3A_316, %sort3A_317, %sort3A_318 = tpu.sort %get3A_314, %get3A_314 masked %sort3A_315 : (vector<16xf32>, vector<16xf32>, vector<16xi1>) -> (vector<16xi1>, vector<16xf32>, vector<16xf32>)
            %rev3A_319 = arith.constant 15 : i32
            %rev3A_320 = vector.broadcast %rev3A_319 : i32 to vector<16xi32>
            %rev3A_321 = tpu.iota {dimensions = array<i32: 0>} : vector<16xi32>
            %rev3A_322 = arith.subi %rev3A_320, %rev3A_321 : vector<16xi32>
            %rev3A_323 = tpu.dynamic_gather %sort3A_317[%rev3A_322] in [0] : vector<16xf32>, vector<16xi32> -> vector<16xf32>
            %min3A_324 = arith.minimumf %while3A_309, %rev3A_323 : vector<16xf32>
            %max3A_325 = arith.maximumf %while3A_309, %rev3A_323 : vector<16xf32>
            %sort3A_326 = arith.constant dense<true> : vector<16xi1>
            %sort3A_327, %sort3A_328, %sort3A_329 = tpu.sort %max3A_325, %max3A_325 masked %sort3A_326 : (vector<16xf32>, vector<16xf32>, vector<16xi1>) -> (vector<16xi1>, vector<16xf32>, vector<16xf32>)
            %sort3A_330 = arith.constant dense<true> : vector<16xi1>
            %sort3A_331, %sort3A_332, %sort3A_333 = tpu.sort %min3A_324, %min3A_324 masked %sort3A_330 : (vector<16xf32>, vector<16xf32>, vector<16xi1>) -> (vector<16xi1>, vector<16xf32>, vector<16xf32>)
            %rev3A_334 = arith.constant 15 : i32
            %rev3A_335 = vector.broadcast %rev3A_334 : i32 to vector<16xi32>
            %rev3A_336 = tpu.iota {dimensions = array<i32: 0>} : vector<16xi32>
            %rev3A_337 = arith.subi %rev3A_335, %rev3A_336 : vector<16xi32>
            %rev3A_338 = tpu.dynamic_gather %sort3A_332[%rev3A_337] in [0] : vector<16xf32>, vector<16xi32> -> vector<16xf32>
            %min3A_339 = arith.minimumf %while3A_310, %rev3A_338 : vector<16xf32>
            %max3A_340 = arith.maximumf %while3A_310, %rev3A_338 : vector<16xf32>
            %sort3A_341 = arith.constant dense<true> : vector<16xi1>
            %sort3A_342, %sort3A_343, %sort3A_344 = tpu.sort %max3A_340, %max3A_340 masked %sort3A_341 : (vector<16xf32>, vector<16xf32>, vector<16xi1>) -> (vector<16xi1>, vector<16xf32>, vector<16xf32>)
            scf.yield %sort3A_328, %sort3A_343 : vector<16xf32>, vector<16xf32>
          }
          %while3A_266 = arith.constant 1 : i32
          %while3A_267:2 = scf.for %while3A_308 = %while3A_263 to %while3A_259 step %while3A_266 iter_args(%while3A_309 = %while3A_265#0, %while3A_310 = %while3A_265#1) -> (vector<16xf32>, vector<16xf32>)  : i32 {
            %mul3A_311 = arith.constant 16 : i32
            %mul3A_312 = arith.muli %while3A_308, %mul3A_311 : i32
            %get3A_313 = arith.index_cast %mul3A_312 : i32 to index
            %get3A_314 = tpu.vector_load %arg8[%get3A_313] {strides = array<i32>} : memref<4112xf32, #tpu.memory_space<vmem>>, vector<16xf32>,
            %sort3A_315 = arith.constant dense<true> : vector<16xi1>
            %sort3A_316, %sort3A_317, %sort3A_318 = tpu.sort %get3A_314, %get3A_314 masked %sort3A_315 : (vector<16xf32>, vector<16xf32>, vector<16xi1>) -> (vector<16xi1>, vector<16xf32>, vector<16xf32>)
            %rev3A_319 = arith.constant 15 : i32
            %rev3A_320 = vector.broadcast %rev3A_319 : i32 to vector<16xi32>
            %rev3A_321 = tpu.iota {dimensions = array<i32: 0>} : vector<16xi32>
            %rev3A_322 = arith.subi %rev3A_320, %rev3A_321 : vector<16xi32>
            %rev3A_323 = tpu.dynamic_gather %sort3A_317[%rev3A_322] in [0] : vector<16xf32>, vector<16xi32> -> vector<16xf32>
            %min3A_324 = arith.minimumf %while3A_309, %rev3A_323 : vector<16xf32>
            %max3A_325 = arith.maximumf %while3A_309, %rev3A_323 : vector<16xf32>
            %sort3A_326 = arith.constant dense<true> : vector<16xi1>
            %sort3A_327, %sort3A_328, %sort3A_329 = tpu.sort %max3A_325, %max3A_325 masked %sort3A_326 : (vector<16xf32>, vector<16xf32>, vector<16xi1>) -> (vector<16xi1>, vector<16xf32>, vector<16xf32>)
            %sort3A_330 = arith.constant dense<true> : vector<16xi1>
            %sort3A_331, %sort3A_332, %sort3A_333 = tpu.sort %min3A_324, %min3A_324 masked %sort3A_330 : (vector<16xf32>, vector<16xf32>, vector<16xi1>) -> (vector<16xi1>, vector<16xf32>, vector<16xf32>)
            %rev3A_334 = arith.constant 15 : i32
            %rev3A_335 = vector.broadcast %rev3A_334 : i32 to vector<16xi32>
            %rev3A_336 = tpu.iota {dimensions = array<i32: 0>} : vector<16xi32>
            %rev3A_337 = arith.subi %rev3A_335, %rev3A_336 : vector<16xi32>
            %rev3A_338 = tpu.dynamic_gather %sort3A_332[%rev3A_337] in [0] : vector<16xf32>, vector<16xi32> -> vector<16xf32>
            %min3A_339 = arith.minimumf %while3A_310, %rev3A_338 : vector<16xf32>
            %max3A_340 = arith.maximumf %while3A_310, %rev3A_338 : vector<16xf32>
            %sort3A_341 = arith.constant dense<true> : vector<16xi1>
            %sort3A_342, %sort3A_343, %sort3A_344 = tpu.sort %max3A_340, %max3A_340 masked %sort3A_341 : (vector<16xf32>, vector<16xf32>, vector<16xi1>) -> (vector<16xi1>, vector<16xf32>, vector<16xf32>)
            scf.yield %sort3A_328, %sort3A_343 : vector<16xf32>, vector<16xf32>
          }
          %add3A_268 = arith.constant 1 : i32
          %add3A_269 = arith.addi %add3A_62, %add3A_268 : i32
          %swap3A_270 = arith.index_cast %add3A_269 : i32 to index
          %swap3A_271 = arith.constant 0 : index
          %swap3A_272 = tpu.vector_load %arg10[%swap3A_270, %swap3A_271] {strides = array<i32>} : memref<128x128xf32, #tpu.memory_space<vmem>>, vector<16xf32>,
          tpu.vector_store %arg10[%swap3A_270, %swap3A_271], %while3A_267#0 {strides = array<i32>} : memref<128x128xf32, #tpu.memory_space<vmem>>, vector<16xf32>,
          %add3A_273 = arith.constant 1 : i32
          %add3A_274 = arith.addi %add3A_62, %add3A_273 : i32
          %swap3A_275 = arith.index_cast %add3A_274 : i32 to index
          %swap3A_276 = arith.constant 16 : index
          %swap3A_277 = tpu.vector_load %arg10[%swap3A_275, %swap3A_276] {strides = array<i32>} : memref<128x128xf32, #tpu.memory_space<vmem>>, vector<16xf32>,
          tpu.vector_store %arg10[%swap3A_275, %swap3A_276], %while3A_267#1 {strides = array<i32>} : memref<128x128xf32, #tpu.memory_space<vmem>>, vector<16xf32>,
          %add3A_278 = arith.constant 1 : i32
          %add3A_279 = arith.addi %add3A_62, %add3A_278 : i32
          %swap3A_280 = arith.index_cast %add3A_279 : i32 to index
          %swap3A_281 = arith.constant 32 : index
          %swap3A_282 = tpu.vector_load %arg10[%swap3A_280, %swap3A_281] {strides = array<i32>} : memref<128x128xf32, #tpu.memory_space<vmem>>, vector<16xf32>,
          tpu.vector_store %arg10[%swap3A_280, %swap3A_281], %broadcast_in_dim3A_3 {strides = array<i32>} : memref<128x128xf32, #tpu.memory_space<vmem>>, vector<16xf32>,
          %add3A_283 = arith.constant 1 : i32
          %add3A_284 = arith.addi %add3A_62, %add3A_283 : i32
          %swap3A_285 = arith.index_cast %add3A_284 : i32 to index
          %swap3A_286 = arith.constant 48 : index
          %swap3A_287 = tpu.vector_load %arg10[%swap3A_285, %swap3A_286] {strides = array<i32>} : memref<128x128xf32, #tpu.memory_space<vmem>>, vector<16xf32>,
          tpu.vector_store %arg10[%swap3A_285, %swap3A_286], %broadcast_in_dim3A_3 {strides = array<i32>} : memref<128x128xf32, #tpu.memory_space<vmem>>, vector<16xf32>,
          %add3A_288 = arith.constant 1 : i32
          %add3A_289 = arith.addi %add3A_62, %add3A_288 : i32
          %swap3A_290 = arith.index_cast %add3A_289 : i32 to index
          %swap3A_291 = arith.constant 64 : index
          %swap3A_292 = tpu.vector_load %arg10[%swap3A_290, %swap3A_291] {strides = array<i32>} : memref<128x128xf32, #tpu.memory_space<vmem>>, vector<16xf32>,
          tpu.vector_store %arg10[%swap3A_290, %swap3A_291], %broadcast_in_dim3A_3 {strides = array<i32>} : memref<128x128xf32, #tpu.memory_space<vmem>>, vector<16xf32>,
          %add3A_293 = arith.constant 1 : i32
          %add3A_294 = arith.addi %add3A_62, %add3A_293 : i32
          %swap3A_295 = arith.index_cast %add3A_294 : i32 to index
          %swap3A_296 = arith.constant 80 : index
          %swap3A_297 = tpu.vector_load %arg10[%swap3A_295, %swap3A_296] {strides = array<i32>} : memref<128x128xf32, #tpu.memory_space<vmem>>, vector<16xf32>,
          tpu.vector_store %arg10[%swap3A_295, %swap3A_296], %broadcast_in_dim3A_3 {strides = array<i32>} : memref<128x128xf32, #tpu.memory_space<vmem>>, vector<16xf32>,
          %add3A_298 = arith.constant 1 : i32
          %add3A_299 = arith.addi %add3A_62, %add3A_298 : i32
          %swap3A_300 = arith.index_cast %add3A_299 : i32 to index
          %swap3A_301 = arith.constant 96 : index
          %swap3A_302 = tpu.vector_load %arg10[%swap3A_300, %swap3A_301] {strides = array<i32>} : memref<128x128xf32, #tpu.memory_space<vmem>>, vector<16xf32>,
          tpu.vector_store %arg10[%swap3A_300, %swap3A_301], %broadcast_in_dim3A_3 {strides = array<i32>} : memref<128x128xf32, #tpu.memory_space<vmem>>, vector<16xf32>,
          %add3A_303 = arith.constant 1 : i32
          %add3A_304 = arith.addi %add3A_62, %add3A_303 : i32
          %swap3A_305 = arith.index_cast %add3A_304 : i32 to index
          %swap3A_306 = arith.constant 112 : index
          %swap3A_307 = tpu.vector_load %arg10[%swap3A_305, %swap3A_306] {strides = array<i32>} : memref<128x128xf32, #tpu.memory_space<vmem>>, vector<16xf32>,
          tpu.vector_store %arg10[%swap3A_305, %swap3A_306], %broadcast_in_dim3A_3 {strides = array<i32>} : memref<128x128xf32, #tpu.memory_space<vmem>>, vector<16xf32>,
        } else {
        }
        %scan3A_214 = arith.constant 0 : i32
        scf.yield %scan3A_214 : i32
      }
      %scan3A_50 = arith.constant 4 : i32
      %scan3A_51 = arith.constant 0 : i32
      scf.yield %scan3A_51 : i32
    }
    %scan3A_14 = arith.constant 8 : i32
    "tpu.region"() ({
      %run_scoped3A = tpu.sem_alloc : memref<!tpu.dma_semaphore, #tpu.memory_space<semaphore_mem>>
      %dma_start3A_15 = arith.constant 0 : i32
      %dma_start3A_16 = tpu.memref_slice %arg4[%mul3A_2, %dma_start3A_15] : memref<4096x128xf32, #tpu.memory_space<hbm>> -> memref<128x128xf32, #tpu.memory_space<hbm>>
      %dma_start3A_17 = arith.constant 0 : i32
      %dma_start3A_18 = tpu.memref_slice %arg4[%mul3A_2, %dma_start3A_17] : memref<4096x128xf32, #tpu.memory_space<hbm>> -> memref<128x128xf32, #tpu.memory_space<hbm>>
      tpu.enqueue_dma source(%arg10 : memref<128x128xf32, #tpu.memory_space<vmem>>) target(%dma_start3A_18 : memref<128x128xf32, #tpu.memory_space<hbm>>) target_semaphore(%run_scoped3A : memref<!tpu.dma_semaphore, #tpu.memory_space<semaphore_mem>>)
      %dma_wait3A = arith.constant 0 : i32
      %dma_wait3A_19 = tpu.memref_slice %arg4[%mul3A_2, %dma_wait3A] : memref<4096x128xf32, #tpu.memory_space<hbm>> -> memref<128x128xf32, #tpu.memory_space<hbm>>
      %dma_wait3A_20 = arith.constant 0 : i32
      %dma_wait3A_21 = tpu.memref_slice %arg4[%mul3A_2, %dma_wait3A_20] : memref<4096x128xf32, #tpu.memory_space<hbm>> -> memref<128x128xf32, #tpu.memory_space<hbm>>
      tpu.wait_dma2 semaphore(%run_scoped3A : memref<!tpu.dma_semaphore, #tpu.memory_space<semaphore_mem>>) src(%arg10 : memref<128x128xf32, #tpu.memory_space<vmem>>) dst(%dma_wait3A_21 : memref<128x128xf32, #tpu.memory_space<hbm>>)
      tpu.yield
    }) : () -> ()
    return
  }
}

module attributes {stable_mosaic.version = 14 : i64} {
  func.func @_h_kernel(%arg0: i32, %arg1: memref<512x512xf32, #tpu.memory_space<vmem>>, %arg2: memref<512x512xf32, #tpu.memory_space<vmem>>, %arg3: memref<1x512xf32, #tpu.memory_space<vmem>>, %arg4: memref<512x512xf32, #tpu.memory_space<vmem>>, %arg5: memref<1x512xf32, #tpu.memory_space<vmem>>, %arg6: memref<512x512xf32, #tpu.memory_space<vmem>>) attributes {dimension_semantics = [#tpu.dimension_semantics<arbitrary>], iteration_bounds = array<i64: 8>, scalar_prefetch = 0 : i64, scratch_operands = 0 : i64, tpu.core_type = #tpu.core_type<tc>, window_params = [{transform_indices = @transform_0, window_bounds = array<i64: 512, 512>}, {pipeline_mode = #tpu.pipeline_mode<synchronous>, transform_indices = @transform_1, window_bounds = array<i64: 512, 512>}, {pipeline_mode = #tpu.pipeline_mode<synchronous>, transform_indices = @transform_2, window_bounds = array<i64: 1, 512>}, {pipeline_mode = #tpu.pipeline_mode<synchronous>, transform_indices = @transform_3, window_bounds = array<i64: 512, 512>}, {pipeline_mode = #tpu.pipeline_mode<synchronous>, transform_indices = @transform_4, window_bounds = array<i64: 1, 512>}, {transform_indices = @transform_5, window_bounds = array<i64: 512, 512>}]} {
    %get3A = arith.constant 0 : index
    %get3A_0 = arith.constant 0 : index
    %get3A_1 = vector.load %arg1[%get3A, %get3A_0] : memref<512x512xf32, #tpu.memory_space<vmem>>, vector<512x512xf32>
    %get3A_2 = arith.constant 0 : index
    %get3A_3 = arith.constant 0 : index
    %get3A_4 = vector.load %arg2[%get3A_2, %get3A_3] : memref<512x512xf32, #tpu.memory_space<vmem>>, vector<512x512xf32>
    %dot_general3A = arith.constant dense<0.000000e+00> : vector<512x512xf32>
    %dot_general3A_5 = tpu.matmul %get3A_1, %get3A_4, %dot_general3A {dimension_numbers = #tpu.dot_dimension_numbers<[1], [1], [0], [0], [0, 0, 1, 0], [], []>, transpose_lhs_hint = false} : vector<512x512xf32>, vector<512x512xf32>, vector<512x512xf32> -> vector<512x512xf32>
    %get3A_6 = arith.constant 0 : index
    %get3A_7 = arith.constant 0 : index
    %get3A_8 = vector.load %arg3[%get3A_6, %get3A_7] : memref<1x512xf32, #tpu.memory_space<vmem>>, vector<1x512xf32>
    %add3A = vector.broadcast %get3A_8 : vector<1x512xf32> to vector<512x512xf32>
    %add3A_9 = arith.addf %dot_general3A_5, %add3A : vector<512x512xf32>
    %max3A = arith.constant 0.000000e+00 : f32
    %max3A_10 = vector.broadcast %max3A : f32 to vector<512x512xf32>
    %max3A_11 = arith.maximumf %add3A_9, %max3A_10 : vector<512x512xf32>
    %get3A_12 = arith.constant 0 : index
    %get3A_13 = arith.constant 0 : index
    %get3A_14 = vector.load %arg4[%get3A_12, %get3A_13] : memref<512x512xf32, #tpu.memory_space<vmem>>, vector<512x512xf32>
    %dot_general3A_15 = arith.constant dense<0.000000e+00> : vector<512x512xf32>
    %dot_general3A_16 = tpu.matmul %max3A_11, %get3A_14, %dot_general3A_15 {dimension_numbers = #tpu.dot_dimension_numbers<[1], [1], [0], [0], [0, 0, 1, 0], [], []>, transpose_lhs_hint = false} : vector<512x512xf32>, vector<512x512xf32>, vector<512x512xf32> -> vector<512x512xf32>
    %get3A_17 = arith.constant 0 : index
    %get3A_18 = arith.constant 0 : index
    %get3A_19 = vector.load %arg5[%get3A_17, %get3A_18] : memref<1x512xf32, #tpu.memory_space<vmem>>, vector<1x512xf32>
    %add3A_20 = vector.broadcast %get3A_19 : vector<1x512xf32> to vector<512x512xf32>
    %add3A_21 = arith.addf %dot_general3A_16, %add3A_20 : vector<512x512xf32>
    %swap3A = arith.constant 0 : index
    %swap3A_22 = arith.constant 0 : index
    %swap3A_23 = vector.load %arg6[%swap3A, %swap3A_22] : memref<512x512xf32, #tpu.memory_space<vmem>>, vector<512x512xf32>
    tpu.vector_store %arg6[%swap3A, %swap3A_22], %add3A_21 {strides = array<i32>} : memref<512x512xf32, #tpu.memory_space<vmem>>, vector<512x512xf32>,
    return
  }
  func.func @transform_0(%arg0: i32) -> (i32, i32) {
    %c0_i32 = arith.constant 0 : i32
    %c0_i32_0 = arith.constant 0 : i32
    return %arg0, %c0_i32 : i32, i32
  }
  func.func @transform_1(%arg0: i32) -> (i32, i32) {
    %c0_i32 = arith.constant 0 : i32
    %c0_i32_0 = arith.constant 0 : i32
    %c0_i32_1 = arith.constant 0 : i32
    return %c0_i32, %c0_i32_0 : i32, i32
  }
  func.func @transform_2(%arg0: i32) -> (i32, i32) {
    %c0_i32 = arith.constant 0 : i32
    %c0_i32_0 = arith.constant 0 : i32
    %c0_i32_1 = arith.constant 0 : i32
    return %c0_i32, %c0_i32_0 : i32, i32
  }
  func.func @transform_3(%arg0: i32) -> (i32, i32) {
    %c0_i32 = arith.constant 0 : i32
    %c0_i32_0 = arith.constant 0 : i32
    %c0_i32_1 = arith.constant 0 : i32
    return %c0_i32, %c0_i32_0 : i32, i32
  }
  func.func @transform_4(%arg0: i32) -> (i32, i32) {
    %c0_i32 = arith.constant 0 : i32
    %c0_i32_0 = arith.constant 0 : i32
    %c0_i32_1 = arith.constant 0 : i32
    return %c0_i32, %c0_i32_0 : i32, i32
  }
  func.func @transform_5(%arg0: i32) -> (i32, i32) {
    %c0_i32 = arith.constant 0 : i32
    %c0_i32_0 = arith.constant 0 : i32
    return %arg0, %c0_i32 : i32, i32
  }
}

module attributes {stable_mosaic.version = 14 : i64} {
  func.func @_sim_kernel(%arg0: i32, %arg1: memref<256x512xf32, #tpu.memory_space<vmem>>, %arg2: memref<4096x512xf32, #tpu.memory_space<vmem>>, %arg3: memref<256x4096xf32, #tpu.memory_space<vmem>>, %arg4: memref<1x1x256xf32, #tpu.memory_space<vmem>>) attributes {dimension_semantics = [#tpu.dimension_semantics<arbitrary>], iteration_bounds = array<i64: 16>, scalar_prefetch = 0 : i64, scratch_operands = 0 : i64, tpu.core_type = #tpu.core_type<tc>, window_params = [{transform_indices = @transform_0, window_bounds = array<i64: 256, 512>}, {pipeline_mode = #tpu.pipeline_mode<synchronous>, transform_indices = @transform_1, window_bounds = array<i64: 4096, 512>}, {transform_indices = @transform_2, window_bounds = array<i64: 256, 4096>}, {transform_indices = @transform_3, window_bounds = array<i64: 1, 1, 256>}]} {
    %get3A = arith.constant 0 : index
    %get3A_0 = arith.constant 0 : index
    %get3A_1 = vector.load %arg1[%get3A, %get3A_0] : memref<256x512xf32, #tpu.memory_space<vmem>>, vector<256x512xf32>
    %get3A_2 = arith.constant 0 : index
    %get3A_3 = arith.constant 0 : index
    %get3A_4 = vector.load %arg2[%get3A_2, %get3A_3] : memref<4096x512xf32, #tpu.memory_space<vmem>>, vector<4096x512xf32>
    %dot_general3A = arith.constant dense<0.000000e+00> : vector<256x4096xf32>
    %dot_general3A_5 = tpu.matmul %get3A_1, %get3A_4, %dot_general3A {dimension_numbers = #tpu.dot_dimension_numbers<[1], [1], [0], [0], [0, 0, 1, 0], [], []>, transpose_lhs_hint = false} : vector<256x512xf32>, vector<4096x512xf32>, vector<256x4096xf32> -> vector<256x4096xf32>
    %swap3A = arith.constant 0 : index
    %swap3A_6 = arith.constant 0 : index
    %swap3A_7 = vector.load %arg3[%swap3A, %swap3A_6] : memref<256x4096xf32, #tpu.memory_space<vmem>>, vector<256x4096xf32>
    tpu.vector_store %arg3[%swap3A, %swap3A_6], %dot_general3A_5 {strides = array<i32>} : memref<256x4096xf32, #tpu.memory_space<vmem>>, vector<256x4096xf32>,
    %reshape3A = vector.shape_cast %dot_general3A_5 : vector<256x4096xf32> to vector<256x32x128xf32>
    %reduce_max3A = arith.constant dense<0xFF800000> : vector<256x128xf32>
    %reduce_max3A_8 = vector.multi_reduction <maximumf>, %reshape3A, %reduce_max3A [1] : vector<256x32x128xf32> to vector<256x128xf32>
    %transpose3A = tpu.transpose %reduce_max3A_8, [1, 0] : vector<256x128xf32> -> vector<128x256xf32>
    %scan3A = arith.constant 0 : i32
    %scan3A_9 = arith.constant 30 : i32
    %scan3A_10 = arith.addi %scan3A, %scan3A_9 : i32
    %scan3A_11 = arith.constant 1 : i32
    %scan3A_12 = scf.for %scan3A_20 = %scan3A to %scan3A_10 step %scan3A_11 iter_args(%scan3A_21 = %transpose3A) -> (vector<128x256xf32>)  : i32 {
      %reduce_max3A_22 = arith.constant dense<0xFF800000> : vector<256xf32>
      %reduce_max3A_23 = vector.multi_reduction <maximumf>, %scan3A_21, %reduce_max3A_22 [0] : vector<128x256xf32> to vector<256xf32>
      %broadcast_in_dim3A_24 = vector.shape_cast %reduce_max3A_23 : vector<256xf32> to vector<1x256xf32>
      %ge3A = vector.broadcast %broadcast_in_dim3A_24 : vector<1x256xf32> to vector<128x256xf32>
      %ge3A_25 = arith.cmpf oge, %scan3A_21, %ge3A : vector<128x256xf32>
      %jit3A = arith.constant -3.000000e+38 : f32
      %broadcast_in_dim3A_26 = vector.broadcast %jit3A : f32 to vector<128x256xf32>
      %select_n3A = arith.select %ge3A_25, %broadcast_in_dim3A_26, %scan3A_21 : vector<128x256xi1>, vector<128x256xf32>
      scf.yield %select_n3A : vector<128x256xf32>
    }
    %reduce_max3A_13 = arith.constant dense<0xFF800000> : vector<256xf32>
    %reduce_max3A_14 = vector.multi_reduction <maximumf>, %scan3A_12, %reduce_max3A_13 [0] : vector<128x256xf32> to vector<256xf32>
    %broadcast_in_dim3A = vector.shape_cast %reduce_max3A_14 : vector<256xf32> to vector<1x256xf32>
    %broadcast_in_dim3A_15 = vector.shape_cast %broadcast_in_dim3A : vector<1x256xf32> to vector<1x1x256xf32>
    %swap3A_16 = arith.constant 0 : index
    %swap3A_17 = arith.constant 0 : index
    %swap3A_18 = arith.constant 0 : index
    %swap3A_19 = vector.load %arg4[%swap3A_16, %swap3A_17, %swap3A_18] : memref<1x1x256xf32, #tpu.memory_space<vmem>>, vector<1x1x256xf32>
    tpu.vector_store %arg4[%swap3A_16, %swap3A_17, %swap3A_18], %broadcast_in_dim3A_15 {strides = array<i32>} : memref<1x1x256xf32, #tpu.memory_space<vmem>>, vector<1x1x256xf32>,
    return
  }
  func.func @transform_0(%arg0: i32) -> (i32, i32) {
    %c0_i32 = arith.constant 0 : i32
    %c0_i32_0 = arith.constant 0 : i32
    return %arg0, %c0_i32 : i32, i32
  }
  func.func @transform_1(%arg0: i32) -> (i32, i32) {
    %c0_i32 = arith.constant 0 : i32
    %c0_i32_0 = arith.constant 0 : i32
    %c0_i32_1 = arith.constant 0 : i32
    return %c0_i32, %c0_i32_0 : i32, i32
  }
  func.func @transform_2(%arg0: i32) -> (i32, i32) {
    %c0_i32 = arith.constant 0 : i32
    %c0_i32_0 = arith.constant 0 : i32
    return %arg0, %c0_i32 : i32, i32
  }
  func.func @transform_3(%arg0: i32) -> (i32, i32, i32) {
    %c0_i32 = arith.constant 0 : i32
    %c0_i32_0 = arith.constant 0 : i32
    %c0_i32_1 = arith.constant 0 : i32
    return %arg0, %c0_i32, %c0_i32_0 : i32, i32, i32
  }
}

module attributes {stable_mosaic.version = 14 : i64} {
  func.func @_rank_kernel(%arg0: i32, %arg1: memref<256x128xf32, #tpu.memory_space<vmem>>, %arg2: memref<1x1x256xf32, #tpu.memory_space<vmem>>) attributes {dimension_semantics = [#tpu.dimension_semantics<arbitrary>], iteration_bounds = array<i64: 16>, scalar_prefetch = 0 : i64, scratch_operands = 0 : i64, tpu.core_type = #tpu.core_type<tc>, window_params = [{transform_indices = @transform_0, window_bounds = array<i64: 256, 128>}, {transform_indices = @transform_1, window_bounds = array<i64: 1, 1, 256>}]} {
    %get3A = arith.constant 0 : index
    %get3A_0 = arith.constant 0 : index
    %get3A_1 = vector.load %arg1[%get3A, %get3A_0] : memref<256x128xf32, #tpu.memory_space<vmem>>, vector<256x128xf32>
    %transpose3A = tpu.transpose %get3A_1, [1, 0] : vector<256x128xf32> -> vector<128x256xf32>
    %broadcast_in_dim3A = arith.constant 0 : i32
    %broadcast_in_dim3A_2 = vector.broadcast %broadcast_in_dim3A : i32 to vector<1x256xi32>
    %broadcast_in_dim3A_3 = arith.constant -3.000000e+38 : f32
    %broadcast_in_dim3A_4 = vector.broadcast %broadcast_in_dim3A_3 : f32 to vector<1x256xf32>
    %scan3A = arith.constant 0 : i32
    %scan3A_5 = arith.constant 31 : i32
    %scan3A_6 = arith.addi %scan3A, %scan3A_5 : i32
    %scan3A_7 = arith.constant 1 : i32
    %scan3A_8:3 = scf.for %scan3A_13 = %scan3A to %scan3A_6 step %scan3A_7 iter_args(%scan3A_14 = %transpose3A, %scan3A_15 = %broadcast_in_dim3A_2, %scan3A_16 = %broadcast_in_dim3A_4) -> (vector<128x256xf32>, vector<1x256xi32>, vector<1x256xf32>)  : i32 {
      %reduce_max3A = arith.constant dense<0xFF800000> : vector<256xf32>
      %reduce_max3A_17 = vector.multi_reduction <maximumf>, %scan3A_14, %reduce_max3A [0] : vector<128x256xf32> to vector<256xf32>
      %broadcast_in_dim3A_18 = vector.shape_cast %reduce_max3A_17 : vector<256xf32> to vector<1x256xf32>
      %eq3A = vector.broadcast %broadcast_in_dim3A_18 : vector<1x256xf32> to vector<128x256xf32>
      %eq3A_19 = arith.cmpf oeq, %scan3A_14, %eq3A : vector<128x256xf32>
      %convert_element_type3A = arith.extui %eq3A_19 : vector<128x256xi1> to vector<128x256xi32>
      %reduce_sum3A = arith.constant dense<0> : vector<256xi32>
      %reduce_sum3A_20 = vector.multi_reduction <add>, %convert_element_type3A, %reduce_sum3A [0] : vector<128x256xi32> to vector<256xi32>
      %broadcast_in_dim3A_21 = vector.shape_cast %reduce_sum3A_20 : vector<256xi32> to vector<1x256xi32>
      %add3A = arith.addi %scan3A_15, %broadcast_in_dim3A_21 : vector<1x256xi32>
      %lt3A = arith.constant 31 : i32
      %lt3A_22 = vector.broadcast %lt3A : i32 to vector<1x256xi32>
      %lt3A_23 = arith.cmpi slt, %scan3A_15, %lt3A_22 : vector<1x256xi32>
      %ge3A = arith.constant 31 : i32
      %ge3A_24 = vector.broadcast %ge3A : i32 to vector<1x256xi32>
      %ge3A_25 = arith.cmpi sge, %add3A, %ge3A_24 : vector<1x256xi32>
      %and3A = arith.andi %lt3A_23, %ge3A_25 : vector<1x256xi1>
      %select_n3A = arith.select %and3A, %broadcast_in_dim3A_18, %scan3A_16 : vector<1x256xi1>, vector<1x256xf32>
      %jit3A = arith.constant -3.000000e+38 : f32
      %broadcast_in_dim3A_26 = vector.broadcast %jit3A : f32 to vector<128x256xf32>
      %select_n3A_27 = arith.select %eq3A_19, %broadcast_in_dim3A_26, %scan3A_14 : vector<128x256xi1>, vector<128x256xf32>
      scf.yield %select_n3A_27, %add3A, %select_n3A : vector<128x256xf32>, vector<1x256xi32>, vector<1x256xf32>
    }
    %broadcast_in_dim3A_9 = vector.shape_cast %scan3A_8#2 : vector<1x256xf32> to vector<1x1x256xf32>
    %swap3A = arith.constant 0 : index
    %swap3A_10 = arith.constant 0 : index
    %swap3A_11 = arith.constant 0 : index
    %swap3A_12 = vector.load %arg2[%swap3A, %swap3A_10, %swap3A_11] : memref<1x1x256xf32, #tpu.memory_space<vmem>>, vector<1x1x256xf32>
    tpu.vector_store %arg2[%swap3A, %swap3A_10, %swap3A_11], %broadcast_in_dim3A_9 {strides = array<i32>} : memref<1x1x256xf32, #tpu.memory_space<vmem>>, vector<1x1x256xf32>,
    return
  }
  func.func @transform_0(%arg0: i32) -> (i32, i32) {
    %c0_i32 = arith.constant 0 : i32
    %c0_i32_0 = arith.constant 0 : i32
    return %arg0, %c0_i32 : i32, i32
  }
  func.func @transform_1(%arg0: i32) -> (i32, i32, i32) {
    %c0_i32 = arith.constant 0 : i32
    %c0_i32_0 = arith.constant 0 : i32
    %c0_i32_1 = arith.constant 0 : i32
    return %arg0, %c0_i32, %c0_i32_0 : i32, i32, i32
  }
}

module attributes {stable_mosaic.version = 14 : i64} {
  func.func @_mask_kernel(%arg0: i32, %arg1: memref<256x4096xf32, #tpu.memory_space<vmem>>, %arg2: memref<256x1xf32, #tpu.memory_space<vmem>>, %arg3: memref<256x4096xf32, #tpu.memory_space<vmem>>) attributes {dimension_semantics = [#tpu.dimension_semantics<arbitrary>], iteration_bounds = array<i64: 16>, scalar_prefetch = 0 : i64, scratch_operands = 0 : i64, tpu.core_type = #tpu.core_type<tc>, window_params = [{transform_indices = @transform_0, window_bounds = array<i64: 256, 4096>}, {transform_indices = @transform_1, window_bounds = array<i64: 256, 1>}, {transform_indices = @transform_2, window_bounds = array<i64: 256, 4096>}]} {
    %get3A = arith.constant 0 : index
    %get3A_0 = arith.constant 0 : index
    %get3A_1 = vector.load %arg1[%get3A, %get3A_0] : memref<256x4096xf32, #tpu.memory_space<vmem>>, vector<256x4096xf32>
    %get3A_2 = arith.constant 0 : index
    %get3A_3 = arith.constant 0 : index
    %get3A_4 = vector.load %arg2[%get3A_2, %get3A_3] : memref<256x1xf32, #tpu.memory_space<vmem>>, vector<256x1xf32>
    %gt3A = vector.broadcast %get3A_4 : vector<256x1xf32> to vector<256x4096xf32>
    %gt3A_5 = arith.cmpf ogt, %get3A_1, %gt3A : vector<256x4096xf32>
    %eq3A = vector.broadcast %get3A_4 : vector<256x1xf32> to vector<256x4096xf32>
    %eq3A_6 = arith.cmpf oeq, %get3A_1, %eq3A : vector<256x4096xf32>
    %convert_element_type3A = arith.extui %gt3A_5 : vector<256x4096xi1> to vector<256x4096xi32>
    %reduce_sum3A = arith.constant dense<0> : vector<256xi32>
    %reduce_sum3A_7 = vector.multi_reduction <add>, %convert_element_type3A, %reduce_sum3A [1] : vector<256x4096xi32> to vector<256xi32>
    %broadcast_in_dim3A = vector.shape_cast %reduce_sum3A_7 : vector<256xi32> to vector<256x1xi32>
    %sub3A = arith.constant 31 : i32
    %sub3A_8 = vector.broadcast %sub3A : i32 to vector<256x1xi32>
    %sub3A_9 = arith.subi %sub3A_8, %broadcast_in_dim3A : vector<256x1xi32>
    %iota3A = tpu.iota {dimensions = array<i32: 1>} : vector<256x4096xi32>
    %jit3A = arith.constant 4096 : i32
    %broadcast_in_dim3A_10 = vector.broadcast %jit3A : i32 to vector<256x4096xi32>
    %select_n3A = arith.select %eq3A_6, %iota3A, %broadcast_in_dim3A_10 : vector<256x4096xi1>, vector<256x4096xi32>
    %reduce_min3A = arith.constant dense<2147483647> : vector<256xi32>
    %reduce_min3A_11 = vector.multi_reduction <minsi>, %select_n3A, %reduce_min3A [1] : vector<256x4096xi32> to vector<256xi32>
    %broadcast_in_dim3A_12 = vector.shape_cast %reduce_min3A_11 : vector<256xi32> to vector<256x1xi32>
    %gt3A_13 = arith.constant 1 : i32
    %gt3A_14 = vector.broadcast %gt3A_13 : i32 to vector<256x1xi32>
    %gt3A_15 = arith.cmpi sgt, %sub3A_9, %gt3A_14 : vector<256x1xi32>
    %eq3A_16 = vector.broadcast %broadcast_in_dim3A_12 : vector<256x1xi32> to vector<256x4096xi32>
    %eq3A_17 = arith.cmpi eq, %iota3A, %eq3A_16 : vector<256x4096xi32>
    %or3A = vector.broadcast %gt3A_15 : vector<256x1xi1> to vector<256x4096xi1>
    %or3A_18 = arith.ori %or3A, %eq3A_17 : vector<256x4096xi1>
    %and3A = arith.andi %eq3A_6, %or3A_18 : vector<256x4096xi1>
    %or3A_19 = arith.ori %gt3A_5, %and3A : vector<256x4096xi1>
    %max3A = arith.constant 0.000000e+00 : f32
    %max3A_20 = vector.broadcast %max3A : f32 to vector<256x4096xf32>
    %max3A_21 = arith.maximumf %get3A_1, %max3A_20 : vector<256x4096xf32>
    %jit3A_22 = arith.constant 0.000000e+00 : f32
    %broadcast_in_dim3A_23 = vector.broadcast %jit3A_22 : f32 to vector<256x4096xf32>
    %select_n3A_24 = arith.select %or3A_19, %max3A_21, %broadcast_in_dim3A_23 : vector<256x4096xi1>, vector<256x4096xf32>
    %swap3A = arith.constant 0 : index
    %swap3A_25 = arith.constant 0 : index
    %swap3A_26 = vector.load %arg3[%swap3A, %swap3A_25] : memref<256x4096xf32, #tpu.memory_space<vmem>>, vector<256x4096xf32>
    tpu.vector_store %arg3[%swap3A, %swap3A_25], %select_n3A_24 {strides = array<i32>} : memref<256x4096xf32, #tpu.memory_space<vmem>>, vector<256x4096xf32>,
    return
  }
  func.func @transform_0(%arg0: i32) -> (i32, i32) {
    %c0_i32 = arith.constant 0 : i32
    %c0_i32_0 = arith.constant 0 : i32
    return %arg0, %c0_i32 : i32, i32
  }
  func.func @transform_1(%arg0: i32) -> (i32, i32) {
    %c0_i32 = arith.constant 0 : i32
    %c0_i32_0 = arith.constant 0 : i32
    return %arg0, %c0_i32 : i32, i32
  }
  func.func @transform_2(%arg0: i32) -> (i32, i32) {
    %c0_i32 = arith.constant 0 : i32
    %c0_i32_0 = arith.constant 0 : i32
    return %arg0, %c0_i32 : i32, i32
  }
}

</mosaic_0001>

<sc_bundles>
// kernel: kernel.7.cloned.1.call-start
scs
__scs_entry_jumppad:
0x0: {  	(pc) =	sbr.rel $0x88, $3  }
0x1: {  	(tag) =	ssettag $0x0;
	lr =	simm.s32 $0x1  }
0x2: {  	[smem:$0x3F9C] =	sst lr;
	_ =	strace $0xD0000000  }
0x3: {  	_ = 	snop  }
0x4: {  	_ = 	snop  }
0x5: {  	_ = 	snop  }
0x6: {  	_ = 	snop  }
0x7: {  	_ = 	snop  }
__scs_overlays_trampoline_lowered:
0x8: {  	[smem:$0x3FAB] =	sst s0  }
0x9: {  	[smem:$0x3FAC] =	sst s1  }
0xa: {  	[smem:$0x3FAD] =	sst s2  }
0xb: {  	[smem:$0x3FAE] =	sst s3  }
0xc: {  	[smem:$0x3FAF] =	sst s4  }
0xd: {  	[smem:$0x3FB0] =	sst s5  }
0xe: {  	[smem:$0x3FB1] =	sst s6  }
0xf: {  	[smem:$0x3FB2] =	sst s7  }
0x10: {  	[smem:$0x3FB3] =	sst s8  }
0x11: {  	[smem:$0x3FB4] =	sst s9;
	s0 =	simm.s32 @!p0 $0x0  }
0x12: {  	s1 =	sld [smem:$0x3F9A];
	s0 =	simm.s32 @p0 $0x1  }
0x13: {  	[smem:$0x3FB5] =	sst s0;
	s0 =	simm.s32 @!p1 $0x0  }
0x14: {  	s2 =	sld [smem:$0x3F99];
	s0 =	simm.s32 @p1 $0x1  }
0x15: {  	[smem:$0x3FB6] =	sst s0;
	s0 =	simm.s32 @!p2 $0x0  }
0x16: {  	s3 =	sld [smem:$0x3FDB];
	s0 =	simm.s32 @p2 $0x1  }
0x17: {  	s4 =	simm.s32 $0x1BF5;
	[smem:$0x3FB8] =	sst s0  }
0x18: {  	s0 =	sld [smem:$0x3F9B];
	_ =	swait.ge [sflag:s4], $0x0  }
0x19: {  	s7 =	sld [smem:$0x3F9C]  }
0x1a: {  	s8 =	sadd.s32 $0xFFFFE003, lr  }
0x1b: {  	s9 =	sadd.s32 $0xFFFFFEF7, lr;
	s5 =	simm.s32 $0xFFFFFFFF;
	p2 =	slt.u32 s8, $0xFFFFF086  }
0x1c: {  	p1 =	slt.u32 s9, $0xF7A;
	s5 =	simm.s32 @!p2 $0x0  }
0x1d: {  	s5 =	simm.s32 @p1 $0x1;
	p0 =	seq.s32 s7, s2  }
0x1e: {  	s7 =	smul.u32 @!p0 $0xF7A, s2;
	p2 =	seq.s32 @!p0 s5, $0x0  }
0x1f: {  	s9 =	smul.u32 $0xF7A, s1;
	s8 =	simm.s32 @!p0 $0x1BF5;
	p2 =	por !p2, p0  }
0x20: {  	[sflag:s8] =	ssyncset.s32 @!p0 $0xFFFFF086;
	s6 =	sadd.s32 @!p0 s3, s7;
	s7 =	simm.s32 @!p0 $0x108  }
0x21: {  	s3 =	sadd.s32 s3, s9;
	s6 =	sadd.s32 @!p0 $0x88, s6;
	s7 =	simm.s32 @p2 $0x1082  }
0x22: {  	[simem:s7], [sflag:s8] =	dma.local @!p0 [hbm:s6], $0xF7A  }
0x23: {  	s9 =	sor.u32 $0xD0000000, s2;
	s6 =	simm.s32 $0x108;
	_ =	swait.ge @!p0 [sflag:s8], $0x0  }
0x24: {  	s3 =	sadd.s32 $0x88, s3;
	s6 =	simm.s32 @!p1 $0x1082;
	[sflag:s4] =	ssyncset.s32 $0xFFFFF086  }
0x25: {  	[simem:s6], [sflag:s4] =	dma.local [hbm:s3], $0xF7A  }
0x26: {  	[smem:$0x3F9C] =	sst s1;
	(tag) =	ssettag s2;
	_ =	strace s9  }
0x27: {  	s1 =	sld [smem:$0x3FAC]  }
0x28: {  	s2 =	sld [smem:$0x3FAD]  }
0x29: {  	s4 =	sld [smem:$0x3FAF]  }
0x2a: {  	p0 =	seq.s32 s5, $0x0;
	s5 =	sld [smem:$0x3FB0]  }
0x2b: {  	s6 =	sld [smem:$0x3FB1]  }
0x2c: {  	s7 =	sld [smem:$0x3FB2]  }
0x2d: {  	s3 =	simm.s32 $0x108;
	s8 =	sld [smem:$0x3FB3]  }
0x2e: {  	s3 =	simm.s32 @!p0 $0x1082;
	s9 =	sld [smem:$0x3FB4]  }
0x2f: {  	lr =	sadd.s32 s0, s3;
	s0 =	sld [smem:$0x3FAB]  }
0x30: {  	s3 =	sld [smem:$0x3FAE]  }
0x31: {  	[smem:$0x3FB7] =	sst s10  }
0x32: {  	s10 =	sld [smem:$0x3FB5];
	_ =	sdelay $0x3  }
0x33: {  	p0 =	seq.s32 s10, $0x1;
	s10 =	sld [smem:$0x3FB7];
	_ =	sdelay $0x3  }
0x34: {  	[smem:$0x3FB7] =	sst s10  }
0x35: {  	s10 =	sld [smem:$0x3FB6];
	_ =	sdelay $0x3  }
0x36: {  	p1 =	seq.s32 s10, $0x1;
	s10 =	sld [smem:$0x3FB7];
	_ =	sdelay $0x3  }
0x37: {  	[smem:$0x3FB7] =	sst s10  }
0x38: {  	s10 =	sld [smem:$0x3FB8]  }
0x39: {  	_ = 	snop;
	(pc) =	sbr.ind lr, $3  }
0x3a: {  	_ = 	snop  }
0x3b: {  	_ = 	snop  }
0x3c: {  	p2 =	seq.s32 s10, $0x1;
	s10 =	sld [smem:$0x3FB7]  }
0x3d: {  	_ =	shalt  }
0x3e: {  	_ =	shalt  }
0x3f: {  	_ =	shalt  }
0x40: {  	_ =	shalt  }
0x41: {  	_ =	shalt  }
0x42: {  	_ =	shalt  }
0x43: {  	_ =	shalt  }
0x44: {  	_ =	shalt  }
0x45: {  	_ =	shalt  }
0x46: {  	_ =	shalt  }
0x47: {  	_ =	shalt  }
0x48: {  	_ =	shalt  }
0x49: {  	_ =	shalt  }
0x4a: {  	_ =	shalt  }
0x4b: {  	_ =	shalt  }
0x4c: {  	_ =	shalt  }
0x4d: {  	_ =	shalt  }
0x4e: {  	_ =	shalt  }
0x4f: {  	_ =	shalt  }
0x50: {  	_ =	shalt  }
0x51: {  	_ =	shalt  }
0x52: {  	_ =	shalt  }
0x53: {  	_ =	shalt  }
0x54: {  	_ =	shalt  }
0x55: {  	_ =	shalt  }
0x56: {  	_ =	shalt  }
0x57: {  	_ =	shalt  }
0x58: {  	_ =	shalt  }
0x59: {  	_ =	shalt  }
0x5a: {  	_ =	shalt  }
0x5b: {  	_ =	shalt  }
0x5c: {  	_ =	shalt  }
0x5d: {  	_ =	shalt  }
0x5e: {  	_ =	shalt  }
0x5f: {  	_ =	shalt  }
0x60: {  	_ =	shalt  }
0x61: {  	_ =	shalt  }
0x62: {  	_ =	shalt  }
0x63: {  	_ =	shalt  }
0x64: {  	_ =	shalt  }
0x65: {  	_ =	shalt  }
0x66: {  	_ =	shalt  }
0x67: {  	_ =	shalt  }
0x68: {  	_ =	shalt  }
0x69: {  	_ =	shalt  }
0x6a: {  	_ =	shalt  }
0x6b: {  	_ =	shalt  }
0x6c: {  	_ =	shalt  }
0x6d: {  	_ =	shalt  }
0x6e: {  	_ =	shalt  }
0x6f: {  	_ =	shalt  }
0x70: {  	_ =	shalt  }
0x71: {  	_ =	shalt  }
0x72: {  	_ =	shalt  }
0x73: {  	_ =	shalt  }
0x74: {  	_ =	shalt  }
0x75: {  	_ =	shalt  }
0x76: {  	_ =	shalt  }
0x77: {  	_ =	shalt  }
0x78: {  	_ =	shalt  }
0x79: {  	_ =	shalt  }
0x7a: {  	_ =	shalt  }
0x7b: {  	_ =	shalt  }
0x7c: {  	_ =	shalt  }
0x7d: {  	_ =	shalt  }
0x7e: {  	_ =	shalt  }
0x7f: {  	_ =	shalt  }
0x80: {  	_ =	shalt  }
0x81: {  	_ =	shalt  }
0x82: {  	_ =	shalt  }
0x83: {  	_ =	shalt  }
0x84: {  	_ =	shalt  }
0x85: {  	_ =	shalt  }
0x86: {  	_ =	shalt  }
0x87: {  	_ =	shalt  }
.Lfunc_end0:
.L_simem_size_0:
called_computation_lowered:
.L_overlay_start_0:
0x88: {  	s2 =	sld [smem:$0x3FD9]  }
0x89: {  	s3 =	sld [smem:$0x3FFE];
	_ =	sdelay $0x1  }
0x8a: {  	s1 =	srdreg.scid  }
0x8b: {  	s0 =	sand.u32 $0x1, s1  }
0x8c: {  	s17 =	sshll.u32 s0, $0xA;
	s2 =	sadd.s32 s3, s2  }
0x8d: {  	s2 =	sadd.s32 s2, s17  }
0x8e: {  	[smem:$0x3FC3] =	sst s2  }
0x8f: {  	_ = 	snop  }
0x90: {  	s2 =	sld [smem:$0x3FD0];
	(tm) =	ssettm $0x1  }
0x91: {  	s18 =	sld [smem:$0x3FFB];
	_ =	sdelay $0x3  }
0x92: {  	_ =	strace s18  }
0x93: {  	s3 =	sld [smem:$0x3FFC];
	_ =	sdelay $0x3  }
0x94: {  	_ =	strace s3  }
0x95: {  	s3 =	sld [smem:$0x3FFD];
	_ =	sdelay $0x3  }
0x96: {  	_ =	strace s3  }
0x97: {  	_ =	strace $0x8FFFFFFF  }
0x98: {  	s19 =	sld [smem:$0x3FDB];
	_ =	sdelay $0x1  }
0x99: {  	s4 =	simm.s32 $_scs_section_size  }
0x9a: {  	s5 =	simm.s32 $_size__tile_overlayer_lowered;
	s6 =	simm.s32 $_tile_overlayer_lowered  }
0x9b: {  	s22 =	simm.s32 $0x1BFF;
	s21 =	sshll.u32 s6, $0x1;
	s3 =	sadd.s32 s4, s19  }
0x9c: {  	s7 =	simm.s32 $0x0;
	s20 =	sshll.u32 s5, $0x1;
	s5 =	sadd.s32 s21, s3  }
0x9d: {  	[timem:s7], [sflag:s22] =	dma.local [hbm:s5], s20  }
0x9e: {  	_ =	swait.ge [sflag:s22], s20  }
0x9f: {  	s4 =	ssub.s32 $0x0, s20;
	[sflag:s22] =	ssyncset.done $0x0  }
0xa0: {  	[sflag:s22] =	ssyncadd.s32 s4;
	_ =	sdelay $0x1  }
0xa1: {  	s23 =	simm.s32 $0x1B8B  }
0xa2: {  	_ =	swait.ge [sflag:s23], $0x1  }
0xa3: {  	[sflag:s23] =	ssyncset.done $0x0  }
0xa4: {  	s25 =	simm.s32 $0x1B8E;
	s24 =	sld [smem:$0x3FFE];
	[sflag:s23] =	ssyncadd.s32 $0xFFFFFFFF  }
0xa5: {  	s26 =	simm.s32 $execute0_lowered;
	[smem:$0x3FD2] =	sst s25  }
0xa6: {  	s5 =	sshll.u32 s26, $0x1;
	_ =	strace $0x80000046;
	[dreg:$0x1] =	wrdreg $0xFFFFFFFF  }
0xa7: {  	s28 =	simm.s32 $_size_execute0_lowered;
	s3 =	sadd.s32 s3, s5;
	[dreg:$0x0] =	wrdreg $0x0  }
0xa8: {  	s5 =	sshll.u32 s28, $0x1;
	[dreg:$0x2] =	wrdreg s3  }
0xa9: {  	[dreg:$0x3] =	wrdreg s5  }
0xaa: {  	[dreg:$0x4] =	wrdreg $0xC0  }
0xab: {  	_ =	task [dreg:s7], $0x5FFFF  }
0xac: {  	[dreg:$0x1] =	wrdreg $0xFFFFFFFF  }
0xad: {  	[dreg:$0x0] =	wrdreg $0x60  }
0xae: {  	[dreg:$0x2] =	wrdreg s24  }
0xaf: {  	[dreg:$0x3] =	wrdreg s2  }
0xb0: {  	[dreg:$0x4] =	wrdreg $0x9  }
0xb1: {  	_ =	task.clear_ibuf [dreg:s7], $0x5FFFF;
	_ =	strace $0x90000046  }
0xb2: {  	s29 =	simm.s32 $0x9;
	_ =	strace $0x80000048  }
0xb3: {  	_ =	swait.ge [sflag:s29], $0x1  }
0xb4: {  	[sflag:s29] =	ssyncadd.s32 $0xFFFFFFFF  }
0xb5: {  	_ =	strace $0x90000048  }
0xb6: {  	_ =	sfence  }
0xb7: {  	s30 =	sld [smem:$0x0];
	_ =	sdelay $0x2  }
0xb8: {  	s31 =	sshll.u32 s1, $0xD;
	s1 =	sshrl.u32 s1, $0x2  }
0xb9: {  	s3 =	sand.u32 $0x4000, s31;
	s1 =	sadd.s32 s1, s30  }
0xba: {  	s0 =	sor.u32 s3, s0;
	s1 =	sshll.u32 s1, $0x11  }
0xbb: {  	s0 =	sor.u32 s1, s0  }
0xbc: {  	s0 =	sadd.s32 $0x8F2B, s0  }
0xbd: {  	[sflag:s0] =	ssyncadd.remote.s32 $0x1  }
0xbe: {  	_ =	sfence.sel $0xFFFF  }
0xbf: {  	[dreg:$0x0] =	wrdreg $0xFFFFFFFF;
	(pc) =	sbr.abs _section_cstart, $3  }
0xc0: {  	[dreg:$0x1] =	wrdreg $0xFFFFFFFF  }
0xc1: {  	_ =	task.clear_ibuf [dreg:s7], $0x2FFFF;
	_ =	strace $0x9FFFFFFF  }
0xc2: {  	(tm) =	ssettm $0x7FFFFFFF  }
0xc3: {  	_ =	shalt  }
tec
execute0_lowered:
.L_overlay_start_1:
0x0: {  	(tag) =	ssettag $0x1  }
0x1: {  	s5 =	rddreg [dreg:$0x0]  }
0x2: {  	s8 =	rddreg [dreg:$0x1];
	s2 =	srdreg.scid  }
0x3: {  	s0 =	rddreg [dreg:$0x2];
	s1 =	stileid.u32;
	s11 =	simm.s32 $0x3  }
0x4: {  	s12 =	simm.s32 $0x1;
	s13 =	simm.s32 $0x8000;
	s14 =	simm.s32 $0x2  }
0x5: {  	s15 =	simm.s32 $0x12200;
	s16 =	simm.s32 $0x0;
	s4 =	sand.u32 $0x1, s2  }
0x6: {  	s2 =	simm.s32 $0x0;
	s3 =	sshll.u32 s1, $0x8;
	s6 =	sshll.u32 s4, $0x7  }
0x7: {  	[smem:$0x7FF] =	sst s2;
	s7 =	ssub.s32 $0x2, s4;
	s4 =	sadd.s32 $0x1000, s5  }
.Ltmp0:
0x8: {  	s3 =	sor.u32 s6, s3;
	s30 =	sshrl.u32 s7, $0x1;
	(pc) =	sbr.rel .LBB2_1-.Ltmp0, $4  }
0x9: {  	v0 =	vlaneseq.u32;
	_ =	strace $0x80000047;
	s6 =	sshrl.u32 s3, $0x3;
	s9 =	ssub.s32 s7, s30  }
0xa: {  	v1 =	vmul.u32 $0xFFFFFFFF, v0;
	s31 =	sshll.u32 s3, $0x9;
	s7 =	sor.u32 $0x10, s3;
	s10 =	sshll.u32 s3, $0x4  }
0xb: {  	s5 =	sadd.s32 s6, s5;
	s6 =	sadd.s32 s4, s31;
	s8 =	sadd.s32 s8, s10  }
0xc: {  	v0 =	vimm.f32 $-3.000000010e+38;
	v1 =	vadd.s32 $0xF, v1;
	s9 =	smax.u32 s9, $0x1;
	s10 =	simm.s32 $0x12100;
	s5 =	sadd.s32 $0x201000, s5  }
.LBB2_55:
0xd: {  	s16 =	sadd.s32 $0x1, s16  }
0xe: {  	p0 =	sne.s32 s16, s9  }
.Ltmp1:
0xf: {  	_ = 	snop;
	(pc) =	sbr.rel @!p0 .LBB2_56-.Ltmp1, $4  }
0x10: {  	[hbm4b:s8+s2] =	stream.linear.scatter [tilespmem:s15], [sflag:$0x3], $0x4000, $0x38;
	[tilespmem:$0x16200] =	vst v63  }
0x11: {  	_ =	swait.ge [sflag:s11], $0x4000  }
0x12: {  	[sflag:s11] =	ssyncset.done $0x0  }
0x13: {  	[sflag:s11] =	ssyncadd.s32 $0xFFFFC000  }
.LBB2_1:
0x14: {  	[tilespmem:s10], [sflag:$0x3] =	stream.linear.gather [hbm4b:s5+s2], $0x80, $0x38;
	[tilespmem:$0x16200] =	vst v63  }
.Ltmp2:
0x15: {  	_ = 	snop;
	(pc) =	sbr.rel .LBB2_2-.Ltmp2, $4  }
0x16: {  	_ =	swait.ge [sflag:s11], $0x80  }
0x17: {  	[sflag:s11] =	ssyncset.done $0x0  }
0x18: {  	s17 =	simm.s32 $0x0;
	[sflag:s11] =	ssyncadd.s32 $0xFFFFFF80  }
0x19: {  	[tilespmem:s2], [sflag:$0x1] =	stream.linear.gather [hbm4b:s6+s2], $0x8000, $0x38;
	[tilespmem:$0x16200] =	vst v63  }
.LBB2_54:
0x1a: {  	s17 =	sadd.s32 $0x1, s17  }
0x1b: {  	p0 =	sne.s32 s17, $0x8  }
.Ltmp3:
0x1c: {  	_ = 	snop;
	(pc) =	sbr.rel @!p0 .LBB2_55-.Ltmp3, $1  }
0x1d: {  	_ =	sdelay $0x3  }
.LBB2_2:
0x1e: {  	s19 =	sshll.u32 s17, $0x4  }
0x1f: {  	s18 =	sor.u32 $0x8, s19  }
.Ltmp4:
0x20: {  	_ =	swait.ge [sflag:s12], $0x8000;
	s20 =	sadd.s32 s3, s18;
	(pc) =	sbr.rel .LBB2_3-.Ltmp4, $4  }
0x21: {  	[sflag:s12] =	ssyncset.done $0x0;
	s20 =	sshll.u32 s20, $0x9  }
0x22: {  	[sflag:s12] =	ssyncadd.s32 $0xFFFF8000;
	s21 =	sadd.s32 s4, s20;
	s20 =	simm.s32 $0x0  }
0x23: {  	[tilespmem:s13], [sflag:$0x2] =	stream.linear.gather [hbm4b:s21+s20], $0x8000, $0x38;
	[tilespmem:$0x16200] =	vst v63  }
0x24: {  	s22 =	simm.s32 $0x0;
	v2 =	vmov s19;
	s21 =	simm.s32 $0x400  }
.LBB2_19:
0x25: {  	v6 =	vmov v3  }
.LBB2_25:
0x26: {  	v5 =	vmax.f32 @p1 v6, v5  }
0x27: {  	(xrf1) =	vsort.ascd.msk.f32 @p1 $0xffff, v5, v5;
	_ =	sdelay $0x8  }
0x28: {  	v5, _, _ =	vpop (xrf1)  }
0x29: {  	v5 =	vperm.xlane v5, v1  }
0x2a: {  	v6, _, _ =	vpop @p0 (xrf1)  }
0x2b: {  	v7, _, _ =	vpop @p0 (xrf1)  }
0x2c: {  	v4 =	vpsel p0, v6, v4;
	v6 =	vperm.xlane @p0 v7, v1  }
0x2d: {  	v7 =	vmin.f32 v4, v5;
	v4 =	vmax.f32 v4, v5;
	v5, _, _ =	vpop @p1 (xrf1)  }
0x2e: {  	(xrf1) =	vsort.ascd.msk.f32 $0xffff, v4, v4;
	v4 =	vpsel p1, v5, v3;
	v5 =	vpsel p0, v6, v0  }
0x2f: {  	(xrf1) =	vsort.ascd.msk.f32 $0xffff, v7, v7;
	v4 =	vmax.f32 @p0 v4, v5  }
0x30: {  	(xrf1) =	vsort.ascd.msk.f32 @p0 $0xffff, v4, v4;
	_ =	sdelay $0xb  }
0x31: {  	v4, _, _ =	vpop (xrf1)  }
0x32: {  	v5, _, _ =	vpop (xrf1)  }
0x33: {  	v5 =	vperm.xlane v5, v1;
	v6, _, _ =	vpop @p0 (xrf1)  }
0x34: {  	v3 =	vpsel p0, v6, v3  }
0x35: {  	v3 =	vmax.f32 v3, v5  }
0x36: {  	(xrf1) =	vsort.ascd.msk.f32 $0xffff, v3, v3;
	_ =	sdelay $0xd  }
0x37: {  	v3, _, _ =	vpop (xrf1)  }
.LBB2_26:
0x38: {  	[tilespmem:s23+$0x12280] =	vst v4  }
0x39: {  	[tilespmem:s23+$0x12290] =	vst v3  }
0x3a: {  	[tilespmem:s23+$0x122A0] =	vst v0  }
0x3b: {  	[tilespmem:s23+$0x122B0] =	vst v0  }
0x3c: {  	[tilespmem:s23+$0x122C0] =	vst v0  }
0x3d: {  	[tilespmem:s23+$0x122D0] =	vst v0  }
0x3e: {  	[tilespmem:s23+$0x122E0] =	vst v0  }
0x3f: {  	[tilespmem:s23+$0x122F0] =	vst v0  }
.LBB2_27:
0x40: {  	s22 =	sadd.s32 $0x1, s22  }
0x41: {  	p0 =	sne.s32 s22, $0x4  }
.Ltmp5:
0x42: {  	_ = 	snop;
	(pc) =	sbr.rel @!p0 .LBB2_28-.Ltmp5, $2  }
0x43: {  	_ =	sdelay $0x2  }
0x44: {  	s21 =	sadd.s32 $0x100, s21  }
.LBB2_3:
0x45: {  	_ =	sdelay $0x2  }
0x46: {  	s23 =	sshll.u32 s22, $0x1  }
0x47: {  	v3 =	vld.idx.msk [tilespmem:v2+s23+$0x12100 ss:$0x1], $0xffff;
	[tilespmem:$0x10000] =	vst v0  }
0x48: {  	[tilespmem:$0x11080] =	vst v0  }
0x49: {  	[tilespmem:$0x10010] =	vst v0  }
0x4a: {  	[tilespmem:$0x11090] =	vst v0  }
0x4b: {  	[tilespmem:$0x10020] =	vst v0  }
0x4c: {  	[tilespmem:$0x110A0] =	vst v0  }
0x4d: {  	[tilespmem:$0x10030] =	vst v0  }
0x4e: {  	[tilespmem:$0x110B0] =	vst v0  }
0x4f: {  	[tilespmem:$0x10040] =	vst v0  }
0x50: {  	[tilespmem:$0x110C0] =	vst v0  }
0x51: {  	[tilespmem:$0x10050] =	vst v0  }
0x52: {  	[tilespmem:$0x110D0] =	vst v0  }
0x53: {  	[tilespmem:$0x10060] =	vst v0  }
0x54: {  	[tilespmem:$0x110E0] =	vst v0  }
0x55: {  	[tilespmem:$0x10070] =	vst v0  }
0x56: {  	[tilespmem:$0x110F0] =	vst v0  }
0x57: {  	v5 =	vld [tilespmem:s21+$0xFFFFFC00]  }
0x58: {  	v6 =	vld [tilespmem:s21+$0xFFFFFC80];
	_ =	sdelay $0x1  }
0x59: {  	v4 =	vbroadcast v3, $0x0  }
0x5a: {  	v3 =	vbroadcast v3, $0x1  }
0x5b: {  	vm0 =	vge.f32 v5, v4  }
0x5c: {  	vm1 =	vge.f32 v6, v3;
	[tilespmem:s20+$0x10000] =	vst.msk vm0, v5;
	v5 =	vmpcnt.ones.xlane vm0  }
0x5d: {  	[tilespmem:s20+$0x11080] =	vst.msk vm1, v6;
	v6 =	vmpcnt.ones.xlane vm1  }
0x5e: {  	v7 =	vld [tilespmem:s21+$0xFFFFFC10];
	(v2sf) =	vpush v5, $0x0  }
0x5f: {  	v5 =	vld [tilespmem:s21+$0xFFFFFC90];
	(v2sf) =	vpush v6, $0x0;
	_ =	sdelay $0x3  }
0x60: {  	vm10 =	vge.f32 v7, v4  }
0x61: {  	vm11 =	vge.f32 v5, v3;
	v6 =	vmpcnt.ones.xlane vm10  }
0x62: {  	v8 =	vmpcnt.ones.xlane vm11  }
0x63: {  	(v2sf) =	vpush v6, $0x0  }
0x64: {  	(v2sf) =	vpush v8, $0x0;
	_ =	sdelay $0x5  }
0x65: {  	s24 =	spop (v2sf)  }
0x66: {  	s24 =	sadd.s32 $0x0, s24;
	s25 =	spop (v2sf)  }
0x67: {  	s25 =	sadd.s32 $0x0, s25;
	[tilespmem:s24+$0x10000] =	vst.msk vm10, v7  }
0x68: {  	[tilespmem:s25+$0x11080] =	vst.msk vm11, v5  }
0x69: {  	v5 =	vld [tilespmem:s21+$0xFFFFFC20]  }
0x6a: {  	v6 =	vld [tilespmem:s21+$0xFFFFFCA0];
	_ =	sdelay $0x2  }
0x6b: {  	s26 =	spop (v2sf)  }
0x6c: {  	s24 =	sadd.s32 s24, s26;
	vm12 =	vge.f32 v5, v4;
	s31 =	spop (v2sf)  }
0x6d: {  	vm13 =	vge.f32 v6, v3;
	s25 =	sadd.s32 s25, s31;
	[tilespmem:s24+$0x10000] =	vst.msk vm12, v5;
	v5 =	vmpcnt.ones.xlane vm12  }
0x6e: {  	[tilespmem:s25+$0x11080] =	vst.msk vm13, v6;
	v6 =	vmpcnt.ones.xlane vm13  }
0x6f: {  	v7 =	vld [tilespmem:s21+$0xFFFFFC30];
	(v2sf) =	vpush v5, $0x0  }
0x70: {  	v5 =	vld [tilespmem:s21+$0xFFFFFCB0];
	(v2sf) =	vpush v6, $0x0;
	_ =	sdelay $0x3  }
0x71: {  	vm14 =	vge.f32 v7, v4  }
0x72: {  	vm15 =	vge.f32 v5, v3;
	v6 =	vmpcnt.ones.xlane vm14  }
0x73: {  	v8 =	vmpcnt.ones.xlane vm15  }
0x74: {  	(v2sf) =	vpush v6, $0x0  }
0x75: {  	(v2sf) =	vpush v8, $0x0;
	_ =	sdelay $0x5  }
0x76: {  	s30 =	spop (v2sf)  }
0x77: {  	s24 =	sadd.s32 s24, s30;
	s31 =	spop (v2sf)  }
0x78: {  	s25 =	sadd.s32 s25, s31;
	[tilespmem:s24+$0x10000] =	vst.msk vm14, v7  }
0x79: {  	[tilespmem:s25+$0x11080] =	vst.msk vm15, v5  }
0x7a: {  	v5 =	vld [tilespmem:s21+$0xFFFFFC40]  }
0x7b: {  	v6 =	vld [tilespmem:s21+$0xFFFFFCC0];
	_ =	sdelay $0x2  }
0x7c: {  	s30 =	spop (v2sf)  }
0x7d: {  	s24 =	sadd.s32 s24, s30;
	vm4 =	vge.f32 v5, v4;
	s31 =	spop (v2sf)  }
0x7e: {  	vm5 =	vge.f32 v6, v3;
	s25 =	sadd.s32 s25, s31;
	[tilespmem:s24+$0x10000] =	vst.msk vm4, v5;
	v5 =	vmpcnt.ones.xlane vm4  }
0x7f: {  	[tilespmem:s25+$0x11080] =	vst.msk vm5, v6;
	v6 =	vmpcnt.ones.xlane vm5  }
0x80: {  	v7 =	vld [tilespmem:s21+$0xFFFFFC50];
	(v2sf) =	vpush v5, $0x0  }
0x81: {  	v5 =	vld [tilespmem:s21+$0xFFFFFCD0];
	(v2sf) =	vpush v6, $0x0;
	_ =	sdelay $0x3  }
0x82: {  	vm6 =	vge.f32 v7, v4  }
0x83: {  	vm7 =	vge.f32 v5, v3;
	v6 =	vmpcnt.ones.xlane vm6  }
0x84: {  	v8 =	vmpcnt.ones.xlane vm7  }
0x85: {  	(v2sf) =	vpush v6, $0x0  }
0x86: {  	(v2sf) =	vpush v8, $0x0;
	_ =	sdelay $0x5  }
0x87: {  	s30 =	spop (v2sf)  }
0x88: {  	s24 =	sadd.s32 s24, s30;
	s31 =	spop (v2sf)  }
0x89: {  	s25 =	sadd.s32 s25, s31;
	[tilespmem:s24+$0x10000] =	vst.msk vm6, v7  }
0x8a: {  	[tilespmem:s25+$0x11080] =	vst.msk vm7, v5  }
0x8b: {  	v5 =	vld [tilespmem:s21+$0xFFFFFC60]  }
0x8c: {  	v6 =	vld [tilespmem:s21+$0xFFFFFCE0];
	_ =	sdelay $0x2  }
0x8d: {  	s30 =	spop (v2sf)  }
0x8e: {  	s24 =	sadd.s32 s24, s30;
	vm8 =	vge.f32 v5, v4;
	s31 =	spop (v2sf)  }
0x8f: {  	vm9 =	vge.f32 v6, v3;
	s25 =	sadd.s32 s25, s31;
	[tilespmem:s24+$0x10000] =	vst.msk vm8, v5;
	v5 =	vmpcnt.ones.xlane vm8  }
0x90: {  	[tilespmem:s25+$0x11080] =	vst.msk vm9, v6;
	v6 =	vmpcnt.ones.xlane vm9  }
0x91: {  	v7 =	vld [tilespmem:s21+$0xFFFFFC70];
	(v2sf) =	vpush v5, $0x0  }
0x92: {  	v5 =	vld [tilespmem:s21+$0xFFFFFCF0];
	(v2sf) =	vpush v6, $0x0;
	_ =	sdelay $0x3  }
0x93: {  	vm10 =	vge.f32 v7, v4  }
0x94: {  	vm11 =	vge.f32 v5, v3;
	v6 =	vmpcnt.ones.xlane vm10  }
0x95: {  	v8 =	vmpcnt.ones.xlane vm11  }
0x96: {  	(v2sf) =	vpush v6, $0x0  }
0x97: {  	(v2sf) =	vpush v8, $0x0;
	_ =	sdelay $0x5  }
0x98: {  	s30 =	spop (v2sf)  }
0x99: {  	s24 =	sadd.s32 s24, s30;
	s31 =	spop (v2sf)  }
0x9a: {  	s25 =	sadd.s32 s25, s31;
	[tilespmem:s24+$0x10000] =	vst.msk vm10, v7  }
0x9b: {  	[tilespmem:s25+$0x11080] =	vst.msk vm11, v5  }
0x9c: {  	v5 =	vld [tilespmem:s21+$0x0]  }
0x9d: {  	v6 =	vld [tilespmem:s21+$0x80];
	_ =	sdelay $0x2  }
0x9e: {  	s30 =	spop (v2sf)  }
0x9f: {  	s24 =	sadd.s32 s24, s30;
	vm12 =	vge.f32 v5, v4;
	s31 =	spop (v2sf)  }
0xa0: {  	vm13 =	vge.f32 v6, v3;
	s25 =	sadd.s32 s25, s31;
	[tilespmem:s24+$0x10000] =	vst.msk vm12, v5;
	v5 =	vmpcnt.ones.xlane vm12  }
0xa1: {  	[tilespmem:s25+$0x11080] =	vst.msk vm13, v6;
	v6 =	vmpcnt.ones.xlane vm13  }
0xa2: {  	v7 =	vld [tilespmem:s21+$0x10];
	(v2sf) =	vpush v5, $0x0  }
0xa3: {  	v5 =	vld [tilespmem:s21+$0x90];
	(v2sf) =	vpush v6, $0x0;
	_ =	sdelay $0x3  }
0xa4: {  	vm14 =	vge.f32 v7, v4  }
0xa5: {  	vm15 =	vge.f32 v5, v3;
	v6 =	vmpcnt.ones.xlane vm14  }
0xa6: {  	v8 =	vmpcnt.ones.xlane vm15  }
0xa7: {  	(v2sf) =	vpush v6, $0x0  }
0xa8: {  	(v2sf) =	vpush v8, $0x0;
	_ =	sdelay $0x5  }
0xa9: {  	s30 =	spop (v2sf)  }
0xaa: {  	s24 =	sadd.s32 s24, s30;
	s31 =	spop (v2sf)  }
0xab: {  	s25 =	sadd.s32 s25, s31;
	[tilespmem:s24+$0x10000] =	vst.msk vm14, v7  }
0xac: {  	[tilespmem:s25+$0x11080] =	vst.msk vm15, v5  }
0xad: {  	v5 =	vld [tilespmem:s21+$0x20]  }
0xae: {  	v6 =	vld [tilespmem:s21+$0xA0];
	_ =	sdelay $0x2  }
0xaf: {  	s30 =	spop (v2sf)  }
0xb0: {  	s24 =	sadd.s32 s24, s30;
	vm4 =	vge.f32 v5, v4;
	s31 =	spop (v2sf)  }
0xb1: {  	vm5 =	vge.f32 v6, v3;
	s25 =	sadd.s32 s25, s31;
	[tilespmem:s24+$0x10000] =	vst.msk vm4, v5;
	v5 =	vmpcnt.ones.xlane vm4  }
0xb2: {  	[tilespmem:s25+$0x11080] =	vst.msk vm5, v6;
	v6 =	vmpcnt.ones.xlane vm5  }
0xb3: {  	v7 =	vld [tilespmem:s21+$0x30];
	(v2sf) =	vpush v5, $0x0  }
0xb4: {  	v5 =	vld [tilespmem:s21+$0xB0];
	(v2sf) =	vpush v6, $0x0;
	_ =	sdelay $0x3  }
0xb5: {  	vm6 =	vge.f32 v7, v4  }
0xb6: {  	vm7 =	vge.f32 v5, v3;
	v6 =	vmpcnt.ones.xlane vm6  }
0xb7: {  	v8 =	vmpcnt.ones.xlane vm7  }
0xb8: {  	(v2sf) =	vpush v6, $0x0  }
0xb9: {  	(v2sf) =	vpush v8, $0x0;
	_ =	sdelay $0x5  }
0xba: {  	s30 =	spop (v2sf)  }
0xbb: {  	s24 =	sadd.s32 s24, s30;
	s31 =	spop (v2sf)  }
0xbc: {  	s25 =	sadd.s32 s25, s31;
	[tilespmem:s24+$0x10000] =	vst.msk vm6, v7  }
0xbd: {  	[tilespmem:s25+$0x11080] =	vst.msk vm7, v5  }
0xbe: {  	v5 =	vld [tilespmem:s21+$0x40]  }
0xbf: {  	v6 =	vld [tilespmem:s21+$0xC0];
	_ =	sdelay $0x2  }
0xc0: {  	s30 =	spop (v2sf)  }
0xc1: {  	s24 =	sadd.s32 s24, s30;
	vm8 =	vge.f32 v5, v4;
	s31 =	spop (v2sf)  }
0xc2: {  	vm9 =	vge.f32 v6, v3;
	s25 =	sadd.s32 s25, s31;
	[tilespmem:s24+$0x10000] =	vst.msk vm8, v5;
	v5 =	vmpcnt.ones.xlane vm8  }
0xc3: {  	[tilespmem:s25+$0x11080] =	vst.msk vm9, v6;
	v6 =	vmpcnt.ones.xlane vm9  }
0xc4: {  	v7 =	vld [tilespmem:s21+$0x50];
	(v2sf) =	vpush v5, $0x0  }
0xc5: {  	v5 =	vld [tilespmem:s21+$0xD0];
	(v2sf) =	vpush v6, $0x0;
	_ =	sdelay $0x3  }
0xc6: {  	vm10 =	vge.f32 v7, v4  }
0xc7: {  	vm11 =	vge.f32 v5, v3;
	v6 =	vmpcnt.ones.xlane vm10  }
0xc8: {  	v8 =	vmpcnt.ones.xlane vm11  }
0xc9: {  	(v2sf) =	vpush v6, $0x0  }
0xca: {  	(v2sf) =	vpush v8, $0x0;
	_ =	sdelay $0x5  }
0xcb: {  	s30 =	spop (v2sf)  }
0xcc: {  	s24 =	sadd.s32 s24, s30;
	s31 =	spop (v2sf)  }
0xcd: {  	s25 =	sadd.s32 s25, s31;
	[tilespmem:s24+$0x10000] =	vst.msk vm10, v7  }
0xce: {  	[tilespmem:s25+$0x11080] =	vst.msk vm11, v5  }
0xcf: {  	v5 =	vld [tilespmem:s21+$0x60]  }
0xd0: {  	v6 =	vld [tilespmem:s21+$0xE0];
	_ =	sdelay $0x2  }
0xd1: {  	s30 =	spop (v2sf)  }
0xd2: {  	s24 =	sadd.s32 s24, s30;
	vm12 =	vge.f32 v5, v4;
	s31 =	spop (v2sf)  }
0xd3: {  	vm13 =	vge.f32 v6, v3;
	s25 =	sadd.s32 s25, s31;
	[tilespmem:s24+$0x10000] =	vst.msk vm12, v5  }
0xd4: {  	[tilespmem:s25+$0x11080] =	vst.msk vm13, v6;
	v6 =	vmpcnt.ones.xlane vm12  }
0xd5: {  	v5 =	vld [tilespmem:s21+$0x70]  }
0xd6: {  	(v2sf) =	vpush v6, $0x0;
	_ =	sdelay $0x3  }
0xd7: {  	v7 =	vmpcnt.ones.xlane vm13;
	vm14 =	vge.f32 v5, v4  }
0xd8: {  	v6 =	vmpcnt.ones.xlane vm14  }
0xd9: {  	(v2sf) =	vpush v7, $0x0  }
0xda: {  	(v2sf) =	vpush v6, $0x0;
	v6 =	vld [tilespmem:s21+$0xF0];
	_ =	sdelay $0x4  }
0xdb: {  	vm15 =	vge.f32 v6, v3  }
0xdc: {  	v7 =	vmpcnt.ones.xlane vm15;
	_ =	sdelay $0x1  }
0xdd: {  	s30 =	spop (v2sf);
	(v2sf) =	vpush v7, $0x0;
	_ =	sdelay $0x6  }
0xde: {  	s28 =	sadd.s32 s24, s30;
	s31 =	spop (v2sf)  }
0xdf: {  	s26 =	sadd.s32 s25, s31;
	[tilespmem:s28+$0x10000] =	vst.msk vm14, v5  }
0xe0: {  	s24 =	sadd.s32 $0x800, s21;
	[tilespmem:s26+$0x11080] =	vst.msk vm15, v6  }
0xe1: {  	v5 =	vld [tilespmem:s24+$0xFFFFFC00]  }
0xe2: {  	v6 =	vld [tilespmem:s24+$0xFFFFFC80];
	_ =	sdelay $0x2  }
0xe3: {  	s23 =	sadd.s32 s19, s23;
	s25 =	simm.s32 $0x10;
	s29 =	spop (v2sf)  }
.LBB2_4:
0xe4: {  	s25 =	sadd.s32 $0x10, s25;
	vm0 =	vge.f32 v5, v4;
	s28 =	sadd.s32 s28, s29;
	s29 =	spop (v2sf)  }
0xe5: {  	p0 =	slt.u32 s25, $0xF0;
	vm1 =	vge.f32 v6, v3;
	[tilespmem:s28+$0x10000] =	vst.msk vm0, v5;
	v5 =	vmpcnt.ones.xlane vm0;
	s26 =	sadd.s32 s26, s29  }
0xe6: {  	[tilespmem:s26+$0x11080] =	vst.msk vm1, v6;
	v6 =	vmpcnt.ones.xlane vm1  }
0xe7: {  	v7 =	vld [tilespmem:s24+$0xFFFFFC10];
	(v2sf) =	vpush v5, $0x0  }
0xe8: {  	v5 =	vld [tilespmem:s24+$0xFFFFFC90];
	(v2sf) =	vpush v6, $0x0;
	_ =	sdelay $0x3  }
0xe9: {  	vm0 =	vge.f32 v7, v4  }
0xea: {  	vm1 =	vge.f32 v5, v3;
	v6 =	vmpcnt.ones.xlane vm0  }
0xeb: {  	v8 =	vmpcnt.ones.xlane vm1  }
0xec: {  	(v2sf) =	vpush v6, $0x0  }
0xed: {  	(v2sf) =	vpush v8, $0x0;
	_ =	sdelay $0x5  }
0xee: {  	s29 =	spop (v2sf)  }
0xef: {  	s28 =	sadd.s32 s28, s29;
	s29 =	spop (v2sf)  }
0xf0: {  	s26 =	sadd.s32 s26, s29;
	[tilespmem:s28+$0x10000] =	vst.msk vm0, v7  }
0xf1: {  	[tilespmem:s26+$0x11080] =	vst.msk vm1, v5  }
0xf2: {  	v5 =	vld [tilespmem:s24+$0xFFFFFC20]  }
0xf3: {  	v6 =	vld [tilespmem:s24+$0xFFFFFCA0];
	_ =	sdelay $0x2  }
0xf4: {  	s29 =	spop (v2sf)  }
0xf5: {  	s28 =	sadd.s32 s28, s29;
	vm0 =	vge.f32 v5, v4;
	s29 =	spop (v2sf)  }
0xf6: {  	s26 =	sadd.s32 s26, s29;
	vm1 =	vge.f32 v6, v3;
	[tilespmem:s28+$0x10000] =	vst.msk vm0, v5;
	v5 =	vmpcnt.ones.xlane vm0  }
0xf7: {  	[tilespmem:s26+$0x11080] =	vst.msk vm1, v6;
	v6 =	vmpcnt.ones.xlane vm1  }
0xf8: {  	v7 =	vld [tilespmem:s24+$0xFFFFFC30];
	(v2sf) =	vpush v5, $0x0  }
0xf9: {  	v5 =	vld [tilespmem:s24+$0xFFFFFCB0];
	(v2sf) =	vpush v6, $0x0;
	_ =	sdelay $0x3  }
0xfa: {  	vm0 =	vge.f32 v7, v4  }
0xfb: {  	vm1 =	vge.f32 v5, v3;
	v6 =	vmpcnt.ones.xlane vm0  }
0xfc: {  	v8 =	vmpcnt.ones.xlane vm1  }
0xfd: {  	(v2sf) =	vpush v6, $0x0  }
0xfe: {  	(v2sf) =	vpush v8, $0x0;
	_ =	sdelay $0x5  }
0xff: {  	s29 =	spop (v2sf)  }
0x100: {  	s28 =	sadd.s32 s28, s29;
	s29 =	spop (v2sf)  }
0x101: {  	s26 =	sadd.s32 s26, s29;
	[tilespmem:s28+$0x10000] =	vst.msk vm0, v7  }
0x102: {  	[tilespmem:s26+$0x11080] =	vst.msk vm1, v5  }
0x103: {  	v5 =	vld [tilespmem:s24+$0xFFFFFC40]  }
0x104: {  	v6 =	vld [tilespmem:s24+$0xFFFFFCC0];
	_ =	sdelay $0x2  }
0x105: {  	s29 =	spop (v2sf)  }
0x106: {  	s28 =	sadd.s32 s28, s29;
	vm0 =	vge.f32 v5, v4;
	s29 =	spop (v2sf)  }
0x107: {  	s26 =	sadd.s32 s26, s29;
	vm1 =	vge.f32 v6, v3;
	[tilespmem:s28+$0x10000] =	vst.msk vm0, v5;
	v5 =	vmpcnt.ones.xlane vm0  }
0x108: {  	[tilespmem:s26+$0x11080] =	vst.msk vm1, v6;
	v6 =	vmpcnt.ones.xlane vm1  }
0x109: {  	v7 =	vld [tilespmem:s24+$0xFFFFFC50];
	(v2sf) =	vpush v5, $0x0  }
0x10a: {  	v5 =	vld [tilespmem:s24+$0xFFFFFCD0];
	(v2sf) =	vpush v6, $0x0;
	_ =	sdelay $0x3  }
0x10b: {  	vm0 =	vge.f32 v7, v4  }
0x10c: {  	vm1 =	vge.f32 v5, v3;
	v6 =	vmpcnt.ones.xlane vm0  }
0x10d: {  	v8 =	vmpcnt.ones.xlane vm1  }
0x10e: {  	(v2sf) =	vpush v6, $0x0  }
0x10f: {  	(v2sf) =	vpush v8, $0x0;
	_ =	sdelay $0x5  }
0x110: {  	s29 =	spop (v2sf)  }
0x111: {  	s28 =	sadd.s32 s28, s29;
	s29 =	spop (v2sf)  }
0x112: {  	s26 =	sadd.s32 s26, s29;
	[tilespmem:s28+$0x10000] =	vst.msk vm0, v7  }
0x113: {  	[tilespmem:s26+$0x11080] =	vst.msk vm1, v5  }
0x114: {  	v5 =	vld [tilespmem:s24+$0xFFFFFC60]  }
0x115: {  	v6 =	vld [tilespmem:s24+$0xFFFFFCE0];
	_ =	sdelay $0x2  }
0x116: {  	s29 =	spop (v2sf)  }
0x117: {  	s28 =	sadd.s32 s28, s29;
	vm0 =	vge.f32 v5, v4;
	s29 =	spop (v2sf)  }
0x118: {  	s26 =	sadd.s32 s26, s29;
	vm1 =	vge.f32 v6, v3;
	[tilespmem:s28+$0x10000] =	vst.msk vm0, v5;
	v5 =	vmpcnt.ones.xlane vm0  }
0x119: {  	[tilespmem:s26+$0x11080] =	vst.msk vm1, v6;
	v6 =	vmpcnt.ones.xlane vm1  }
0x11a: {  	v7 =	vld [tilespmem:s24+$0xFFFFFC70];
	(v2sf) =	vpush v5, $0x0  }
0x11b: {  	v5 =	vld [tilespmem:s24+$0xFFFFFCF0];
	(v2sf) =	vpush v6, $0x0;
	_ =	sdelay $0x3  }
0x11c: {  	vm0 =	vge.f32 v7, v4  }
0x11d: {  	vm1 =	vge.f32 v5, v3;
	v6 =	vmpcnt.ones.xlane vm0  }
0x11e: {  	v8 =	vmpcnt.ones.xlane vm1  }
0x11f: {  	(v2sf) =	vpush v6, $0x0  }
0x120: {  	(v2sf) =	vpush v8, $0x0;
	_ =	sdelay $0x5  }
0x121: {  	s29 =	spop (v2sf)  }
0x122: {  	s28 =	sadd.s32 s28, s29;
	s29 =	spop (v2sf)  }
0x123: {  	s26 =	sadd.s32 s26, s29;
	[tilespmem:s28+$0x10000] =	vst.msk vm0, v7  }
0x124: {  	[tilespmem:s26+$0x11080] =	vst.msk vm1, v5  }
0x125: {  	v5 =	vld [tilespmem:s24+$0x0]  }
0x126: {  	v6 =	vld [tilespmem:s24+$0x80];
	_ =	sdelay $0x2  }
0x127: {  	s29 =	spop (v2sf)  }
0x128: {  	s28 =	sadd.s32 s28, s29;
	vm0 =	vge.f32 v5, v4;
	s29 =	spop (v2sf)  }
0x129: {  	s26 =	sadd.s32 s26, s29;
	vm1 =	vge.f32 v6, v3;
	[tilespmem:s28+$0x10000] =	vst.msk vm0, v5;
	v5 =	vmpcnt.ones.xlane vm0  }
0x12a: {  	[tilespmem:s26+$0x11080] =	vst.msk vm1, v6;
	v6 =	vmpcnt.ones.xlane vm1  }
0x12b: {  	v7 =	vld [tilespmem:s24+$0x10];
	(v2sf) =	vpush v5, $0x0  }
0x12c: {  	v5 =	vld [tilespmem:s24+$0x90];
	(v2sf) =	vpush v6, $0x0;
	_ =	sdelay $0x3  }
0x12d: {  	vm0 =	vge.f32 v7, v4  }
0x12e: {  	vm1 =	vge.f32 v5, v3;
	v6 =	vmpcnt.ones.xlane vm0  }
0x12f: {  	v8 =	vmpcnt.ones.xlane vm1  }
0x130: {  	(v2sf) =	vpush v6, $0x0  }
0x131: {  	(v2sf) =	vpush v8, $0x0;
	_ =	sdelay $0x5  }
0x132: {  	s29 =	spop (v2sf)  }
0x133: {  	s28 =	sadd.s32 s28, s29;
	s29 =	spop (v2sf)  }
0x134: {  	s26 =	sadd.s32 s26, s29;
	[tilespmem:s28+$0x10000] =	vst.msk vm0, v7  }
0x135: {  	[tilespmem:s26+$0x11080] =	vst.msk vm1, v5  }
0x136: {  	v5 =	vld [tilespmem:s24+$0x20]  }
0x137: {  	v6 =	vld [tilespmem:s24+$0xA0];
	_ =	sdelay $0x2  }
0x138: {  	s29 =	spop (v2sf)  }
0x139: {  	s28 =	sadd.s32 s28, s29;
	vm0 =	vge.f32 v5, v4;
	s29 =	spop (v2sf)  }
0x13a: {  	s26 =	sadd.s32 s26, s29;
	vm1 =	vge.f32 v6, v3;
	[tilespmem:s28+$0x10000] =	vst.msk vm0, v5;
	v5 =	vmpcnt.ones.xlane vm0  }
0x13b: {  	[tilespmem:s26+$0x11080] =	vst.msk vm1, v6;
	v6 =	vmpcnt.ones.xlane vm1  }
0x13c: {  	v7 =	vld [tilespmem:s24+$0x30];
	(v2sf) =	vpush v5, $0x0  }
0x13d: {  	v5 =	vld [tilespmem:s24+$0xB0];
	(v2sf) =	vpush v6, $0x0;
	_ =	sdelay $0x3  }
0x13e: {  	vm0 =	vge.f32 v7, v4  }
0x13f: {  	vm1 =	vge.f32 v5, v3;
	v6 =	vmpcnt.ones.xlane vm0  }
0x140: {  	v8 =	vmpcnt.ones.xlane vm1  }
0x141: {  	(v2sf) =	vpush v6, $0x0  }
0x142: {  	(v2sf) =	vpush v8, $0x0;
	_ =	sdelay $0x5  }
0x143: {  	s29 =	spop (v2sf)  }
0x144: {  	s28 =	sadd.s32 s28, s29;
	s29 =	spop (v2sf)  }
0x145: {  	s26 =	sadd.s32 s26, s29;
	[tilespmem:s28+$0x10000] =	vst.msk vm0, v7  }
0x146: {  	[tilespmem:s26+$0x11080] =	vst.msk vm1, v5  }
0x147: {  	v5 =	vld [tilespmem:s24+$0x40]  }
0x148: {  	v6 =	vld [tilespmem:s24+$0xC0];
	_ =	sdelay $0x2  }
0x149: {  	s29 =	spop (v2sf)  }
0x14a: {  	s28 =	sadd.s32 s28, s29;
	vm0 =	vge.f32 v5, v4;
	s29 =	spop (v2sf)  }
0x14b: {  	s26 =	sadd.s32 s26, s29;
	vm1 =	vge.f32 v6, v3;
	[tilespmem:s28+$0x10000] =	vst.msk vm0, v5;
	v5 =	vmpcnt.ones.xlane vm0  }
0x14c: {  	[tilespmem:s26+$0x11080] =	vst.msk vm1, v6;
	v6 =	vmpcnt.ones.xlane vm1  }
0x14d: {  	v7 =	vld [tilespmem:s24+$0x50];
	(v2sf) =	vpush v5, $0x0  }
0x14e: {  	v5 =	vld [tilespmem:s24+$0xD0];
	(v2sf) =	vpush v6, $0x0;
	_ =	sdelay $0x3  }
0x14f: {  	vm0 =	vge.f32 v7, v4  }
0x150: {  	vm1 =	vge.f32 v5, v3;
	v6 =	vmpcnt.ones.xlane vm0  }
0x151: {  	v8 =	vmpcnt.ones.xlane vm1  }
0x152: {  	(v2sf) =	vpush v6, $0x0  }
0x153: {  	(v2sf) =	vpush v8, $0x0;
	_ =	sdelay $0x5  }
0x154: {  	s29 =	spop (v2sf)  }
0x155: {  	s28 =	sadd.s32 s28, s29;
	s29 =	spop (v2sf)  }
0x156: {  	s26 =	sadd.s32 s26, s29;
	[tilespmem:s28+$0x10000] =	vst.msk vm0, v7  }
0x157: {  	[tilespmem:s26+$0x11080] =	vst.msk vm1, v5  }
0x158: {  	v5 =	vld [tilespmem:s24+$0x60]  }
0x159: {  	v6 =	vld [tilespmem:s24+$0xE0];
	_ =	sdelay $0x2  }
0x15a: {  	s29 =	spop (v2sf)  }
0x15b: {  	s28 =	sadd.s32 s28, s29;
	vm0 =	vge.f32 v5, v4;
	s29 =	spop (v2sf)  }
0x15c: {  	s26 =	sadd.s32 s26, s29;
	vm1 =	vge.f32 v6, v3;
	[tilespmem:s28+$0x10000] =	vst.msk vm0, v5;
	v5 =	vmpcnt.ones.xlane vm0  }
0x15d: {  	[tilespmem:s26+$0x11080] =	vst.msk vm1, v6;
	v6 =	vmpcnt.ones.xlane vm1  }
0x15e: {  	v7 =	vld [tilespmem:s24+$0x70];
	(v2sf) =	vpush v5, $0x0  }
0x15f: {  	v5 =	vld [tilespmem:s24+$0xF0];
	(v2sf) =	vpush v6, $0x0;
	_ =	sdelay $0x3  }
0x160: {  	vm0 =	vge.f32 v7, v4  }
0x161: {  	vm1 =	vge.f32 v5, v3;
	v6 =	vmpcnt.ones.xlane vm0  }
0x162: {  	v8 =	vmpcnt.ones.xlane vm1  }
0x163: {  	(v2sf) =	vpush v6, $0x0  }
0x164: {  	(v2sf) =	vpush v8, $0x0;
	_ =	sdelay $0x5  }
0x165: {  	s29 =	spop (v2sf)  }
0x166: {  	s28 =	sadd.s32 s28, s29;
	s29 =	spop (v2sf)  }
0x167: {  	s26 =	sadd.s32 s26, s29;
	[tilespmem:s28+$0x10000] =	vst.msk vm0, v7  }
0x168: {  	s24 =	sadd.s32 $0x800, s24;
	[tilespmem:s26+$0x11080] =	vst.msk vm1, v5  }
.Ltmp6:
0x169: {  	v5 =	vld [tilespmem:s24+$0xFFFFFC00];
	(pc) =	sbr.rel @p0 .LBB2_4-.Ltmp6, $2  }
0x16a: {  	v6 =	vld [tilespmem:s24+$0xFFFFFC80];
	_ =	sdelay $0x2  }
0x16b: {  	s29 =	spop (v2sf)  }
0x16c: {  	vm0 =	vge.f32 v5, v4  }
0x16d: {  	vm1 =	vge.f32 v6, v3;
	v7 =	vmpcnt.ones.xlane vm0  }
0x16e: {  	v8 =	vmpcnt.ones.xlane vm1  }
0x16f: {  	(v2sf) =	vpush v7, $0x0  }
0x170: {  	(v2sf) =	vpush v8, $0x0;
	_ =	sdelay $0x6  }
0x171: {  	s25 =	sadd.s32 s28, s29;
	s30 =	spop (v2sf)  }
0x172: {  	[tilespmem:s25+$0x10000] =	vst.msk vm0, v5;
	s26 =	sadd.s32 s26, s30  }
0x173: {  	[tilespmem:s26+$0x11080] =	vst.msk vm1, v6  }
0x174: {  	v5 =	vld [tilespmem:s24+$0xFFFFFC10]  }
0x175: {  	v6 =	vld [tilespmem:s24+$0xFFFFFC90];
	_ =	sdelay $0x2  }
0x176: {  	s31 =	spop (v2sf)  }
0x177: {  	vm10 =	vge.f32 v5, v4;
	s25 =	sadd.s32 s25, s31;
	s29 =	spop (v2sf)  }
0x178: {  	vm11 =	vge.f32 v6, v3;
	v28 =	vmpcnt.ones.xlane vm10;
	s26 =	sadd.s32 s26, s29;
	[tilespmem:s25+$0x10000] =	vst.msk vm10, v5  }
0x179: {  	v29 =	vmpcnt.ones.xlane vm11;
	[tilespmem:s26+$0x11080] =	vst.msk vm11, v6  }
0x17a: {  	(v2sf) =	vpush v28, $0x0;
	v6 =	vld [tilespmem:s24+$0xFFFFFC20]  }
0x17b: {  	(v2sf) =	vpush v29, $0x0;
	v30 =	vld [tilespmem:s24+$0xFFFFFCA0];
	_ =	sdelay $0x3  }
0x17c: {  	vm12 =	vge.f32 v6, v4  }
0x17d: {  	vm13 =	vge.f32 v30, v3;
	v31 =	vmpcnt.ones.xlane vm12  }
0x17e: {  	v32 =	vmpcnt.ones.xlane vm13  }
0x17f: {  	(v2sf) =	vpush v31, $0x0  }
0x180: {  	(v2sf) =	vpush v32, $0x0;
	_ =	sdelay $0x5  }
0x181: {  	s30 =	spop (v2sf)  }
0x182: {  	s25 =	sadd.s32 s25, s30;
	s31 =	spop (v2sf)  }
0x183: {  	[tilespmem:s25+$0x10000] =	vst.msk vm12, v6;
	s26 =	sadd.s32 s26, s31  }
0x184: {  	[tilespmem:s26+$0x11080] =	vst.msk vm13, v30  }
0x185: {  	v5 =	vld [tilespmem:s24+$0xFFFFFC30]  }
0x186: {  	v6 =	vld [tilespmem:s24+$0xFFFFFCB0];
	_ =	sdelay $0x2  }
0x187: {  	s29 =	spop (v2sf)  }
0x188: {  	vm14 =	vge.f32 v5, v4;
	s25 =	sadd.s32 s25, s29;
	s30 =	spop (v2sf)  }
0x189: {  	vm15 =	vge.f32 v6, v3;
	v33 =	vmpcnt.ones.xlane vm14;
	s26 =	sadd.s32 s26, s30;
	[tilespmem:s25+$0x10000] =	vst.msk vm14, v5  }
0x18a: {  	v34 =	vmpcnt.ones.xlane vm15;
	[tilespmem:s26+$0x11080] =	vst.msk vm15, v6  }
0x18b: {  	(v2sf) =	vpush v33, $0x0;
	v6 =	vld [tilespmem:s24+$0xFFFFFC40]  }
0x18c: {  	(v2sf) =	vpush v34, $0x0;
	v35 =	vld [tilespmem:s24+$0xFFFFFCC0];
	_ =	sdelay $0x3  }
0x18d: {  	vm4 =	vge.f32 v6, v4  }
0x18e: {  	vm5 =	vge.f32 v35, v3;
	v36 =	vmpcnt.ones.xlane vm4  }
0x18f: {  	v37 =	vmpcnt.ones.xlane vm5  }
0x190: {  	(v2sf) =	vpush v36, $0x0  }
0x191: {  	(v2sf) =	vpush v37, $0x0;
	_ =	sdelay $0x5  }
0x192: {  	s31 =	spop (v2sf)  }
0x193: {  	s25 =	sadd.s32 s25, s31;
	s29 =	spop (v2sf)  }
0x194: {  	s26 =	sadd.s32 s26, s29;
	[tilespmem:s25+$0x10000] =	vst.msk vm4, v6  }
0x195: {  	[tilespmem:s26+$0x11080] =	vst.msk vm5, v35  }
0x196: {  	v5 =	vld [tilespmem:s24+$0xFFFFFC50]  }
0x197: {  	v6 =	vld [tilespmem:s24+$0xFFFFFCD0];
	_ =	sdelay $0x2  }
0x198: {  	s30 =	spop (v2sf)  }
0x199: {  	vm6 =	vge.f32 v5, v4;
	s25 =	sadd.s32 s25, s30;
	s31 =	spop (v2sf)  }
0x19a: {  	vm7 =	vge.f32 v6, v3;
	v38 =	vmpcnt.ones.xlane vm6;
	s26 =	sadd.s32 s26, s31;
	[tilespmem:s25+$0x10000] =	vst.msk vm6, v5  }
0x19b: {  	v39 =	vmpcnt.ones.xlane vm7;
	[tilespmem:s26+$0x11080] =	vst.msk vm7, v6  }
0x19c: {  	(v2sf) =	vpush v38, $0x0;
	v6 =	vld [tilespmem:s24+$0xFFFFFC60]  }
0x19d: {  	(v2sf) =	vpush v39, $0x0;
	v40 =	vld [tilespmem:s24+$0xFFFFFCE0];
	_ =	sdelay $0x3  }
0x19e: {  	vm8 =	vge.f32 v6, v4  }
0x19f: {  	vm9 =	vge.f32 v40, v3;
	v41 =	vmpcnt.ones.xlane vm8  }
0x1a0: {  	v42 =	vmpcnt.ones.xlane vm9  }
0x1a1: {  	(v2sf) =	vpush v41, $0x0  }
0x1a2: {  	(v2sf) =	vpush v42, $0x0;
	_ =	sdelay $0x5  }
0x1a3: {  	s29 =	spop (v2sf)  }
0x1a4: {  	s25 =	sadd.s32 s25, s29;
	s30 =	spop (v2sf)  }
0x1a5: {  	s26 =	sadd.s32 s26, s30;
	[tilespmem:s25+$0x10000] =	vst.msk vm8, v6  }
0x1a6: {  	[tilespmem:s26+$0x11080] =	vst.msk vm9, v40  }
0x1a7: {  	v5 =	vld [tilespmem:s24+$0xFFFFFC70]  }
0x1a8: {  	v6 =	vld [tilespmem:s24+$0xFFFFFCF0];
	_ =	sdelay $0x2  }
0x1a9: {  	s31 =	spop (v2sf)  }
0x1aa: {  	vm10 =	vge.f32 v5, v4;
	s25 =	sadd.s32 s25, s31;
	s29 =	spop (v2sf)  }
0x1ab: {  	vm11 =	vge.f32 v6, v3;
	v43 =	vmpcnt.ones.xlane vm10;
	s26 =	sadd.s32 s26, s29;
	[tilespmem:s25+$0x10000] =	vst.msk vm10, v5  }
0x1ac: {  	v44 =	vmpcnt.ones.xlane vm11;
	[tilespmem:s26+$0x11080] =	vst.msk vm11, v6  }
0x1ad: {  	(v2sf) =	vpush v43, $0x0;
	v6 =	vld [tilespmem:s24+$0x0]  }
0x1ae: {  	(v2sf) =	vpush v44, $0x0;
	v45 =	vld [tilespmem:s24+$0x80];
	_ =	sdelay $0x3  }
0x1af: {  	vm12 =	vge.f32 v6, v4  }
0x1b0: {  	vm13 =	vge.f32 v45, v3;
	v46 =	vmpcnt.ones.xlane vm12  }
0x1b1: {  	v47 =	vmpcnt.ones.xlane vm13  }
0x1b2: {  	(v2sf) =	vpush v46, $0x0  }
0x1b3: {  	(v2sf) =	vpush v47, $0x0;
	_ =	sdelay $0x5  }
0x1b4: {  	s30 =	spop (v2sf)  }
0x1b5: {  	s25 =	sadd.s32 s25, s30;
	s31 =	spop (v2sf)  }
0x1b6: {  	s26 =	sadd.s32 s26, s31;
	[tilespmem:s25+$0x10000] =	vst.msk vm12, v6  }
0x1b7: {  	[tilespmem:s26+$0x11080] =	vst.msk vm13, v45  }
0x1b8: {  	v5 =	vld [tilespmem:s24+$0x10]  }
0x1b9: {  	v6 =	vld [tilespmem:s24+$0x90];
	_ =	sdelay $0x2  }
0x1ba: {  	s29 =	spop (v2sf)  }
0x1bb: {  	vm14 =	vge.f32 v5, v4;
	s25 =	sadd.s32 s25, s29;
	s30 =	spop (v2sf)  }
0x1bc: {  	vm15 =	vge.f32 v6, v3;
	v48 =	vmpcnt.ones.xlane vm14;
	s26 =	sadd.s32 s26, s30;
	[tilespmem:s25+$0x10000] =	vst.msk vm14, v5  }
0x1bd: {  	v49 =	vmpcnt.ones.xlane vm15;
	[tilespmem:s26+$0x11080] =	vst.msk vm15, v6  }
0x1be: {  	(v2sf) =	vpush v48, $0x0;
	v6 =	vld [tilespmem:s24+$0x20]  }
0x1bf: {  	(v2sf) =	vpush v49, $0x0;
	v50 =	vld [tilespmem:s24+$0xA0];
	_ =	sdelay $0x3  }
0x1c0: {  	vm4 =	vge.f32 v6, v4  }
0x1c1: {  	vm5 =	vge.f32 v50, v3;
	v51 =	vmpcnt.ones.xlane vm4  }
0x1c2: {  	v52 =	vmpcnt.ones.xlane vm5  }
0x1c3: {  	(v2sf) =	vpush v51, $0x0  }
0x1c4: {  	(v2sf) =	vpush v52, $0x0;
	_ =	sdelay $0x5  }
0x1c5: {  	s31 =	spop (v2sf)  }
0x1c6: {  	s25 =	sadd.s32 s25, s31;
	s29 =	spop (v2sf)  }
0x1c7: {  	s26 =	sadd.s32 s26, s29;
	[tilespmem:s25+$0x10000] =	vst.msk vm4, v6  }
0x1c8: {  	[tilespmem:s26+$0x11080] =	vst.msk vm5, v50  }
0x1c9: {  	v5 =	vld [tilespmem:s24+$0x30]  }
0x1ca: {  	v6 =	vld [tilespmem:s24+$0xB0];
	_ =	sdelay $0x2  }
0x1cb: {  	s30 =	spop (v2sf)  }
0x1cc: {  	vm6 =	vge.f32 v5, v4;
	s25 =	sadd.s32 s25, s30;
	s31 =	spop (v2sf)  }
0x1cd: {  	vm7 =	vge.f32 v6, v3;
	v53 =	vmpcnt.ones.xlane vm6;
	s26 =	sadd.s32 s26, s31;
	[tilespmem:s25+$0x10000] =	vst.msk vm6, v5  }
0x1ce: {  	v54 =	vmpcnt.ones.xlane vm7;
	[tilespmem:s26+$0x11080] =	vst.msk vm7, v6  }
0x1cf: {  	(v2sf) =	vpush v53, $0x0;
	v6 =	vld [tilespmem:s24+$0x40]  }
0x1d0: {  	(v2sf) =	vpush v54, $0x0;
	v55 =	vld [tilespmem:s24+$0xC0];
	_ =	sdelay $0x3  }
0x1d1: {  	vm8 =	vge.f32 v6, v4  }
0x1d2: {  	vm9 =	vge.f32 v55, v3;
	v56 =	vmpcnt.ones.xlane vm8  }
0x1d3: {  	v57 =	vmpcnt.ones.xlane vm9  }
0x1d4: {  	(v2sf) =	vpush v56, $0x0  }
0x1d5: {  	(v2sf) =	vpush v57, $0x0;
	_ =	sdelay $0x5  }
0x1d6: {  	s29 =	spop (v2sf)  }
0x1d7: {  	s25 =	sadd.s32 s25, s29;
	s30 =	spop (v2sf)  }
0x1d8: {  	s26 =	sadd.s32 s26, s30;
	[tilespmem:s25+$0x10000] =	vst.msk vm8, v6  }
0x1d9: {  	[tilespmem:s26+$0x11080] =	vst.msk vm9, v55  }
0x1da: {  	v5 =	vld [tilespmem:s24+$0x50]  }
0x1db: {  	v6 =	vld [tilespmem:s24+$0xD0];
	_ =	sdelay $0x2  }
0x1dc: {  	s31 =	spop (v2sf)  }
0x1dd: {  	vm10 =	vge.f32 v5, v4;
	s25 =	sadd.s32 s25, s31;
	s29 =	spop (v2sf)  }
0x1de: {  	vm11 =	vge.f32 v6, v3;
	v58 =	vmpcnt.ones.xlane vm10;
	s26 =	sadd.s32 s26, s29;
	[tilespmem:s25+$0x10000] =	vst.msk vm10, v5  }
0x1df: {  	v59 =	vmpcnt.ones.xlane vm11;
	[tilespmem:s26+$0x11080] =	vst.msk vm11, v6  }
0x1e0: {  	(v2sf) =	vpush v58, $0x0;
	v6 =	vld [tilespmem:s24+$0x60]  }
0x1e1: {  	(v2sf) =	vpush v59, $0x0;
	v60 =	vld [tilespmem:s24+$0xE0];
	_ =	sdelay $0x3  }
0x1e2: {  	vm12 =	vge.f32 v6, v4  }
0x1e3: {  	vm13 =	vge.f32 v60, v3;
	v61 =	vmpcnt.ones.xlane vm12  }
0x1e4: {  	v62 =	vmpcnt.ones.xlane vm13  }
0x1e5: {  	(v2sf) =	vpush v61, $0x0  }
0x1e6: {  	(v2sf) =	vpush v62, $0x0;
	_ =	sdelay $0x5  }
0x1e7: {  	s30 =	spop (v2sf)  }
0x1e8: {  	s25 =	sadd.s32 s25, s30;
	s31 =	spop (v2sf)  }
0x1e9: {  	s26 =	sadd.s32 s26, s31;
	[tilespmem:s25+$0x10000] =	vst.msk vm12, v6  }
0x1ea: {  	[tilespmem:s26+$0x11080] =	vst.msk vm13, v60  }
0x1eb: {  	v5 =	vld [tilespmem:s24+$0x70]  }
0x1ec: {  	v6 =	vld [tilespmem:s24+$0xF0];
	_ =	sdelay $0x2  }
0x1ed: {  	s28 =	spop (v2sf)  }
0x1ee: {  	vm14 =	vge.f32 v5, v4;
	s24 =	sadd.s32 s25, s28;
	s29 =	spop (v2sf)  }
0x1ef: {  	vm15 =	vge.f32 v6, v3;
	s26 =	sadd.s32 s26, s29;
	[tilespmem:s24+$0x10000] =	vst.msk vm14, v5  }
0x1f0: {  	[tilespmem:s26+$0x11080] =	vst.msk vm15, v6  }
0x1f1: {  	v3 =	vld [tilespmem:$0x10000];
	_ =	sdelay $0x2  }
0x1f2: {  	s23 =	sshll.u32 s23, $0x7  }
0x1f3: {  	s23 =	sand.u32 $0x3FFFFF80, s23  }
0x1f4: {  	[tilespmem:s23+$0x12200] =	vst v3  }
0x1f5: {  	v3 =	vld [tilespmem:$0x11080];
	_ =	sdelay $0x4  }
0x1f6: {  	[tilespmem:s23+$0x12280] =	vst v3  }
0x1f7: {  	v3 =	vld [tilespmem:$0x10010];
	_ =	sdelay $0x4  }
0x1f8: {  	[tilespmem:s23+$0x12210] =	vst v3  }
0x1f9: {  	v3 =	vld [tilespmem:$0x11090];
	_ =	sdelay $0x4  }
0x1fa: {  	[tilespmem:s23+$0x12290] =	vst v3  }
0x1fb: {  	v3 =	vld [tilespmem:$0x10020];
	_ =	sdelay $0x4  }
0x1fc: {  	[tilespmem:s23+$0x12220] =	vst v3  }
0x1fd: {  	v3 =	vld [tilespmem:$0x110A0];
	_ =	sdelay $0x4  }
0x1fe: {  	[tilespmem:s23+$0x122A0] =	vst v3  }
0x1ff: {  	v3 =	vld [tilespmem:$0x10030];
	_ =	sdelay $0x4  }
0x200: {  	[tilespmem:s23+$0x12230] =	vst v3  }
0x201: {  	v3 =	vld [tilespmem:$0x110B0];
	_ =	sdelay $0x4  }
0x202: {  	[tilespmem:s23+$0x122B0] =	vst v3  }
0x203: {  	v3 =	vld [tilespmem:$0x10040];
	_ =	sdelay $0x4  }
0x204: {  	[tilespmem:s23+$0x12240] =	vst v3  }
0x205: {  	v3 =	vld [tilespmem:$0x110C0];
	_ =	sdelay $0x4  }
0x206: {  	[tilespmem:s23+$0x122C0] =	vst v3  }
0x207: {  	v3 =	vld [tilespmem:$0x10050];
	_ =	sdelay $0x4  }
0x208: {  	[tilespmem:s23+$0x12250] =	vst v3  }
0x209: {  	v3 =	vld [tilespmem:$0x110D0];
	_ =	sdelay $0x4  }
0x20a: {  	v4 =	vmpcnt.ones.xlane vm14;
	[tilespmem:s23+$0x122D0] =	vst v3  }
0x20b: {  	v3 =	vld [tilespmem:$0x10060]  }
0x20c: {  	(v2sf) =	vpush v4, $0x0;
	_ =	sdelay $0x3  }
0x20d: {  	v63 =	vmpcnt.ones.xlane vm15;
	[tilespmem:s23+$0x12260] =	vst v3  }
0x20e: {  	v3 =	vld [tilespmem:$0x110E0]  }
0x20f: {  	(v2sf) =	vpush v63, $0x0;
	_ =	sdelay $0x3  }
0x210: {  	[tilespmem:s23+$0x122E0] =	vst v3  }
0x211: {  	v3 =	vld [tilespmem:$0x10070];
	_ =	sdelay $0x3  }
0x212: {  	s30 =	spop (v2sf)  }
0x213: {  	s25 =	sadd.s32 s24, s30;
	[tilespmem:s23+$0x12270] =	vst v3  }
0x214: {  	p0 =	slt.s32 s25, $0x81;
	v3 =	vld [tilespmem:$0x110F0]  }
.Ltmp7:
0x215: {  	_ = 	snop;
	(pc) =	sbr.rel @p0 .LBB2_16-.Ltmp7, $3  }
0x216: {  	_ =	sdelay $0x1  }
0x217: {  	s31 =	spop (v2sf)  }
0x218: {  	s24 =	sadd.s32 s26, s31;
	[tilespmem:s23+$0x122F0] =	vst v3  }
0x219: {  	[tilespmem:s25+$0x10000] =	vst v0  }
0x21a: {  	v3 =	vld [tilespmem:$0x10000]  }
0x21b: {  	v4 =	vld [tilespmem:$0x10010];
	_ =	sdelay $0x3  }
0x21c: {  	(xrf1) =	vsort.ascd.msk.f32 $0xffff, v3, v3  }
0x21d: {  	(xrf1) =	vsort.ascd.msk.f32 $0xffff, v4, v4;
	_ =	sdelay $0xc  }
0x21e: {  	v3, _, _ =	vpop (xrf1)  }
0x21f: {  	v4, _, _ =	vpop (xrf1)  }
0x220: {  	v4 =	vperm.xlane v4, v1;
	_ =	sdelay $0x1  }
0x221: {  	v5 =	vmax.f32 v3, v4  }
0x222: {  	v3 =	vmin.f32 v3, v4;
	(xrf1) =	vsort.ascd.msk.f32 $0xffff, v5, v5  }
0x223: {  	(xrf1) =	vsort.ascd.msk.f32 $0xffff, v3, v3;
	_ =	sdelay $0x1  }
0x224: {  	s30 =	sadd.s32 $0xF, s25  }
0x225: {  	s26 =	sand.u32 $0xF, s30  }
0x226: {  	s31 =	sshra.s32 s30, $0x1F;
	p1 =	slt.s32 s30, $0x0;
	p0 =	sne.s32 s26, $0x0  }
0x227: {  	s26 =	sshrl.u32 s31, $0x1C;
	p0 =	por !p1, !p0  }
0x228: {  	s25 =	sadd.s32 s26, s30;
	s26 =	simm.s32 $0x1;
	p0 =	por !p0, !p0  }
0x229: {  	s25 =	sshra.s32 s25, $0x4;
	s26 =	simm.s32 @!p0 $0x0  }
0x22a: {  	s26 =	ssub.s32 s25, s26  }
0x22b: {  	p1 =	slt.s32 s26, $0x3  }
.Ltmp8:
0x22c: {  	_ = 	snop;
	(pc) =	sbr.rel @p1 .LBB2_15-.Ltmp8, $3  }
0x22d: {  	_ =	sdelay $0x1  }
0x22e: {  	v4, _, _ =	vpop (xrf1)  }
0x22f: {  	v3, _, _ =	vpop (xrf1)  }
0x230: {  	s28 =	simm.s32 $0xFFFFFFFF  }
0x231: {  	s28 =	simm.s32 @!p0 $0x0  }
0x232: {  	s25 =	sadd.s32 s28, s25  }
0x233: {  	s26 =	simm.s32 $0x10020;
	s25 =	sadd.s32 $0xFFFFFFFE, s25  }
0x234: {  	v5 =	vld [tilespmem:s26+$0x0];
	p2 =	sne.s32 s25, $0x1  }
.Ltmp9:
0x235: {  	_ = 	snop;
	(pc) =	sbr.rel @!p2 .LBB2_8-.Ltmp9, $2  }
0x236: {  	_ =	sdelay $0x2  }
0x237: {  	p1 =	por $0x0, $0x0;
	p0 =	por $0x0, $0x0;
	s25 =	sadd.s32 $0xFFFFFFFF, s25;
	(xrf1) =	vsort.ascd.msk.f32 $0xffff, v5, v5  }
0x238: {  	_ =	sdelay $0x9  }
0x239: {  	s26 =	simm.s32 $0x10030  }
0x23a: {  	v5 =	vld [tilespmem:s26+$0x0];
	_ =	sdelay $0x1  }
0x23b: {  	p2 =	sne.s32 s25, $0x1;
	v6, _, _ =	vpop (xrf1)  }
.Ltmp10:
0x23c: {  	v6 =	vperm.xlane v6, v1;
	(pc) =	sbr.rel @!p2 .LBB2_10-.Ltmp10, $4  }
0x23d: {  	_ = 	snop  }
0x23e: {  	(xrf1) =	vsort.ascd.msk.f32 $0xffff, v5, v5;
	v5 =	vmax.f32 v4, v6  }
0x23f: {  	v6 =	vmin.f32 v4, v6;
	(xrf1) =	vsort.ascd.msk.f32 $0xffff, v5, v5  }
0x240: {  	p0 =	por $0x1, $0x1;
	s26 =	sadd.s32 $0xFFFFFFFF, s25;
	(xrf1) =	vsort.ascd.msk.f32 $0xffff, v6, v6  }
0x241: {  	_ =	sdelay $0x7  }
0x242: {  	s25 =	simm.s32 $0x10040  }
0x243: {  	v5 =	vld [tilespmem:s25+$0x0];
	_ =	sdelay $0x1  }
0x244: {  	v6, _, _ =	vpop (xrf1)  }
0x245: {  	p2 =	sne.s32 s26, $0x1;
	v6 =	vperm.xlane v6, v1  }
.Ltmp11:
0x246: {  	v7, _, _ =	vpop (xrf1);
	(pc) =	sbr.rel @!p2 .LBB2_12-.Ltmp11, $4  }
0x247: {  	(xrf1) =	vsort.ascd.msk.f32 $0xffff, v5, v5;
	v5 =	vmax.f32 v7, v6;
	v6 =	vmin.f32 v7, v6  }
0x248: {  	v7, _, _ =	vpop (xrf1)  }
0x249: {  	(xrf1) =	vsort.ascd.msk.f32 $0xffff, v5, v5;
	v5 =	vperm.xlane v7, v1  }
0x24a: {  	s26 =	sadd.s32 $0xFFFFFFFF, s26;
	p1 =	por $0x1, $0x1;
	(xrf1) =	vsort.ascd.msk.f32 $0xffff, v6, v6;
	v6 =	vmov v3  }
.LBB2_13:
0x24b: {  	p2 =	sne.s32 s26, $0x1;
	s26 =	sadd.s32 $0xFFFFFFFF, s26;
	v5 =	vmax.f32 v6, v5  }
0x24c: {  	(xrf1) =	vsort.ascd.msk.f32 $0xffff, v5, v5;
	_ =	sdelay $0x4  }
0x24d: {  	s25 =	sadd.s32 $0x10, s25  }
0x24e: {  	v5 =	vld [tilespmem:s25+$0x0];
	_ =	sdelay $0x2  }
0x24f: {  	v6, _, _ =	vpop (xrf1)  }
.Ltmp12:
0x250: {  	v8 =	vperm.xlane v6, v1;
	(pc) =	sbr.rel @p2 .LBB2_13-.Ltmp12, $4  }
0x251: {  	(xrf1) =	vsort.ascd.msk.f32 $0xffff, v5, v5;
	v5, _, _ =	vpop (xrf1)  }
0x252: {  	v7 =	vmin.f32 v5, v8;
	v5 =	vmax.f32 v5, v8;
	v6, _, _ =	vpop (xrf1)  }
0x253: {  	(xrf1) =	vsort.ascd.msk.f32 $0xffff, v5, v5;
	v5 =	vperm.xlane v6, v1  }
0x254: {  	(xrf1) =	vsort.ascd.msk.f32 $0xffff, v7, v7;
	v6, _, _ =	vpop (xrf1)  }
.LBB2_14:
0x255: {  	v5 =	vmax.f32 @p1 v6, v5  }
0x256: {  	(xrf1) =	vsort.ascd.msk.f32 @p1 $0xffff, v5, v5;
	_ =	sdelay $0x8  }
0x257: {  	v5, _, _ =	vpop (xrf1)  }
0x258: {  	v5 =	vperm.xlane v5, v1  }
0x259: {  	v6, _, _ =	vpop @p0 (xrf1)  }
0x25a: {  	v7, _, _ =	vpop @p0 (xrf1)  }
0x25b: {  	v4 =	vpsel p0, v6, v4;
	v6 =	vperm.xlane @p0 v7, v1  }
0x25c: {  	v7 =	vmin.f32 v4, v5;
	v4 =	vmax.f32 v4, v5;
	v5, _, _ =	vpop @p1 (xrf1)  }
0x25d: {  	(xrf1) =	vsort.ascd.msk.f32 $0xffff, v4, v4;
	v4 =	vpsel p1, v5, v3;
	v5 =	vpsel p0, v6, v0  }
0x25e: {  	(xrf1) =	vsort.ascd.msk.f32 $0xffff, v7, v7;
	v4 =	vmax.f32 @p0 v4, v5  }
0x25f: {  	(xrf1) =	vsort.ascd.msk.f32 @p0 $0xffff, v4, v4;
	_ =	sdelay $0xb  }
0x260: {  	v4, _, _ =	vpop (xrf1)  }
0x261: {  	v5, _, _ =	vpop (xrf1)  }
0x262: {  	v5 =	vperm.xlane v5, v1;
	v6, _, _ =	vpop @p0 (xrf1)  }
0x263: {  	v3 =	vpsel p0, v6, v3  }
0x264: {  	v3 =	vmax.f32 v3, v5  }
0x265: {  	(xrf1) =	vsort.ascd.msk.f32 $0xffff, v3, v3;
	_ =	sdelay $0xd  }
0x266: {  	v3, _, _ =	vpop (xrf1)  }
.LBB2_15:
0x267: {  	[tilespmem:s23+$0x12200] =	vst v4  }
0x268: {  	[tilespmem:s23+$0x12210] =	vst v3  }
0x269: {  	[tilespmem:s23+$0x12220] =	vst v0  }
0x26a: {  	[tilespmem:s23+$0x12230] =	vst v0  }
0x26b: {  	[tilespmem:s23+$0x12240] =	vst v0  }
0x26c: {  	[tilespmem:s23+$0x12250] =	vst v0  }
0x26d: {  	[tilespmem:s23+$0x12260] =	vst v0  }
0x26e: {  	[tilespmem:s23+$0x12270] =	vst v0  }
.LBB2_16:
0x26f: {  	p0 =	slt.s32 s24, $0x81  }
.Ltmp13:
0x270: {  	_ = 	snop;
	(pc) =	sbr.rel @p0 .LBB2_27-.Ltmp13, $1  }
0x271: {  	_ =	sdelay $0x3  }
0x272: {  	[tilespmem:s24+$0x11080] =	vst v0  }
0x273: {  	v3 =	vld [tilespmem:$0x11080]  }
0x274: {  	v4 =	vld [tilespmem:$0x11090];
	_ =	sdelay $0x3  }
0x275: {  	(xrf1) =	vsort.ascd.msk.f32 $0xffff, v3, v3  }
0x276: {  	(xrf1) =	vsort.ascd.msk.f32 $0xffff, v4, v4;
	_ =	sdelay $0xc  }
0x277: {  	v3, _, _ =	vpop (xrf1)  }
0x278: {  	v4, _, _ =	vpop (xrf1)  }
0x279: {  	v4 =	vperm.xlane v4, v1;
	_ =	sdelay $0x1  }
0x27a: {  	v5 =	vmax.f32 v3, v4  }
0x27b: {  	v3 =	vmin.f32 v3, v4;
	(xrf1) =	vsort.ascd.msk.f32 $0xffff, v5, v5  }
0x27c: {  	(xrf1) =	vsort.ascd.msk.f32 $0xffff, v3, v3;
	_ =	sdelay $0x1  }
0x27d: {  	s30 =	sadd.s32 $0xF, s24  }
0x27e: {  	s25 =	sand.u32 $0xF, s30  }
0x27f: {  	s31 =	sshra.s32 s30, $0x1F;
	p1 =	slt.s32 s30, $0x0;
	p0 =	sne.s32 s25, $0x0  }
0x280: {  	s25 =	sshrl.u32 s31, $0x1C;
	p0 =	por !p1, !p0  }
0x281: {  	s24 =	sadd.s32 s25, s30;
	s25 =	simm.s32 $0x1;
	p0 =	por !p0, !p0  }
0x282: {  	s24 =	sshra.s32 s24, $0x4;
	s25 =	simm.s32 @!p0 $0x0  }
0x283: {  	s25 =	ssub.s32 s24, s25  }
0x284: {  	p1 =	slt.s32 s25, $0x3  }
.Ltmp14:
0x285: {  	_ = 	snop;
	(pc) =	sbr.rel @p1 .LBB2_26-.Ltmp14, $3  }
0x286: {  	_ =	sdelay $0x1  }
0x287: {  	v4, _, _ =	vpop (xrf1)  }
0x288: {  	v3, _, _ =	vpop (xrf1)  }
0x289: {  	s25 =	simm.s32 $0x110A0;
	s26 =	simm.s32 $0xFFFFFFFF  }
0x28a: {  	v5 =	vld [tilespmem:s25+$0x0];
	s26 =	simm.s32 @!p0 $0x0  }
0x28b: {  	s24 =	sadd.s32 s26, s24  }
0x28c: {  	s24 =	sadd.s32 $0xFFFFFFFE, s24  }
0x28d: {  	p2 =	sne.s32 s24, $0x1  }
.Ltmp15:
0x28e: {  	_ = 	snop;
	(pc) =	sbr.rel @!p2 .LBB2_19-.Ltmp15, $2  }
0x28f: {  	(xrf1) =	vsort.ascd.msk.f32 $0xffff, v5, v5;
	_ =	sdelay $0x2  }
0x290: {  	p1 =	por $0x0, $0x0;
	p0 =	por $0x0, $0x0;
	s24 =	sadd.s32 $0xFFFFFFFF, s24  }
0x291: {  	_ =	sdelay $0x5  }
0x292: {  	s25 =	simm.s32 $0x110B0  }
0x293: {  	v5 =	vld [tilespmem:s25+$0x0];
	_ =	sdelay $0x2  }
0x294: {  	p2 =	sne.s32 s24, $0x1;
	v6, _, _ =	vpop (xrf1)  }
.Ltmp16:
0x295: {  	v6 =	vperm.xlane v6, v1;
	(pc) =	sbr.rel @!p2 .LBB2_21-.Ltmp16, $4  }
0x296: {  	(xrf1) =	vsort.ascd.msk.f32 $0xffff, v5, v5  }
0x297: {  	v5 =	vmax.f32 v4, v6  }
0x298: {  	v6 =	vmin.f32 v4, v6;
	(xrf1) =	vsort.ascd.msk.f32 $0xffff, v5, v5  }
0x299: {  	p0 =	por $0x1, $0x1;
	s25 =	sadd.s32 $0xFFFFFFFF, s24;
	(xrf1) =	vsort.ascd.msk.f32 $0xffff, v6, v6  }
0x29a: {  	_ =	sdelay $0x6  }
0x29b: {  	s24 =	simm.s32 $0x110C0  }
0x29c: {  	v5 =	vld [tilespmem:s24+$0x0];
	_ =	sdelay $0x1  }
0x29d: {  	v6, _, _ =	vpop (xrf1)  }
0x29e: {  	p2 =	sne.s32 s25, $0x1;
	v6 =	vperm.xlane v6, v1  }
.Ltmp17:
0x29f: {  	v7, _, _ =	vpop (xrf1);
	(pc) =	sbr.rel @!p2 .LBB2_23-.Ltmp17, $4  }
0x2a0: {  	(xrf1) =	vsort.ascd.msk.f32 $0xffff, v5, v5;
	v5 =	vmax.f32 v7, v6;
	v6 =	vmin.f32 v7, v6  }
0x2a1: {  	v7, _, _ =	vpop (xrf1)  }
0x2a2: {  	(xrf1) =	vsort.ascd.msk.f32 $0xffff, v5, v5;
	v5 =	vperm.xlane v7, v1  }
0x2a3: {  	s25 =	sadd.s32 $0xFFFFFFFF, s25;
	p1 =	por $0x1, $0x1;
	(xrf1) =	vsort.ascd.msk.f32 $0xffff, v6, v6;
	v6 =	vmov v3  }
.LBB2_24:
0x2a4: {  	p2 =	sne.s32 s25, $0x1;
	s25 =	sadd.s32 $0xFFFFFFFF, s25;
	v5 =	vmax.f32 v6, v5  }
0x2a5: {  	(xrf1) =	vsort.ascd.msk.f32 $0xffff, v5, v5;
	_ =	sdelay $0x4  }
0x2a6: {  	s24 =	sadd.s32 $0x10, s24  }
0x2a7: {  	v5 =	vld [tilespmem:s24+$0x0];
	_ =	sdelay $0x2  }
0x2a8: {  	v6, _, _ =	vpop (xrf1)  }
.Ltmp18:
0x2a9: {  	v8 =	vperm.xlane v6, v1;
	(pc) =	sbr.rel @p2 .LBB2_24-.Ltmp18, $4  }
0x2aa: {  	(xrf1) =	vsort.ascd.msk.f32 $0xffff, v5, v5;
	v5, _, _ =	vpop (xrf1)  }
0x2ab: {  	v7 =	vmin.f32 v5, v8;
	v5 =	vmax.f32 v5, v8;
	v6, _, _ =	vpop (xrf1)  }
0x2ac: {  	(xrf1) =	vsort.ascd.msk.f32 $0xffff, v5, v5;
	v5 =	vperm.xlane v6, v1  }
0x2ad: {  	(xrf1) =	vsort.ascd.msk.f32 $0xffff, v7, v7;
	v6, _, _ =	vpop (xrf1)  }
.Ltmp19:
0x2ae: {  	_ = 	snop;
	(pc) =	sbr.rel .LBB2_25-.Ltmp19, $1  }
0x2af: {  	_ =	sdelay $0x3  }
.LBB2_8:
.Ltmp20:
0x2b0: {  	(pc) =	sbr.rel .LBB2_14-.Ltmp20, $2  }
0x2b1: {  	_ =	sdelay $0x2  }
0x2b2: {  	v6 =	vmov v3  }
.LBB2_10:
.Ltmp21:
0x2b3: {  	(pc) =	sbr.rel .LBB2_14-.Ltmp21, $2  }
0x2b4: {  	_ =	sdelay $0x2  }
0x2b5: {  	v6 =	vmov v3  }
.LBB2_21:
.Ltmp22:
0x2b6: {  	(pc) =	sbr.rel .LBB2_25-.Ltmp22, $2  }
0x2b7: {  	_ =	sdelay $0x2  }
0x2b8: {  	v6 =	vmov v3  }
.LBB2_12:
.Ltmp23:
0x2b9: {  	(pc) =	sbr.rel .LBB2_14-.Ltmp23, $2  }
0x2ba: {  	_ =	sdelay $0x2  }
0x2bb: {  	v6 =	vmov v3  }
.LBB2_23:
.Ltmp24:
0x2bc: {  	(pc) =	sbr.rel .LBB2_25-.Ltmp24, $2  }
0x2bd: {  	_ =	sdelay $0x2  }
0x2be: {  	v6 =	vmov v3  }
.LBB2_28:
0x2bf: {  	p0 =	seq.s32 s17, $0x7  }
.Ltmp25:
0x2c0: {  	_ =	swait.ge [sflag:s14], $0x8000;
	s19 =	sadd.s32 @!p0 s19, s7;
	(pc) =	sbr.rel .LBB2_29-.Ltmp25, $4  }
0x2c1: {  	[sflag:s14] =	ssyncset.done $0x0;
	s19 =	sshll.u32 @!p0 s19, $0x9  }
0x2c2: {  	s20 =	simm.s32 @!p0 $0x0;
	[sflag:s14] =	ssyncadd.s32 $0xFFFF8000;
	s19 =	sadd.s32 @!p0 s4, s19  }
0x2c3: {  	[tilespmem:s20], [sflag:$0x1] =	stream.linear.gather @!p0 [hbm4b:s19+s20], $0x8000, $0x38;
	[tilespmem:$0x16200] =	vst v63  }
0x2c4: {  	v2 =	vmov s18;
	s21 =	simm.s32 $0x0;
	s19 =	simm.s32 $0x0;
	s20 =	simm.s32 $0x8400  }
.LBB2_45:
0x2c5: {  	v6 =	vmov v3  }
.LBB2_51:
0x2c6: {  	v5 =	vmax.f32 @p1 v6, v5  }
0x2c7: {  	(xrf1) =	vsort.ascd.msk.f32 @p1 $0xffff, v5, v5;
	_ =	sdelay $0x8  }
0x2c8: {  	v5, _, _ =	vpop (xrf1)  }
0x2c9: {  	v5 =	vperm.xlane v5, v1  }
0x2ca: {  	v6, _, _ =	vpop @p0 (xrf1)  }
0x2cb: {  	v7, _, _ =	vpop @p0 (xrf1)  }
0x2cc: {  	v4 =	vpsel p0, v6, v4;
	v6 =	vperm.xlane @p0 v7, v1  }
0x2cd: {  	v7 =	vmin.f32 v4, v5;
	v4 =	vmax.f32 v4, v5;
	v5, _, _ =	vpop @p1 (xrf1)  }
0x2ce: {  	(xrf1) =	vsort.ascd.msk.f32 $0xffff, v4, v4;
	v4 =	vpsel p1, v5, v3;
	v5 =	vpsel p0, v6, v0  }
0x2cf: {  	(xrf1) =	vsort.ascd.msk.f32 $0xffff, v7, v7;
	v4 =	vmax.f32 @p0 v4, v5  }
0x2d0: {  	(xrf1) =	vsort.ascd.msk.f32 @p0 $0xffff, v4, v4;
	_ =	sdelay $0xb  }
0x2d1: {  	v4, _, _ =	vpop (xrf1)  }
0x2d2: {  	v5, _, _ =	vpop (xrf1)  }
0x2d3: {  	v5 =	vperm.xlane v5, v1;
	v6, _, _ =	vpop @p0 (xrf1)  }
0x2d4: {  	v3 =	vpsel p0, v6, v3  }
0x2d5: {  	v3 =	vmax.f32 v3, v5  }
0x2d6: {  	(xrf1) =	vsort.ascd.msk.f32 $0xffff, v3, v3;
	_ =	sdelay $0xd  }
0x2d7: {  	v3, _, _ =	vpop (xrf1)  }
.LBB2_52:
0x2d8: {  	[tilespmem:s22+$0x12280] =	vst v4  }
0x2d9: {  	[tilespmem:s22+$0x12290] =	vst v3  }
0x2da: {  	[tilespmem:s22+$0x122A0] =	vst v0  }
0x2db: {  	[tilespmem:s22+$0x122B0] =	vst v0  }
0x2dc: {  	[tilespmem:s22+$0x122C0] =	vst v0  }
0x2dd: {  	[tilespmem:s22+$0x122D0] =	vst v0  }
0x2de: {  	[tilespmem:s22+$0x122E0] =	vst v0  }
0x2df: {  	[tilespmem:s22+$0x122F0] =	vst v0  }
.LBB2_53:
0x2e0: {  	s21 =	sadd.s32 $0x1, s21  }
0x2e1: {  	p0 =	sne.s32 s21, $0x4  }
.Ltmp26:
0x2e2: {  	_ = 	snop;
	(pc) =	sbr.rel @!p0 .LBB2_54-.Ltmp26, $2  }
0x2e3: {  	_ =	sdelay $0x2  }
0x2e4: {  	s20 =	sadd.s32 $0x100, s20  }
.LBB2_29:
0x2e5: {  	_ =	sdelay $0x2  }
0x2e6: {  	s22 =	sshll.u32 s21, $0x1  }
0x2e7: {  	v3 =	vld.idx.msk [tilespmem:v2+s22+$0x12100 ss:$0x1], $0xffff;
	[tilespmem:$0x10000] =	vst v0  }
0x2e8: {  	[tilespmem:$0x11080] =	vst v0  }
0x2e9: {  	[tilespmem:$0x10010] =	vst v0  }
0x2ea: {  	[tilespmem:$0x11090] =	vst v0  }
0x2eb: {  	[tilespmem:$0x10020] =	vst v0  }
0x2ec: {  	[tilespmem:$0x110A0] =	vst v0  }
0x2ed: {  	[tilespmem:$0x10030] =	vst v0  }
0x2ee: {  	[tilespmem:$0x110B0] =	vst v0  }
0x2ef: {  	[tilespmem:$0x10040] =	vst v0  }
0x2f0: {  	[tilespmem:$0x110C0] =	vst v0  }
0x2f1: {  	[tilespmem:$0x10050] =	vst v0  }
0x2f2: {  	[tilespmem:$0x110D0] =	vst v0  }
0x2f3: {  	[tilespmem:$0x10060] =	vst v0  }
0x2f4: {  	[tilespmem:$0x110E0] =	vst v0  }
0x2f5: {  	[tilespmem:$0x10070] =	vst v0  }
0x2f6: {  	[tilespmem:$0x110F0] =	vst v0  }
0x2f7: {  	v5 =	vld [tilespmem:s20+$0xFFFFFC00]  }
0x2f8: {  	v6 =	vld [tilespmem:s20+$0xFFFFFC80];
	_ =	sdelay $0x1  }
0x2f9: {  	v4 =	vbroadcast v3, $0x0  }
0x2fa: {  	v3 =	vbroadcast v3, $0x1  }
0x2fb: {  	vm0 =	vge.f32 v5, v4  }
0x2fc: {  	vm1 =	vge.f32 v6, v3;
	[tilespmem:s19+$0x10000] =	vst.msk vm0, v5;
	v5 =	vmpcnt.ones.xlane vm0  }
0x2fd: {  	[tilespmem:s19+$0x11080] =	vst.msk vm1, v6;
	v6 =	vmpcnt.ones.xlane vm1  }
0x2fe: {  	v7 =	vld [tilespmem:s20+$0xFFFFFC10];
	(v2sf) =	vpush v5, $0x0  }
0x2ff: {  	v5 =	vld [tilespmem:s20+$0xFFFFFC90];
	(v2sf) =	vpush v6, $0x0;
	_ =	sdelay $0x3  }
0x300: {  	vm10 =	vge.f32 v7, v4  }
0x301: {  	vm11 =	vge.f32 v5, v3;
	v6 =	vmpcnt.ones.xlane vm10  }
0x302: {  	v8 =	vmpcnt.ones.xlane vm11  }
0x303: {  	(v2sf) =	vpush v6, $0x0  }
0x304: {  	(v2sf) =	vpush v8, $0x0;
	_ =	sdelay $0x5  }
0x305: {  	s23 =	spop (v2sf)  }
0x306: {  	s23 =	sadd.s32 $0x0, s23;
	s24 =	spop (v2sf)  }
0x307: {  	s24 =	sadd.s32 $0x0, s24;
	[tilespmem:s23+$0x10000] =	vst.msk vm10, v7  }
0x308: {  	[tilespmem:s24+$0x11080] =	vst.msk vm11, v5  }
0x309: {  	v5 =	vld [tilespmem:s20+$0xFFFFFC20]  }
0x30a: {  	v6 =	vld [tilespmem:s20+$0xFFFFFCA0];
	_ =	sdelay $0x2  }
0x30b: {  	s25 =	spop (v2sf)  }
0x30c: {  	s23 =	sadd.s32 s23, s25;
	vm12 =	vge.f32 v5, v4;
	s29 =	spop (v2sf)  }
0x30d: {  	vm13 =	vge.f32 v6, v3;
	s24 =	sadd.s32 s24, s29;
	[tilespmem:s23+$0x10000] =	vst.msk vm12, v5;
	v5 =	vmpcnt.ones.xlane vm12  }
0x30e: {  	[tilespmem:s24+$0x11080] =	vst.msk vm13, v6;
	v6 =	vmpcnt.ones.xlane vm13  }
0x30f: {  	v7 =	vld [tilespmem:s20+$0xFFFFFC30];
	(v2sf) =	vpush v5, $0x0  }
0x310: {  	v5 =	vld [tilespmem:s20+$0xFFFFFCB0];
	(v2sf) =	vpush v6, $0x0;
	_ =	sdelay $0x3  }
0x311: {  	vm14 =	vge.f32 v7, v4  }
0x312: {  	vm15 =	vge.f32 v5, v3;
	v6 =	vmpcnt.ones.xlane vm14  }
0x313: {  	v8 =	vmpcnt.ones.xlane vm15  }
0x314: {  	(v2sf) =	vpush v6, $0x0  }
0x315: {  	(v2sf) =	vpush v8, $0x0;
	_ =	sdelay $0x5  }
0x316: {  	s30 =	spop (v2sf)  }
0x317: {  	s23 =	sadd.s32 s23, s30;
	s31 =	spop (v2sf)  }
0x318: {  	s24 =	sadd.s32 s24, s31;
	[tilespmem:s23+$0x10000] =	vst.msk vm14, v7  }
0x319: {  	[tilespmem:s24+$0x11080] =	vst.msk vm15, v5  }
0x31a: {  	v5 =	vld [tilespmem:s20+$0xFFFFFC40]  }
0x31b: {  	v6 =	vld [tilespmem:s20+$0xFFFFFCC0];
	_ =	sdelay $0x2  }
0x31c: {  	s26 =	spop (v2sf)  }
0x31d: {  	s23 =	sadd.s32 s23, s26;
	vm4 =	vge.f32 v5, v4;
	s29 =	spop (v2sf)  }
0x31e: {  	vm5 =	vge.f32 v6, v3;
	s24 =	sadd.s32 s24, s29;
	[tilespmem:s23+$0x10000] =	vst.msk vm4, v5;
	v5 =	vmpcnt.ones.xlane vm4  }
0x31f: {  	[tilespmem:s24+$0x11080] =	vst.msk vm5, v6;
	v6 =	vmpcnt.ones.xlane vm5  }
0x320: {  	v7 =	vld [tilespmem:s20+$0xFFFFFC50];
	(v2sf) =	vpush v5, $0x0  }
0x321: {  	v5 =	vld [tilespmem:s20+$0xFFFFFCD0];
	(v2sf) =	vpush v6, $0x0;
	_ =	sdelay $0x3  }
0x322: {  	vm6 =	vge.f32 v7, v4  }
0x323: {  	vm7 =	vge.f32 v5, v3;
	v6 =	vmpcnt.ones.xlane vm6  }
0x324: {  	v8 =	vmpcnt.ones.xlane vm7  }
0x325: {  	(v2sf) =	vpush v6, $0x0  }
0x326: {  	(v2sf) =	vpush v8, $0x0;
	_ =	sdelay $0x5  }
0x327: {  	s30 =	spop (v2sf)  }
0x328: {  	s23 =	sadd.s32 s23, s30;
	s31 =	spop (v2sf)  }
0x329: {  	s24 =	sadd.s32 s24, s31;
	[tilespmem:s23+$0x10000] =	vst.msk vm6, v7  }
0x32a: {  	[tilespmem:s24+$0x11080] =	vst.msk vm7, v5  }
0x32b: {  	v5 =	vld [tilespmem:s20+$0xFFFFFC60]  }
0x32c: {  	v6 =	vld [tilespmem:s20+$0xFFFFFCE0];
	_ =	sdelay $0x2  }
0x32d: {  	s26 =	spop (v2sf)  }
0x32e: {  	s23 =	sadd.s32 s23, s26;
	vm8 =	vge.f32 v5, v4;
	s29 =	spop (v2sf)  }
0x32f: {  	vm9 =	vge.f32 v6, v3;
	s24 =	sadd.s32 s24, s29;
	[tilespmem:s23+$0x10000] =	vst.msk vm8, v5;
	v5 =	vmpcnt.ones.xlane vm8  }
0x330: {  	[tilespmem:s24+$0x11080] =	vst.msk vm9, v6;
	v6 =	vmpcnt.ones.xlane vm9  }
0x331: {  	v7 =	vld [tilespmem:s20+$0xFFFFFC70];
	(v2sf) =	vpush v5, $0x0  }
0x332: {  	v5 =	vld [tilespmem:s20+$0xFFFFFCF0];
	(v2sf) =	vpush v6, $0x0;
	_ =	sdelay $0x3  }
0x333: {  	vm10 =	vge.f32 v7, v4  }
0x334: {  	vm11 =	vge.f32 v5, v3;
	v6 =	vmpcnt.ones.xlane vm10  }
0x335: {  	v8 =	vmpcnt.ones.xlane vm11  }
0x336: {  	(v2sf) =	vpush v6, $0x0  }
0x337: {  	(v2sf) =	vpush v8, $0x0;
	_ =	sdelay $0x5  }
0x338: {  	s30 =	spop (v2sf)  }
0x339: {  	s23 =	sadd.s32 s23, s30;
	s31 =	spop (v2sf)  }
0x33a: {  	s24 =	sadd.s32 s24, s31;
	[tilespmem:s23+$0x10000] =	vst.msk vm10, v7  }
0x33b: {  	[tilespmem:s24+$0x11080] =	vst.msk vm11, v5  }
0x33c: {  	v5 =	vld [tilespmem:s20+$0x0]  }
0x33d: {  	v6 =	vld [tilespmem:s20+$0x80];
	_ =	sdelay $0x2  }
0x33e: {  	s26 =	spop (v2sf)  }
0x33f: {  	s23 =	sadd.s32 s23, s26;
	vm12 =	vge.f32 v5, v4;
	s29 =	spop (v2sf)  }
0x340: {  	vm13 =	vge.f32 v6, v3;
	s24 =	sadd.s32 s24, s29;
	[tilespmem:s23+$0x10000] =	vst.msk vm12, v5;
	v5 =	vmpcnt.ones.xlane vm12  }
0x341: {  	[tilespmem:s24+$0x11080] =	vst.msk vm13, v6;
	v6 =	vmpcnt.ones.xlane vm13  }
0x342: {  	v7 =	vld [tilespmem:s20+$0x10];
	(v2sf) =	vpush v5, $0x0  }
0x343: {  	v5 =	vld [tilespmem:s20+$0x90];
	(v2sf) =	vpush v6, $0x0;
	_ =	sdelay $0x3  }
0x344: {  	vm14 =	vge.f32 v7, v4  }
0x345: {  	vm15 =	vge.f32 v5, v3;
	v6 =	vmpcnt.ones.xlane vm14  }
0x346: {  	v8 =	vmpcnt.ones.xlane vm15  }
0x347: {  	(v2sf) =	vpush v6, $0x0  }
0x348: {  	(v2sf) =	vpush v8, $0x0;
	_ =	sdelay $0x5  }
0x349: {  	s30 =	spop (v2sf)  }
0x34a: {  	s23 =	sadd.s32 s23, s30;
	s31 =	spop (v2sf)  }
0x34b: {  	s24 =	sadd.s32 s24, s31;
	[tilespmem:s23+$0x10000] =	vst.msk vm14, v7  }
0x34c: {  	[tilespmem:s24+$0x11080] =	vst.msk vm15, v5  }
0x34d: {  	v5 =	vld [tilespmem:s20+$0x20]  }
0x34e: {  	v6 =	vld [tilespmem:s20+$0xA0];
	_ =	sdelay $0x2  }
0x34f: {  	s26 =	spop (v2sf)  }
0x350: {  	s23 =	sadd.s32 s23, s26;
	vm4 =	vge.f32 v5, v4;
	s29 =	spop (v2sf)  }
0x351: {  	vm5 =	vge.f32 v6, v3;
	s24 =	sadd.s32 s24, s29;
	[tilespmem:s23+$0x10000] =	vst.msk vm4, v5;
	v5 =	vmpcnt.ones.xlane vm4  }
0x352: {  	[tilespmem:s24+$0x11080] =	vst.msk vm5, v6;
	v6 =	vmpcnt.ones.xlane vm5  }
0x353: {  	v7 =	vld [tilespmem:s20+$0x30];
	(v2sf) =	vpush v5, $0x0  }
0x354: {  	v5 =	vld [tilespmem:s20+$0xB0];
	(v2sf) =	vpush v6, $0x0;
	_ =	sdelay $0x3  }
0x355: {  	vm6 =	vge.f32 v7, v4  }
0x356: {  	vm7 =	vge.f32 v5, v3;
	v6 =	vmpcnt.ones.xlane vm6  }
0x357: {  	v8 =	vmpcnt.ones.xlane vm7  }
0x358: {  	(v2sf) =	vpush v6, $0x0  }
0x359: {  	(v2sf) =	vpush v8, $0x0;
	_ =	sdelay $0x5  }
0x35a: {  	s30 =	spop (v2sf)  }
0x35b: {  	s23 =	sadd.s32 s23, s30;
	s31 =	spop (v2sf)  }
0x35c: {  	s24 =	sadd.s32 s24, s31;
	[tilespmem:s23+$0x10000] =	vst.msk vm6, v7  }
0x35d: {  	[tilespmem:s24+$0x11080] =	vst.msk vm7, v5  }
0x35e: {  	v5 =	vld [tilespmem:s20+$0x40]  }
0x35f: {  	v6 =	vld [tilespmem:s20+$0xC0];
	_ =	sdelay $0x2  }
0x360: {  	s26 =	spop (v2sf)  }
0x361: {  	s23 =	sadd.s32 s23, s26;
	vm8 =	vge.f32 v5, v4;
	s29 =	spop (v2sf)  }
0x362: {  	vm9 =	vge.f32 v6, v3;
	s24 =	sadd.s32 s24, s29;
	[tilespmem:s23+$0x10000] =	vst.msk vm8, v5;
	v5 =	vmpcnt.ones.xlane vm8  }
0x363: {  	[tilespmem:s24+$0x11080] =	vst.msk vm9, v6;
	v6 =	vmpcnt.ones.xlane vm9  }
0x364: {  	v7 =	vld [tilespmem:s20+$0x50];
	(v2sf) =	vpush v5, $0x0  }
0x365: {  	v5 =	vld [tilespmem:s20+$0xD0];
	(v2sf) =	vpush v6, $0x0;
	_ =	sdelay $0x3  }
0x366: {  	vm10 =	vge.f32 v7, v4  }
0x367: {  	vm11 =	vge.f32 v5, v3;
	v6 =	vmpcnt.ones.xlane vm10  }
0x368: {  	v8 =	vmpcnt.ones.xlane vm11  }
0x369: {  	(v2sf) =	vpush v6, $0x0  }
0x36a: {  	(v2sf) =	vpush v8, $0x0;
	_ =	sdelay $0x5  }
0x36b: {  	s30 =	spop (v2sf)  }
0x36c: {  	s23 =	sadd.s32 s23, s30;
	s31 =	spop (v2sf)  }
0x36d: {  	s24 =	sadd.s32 s24, s31;
	[tilespmem:s23+$0x10000] =	vst.msk vm10, v7  }
0x36e: {  	[tilespmem:s24+$0x11080] =	vst.msk vm11, v5  }
0x36f: {  	v5 =	vld [tilespmem:s20+$0x60]  }
0x370: {  	v6 =	vld [tilespmem:s20+$0xE0];
	_ =	sdelay $0x2  }
0x371: {  	s26 =	spop (v2sf)  }
0x372: {  	s23 =	sadd.s32 s23, s26;
	vm12 =	vge.f32 v5, v4;
	s29 =	spop (v2sf)  }
0x373: {  	vm13 =	vge.f32 v6, v3;
	s24 =	sadd.s32 s24, s29;
	[tilespmem:s23+$0x10000] =	vst.msk vm12, v5  }
0x374: {  	[tilespmem:s24+$0x11080] =	vst.msk vm13, v6;
	v6 =	vmpcnt.ones.xlane vm12  }
0x375: {  	v5 =	vld [tilespmem:s20+$0x70]  }
0x376: {  	(v2sf) =	vpush v6, $0x0;
	_ =	sdelay $0x3  }
0x377: {  	v7 =	vmpcnt.ones.xlane vm13;
	vm14 =	vge.f32 v5, v4  }
0x378: {  	v6 =	vmpcnt.ones.xlane vm14  }
0x379: {  	(v2sf) =	vpush v7, $0x0  }
0x37a: {  	(v2sf) =	vpush v6, $0x0;
	v6 =	vld [tilespmem:s20+$0xF0];
	_ =	sdelay $0x4  }
0x37b: {  	vm15 =	vge.f32 v6, v3  }
0x37c: {  	v7 =	vmpcnt.ones.xlane vm15;
	_ =	sdelay $0x1  }
0x37d: {  	s30 =	spop (v2sf);
	(v2sf) =	vpush v7, $0x0;
	_ =	sdelay $0x6  }
0x37e: {  	s26 =	sadd.s32 s23, s30;
	s31 =	spop (v2sf)  }
0x37f: {  	s25 =	sadd.s32 s24, s31;
	[tilespmem:s26+$0x10000] =	vst.msk vm14, v5  }
0x380: {  	s23 =	sadd.s32 $0x800, s20;
	[tilespmem:s25+$0x11080] =	vst.msk vm15, v6  }
0x381: {  	v5 =	vld [tilespmem:s23+$0xFFFFFC00]  }
0x382: {  	v6 =	vld [tilespmem:s23+$0xFFFFFC80];
	_ =	sdelay $0x2  }
0x383: {  	s22 =	sadd.s32 s18, s22;
	s24 =	simm.s32 $0x10;
	s28 =	spop (v2sf)  }
.LBB2_30:
0x384: {  	s24 =	sadd.s32 $0x10, s24;
	vm0 =	vge.f32 v5, v4;
	s26 =	sadd.s32 s26, s28;
	s28 =	spop (v2sf)  }
0x385: {  	p0 =	slt.u32 s24, $0xF0;
	vm1 =	vge.f32 v6, v3;
	[tilespmem:s26+$0x10000] =	vst.msk vm0, v5;
	v5 =	vmpcnt.ones.xlane vm0;
	s25 =	sadd.s32 s25, s28  }
0x386: {  	[tilespmem:s25+$0x11080] =	vst.msk vm1, v6;
	v6 =	vmpcnt.ones.xlane vm1  }
0x387: {  	v7 =	vld [tilespmem:s23+$0xFFFFFC10];
	(v2sf) =	vpush v5, $0x0  }
0x388: {  	v5 =	vld [tilespmem:s23+$0xFFFFFC90];
	(v2sf) =	vpush v6, $0x0;
	_ =	sdelay $0x3  }
0x389: {  	vm0 =	vge.f32 v7, v4  }
0x38a: {  	vm1 =	vge.f32 v5, v3;
	v6 =	vmpcnt.ones.xlane vm0  }
0x38b: {  	v8 =	vmpcnt.ones.xlane vm1  }
0x38c: {  	(v2sf) =	vpush v6, $0x0  }
0x38d: {  	(v2sf) =	vpush v8, $0x0;
	_ =	sdelay $0x5  }
0x38e: {  	s28 =	spop (v2sf)  }
0x38f: {  	s26 =	sadd.s32 s26, s28;
	s28 =	spop (v2sf)  }
0x390: {  	s25 =	sadd.s32 s25, s28;
	[tilespmem:s26+$0x10000] =	vst.msk vm0, v7  }
0x391: {  	[tilespmem:s25+$0x11080] =	vst.msk vm1, v5  }
0x392: {  	v5 =	vld [tilespmem:s23+$0xFFFFFC20]  }
0x393: {  	v6 =	vld [tilespmem:s23+$0xFFFFFCA0];
	_ =	sdelay $0x2  }
0x394: {  	s28 =	spop (v2sf)  }
0x395: {  	s26 =	sadd.s32 s26, s28;
	vm0 =	vge.f32 v5, v4;
	s28 =	spop (v2sf)  }
0x396: {  	s25 =	sadd.s32 s25, s28;
	vm1 =	vge.f32 v6, v3;
	[tilespmem:s26+$0x10000] =	vst.msk vm0, v5;
	v5 =	vmpcnt.ones.xlane vm0  }
0x397: {  	[tilespmem:s25+$0x11080] =	vst.msk vm1, v6;
	v6 =	vmpcnt.ones.xlane vm1  }
0x398: {  	v7 =	vld [tilespmem:s23+$0xFFFFFC30];
	(v2sf) =	vpush v5, $0x0  }
0x399: {  	v5 =	vld [tilespmem:s23+$0xFFFFFCB0];
	(v2sf) =	vpush v6, $0x0;
	_ =	sdelay $0x3  }
0x39a: {  	vm0 =	vge.f32 v7, v4  }
0x39b: {  	vm1 =	vge.f32 v5, v3;
	v6 =	vmpcnt.ones.xlane vm0  }
0x39c: {  	v8 =	vmpcnt.ones.xlane vm1  }
0x39d: {  	(v2sf) =	vpush v6, $0x0  }
0x39e: {  	(v2sf) =	vpush v8, $0x0;
	_ =	sdelay $0x5  }
0x39f: {  	s28 =	spop (v2sf)  }
0x3a0: {  	s26 =	sadd.s32 s26, s28;
	s28 =	spop (v2sf)  }
0x3a1: {  	s25 =	sadd.s32 s25, s28;
	[tilespmem:s26+$0x10000] =	vst.msk vm0, v7  }
0x3a2: {  	[tilespmem:s25+$0x11080] =	vst.msk vm1, v5  }
0x3a3: {  	v5 =	vld [tilespmem:s23+$0xFFFFFC40]  }
0x3a4: {  	v6 =	vld [tilespmem:s23+$0xFFFFFCC0];
	_ =	sdelay $0x2  }
0x3a5: {  	s28 =	spop (v2sf)  }
0x3a6: {  	s26 =	sadd.s32 s26, s28;
	vm0 =	vge.f32 v5, v4;
	s28 =	spop (v2sf)  }
0x3a7: {  	s25 =	sadd.s32 s25, s28;
	vm1 =	vge.f32 v6, v3;
	[tilespmem:s26+$0x10000] =	vst.msk vm0, v5;
	v5 =	vmpcnt.ones.xlane vm0  }
0x3a8: {  	[tilespmem:s25+$0x11080] =	vst.msk vm1, v6;
	v6 =	vmpcnt.ones.xlane vm1  }
0x3a9: {  	v7 =	vld [tilespmem:s23+$0xFFFFFC50];
	(v2sf) =	vpush v5, $0x0  }
0x3aa: {  	v5 =	vld [tilespmem:s23+$0xFFFFFCD0];
	(v2sf) =	vpush v6, $0x0;
	_ =	sdelay $0x3  }
0x3ab: {  	vm0 =	vge.f32 v7, v4  }
0x3ac: {  	vm1 =	vge.f32 v5, v3;
	v6 =	vmpcnt.ones.xlane vm0  }
0x3ad: {  	v8 =	vmpcnt.ones.xlane vm1  }
0x3ae: {  	(v2sf) =	vpush v6, $0x0  }
0x3af: {  	(v2sf) =	vpush v8, $0x0;
	_ =	sdelay $0x5  }
0x3b0: {  	s28 =	spop (v2sf)  }
0x3b1: {  	s26 =	sadd.s32 s26, s28;
	s28 =	spop (v2sf)  }
0x3b2: {  	s25 =	sadd.s32 s25, s28;
	[tilespmem:s26+$0x10000] =	vst.msk vm0, v7  }
0x3b3: {  	[tilespmem:s25+$0x11080] =	vst.msk vm1, v5  }
0x3b4: {  	v5 =	vld [tilespmem:s23+$0xFFFFFC60]  }
0x3b5: {  	v6 =	vld [tilespmem:s23+$0xFFFFFCE0];
	_ =	sdelay $0x2  }
0x3b6: {  	s28 =	spop (v2sf)  }
0x3b7: {  	s26 =	sadd.s32 s26, s28;
	vm0 =	vge.f32 v5, v4;
	s28 =	spop (v2sf)  }
0x3b8: {  	s25 =	sadd.s32 s25, s28;
	vm1 =	vge.f32 v6, v3;
	[tilespmem:s26+$0x10000] =	vst.msk vm0, v5;
	v5 =	vmpcnt.ones.xlane vm0  }
0x3b9: {  	[tilespmem:s25+$0x11080] =	vst.msk vm1, v6;
	v6 =	vmpcnt.ones.xlane vm1  }
0x3ba: {  	v7 =	vld [tilespmem:s23+$0xFFFFFC70];
	(v2sf) =	vpush v5, $0x0  }
0x3bb: {  	v5 =	vld [tilespmem:s23+$0xFFFFFCF0];
	(v2sf) =	vpush v6, $0x0;
	_ =	sdelay $0x3  }
0x3bc: {  	vm0 =	vge.f32 v7, v4  }
0x3bd: {  	vm1 =	vge.f32 v5, v3;
	v6 =	vmpcnt.ones.xlane vm0  }
0x3be: {  	v8 =	vmpcnt.ones.xlane vm1  }
0x3bf: {  	(v2sf) =	vpush v6, $0x0  }
0x3c0: {  	(v2sf) =	vpush v8, $0x0;
	_ =	sdelay $0x5  }
0x3c1: {  	s28 =	spop (v2sf)  }
0x3c2: {  	s26 =	sadd.s32 s26, s28;
	s28 =	spop (v2sf)  }
0x3c3: {  	s25 =	sadd.s32 s25, s28;
	[tilespmem:s26+$0x10000] =	vst.msk vm0, v7  }
0x3c4: {  	[tilespmem:s25+$0x11080] =	vst.msk vm1, v5  }
0x3c5: {  	v5 =	vld [tilespmem:s23+$0x0]  }
0x3c6: {  	v6 =	vld [tilespmem:s23+$0x80];
	_ =	sdelay $0x2  }
0x3c7: {  	s28 =	spop (v2sf)  }
0x3c8: {  	s26 =	sadd.s32 s26, s28;
	vm0 =	vge.f32 v5, v4;
	s28 =	spop (v2sf)  }
0x3c9: {  	s25 =	sadd.s32 s25, s28;
	vm1 =	vge.f32 v6, v3;
	[tilespmem:s26+$0x10000] =	vst.msk vm0, v5;
	v5 =	vmpcnt.ones.xlane vm0  }
0x3ca: {  	[tilespmem:s25+$0x11080] =	vst.msk vm1, v6;
	v6 =	vmpcnt.ones.xlane vm1  }
0x3cb: {  	v7 =	vld [tilespmem:s23+$0x10];
	(v2sf) =	vpush v5, $0x0  }
0x3cc: {  	v5 =	vld [tilespmem:s23+$0x90];
	(v2sf) =	vpush v6, $0x0;
	_ =	sdelay $0x3  }
0x3cd: {  	vm0 =	vge.f32 v7, v4  }
0x3ce: {  	vm1 =	vge.f32 v5, v3;
	v6 =	vmpcnt.ones.xlane vm0  }
0x3cf: {  	v8 =	vmpcnt.ones.xlane vm1  }
0x3d0: {  	(v2sf) =	vpush v6, $0x0  }
0x3d1: {  	(v2sf) =	vpush v8, $0x0;
	_ =	sdelay $0x5  }
0x3d2: {  	s28 =	spop (v2sf)  }
0x3d3: {  	s26 =	sadd.s32 s26, s28;
	s28 =	spop (v2sf)  }
0x3d4: {  	s25 =	sadd.s32 s25, s28;
	[tilespmem:s26+$0x10000] =	vst.msk vm0, v7  }
0x3d5: {  	[tilespmem:s25+$0x11080] =	vst.msk vm1, v5  }
0x3d6: {  	v5 =	vld [tilespmem:s23+$0x20]  }
0x3d7: {  	v6 =	vld [tilespmem:s23+$0xA0];
	_ =	sdelay $0x2  }
0x3d8: {  	s28 =	spop (v2sf)  }
0x3d9: {  	s26 =	sadd.s32 s26, s28;
	vm0 =	vge.f32 v5, v4;
	s28 =	spop (v2sf)  }
0x3da: {  	s25 =	sadd.s32 s25, s28;
	vm1 =	vge.f32 v6, v3;
	[tilespmem:s26+$0x10000] =	vst.msk vm0, v5;
	v5 =	vmpcnt.ones.xlane vm0  }
0x3db: {  	[tilespmem:s25+$0x11080] =	vst.msk vm1, v6;
	v6 =	vmpcnt.ones.xlane vm1  }
0x3dc: {  	v7 =	vld [tilespmem:s23+$0x30];
	(v2sf) =	vpush v5, $0x0  }
0x3dd: {  	v5 =	vld [tilespmem:s23+$0xB0];
	(v2sf) =	vpush v6, $0x0;
	_ =	sdelay $0x3  }
0x3de: {  	vm0 =	vge.f32 v7, v4  }
0x3df: {  	vm1 =	vge.f32 v5, v3;
	v6 =	vmpcnt.ones.xlane vm0  }
0x3e0: {  	v8 =	vmpcnt.ones.xlane vm1  }
0x3e1: {  	(v2sf) =	vpush v6, $0x0  }
0x3e2: {  	(v2sf) =	vpush v8, $0x0;
	_ =	sdelay $0x5  }
0x3e3: {  	s28 =	spop (v2sf)  }
0x3e4: {  	s26 =	sadd.s32 s26, s28;
	s28 =	spop (v2sf)  }
0x3e5: {  	s25 =	sadd.s32 s25, s28;
	[tilespmem:s26+$0x10000] =	vst.msk vm0, v7  }
0x3e6: {  	[tilespmem:s25+$0x11080] =	vst.msk vm1, v5  }
0x3e7: {  	v5 =	vld [tilespmem:s23+$0x40]  }
0x3e8: {  	v6 =	vld [tilespmem:s23+$0xC0];
	_ =	sdelay $0x2  }
0x3e9: {  	s28 =	spop (v2sf)  }
0x3ea: {  	s26 =	sadd.s32 s26, s28;
	vm0 =	vge.f32 v5, v4;
	s28 =	spop (v2sf)  }
0x3eb: {  	s25 =	sadd.s32 s25, s28;
	vm1 =	vge.f32 v6, v3;
	[tilespmem:s26+$0x10000] =	vst.msk vm0, v5;
	v5 =	vmpcnt.ones.xlane vm0  }
0x3ec: {  	[tilespmem:s25+$0x11080] =	vst.msk vm1, v6;
	v6 =	vmpcnt.ones.xlane vm1  }
0x3ed: {  	v7 =	vld [tilespmem:s23+$0x50];
	(v2sf) =	vpush v5, $0x0  }
0x3ee: {  	v5 =	vld [tilespmem:s23+$0xD0];
	(v2sf) =	vpush v6, $0x0;
	_ =	sdelay $0x3  }
0x3ef: {  	vm0 =	vge.f32 v7, v4  }
0x3f0: {  	vm1 =	vge.f32 v5, v3;
	v6 =	vmpcnt.ones.xlane vm0  }
0x3f1: {  	v8 =	vmpcnt.ones.xlane vm1  }
0x3f2: {  	(v2sf) =	vpush v6, $0x0  }
0x3f3: {  	(v2sf) =	vpush v8, $0x0;
	_ =	sdelay $0x5  }
0x3f4: {  	s28 =	spop (v2sf)  }
0x3f5: {  	s26 =	sadd.s32 s26, s28;
	s28 =	spop (v2sf)  }
0x3f6: {  	s25 =	sadd.s32 s25, s28;
	[tilespmem:s26+$0x10000] =	vst.msk vm0, v7  }
0x3f7: {  	[tilespmem:s25+$0x11080] =	vst.msk vm1, v5  }
0x3f8: {  	v5 =	vld [tilespmem:s23+$0x60]  }
0x3f9: {  	v6 =	vld [tilespmem:s23+$0xE0];
	_ =	sdelay $0x2  }
0x3fa: {  	s28 =	spop (v2sf)  }
0x3fb: {  	s26 =	sadd.s32 s26, s28;
	vm0 =	vge.f32 v5, v4;
	s28 =	spop (v2sf)  }
0x3fc: {  	s25 =	sadd.s32 s25, s28;
	vm1 =	vge.f32 v6, v3;
	[tilespmem:s26+$0x10000] =	vst.msk vm0, v5;
	v5 =	vmpcnt.ones.xlane vm0  }
0x3fd: {  	[tilespmem:s25+$0x11080] =	vst.msk vm1, v6;
	v6 =	vmpcnt.ones.xlane vm1  }
0x3fe: {  	v7 =	vld [tilespmem:s23+$0x70];
	(v2sf) =	vpush v5, $0x0  }
0x3ff: {  	v5 =	vld [tilespmem:s23+$0xF0];
	(v2sf) =	vpush v6, $0x0;
	_ =	sdelay $0x3  }
0x400: {  	vm0 =	vge.f32 v7, v4  }
0x401: {  	vm1 =	vge.f32 v5, v3;
	v6 =	vmpcnt.ones.xlane vm0  }
0x402: {  	v8 =	vmpcnt.ones.xlane vm1  }
0x403: {  	(v2sf) =	vpush v6, $0x0  }
0x404: {  	(v2sf) =	vpush v8, $0x0;
	_ =	sdelay $0x5  }
0x405: {  	s28 =	spop (v2sf)  }
0x406: {  	s26 =	sadd.s32 s26, s28;
	s28 =	spop (v2sf)  }
0x407: {  	s25 =	sadd.s32 s25, s28;
	[tilespmem:s26+$0x10000] =	vst.msk vm0, v7  }
0x408: {  	s23 =	sadd.s32 $0x800, s23;
	[tilespmem:s25+$0x11080] =	vst.msk vm1, v5  }
.Ltmp27:
0x409: {  	v5 =	vld [tilespmem:s23+$0xFFFFFC00];
	(pc) =	sbr.rel @p0 .LBB2_30-.Ltmp27, $2  }
0x40a: {  	v6 =	vld [tilespmem:s23+$0xFFFFFC80];
	_ =	sdelay $0x2  }
0x40b: {  	s28 =	spop (v2sf)  }
0x40c: {  	vm0 =	vge.f32 v5, v4  }
0x40d: {  	vm1 =	vge.f32 v6, v3;
	v7 =	vmpcnt.ones.xlane vm0  }
0x40e: {  	v8 =	vmpcnt.ones.xlane vm1  }
0x40f: {  	(v2sf) =	vpush v7, $0x0  }
0x410: {  	(v2sf) =	vpush v8, $0x0;
	_ =	sdelay $0x6  }
0x411: {  	s24 =	sadd.s32 s26, s28;
	s31 =	spop (v2sf)  }
0x412: {  	[tilespmem:s24+$0x10000] =	vst.msk vm0, v5;
	s25 =	sadd.s32 s25, s31  }
0x413: {  	[tilespmem:s25+$0x11080] =	vst.msk vm1, v6  }
0x414: {  	v5 =	vld [tilespmem:s23+$0xFFFFFC10]  }
0x415: {  	v6 =	vld [tilespmem:s23+$0xFFFFFC90];
	_ =	sdelay $0x2  }
0x416: {  	s28 =	spop (v2sf)  }
0x417: {  	vm10 =	vge.f32 v5, v4;
	s24 =	sadd.s32 s24, s28;
	s29 =	spop (v2sf)  }
0x418: {  	vm11 =	vge.f32 v6, v3;
	v28 =	vmpcnt.ones.xlane vm10;
	s25 =	sadd.s32 s25, s29;
	[tilespmem:s24+$0x10000] =	vst.msk vm10, v5  }
0x419: {  	v29 =	vmpcnt.ones.xlane vm11;
	[tilespmem:s25+$0x11080] =	vst.msk vm11, v6  }
0x41a: {  	(v2sf) =	vpush v28, $0x0;
	v6 =	vld [tilespmem:s23+$0xFFFFFC20]  }
0x41b: {  	(v2sf) =	vpush v29, $0x0;
	v30 =	vld [tilespmem:s23+$0xFFFFFCA0];
	_ =	sdelay $0x3  }
0x41c: {  	vm12 =	vge.f32 v6, v4  }
0x41d: {  	vm13 =	vge.f32 v30, v3;
	v31 =	vmpcnt.ones.xlane vm12  }
0x41e: {  	v32 =	vmpcnt.ones.xlane vm13  }
0x41f: {  	(v2sf) =	vpush v31, $0x0  }
0x420: {  	(v2sf) =	vpush v32, $0x0;
	_ =	sdelay $0x5  }
0x421: {  	s30 =	spop (v2sf)  }
0x422: {  	s24 =	sadd.s32 s24, s30;
	s31 =	spop (v2sf)  }
0x423: {  	[tilespmem:s24+$0x10000] =	vst.msk vm12, v6;
	s25 =	sadd.s32 s25, s31  }
0x424: {  	[tilespmem:s25+$0x11080] =	vst.msk vm13, v30  }
0x425: {  	v5 =	vld [tilespmem:s23+$0xFFFFFC30]  }
0x426: {  	v6 =	vld [tilespmem:s23+$0xFFFFFCB0];
	_ =	sdelay $0x2  }
0x427: {  	s28 =	spop (v2sf)  }
0x428: {  	vm14 =	vge.f32 v5, v4;
	s24 =	sadd.s32 s24, s28;
	s29 =	spop (v2sf)  }
0x429: {  	vm15 =	vge.f32 v6, v3;
	v33 =	vmpcnt.ones.xlane vm14;
	s25 =	sadd.s32 s25, s29;
	[tilespmem:s24+$0x10000] =	vst.msk vm14, v5  }
0x42a: {  	v34 =	vmpcnt.ones.xlane vm15;
	[tilespmem:s25+$0x11080] =	vst.msk vm15, v6  }
0x42b: {  	(v2sf) =	vpush v33, $0x0;
	v6 =	vld [tilespmem:s23+$0xFFFFFC40]  }
0x42c: {  	(v2sf) =	vpush v34, $0x0;
	v35 =	vld [tilespmem:s23+$0xFFFFFCC0];
	_ =	sdelay $0x3  }
0x42d: {  	vm4 =	vge.f32 v6, v4  }
0x42e: {  	vm5 =	vge.f32 v35, v3;
	v36 =	vmpcnt.ones.xlane vm4  }
0x42f: {  	v37 =	vmpcnt.ones.xlane vm5  }
0x430: {  	(v2sf) =	vpush v36, $0x0  }
0x431: {  	(v2sf) =	vpush v37, $0x0;
	_ =	sdelay $0x5  }
0x432: {  	s30 =	spop (v2sf)  }
0x433: {  	s24 =	sadd.s32 s24, s30;
	s31 =	spop (v2sf)  }
0x434: {  	s25 =	sadd.s32 s25, s31;
	[tilespmem:s24+$0x10000] =	vst.msk vm4, v6  }
0x435: {  	[tilespmem:s25+$0x11080] =	vst.msk vm5, v35  }
0x436: {  	v5 =	vld [tilespmem:s23+$0xFFFFFC50]  }
0x437: {  	v6 =	vld [tilespmem:s23+$0xFFFFFCD0];
	_ =	sdelay $0x2  }
0x438: {  	s28 =	spop (v2sf)  }
0x439: {  	vm6 =	vge.f32 v5, v4;
	s24 =	sadd.s32 s24, s28;
	s29 =	spop (v2sf)  }
0x43a: {  	vm7 =	vge.f32 v6, v3;
	v38 =	vmpcnt.ones.xlane vm6;
	s25 =	sadd.s32 s25, s29;
	[tilespmem:s24+$0x10000] =	vst.msk vm6, v5  }
0x43b: {  	v39 =	vmpcnt.ones.xlane vm7;
	[tilespmem:s25+$0x11080] =	vst.msk vm7, v6  }
0x43c: {  	(v2sf) =	vpush v38, $0x0;
	v6 =	vld [tilespmem:s23+$0xFFFFFC60]  }
0x43d: {  	(v2sf) =	vpush v39, $0x0;
	v40 =	vld [tilespmem:s23+$0xFFFFFCE0];
	_ =	sdelay $0x3  }
0x43e: {  	vm8 =	vge.f32 v6, v4  }
0x43f: {  	vm9 =	vge.f32 v40, v3;
	v41 =	vmpcnt.ones.xlane vm8  }
0x440: {  	v42 =	vmpcnt.ones.xlane vm9  }
0x441: {  	(v2sf) =	vpush v41, $0x0  }
0x442: {  	(v2sf) =	vpush v42, $0x0;
	_ =	sdelay $0x5  }
0x443: {  	s30 =	spop (v2sf)  }
0x444: {  	s24 =	sadd.s32 s24, s30;
	s31 =	spop (v2sf)  }
0x445: {  	s25 =	sadd.s32 s25, s31;
	[tilespmem:s24+$0x10000] =	vst.msk vm8, v6  }
0x446: {  	[tilespmem:s25+$0x11080] =	vst.msk vm9, v40  }
0x447: {  	v5 =	vld [tilespmem:s23+$0xFFFFFC70]  }
0x448: {  	v6 =	vld [tilespmem:s23+$0xFFFFFCF0];
	_ =	sdelay $0x2  }
0x449: {  	s28 =	spop (v2sf)  }
0x44a: {  	vm10 =	vge.f32 v5, v4;
	s24 =	sadd.s32 s24, s28;
	s29 =	spop (v2sf)  }
0x44b: {  	vm11 =	vge.f32 v6, v3;
	v43 =	vmpcnt.ones.xlane vm10;
	s25 =	sadd.s32 s25, s29;
	[tilespmem:s24+$0x10000] =	vst.msk vm10, v5  }
0x44c: {  	v44 =	vmpcnt.ones.xlane vm11;
	[tilespmem:s25+$0x11080] =	vst.msk vm11, v6  }
0x44d: {  	(v2sf) =	vpush v43, $0x0;
	v6 =	vld [tilespmem:s23+$0x0]  }
0x44e: {  	(v2sf) =	vpush v44, $0x0;
	v45 =	vld [tilespmem:s23+$0x80];
	_ =	sdelay $0x3  }
0x44f: {  	vm12 =	vge.f32 v6, v4  }
0x450: {  	vm13 =	vge.f32 v45, v3;
	v46 =	vmpcnt.ones.xlane vm12  }
0x451: {  	v47 =	vmpcnt.ones.xlane vm13  }
0x452: {  	(v2sf) =	vpush v46, $0x0  }
0x453: {  	(v2sf) =	vpush v47, $0x0;
	_ =	sdelay $0x5  }
0x454: {  	s30 =	spop (v2sf)  }
0x455: {  	s24 =	sadd.s32 s24, s30;
	s31 =	spop (v2sf)  }
0x456: {  	s25 =	sadd.s32 s25, s31;
	[tilespmem:s24+$0x10000] =	vst.msk vm12, v6  }
0x457: {  	[tilespmem:s25+$0x11080] =	vst.msk vm13, v45  }
0x458: {  	v5 =	vld [tilespmem:s23+$0x10]  }
0x459: {  	v6 =	vld [tilespmem:s23+$0x90];
	_ =	sdelay $0x2  }
0x45a: {  	s28 =	spop (v2sf)  }
0x45b: {  	vm14 =	vge.f32 v5, v4;
	s24 =	sadd.s32 s24, s28;
	s29 =	spop (v2sf)  }
0x45c: {  	vm15 =	vge.f32 v6, v3;
	v48 =	vmpcnt.ones.xlane vm14;
	s25 =	sadd.s32 s25, s29;
	[tilespmem:s24+$0x10000] =	vst.msk vm14, v5  }
0x45d: {  	v49 =	vmpcnt.ones.xlane vm15;
	[tilespmem:s25+$0x11080] =	vst.msk vm15, v6  }
0x45e: {  	(v2sf) =	vpush v48, $0x0;
	v6 =	vld [tilespmem:s23+$0x20]  }
0x45f: {  	(v2sf) =	vpush v49, $0x0;
	v50 =	vld [tilespmem:s23+$0xA0];
	_ =	sdelay $0x3  }
0x460: {  	vm4 =	vge.f32 v6, v4  }
0x461: {  	vm5 =	vge.f32 v50, v3;
	v51 =	vmpcnt.ones.xlane vm4  }
0x462: {  	v52 =	vmpcnt.ones.xlane vm5  }
0x463: {  	(v2sf) =	vpush v51, $0x0  }
0x464: {  	(v2sf) =	vpush v52, $0x0;
	_ =	sdelay $0x5  }
0x465: {  	s30 =	spop (v2sf)  }
0x466: {  	s24 =	sadd.s32 s24, s30;
	s31 =	spop (v2sf)  }
0x467: {  	s25 =	sadd.s32 s25, s31;
	[tilespmem:s24+$0x10000] =	vst.msk vm4, v6  }
0x468: {  	[tilespmem:s25+$0x11080] =	vst.msk vm5, v50  }
0x469: {  	v5 =	vld [tilespmem:s23+$0x30]  }
0x46a: {  	v6 =	vld [tilespmem:s23+$0xB0];
	_ =	sdelay $0x2  }
0x46b: {  	s28 =	spop (v2sf)  }
0x46c: {  	vm6 =	vge.f32 v5, v4;
	s24 =	sadd.s32 s24, s28;
	s29 =	spop (v2sf)  }
0x46d: {  	vm7 =	vge.f32 v6, v3;
	v53 =	vmpcnt.ones.xlane vm6;
	s25 =	sadd.s32 s25, s29;
	[tilespmem:s24+$0x10000] =	vst.msk vm6, v5  }
0x46e: {  	v54 =	vmpcnt.ones.xlane vm7;
	[tilespmem:s25+$0x11080] =	vst.msk vm7, v6  }
0x46f: {  	(v2sf) =	vpush v53, $0x0;
	v6 =	vld [tilespmem:s23+$0x40]  }
0x470: {  	(v2sf) =	vpush v54, $0x0;
	v55 =	vld [tilespmem:s23+$0xC0];
	_ =	sdelay $0x3  }
0x471: {  	vm8 =	vge.f32 v6, v4  }
0x472: {  	vm9 =	vge.f32 v55, v3;
	v56 =	vmpcnt.ones.xlane vm8  }
0x473: {  	v57 =	vmpcnt.ones.xlane vm9  }
0x474: {  	(v2sf) =	vpush v56, $0x0  }
0x475: {  	(v2sf) =	vpush v57, $0x0;
	_ =	sdelay $0x5  }
0x476: {  	s30 =	spop (v2sf)  }
0x477: {  	s24 =	sadd.s32 s24, s30;
	s31 =	spop (v2sf)  }
0x478: {  	s25 =	sadd.s32 s25, s31;
	[tilespmem:s24+$0x10000] =	vst.msk vm8, v6  }
0x479: {  	[tilespmem:s25+$0x11080] =	vst.msk vm9, v55  }
0x47a: {  	v5 =	vld [tilespmem:s23+$0x50]  }
0x47b: {  	v6 =	vld [tilespmem:s23+$0xD0];
	_ =	sdelay $0x2  }
0x47c: {  	s28 =	spop (v2sf)  }
0x47d: {  	vm10 =	vge.f32 v5, v4;
	s24 =	sadd.s32 s24, s28;
	s29 =	spop (v2sf)  }
0x47e: {  	vm11 =	vge.f32 v6, v3;
	v58 =	vmpcnt.ones.xlane vm10;
	s25 =	sadd.s32 s25, s29;
	[tilespmem:s24+$0x10000] =	vst.msk vm10, v5  }
0x47f: {  	v59 =	vmpcnt.ones.xlane vm11;
	[tilespmem:s25+$0x11080] =	vst.msk vm11, v6  }
0x480: {  	(v2sf) =	vpush v58, $0x0;
	v6 =	vld [tilespmem:s23+$0x60]  }
0x481: {  	(v2sf) =	vpush v59, $0x0;
	v60 =	vld [tilespmem:s23+$0xE0];
	_ =	sdelay $0x3  }
0x482: {  	vm12 =	vge.f32 v6, v4  }
0x483: {  	vm13 =	vge.f32 v60, v3;
	v61 =	vmpcnt.ones.xlane vm12  }
0x484: {  	v62 =	vmpcnt.ones.xlane vm13  }
0x485: {  	(v2sf) =	vpush v61, $0x0  }
0x486: {  	(v2sf) =	vpush v62, $0x0;
	_ =	sdelay $0x5  }
0x487: {  	s30 =	spop (v2sf)  }
0x488: {  	s24 =	sadd.s32 s24, s30;
	s31 =	spop (v2sf)  }
0x489: {  	s25 =	sadd.s32 s25, s31;
	[tilespmem:s24+$0x10000] =	vst.msk vm12, v6  }
0x48a: {  	[tilespmem:s25+$0x11080] =	vst.msk vm13, v60  }
0x48b: {  	v5 =	vld [tilespmem:s23+$0x70]  }
0x48c: {  	v6 =	vld [tilespmem:s23+$0xF0];
	_ =	sdelay $0x2  }
0x48d: {  	s28 =	spop (v2sf)  }
0x48e: {  	vm14 =	vge.f32 v5, v4;
	s23 =	sadd.s32 s24, s28;
	s29 =	spop (v2sf)  }
0x48f: {  	vm15 =	vge.f32 v6, v3;
	s25 =	sadd.s32 s25, s29;
	[tilespmem:s23+$0x10000] =	vst.msk vm14, v5  }
0x490: {  	[tilespmem:s25+$0x11080] =	vst.msk vm15, v6  }
0x491: {  	v3 =	vld [tilespmem:$0x10000];
	_ =	sdelay $0x2  }
0x492: {  	s22 =	sshll.u32 s22, $0x7  }
0x493: {  	s22 =	sand.u32 $0x3FFFFF80, s22  }
0x494: {  	[tilespmem:s22+$0x12200] =	vst v3  }
0x495: {  	v3 =	vld [tilespmem:$0x11080];
	_ =	sdelay $0x4  }
0x496: {  	[tilespmem:s22+$0x12280] =	vst v3  }
0x497: {  	v3 =	vld [tilespmem:$0x10010];
	_ =	sdelay $0x4  }
0x498: {  	[tilespmem:s22+$0x12210] =	vst v3  }
0x499: {  	v3 =	vld [tilespmem:$0x11090];
	_ =	sdelay $0x4  }
0x49a: {  	[tilespmem:s22+$0x12290] =	vst v3  }
0x49b: {  	v3 =	vld [tilespmem:$0x10020];
	_ =	sdelay $0x4  }
0x49c: {  	[tilespmem:s22+$0x12220] =	vst v3  }
0x49d: {  	v3 =	vld [tilespmem:$0x110A0];
	_ =	sdelay $0x4  }
0x49e: {  	[tilespmem:s22+$0x122A0] =	vst v3  }
0x49f: {  	v3 =	vld [tilespmem:$0x10030];
	_ =	sdelay $0x4  }
0x4a0: {  	[tilespmem:s22+$0x12230] =	vst v3  }
0x4a1: {  	v3 =	vld [tilespmem:$0x110B0];
	_ =	sdelay $0x4  }
0x4a2: {  	[tilespmem:s22+$0x122B0] =	vst v3  }
0x4a3: {  	v3 =	vld [tilespmem:$0x10040];
	_ =	sdelay $0x4  }
0x4a4: {  	[tilespmem:s22+$0x12240] =	vst v3  }
0x4a5: {  	v3 =	vld [tilespmem:$0x110C0];
	_ =	sdelay $0x4  }
0x4a6: {  	[tilespmem:s22+$0x122C0] =	vst v3  }
0x4a7: {  	v3 =	vld [tilespmem:$0x10050];
	_ =	sdelay $0x4  }
0x4a8: {  	[tilespmem:s22+$0x12250] =	vst v3  }
0x4a9: {  	v3 =	vld [tilespmem:$0x110D0];
	_ =	sdelay $0x4  }
0x4aa: {  	v4 =	vmpcnt.ones.xlane vm14;
	[tilespmem:s22+$0x122D0] =	vst v3  }
0x4ab: {  	v3 =	vld [tilespmem:$0x10060]  }
0x4ac: {  	(v2sf) =	vpush v4, $0x0;
	_ =	sdelay $0x3  }
0x4ad: {  	v63 =	vmpcnt.ones.xlane vm15;
	[tilespmem:s22+$0x12260] =	vst v3  }
0x4ae: {  	v3 =	vld [tilespmem:$0x110E0]  }
0x4af: {  	(v2sf) =	vpush v63, $0x0;
	_ =	sdelay $0x3  }
0x4b0: {  	[tilespmem:s22+$0x122E0] =	vst v3  }
0x4b1: {  	v3 =	vld [tilespmem:$0x10070];
	_ =	sdelay $0x3  }
0x4b2: {  	s30 =	spop (v2sf)  }
0x4b3: {  	s24 =	sadd.s32 s23, s30;
	[tilespmem:s22+$0x12270] =	vst v3  }
0x4b4: {  	p0 =	slt.s32 s24, $0x81;
	v3 =	vld [tilespmem:$0x110F0]  }
.Ltmp28:
0x4b5: {  	_ = 	snop;
	(pc) =	sbr.rel @p0 .LBB2_42-.Ltmp28, $3  }
0x4b6: {  	_ =	sdelay $0x1  }
0x4b7: {  	s31 =	spop (v2sf)  }
0x4b8: {  	s23 =	sadd.s32 s25, s31;
	[tilespmem:s22+$0x122F0] =	vst v3  }
0x4b9: {  	[tilespmem:s24+$0x10000] =	vst v0  }
0x4ba: {  	v3 =	vld [tilespmem:$0x10000]  }
0x4bb: {  	v4 =	vld [tilespmem:$0x10010];
	_ =	sdelay $0x3  }
0x4bc: {  	(xrf1) =	vsort.ascd.msk.f32 $0xffff, v3, v3  }
0x4bd: {  	(xrf1) =	vsort.ascd.msk.f32 $0xffff, v4, v4;
	_ =	sdelay $0xc  }
0x4be: {  	v3, _, _ =	vpop (xrf1)  }
0x4bf: {  	v4, _, _ =	vpop (xrf1)  }
0x4c0: {  	v4 =	vperm.xlane v4, v1;
	_ =	sdelay $0x1  }
0x4c1: {  	v5 =	vmax.f32 v3, v4  }
0x4c2: {  	v3 =	vmin.f32 v3, v4;
	(xrf1) =	vsort.ascd.msk.f32 $0xffff, v5, v5  }
0x4c3: {  	(xrf1) =	vsort.ascd.msk.f32 $0xffff, v3, v3;
	_ =	sdelay $0x1  }
0x4c4: {  	s30 =	sadd.s32 $0xF, s24  }
0x4c5: {  	s25 =	sand.u32 $0xF, s30  }
0x4c6: {  	s31 =	sshra.s32 s30, $0x1F;
	p1 =	slt.s32 s30, $0x0;
	p0 =	sne.s32 s25, $0x0  }
0x4c7: {  	s25 =	sshrl.u32 s31, $0x1C;
	p0 =	por !p1, !p0  }
0x4c8: {  	s24 =	sadd.s32 s25, s30;
	s25 =	simm.s32 $0x1;
	p0 =	por !p0, !p0  }
0x4c9: {  	s24 =	sshra.s32 s24, $0x4;
	s25 =	simm.s32 @!p0 $0x0  }
0x4ca: {  	s25 =	ssub.s32 s24, s25  }
0x4cb: {  	p1 =	slt.s32 s25, $0x3  }
.Ltmp29:
0x4cc: {  	_ = 	snop;
	(pc) =	sbr.rel @p1 .LBB2_41-.Ltmp29, $3  }
0x4cd: {  	_ =	sdelay $0x1  }
0x4ce: {  	v4, _, _ =	vpop (xrf1)  }
0x4cf: {  	v3, _, _ =	vpop (xrf1)  }
0x4d0: {  	s26 =	simm.s32 $0xFFFFFFFF  }
0x4d1: {  	s26 =	simm.s32 @!p0 $0x0  }
0x4d2: {  	s24 =	sadd.s32 s26, s24  }
0x4d3: {  	s25 =	simm.s32 $0x10020;
	s24 =	sadd.s32 $0xFFFFFFFE, s24  }
0x4d4: {  	v5 =	vld [tilespmem:s25+$0x0];
	p2 =	sne.s32 s24, $0x1  }
.Ltmp30:
0x4d5: {  	_ = 	snop;
	(pc) =	sbr.rel @!p2 .LBB2_34-.Ltmp30, $2  }
0x4d6: {  	_ =	sdelay $0x2  }
0x4d7: {  	p1 =	por $0x0, $0x0;
	p0 =	por $0x0, $0x0;
	s24 =	sadd.s32 $0xFFFFFFFF, s24;
	(xrf1) =	vsort.ascd.msk.f32 $0xffff, v5, v5  }
0x4d8: {  	_ =	sdelay $0x9  }
0x4d9: {  	s25 =	simm.s32 $0x10030  }
0x4da: {  	v5 =	vld [tilespmem:s25+$0x0];
	_ =	sdelay $0x1  }
0x4db: {  	p2 =	sne.s32 s24, $0x1;
	v6, _, _ =	vpop (xrf1)  }
.Ltmp31:
0x4dc: {  	v6 =	vperm.xlane v6, v1;
	(pc) =	sbr.rel @!p2 .LBB2_36-.Ltmp31, $4  }
0x4dd: {  	_ = 	snop  }
0x4de: {  	(xrf1) =	vsort.ascd.msk.f32 $0xffff, v5, v5;
	v5 =	vmax.f32 v4, v6  }
0x4df: {  	v6 =	vmin.f32 v4, v6;
	(xrf1) =	vsort.ascd.msk.f32 $0xffff, v5, v5  }
0x4e0: {  	p0 =	por $0x1, $0x1;
	s25 =	sadd.s32 $0xFFFFFFFF, s24;
	(xrf1) =	vsort.ascd.msk.f32 $0xffff, v6, v6  }
0x4e1: {  	_ =	sdelay $0x7  }
0x4e2: {  	s24 =	simm.s32 $0x10040  }
0x4e3: {  	v5 =	vld [tilespmem:s24+$0x0];
	_ =	sdelay $0x1  }
0x4e4: {  	v6, _, _ =	vpop (xrf1)  }
0x4e5: {  	p2 =	sne.s32 s25, $0x1;
	v6 =	vperm.xlane v6, v1  }
.Ltmp32:
0x4e6: {  	v7, _, _ =	vpop (xrf1);
	(pc) =	sbr.rel @!p2 .LBB2_38-.Ltmp32, $4  }
0x4e7: {  	(xrf1) =	vsort.ascd.msk.f32 $0xffff, v5, v5;
	v5 =	vmax.f32 v7, v6;
	v6 =	vmin.f32 v7, v6  }
0x4e8: {  	v7, _, _ =	vpop (xrf1)  }
0x4e9: {  	(xrf1) =	vsort.ascd.msk.f32 $0xffff, v5, v5;
	v5 =	vperm.xlane v7, v1  }
0x4ea: {  	s25 =	sadd.s32 $0xFFFFFFFF, s25;
	p1 =	por $0x1, $0x1;
	(xrf1) =	vsort.ascd.msk.f32 $0xffff, v6, v6;
	v6 =	vmov v3  }
.LBB2_39:
0x4eb: {  	p2 =	sne.s32 s25, $0x1;
	s25 =	sadd.s32 $0xFFFFFFFF, s25;
	v5 =	vmax.f32 v6, v5  }
0x4ec: {  	(xrf1) =	vsort.ascd.msk.f32 $0xffff, v5, v5;
	_ =	sdelay $0x4  }
0x4ed: {  	s24 =	sadd.s32 $0x10, s24  }
0x4ee: {  	v5 =	vld [tilespmem:s24+$0x0];
	_ =	sdelay $0x2  }
0x4ef: {  	v6, _, _ =	vpop (xrf1)  }
.Ltmp33:
0x4f0: {  	v8 =	vperm.xlane v6, v1;
	(pc) =	sbr.rel @p2 .LBB2_39-.Ltmp33, $4  }
0x4f1: {  	(xrf1) =	vsort.ascd.msk.f32 $0xffff, v5, v5;
	v5, _, _ =	vpop (xrf1)  }
0x4f2: {  	v7 =	vmin.f32 v5, v8;
	v5 =	vmax.f32 v5, v8;
	v6, _, _ =	vpop (xrf1)  }
0x4f3: {  	(xrf1) =	vsort.ascd.msk.f32 $0xffff, v5, v5;
	v5 =	vperm.xlane v6, v1  }
0x4f4: {  	(xrf1) =	vsort.ascd.msk.f32 $0xffff, v7, v7;
	v6, _, _ =	vpop (xrf1)  }
.LBB2_40:
0x4f5: {  	v5 =	vmax.f32 @p1 v6, v5  }
0x4f6: {  	(xrf1) =	vsort.ascd.msk.f32 @p1 $0xffff, v5, v5;
	_ =	sdelay $0x8  }
0x4f7: {  	v5, _, _ =	vpop (xrf1)  }
0x4f8: {  	v5 =	vperm.xlane v5, v1  }
0x4f9: {  	v6, _, _ =	vpop @p0 (xrf1)  }
0x4fa: {  	v7, _, _ =	vpop @p0 (xrf1)  }
0x4fb: {  	v4 =	vpsel p0, v6, v4;
	v6 =	vperm.xlane @p0 v7, v1  }
0x4fc: {  	v7 =	vmin.f32 v4, v5;
	v4 =	vmax.f32 v4, v5;
	v5, _, _ =	vpop @p1 (xrf1)  }
0x4fd: {  	(xrf1) =	vsort.ascd.msk.f32 $0xffff, v4, v4;
	v4 =	vpsel p1, v5, v3;
	v5 =	vpsel p0, v6, v0  }
0x4fe: {  	(xrf1) =	vsort.ascd.msk.f32 $0xffff, v7, v7;
	v4 =	vmax.f32 @p0 v4, v5  }
0x4ff: {  	(xrf1) =	vsort.ascd.msk.f32 @p0 $0xffff, v4, v4;
	_ =	sdelay $0xb  }
0x500: {  	v4, _, _ =	vpop (xrf1)  }
0x501: {  	v5, _, _ =	vpop (xrf1)  }
0x502: {  	v5 =	vperm.xlane v5, v1;
	v6, _, _ =	vpop @p0 (xrf1)  }
0x503: {  	v3 =	vpsel p0, v6, v3  }
0x504: {  	v3 =	vmax.f32 v3, v5  }
0x505: {  	(xrf1) =	vsort.ascd.msk.f32 $0xffff, v3, v3;
	_ =	sdelay $0xd  }
0x506: {  	v3, _, _ =	vpop (xrf1)  }
.LBB2_41:
0x507: {  	[tilespmem:s22+$0x12200] =	vst v4  }
0x508: {  	[tilespmem:s22+$0x12210] =	vst v3  }
0x509: {  	[tilespmem:s22+$0x12220] =	vst v0  }
0x50a: {  	[tilespmem:s22+$0x12230] =	vst v0  }
0x50b: {  	[tilespmem:s22+$0x12240] =	vst v0  }
0x50c: {  	[tilespmem:s22+$0x12250] =	vst v0  }
0x50d: {  	[tilespmem:s22+$0x12260] =	vst v0  }
0x50e: {  	[tilespmem:s22+$0x12270] =	vst v0  }
.LBB2_42:
0x50f: {  	p0 =	slt.s32 s23, $0x81  }
.Ltmp34:
0x510: {  	_ = 	snop;
	(pc) =	sbr.rel @p0 .LBB2_53-.Ltmp34, $1  }
0x511: {  	_ =	sdelay $0x3  }
0x512: {  	[tilespmem:s23+$0x11080] =	vst v0  }
0x513: {  	v3 =	vld [tilespmem:$0x11080]  }
0x514: {  	v4 =	vld [tilespmem:$0x11090];
	_ =	sdelay $0x3  }
0x515: {  	(xrf1) =	vsort.ascd.msk.f32 $0xffff, v3, v3  }
0x516: {  	(xrf1) =	vsort.ascd.msk.f32 $0xffff, v4, v4;
	_ =	sdelay $0xc  }
0x517: {  	v3, _, _ =	vpop (xrf1)  }
0x518: {  	v4, _, _ =	vpop (xrf1)  }
0x519: {  	v4 =	vperm.xlane v4, v1;
	_ =	sdelay $0x1  }
0x51a: {  	v5 =	vmax.f32 v3, v4  }
0x51b: {  	v3 =	vmin.f32 v3, v4;
	(xrf1) =	vsort.ascd.msk.f32 $0xffff, v5, v5  }
0x51c: {  	(xrf1) =	vsort.ascd.msk.f32 $0xffff, v3, v3;
	_ =	sdelay $0x1  }
0x51d: {  	s30 =	sadd.s32 $0xF, s23  }
0x51e: {  	s24 =	sand.u32 $0xF, s30  }
0x51f: {  	s31 =	sshra.s32 s30, $0x1F;
	p1 =	slt.s32 s30, $0x0;
	p0 =	sne.s32 s24, $0x0  }
0x520: {  	s24 =	sshrl.u32 s31, $0x1C;
	p0 =	por !p1, !p0  }
0x521: {  	s23 =	sadd.s32 s24, s30;
	s24 =	simm.s32 $0x1;
	p0 =	por !p0, !p0  }
0x522: {  	s23 =	sshra.s32 s23, $0x4;
	s24 =	simm.s32 @!p0 $0x0  }
0x523: {  	s24 =	ssub.s32 s23, s24  }
0x524: {  	p1 =	slt.s32 s24, $0x3  }
.Ltmp35:
0x525: {  	_ = 	snop;
	(pc) =	sbr.rel @p1 .LBB2_52-.Ltmp35, $3  }
0x526: {  	_ =	sdelay $0x1  }
0x527: {  	v4, _, _ =	vpop (xrf1)  }
0x528: {  	v3, _, _ =	vpop (xrf1)  }
0x529: {  	s24 =	simm.s32 $0x110A0;
	s25 =	simm.s32 $0xFFFFFFFF  }
0x52a: {  	v5 =	vld [tilespmem:s24+$0x0];
	s25 =	simm.s32 @!p0 $0x0  }
0x52b: {  	s23 =	sadd.s32 s25, s23  }
0x52c: {  	s23 =	sadd.s32 $0xFFFFFFFE, s23  }
0x52d: {  	p2 =	sne.s32 s23, $0x1  }
.Ltmp36:
0x52e: {  	_ = 	snop;
	(pc) =	sbr.rel @!p2 .LBB2_45-.Ltmp36, $2  }
0x52f: {  	(xrf1) =	vsort.ascd.msk.f32 $0xffff, v5, v5;
	_ =	sdelay $0x2  }
0x530: {  	p1 =	por $0x0, $0x0;
	p0 =	por $0x0, $0x0;
	s23 =	sadd.s32 $0xFFFFFFFF, s23  }
0x531: {  	_ =	sdelay $0x5  }
0x532: {  	s24 =	simm.s32 $0x110B0  }
0x533: {  	v5 =	vld [tilespmem:s24+$0x0];
	_ =	sdelay $0x2  }
0x534: {  	p2 =	sne.s32 s23, $0x1;
	v6, _, _ =	vpop (xrf1)  }
.Ltmp37:
0x535: {  	v6 =	vperm.xlane v6, v1;
	(pc) =	sbr.rel @!p2 .LBB2_47-.Ltmp37, $4  }
0x536: {  	(xrf1) =	vsort.ascd.msk.f32 $0xffff, v5, v5  }
0x537: {  	v5 =	vmax.f32 v4, v6  }
0x538: {  	v6 =	vmin.f32 v4, v6;
	(xrf1) =	vsort.ascd.msk.f32 $0xffff, v5, v5  }
0x539: {  	p0 =	por $0x1, $0x1;
	s24 =	sadd.s32 $0xFFFFFFFF, s23;
	(xrf1) =	vsort.ascd.msk.f32 $0xffff, v6, v6  }
0x53a: {  	_ =	sdelay $0x6  }
0x53b: {  	s23 =	simm.s32 $0x110C0  }
0x53c: {  	v5 =	vld [tilespmem:s23+$0x0];
	_ =	sdelay $0x1  }
0x53d: {  	v6, _, _ =	vpop (xrf1)  }
0x53e: {  	p2 =	sne.s32 s24, $0x1;
	v6 =	vperm.xlane v6, v1  }
.Ltmp38:
0x53f: {  	v7, _, _ =	vpop (xrf1);
	(pc) =	sbr.rel @!p2 .LBB2_49-.Ltmp38, $4  }
0x540: {  	(xrf1) =	vsort.ascd.msk.f32 $0xffff, v5, v5;
	v5 =	vmax.f32 v7, v6;
	v6 =	vmin.f32 v7, v6  }
0x541: {  	v7, _, _ =	vpop (xrf1)  }
0x542: {  	(xrf1) =	vsort.ascd.msk.f32 $0xffff, v5, v5;
	v5 =	vperm.xlane v7, v1  }
0x543: {  	s24 =	sadd.s32 $0xFFFFFFFF, s24;
	p1 =	por $0x1, $0x1;
	(xrf1) =	vsort.ascd.msk.f32 $0xffff, v6, v6;
	v6 =	vmov v3  }
.LBB2_50:
0x544: {  	p2 =	sne.s32 s24, $0x1;
	s24 =	sadd.s32 $0xFFFFFFFF, s24;
	v5 =	vmax.f32 v6, v5  }
0x545: {  	(xrf1) =	vsort.ascd.msk.f32 $0xffff, v5, v5;
	_ =	sdelay $0x4  }
0x546: {  	s23 =	sadd.s32 $0x10, s23  }
0x547: {  	v5 =	vld [tilespmem:s23+$0x0];
	_ =	sdelay $0x2  }
0x548: {  	v6, _, _ =	vpop (xrf1)  }
.Ltmp39:
0x549: {  	v8 =	vperm.xlane v6, v1;
	(pc) =	sbr.rel @p2 .LBB2_50-.Ltmp39, $4  }
0x54a: {  	(xrf1) =	vsort.ascd.msk.f32 $0xffff, v5, v5;
	v5, _, _ =	vpop (xrf1)  }
0x54b: {  	v7 =	vmin.f32 v5, v8;
	v5 =	vmax.f32 v5, v8;
	v6, _, _ =	vpop (xrf1)  }
0x54c: {  	(xrf1) =	vsort.ascd.msk.f32 $0xffff, v5, v5;
	v5 =	vperm.xlane v6, v1  }
0x54d: {  	(xrf1) =	vsort.ascd.msk.f32 $0xffff, v7, v7;
	v6, _, _ =	vpop (xrf1)  }
.Ltmp40:
0x54e: {  	_ = 	snop;
	(pc) =	sbr.rel .LBB2_51-.Ltmp40, $1  }
0x54f: {  	_ =	sdelay $0x3  }
.LBB2_34:
.Ltmp41:
0x550: {  	(pc) =	sbr.rel .LBB2_40-.Ltmp41, $2  }
0x551: {  	_ =	sdelay $0x2  }
0x552: {  	v6 =	vmov v3  }
.LBB2_36:
.Ltmp42:
0x553: {  	(pc) =	sbr.rel .LBB2_40-.Ltmp42, $2  }
0x554: {  	_ =	sdelay $0x2  }
0x555: {  	v6 =	vmov v3  }
.LBB2_47:
.Ltmp43:
0x556: {  	(pc) =	sbr.rel .LBB2_51-.Ltmp43, $2  }
0x557: {  	_ =	sdelay $0x2  }
0x558: {  	v6 =	vmov v3  }
.LBB2_38:
.Ltmp44:
0x559: {  	(pc) =	sbr.rel .LBB2_40-.Ltmp44, $2  }
0x55a: {  	_ =	sdelay $0x2  }
0x55b: {  	v6 =	vmov v3  }
.LBB2_49:
.Ltmp45:
0x55c: {  	(pc) =	sbr.rel .LBB2_51-.Ltmp45, $2  }
0x55d: {  	_ =	sdelay $0x2  }
0x55e: {  	v6 =	vmov v3  }
.LBB2_56:
0x55f: {  	_ =	sfence.sel $0x180000  }
0x560: {  	[bflag:$0x0] =	sbarrier.arrive $0xFFFF  }
0x561: {  	p0 =	sne.s32 s1, $0x0;
	_ =	strace $0x90000047  }
0x562: {  	s0 =	sadd.s32 @!p0 $0x100000, s0;
	[bflag:$0x2] =	sbarrier.arrive $0xFFFF  }
0x563: {  	[sflag:s0] =	ssyncadd.tile.s32 @!p0 $0x1;
	_ =	shalt  }
.Lfunc_end2:
_tile_overlayer_lowered:
.L_overlay_start_2:
0x564: {  	(tag) =	ssettag $0x2  }
0x565: {  	s0 =	rddreg [dreg:$0x0];
	s2 =	stileid.u32  }
0x566: {  	s1 =	rddreg [dreg:$0x1];
	p0 =	sne.s32 s2, $0x0  }
0x567: {  	s3 =	rddreg [dreg:$0x2];
	[bflag:$0x3] =	sbarrier.arrive $0xFFFF;
	s2 =	simm.s32 @!p0 $0x1C03  }
0x568: {  	[timem:s3], [sflag:s2] =	dma.local @!p0 [hbm:s0], s1  }
0x569: {  	s0 =	simm.s32 @!p0 $0x3  }
0x56a: {  	_ =	swait.ge @!p0 [sflag:s0], s1  }
0x56b: {  	s1 =	ssub.s32 @!p0 $0x0, s1;
	[sflag:s0] =	ssyncset.done @!p0 $0x0  }
0x56c: {  	[sflag:s0] =	ssyncadd.s32 @!p0 s1  }
0x56d: {  	[bflag:$0x3] =	sbarrier.arrive $0xFFFF  }
0x56e: {  	_ =	shalt  }

</sc_bundles>
